<compile_context>
chip_gen: v7x
topology: tpu7x:2x2x1
jax: 0.10.2.dev20260603
libtpu: 0.0.44.dev20260713+nightly
codegen_flags: <defaults>
</compile_context>

<pallas_src>
import functools

import jax
import jax.numpy as jnp
from jax import lax
from jax.experimental import pallas as pl
from jax.experimental.pallas import tpu as pltpu
from jax.experimental.pallas import tpu_sc as plsc

N_OBJ, N_PTS, DIM = 64, 512, 16
K_NB = 4
LANES = 16
N_CHUNK = N_OBJ // LANES


OBJ_PER_TILE = 2


def _sc_select_body(packed_hbm, nearest_hbm, pe_hbm, in_v, res_i, res_f):
    wid = lax.axis_index("s") * 2 + lax.axis_index("c")
    pltpu.sync_copy(packed_hbm, in_v)
    lane = lax.iota(jnp.int32, LANES)
    big = jnp.full((LANES,), N_OBJ, jnp.int32)
    inf_v = jnp.full((LANES,), jnp.inf, jnp.float32)
    zero_v = jnp.zeros((LANES,), jnp.float32)

    def _all_min(v):
        for sh in (1, 2, 4, 8):
            v = jnp.minimum(v, v.at[lane ^ sh].get(mode="promise_in_bounds"))
        return v

    def _all_sum(v):
        for sh in (1, 2, 4, 8):
            v = v + v.at[lane ^ sh].get(mode="promise_in_bounds")
        return v

    for j in range(OBJ_PER_TILE):
        obj = wid * OBJ_PER_TILE + j
        obj_v = jnp.full((LANES,), obj, jnp.int32)
        pc = []
        for c in range(3):
            sel = zero_v
            for t in range(N_CHUNK):
                chunk = in_v[c, pl.ds(t * LANES, LANES)]
                sel = sel + jnp.where(lane + t * LANES == obj_v, chunk, zero_v)
            pc.append(_all_sum(sel))
        d2 = []
        for t in range(N_CHUNK):
            acc = zero_v
            for c in range(3):
                diff = in_v[c, pl.ds(t * LANES, LANES)] - pc[c]
                acc = acc + diff * diff
            acc = jnp.where(lane + t * LANES == obj_v, inf_v, acc)
            d2.append(acc)
        res = jnp.zeros((LANES,), jnp.int32)
        for k in range(K_NB):
            lane_min = jnp.minimum(jnp.minimum(d2[0], d2[1]),
                                   jnp.minimum(d2[2], d2[3]))
            m_b = _all_min(lane_min)
            ct_all = big
            for t in range(N_CHUNK):
                ct = jnp.where(d2[t] == m_b, lane + t * LANES, big)
                ct_all = jnp.minimum(ct_all, ct)
            cand_b = _all_min(ct_all)
            res = jnp.where(lane == k, cand_b, res)
            for t in range(N_CHUNK):
                d2[t] = jnp.where(lane + t * LANES == cand_b, inf_v, d2[t])
        res_i[j, :] = res
        pe = in_v[3, pl.ds(3 * LANES, LANES)]
        for c in range(3):
            pe = pe + in_v[3, pl.ds(c * LANES, LANES)] * pc[c]
        res_f[j, :] = pe
    base = wid * OBJ_PER_TILE
    pltpu.sync_copy(res_i, nearest_hbm.at[pl.ds(base, OBJ_PER_TILE)])
    pltpu.sync_copy(res_f, pe_hbm.at[pl.ds(base, OBJ_PER_TILE)])


_sc_select = functools.partial(
    pl.kernel,
    mesh=plsc.VectorSubcoreMesh(core_axis_name="c", subcore_axis_name="s"),
    out_type=(
        jax.ShapeDtypeStruct((N_OBJ, LANES), jnp.int32),
        jax.ShapeDtypeStruct((N_OBJ, DIM), jnp.float32),
    ),
    scratch_types=[
        pltpu.VMEM((4, N_OBJ), jnp.float32),
        pltpu.VMEM((OBJ_PER_TILE, LANES), jnp.int32),
        pltpu.VMEM((OBJ_PER_TILE, DIM), jnp.float32),
    ],
)(_sc_select_body)


OBJ_PER = 8


def _attn_body(nr_ref, *refs):
    fq_ref = refs[0]
    nb_refs = refs[1:1 + K_NB * OBJ_PER]
    pe_ref, g_ref, b_ref, out_ref = refs[1 + K_NB * OBJ_PER:]
    n = pl.program_id(0)
    for j in range(OBJ_PER):
        f = fq_ref[j]
        obj = n * OBJ_PER + j
        q = ((f + pe_ref[pl.ds(obj, 1), :]) * 0.25).astype(jnp.bfloat16)
        acc = jnp.zeros((N_PTS, DIM), jnp.float32)
        for k in range(K_NB):
            v = nb_refs[j * K_NB + k][0]
            idx = nr_ref[obj, k]
            key = (v + pe_ref[pl.ds(idx, 1), :]).astype(jnp.bfloat16)
            s = jax.lax.dot_general(
                q, key, (((1,), (1,)), ((), ())),
                preferred_element_type=jnp.float32)
            e = jnp.exp(s).astype(jnp.bfloat16)
            v_ext = jnp.concatenate(
                [v.astype(jnp.bfloat16),
                 jnp.ones((N_PTS, DIM), jnp.bfloat16)], axis=1)
            u = jnp.dot(e, v_ext, preferred_element_type=jnp.float32)
            acc = acc + u[:, :DIM] / u[:, DIM:2 * DIM]
        upd = f + 0.2 * acc
        mu = jnp.mean(upd, axis=1, keepdims=True)
        d = upd - mu
        var = jnp.mean(d * d, axis=1, keepdims=True)
        out_ref[j] = (d * jax.lax.rsqrt(var + 1e-5)) * g_ref[...] + b_ref[...]


def kernel(object_features_list, object_positions, W_pos, b_pos, gamma1, beta1):
    feats = object_features_list
    pos = object_positions
    packed = jnp.concatenate(
        [pos.T, jnp.concatenate([W_pos.T.reshape(1, 48),
                                 b_pos.reshape(1, DIM)], axis=1)], axis=0)
    nearest, pos_enc = _sc_select(packed)

    def _nb_map(j, k):
        return lambda n, nr: (nr[n * OBJ_PER + j, k], 0, 0)

    nb_specs = [pl.BlockSpec((1, N_PTS, DIM), _nb_map(j, k))
                for j in range(OBJ_PER) for k in range(K_NB)]
    grid_spec = pltpu.PrefetchScalarGridSpec(
        num_scalar_prefetch=1,
        grid=(N_OBJ // OBJ_PER,),
        in_specs=[
            pl.BlockSpec((OBJ_PER, N_PTS, DIM), lambda n, nr: (n, 0, 0)),
            *nb_specs,
            pl.BlockSpec((N_OBJ, DIM), lambda n, nr: (0, 0)),
            pl.BlockSpec((1, DIM), lambda n, nr: (0, 0)),
            pl.BlockSpec((1, DIM), lambda n, nr: (0, 0)),
        ],
        out_specs=pl.BlockSpec((OBJ_PER, N_PTS, DIM), lambda n, nr: (n, 0, 0)),
    )
    out = pl.pallas_call(
        _attn_body,
        grid_spec=grid_spec,
        out_shape=jax.ShapeDtypeStruct((N_OBJ, N_PTS, DIM), jnp.float32),
        compiler_params=pltpu.CompilerParams(
            dimension_semantics=("parallel",)),
    )(nearest, feats, *([feats] * (K_NB * OBJ_PER)), pos_enc,
      gamma1.reshape(1, DIM), beta1.reshape(1, DIM))
    return out

# --- scband reference (transcript-rebuilt; emitter-appended) ---
"""Pipeline reference for scband-inter-object-attention-83296595738945 (READ-ONLY COPY).

The authoritative reference and input builder live on the scoring server;
editing this copy changes nothing except your own understanding.
"""

import jax, jax.numpy as jnp
import numpy as np

N_OBJ, N_PTS, DIM = 64, 512, 16
MAX_NEIGHBORS = 4


def setup_inputs(seed: int = 0) -> dict:
    key = jax.random.key(seed)
    k1, k2, k3, k4 = jax.random.split(key, 4)
    feats = jax.random.normal(k1, (N_OBJ, N_PTS, DIM), dtype=jnp.float32)
    positions = jax.random.normal(k2, (N_OBJ, 3), dtype=jnp.float32)
    # pos_encoder = nn.Linear(3, dim): weight [dim, 3], bias [dim]
    W_pos = jax.random.normal(k3, (DIM, 3), dtype=jnp.float32) * (1.0 / np.sqrt(3.0))
    b_pos = jnp.zeros((DIM,), dtype=jnp.float32)
    # norm1 = nn.LayerNorm(dim)
    gamma1 = jnp.ones((DIM,), dtype=jnp.float32)
    beta1 = jnp.zeros((DIM,), dtype=jnp.float32)
    return {
        "object_features_list": feats,
        "object_positions": positions,
        "W_pos": W_pos,
        "b_pos": b_pos,
        "gamma1": gamma1,
        "beta1": beta1,
    }


def reference(object_features_list, object_positions, W_pos, b_pos, gamma1, beta1):
    feats = object_features_list  # [N, P, D]
    N, P, D = feats.shape
    K = min(MAX_NEIGHBORS, N - 1)
    K = max(1, K)
    # torch.cdist(pos, pos, p=2)
    diff = object_positions[:, None, :] - object_positions[None, :, :]
    distances = jnp.sqrt(jnp.sum(diff * diff, axis=-1) + 0.0)  # [N, N]
    # mask self-distance with +inf (row-wise diag)
    ar = jnp.arange(N)
    distances = distances.at[ar, ar].set(jnp.inf)
    # topk smallest -> top_k of negated distances
    _, nearest = jax.lax.top_k(-distances, K)  # [N, K] int32 indices
    # positional encodings for each object
    pos_enc = object_positions @ W_pos.T + b_pos  # [N, D]
    Q = feats + pos_enc[:, None, :]  # [N, P, D]
    nb_feats = feats[nearest]  # [N, K, P, D] (gather)
    nb_pos_enc = pos_enc[nearest]  # [N, K, D]
    Key = nb_feats + nb_pos_enc[:, :, None, :]  # [N, K, P, D]
    scale = float(D) ** 0.5
    scores = jnp.einsum("npd,nkqd->nkpq", Q, Key) / scale  # [N, K, P, P]
    weights = jax.nn.softmax(scores, axis=-1)
    attended = jnp.einsum("nkpq,nkqd->nkpd", weights, nb_feats)  # [N, K, P, D]
    updated = feats + 0.2 * jnp.sum(attended, axis=1)  # [N, P, D]
    # LayerNorm over last dim (eps=1e-5, biased variance, affine)
    mu = jnp.mean(updated, axis=-1, keepdims=True)
    var = jnp.var(updated, axis=-1, keepdims=True)
    normed = (updated - mu) / jnp.sqrt(var + 1e-5)
    out = normed * gamma1 + beta1
    return out

if __name__ == "__main__":
    import jax
    _d = setup_inputs()
    print(jax.jit(kernel)(*tuple(_d.values())))

</pallas_src>

<mosaic_0001>
#map = affine_map<(d0, d1) -> (0, 0)>
module attributes {stable_mosaic.version = 14 : i64} {
  func.func @_sc_select_body(%arg0: i32, %arg1: i32, %arg2: memref<4x64xf32, #tpu.memory_space<hbm>>, %arg3: memref<64x16xi32, #tpu.memory_space<hbm>>, %arg4: memref<64x16xf32, #tpu.memory_space<hbm>>, %arg5: memref<4x64xf32, #tpu.memory_space<vmem>>, %arg6: memref<2x16xi32, #tpu.memory_space<vmem>>, %arg7: memref<2x16xf32, #tpu.memory_space<vmem>>) attributes {dimension_semantics = [#tpu.dimension_semantics<core_parallel>, #tpu.dimension_semantics<subcore_parallel>], iteration_bounds = array<i64: 2, 16>, scalar_prefetch = 0 : i64, scratch_operands = 3 : i64, tpu.core_type = #tpu.core_type<sc_vector_subcore>, window_params = [{transform_indices = #map}, {transform_indices = #map}, {transform_indices = #map}]} {
    %mul3A = arith.constant 2 : i32
    %mul3A_0 = arith.muli %arg1, %mul3A : i32
    %add3A = arith.addi %mul3A_0, %arg0 : i32
    "tpu.region"() ({
      %run_scoped3A = tpu.sem_alloc : memref<!tpu.dma_semaphore, #tpu.memory_space<semaphore_mem>>
      tpu.enqueue_dma source(%arg2 : memref<4x64xf32, #tpu.memory_space<hbm>>) target(%arg5 : memref<4x64xf32, #tpu.memory_space<vmem>>) target_semaphore(%run_scoped3A : memref<!tpu.dma_semaphore, #tpu.memory_space<semaphore_mem>>)
      tpu.wait_dma2 semaphore(%run_scoped3A : memref<!tpu.dma_semaphore, #tpu.memory_space<semaphore_mem>>) src(%arg2 : memref<4x64xf32, #tpu.memory_space<hbm>>) dst(%arg5 : memref<4x64xf32, #tpu.memory_space<vmem>>)
      tpu.yield
    }) : () -> ()
    %iota3A = tpu.iota {dimensions = array<i32: 0>} : vector<16xi32>
    %broadcast_in_dim3A = arith.constant 64 : i32
    %broadcast_in_dim3A_1 = vector.broadcast %broadcast_in_dim3A : i32 to vector<16xi32>
    %broadcast_in_dim3A_2 = arith.constant 0x7F800000 : f32
    %broadcast_in_dim3A_3 = vector.broadcast %broadcast_in_dim3A_2 : f32 to vector<16xf32>
    %broadcast_in_dim3A_4 = arith.constant 0.000000e+00 : f32
    %broadcast_in_dim3A_5 = vector.broadcast %broadcast_in_dim3A_4 : f32 to vector<16xf32>
    %mul3A_6 = arith.constant 2 : i32
    %mul3A_7 = arith.muli %add3A, %mul3A_6 : i32
    %add3A_8 = arith.constant 0 : i32
    %add3A_9 = arith.addi %mul3A_7, %add3A_8 : i32
    %broadcast_in_dim3A_10 = vector.broadcast %add3A_9 : i32 to vector<16xi32>
    %get3A = arith.constant 0 : i32
    %get3A_11 = arith.index_cast %get3A : i32 to index
    %get3A_12 = arith.constant 0 : index
    %get3A_13 = tpu.vector_load %arg5[%get3A_11, %get3A_12] {strides = array<i32>} : memref<4x64xf32, #tpu.memory_space<vmem>>, vector<1x16xf32>,
    %get3A_14 = vector.shape_cast %get3A_13 : vector<1x16xf32> to vector<16xf32>
    %add3A_15 = arith.constant 0 : i32
    %add3A_16 = vector.broadcast %add3A_15 : i32 to vector<16xi32>
    %add3A_17 = arith.addi %iota3A, %add3A_16 : vector<16xi32>
    %eq3A = arith.cmpi eq, %add3A_17, %broadcast_in_dim3A_10 : vector<16xi32>
    %select_n3A = arith.select %eq3A, %get3A_14, %broadcast_in_dim3A_5 : vector<16xi1>, vector<16xf32>
    %add3A_18 = arith.addf %broadcast_in_dim3A_5, %select_n3A : vector<16xf32>
    %get3A_19 = arith.constant 0 : i32
    %get3A_20 = arith.index_cast %get3A_19 : i32 to index
    %get3A_21 = arith.constant 16 : index
    %get3A_22 = tpu.vector_load %arg5[%get3A_20, %get3A_21] {strides = array<i32>} : memref<4x64xf32, #tpu.memory_space<vmem>>, vector<1x16xf32>,
    %get3A_23 = vector.shape_cast %get3A_22 : vector<1x16xf32> to vector<16xf32>
    %add3A_24 = arith.constant 16 : i32
    %add3A_25 = vector.broadcast %add3A_24 : i32 to vector<16xi32>
    %add3A_26 = arith.addi %iota3A, %add3A_25 : vector<16xi32>
    %eq3A_27 = arith.cmpi eq, %add3A_26, %broadcast_in_dim3A_10 : vector<16xi32>
    %select_n3A_28 = arith.select %eq3A_27, %get3A_23, %broadcast_in_dim3A_5 : vector<16xi1>, vector<16xf32>
    %add3A_29 = arith.addf %add3A_18, %select_n3A_28 : vector<16xf32>
    %get3A_30 = arith.constant 0 : i32
    %get3A_31 = arith.index_cast %get3A_30 : i32 to index
    %get3A_32 = arith.constant 32 : index
    %get3A_33 = tpu.vector_load %arg5[%get3A_31, %get3A_32] {strides = array<i32>} : memref<4x64xf32, #tpu.memory_space<vmem>>, vector<1x16xf32>,
    %get3A_34 = vector.shape_cast %get3A_33 : vector<1x16xf32> to vector<16xf32>
    %add3A_35 = arith.constant 32 : i32
    %add3A_36 = vector.broadcast %add3A_35 : i32 to vector<16xi32>
    %add3A_37 = arith.addi %iota3A, %add3A_36 : vector<16xi32>
    %eq3A_38 = arith.cmpi eq, %add3A_37, %broadcast_in_dim3A_10 : vector<16xi32>
    %select_n3A_39 = arith.select %eq3A_38, %get3A_34, %broadcast_in_dim3A_5 : vector<16xi1>, vector<16xf32>
    %add3A_40 = arith.addf %add3A_29, %select_n3A_39 : vector<16xf32>
    %get3A_41 = arith.constant 0 : i32
    %get3A_42 = arith.index_cast %get3A_41 : i32 to index
    %get3A_43 = arith.constant 48 : index
    %get3A_44 = tpu.vector_load %arg5[%get3A_42, %get3A_43] {strides = array<i32>} : memref<4x64xf32, #tpu.memory_space<vmem>>, vector<1x16xf32>,
    %get3A_45 = vector.shape_cast %get3A_44 : vector<1x16xf32> to vector<16xf32>
    %add3A_46 = arith.constant 48 : i32
    %add3A_47 = vector.broadcast %add3A_46 : i32 to vector<16xi32>
    %add3A_48 = arith.addi %iota3A, %add3A_47 : vector<16xi32>
    %eq3A_49 = arith.cmpi eq, %add3A_48, %broadcast_in_dim3A_10 : vector<16xi32>
    %select_n3A_50 = arith.select %eq3A_49, %get3A_45, %broadcast_in_dim3A_5 : vector<16xi1>, vector<16xf32>
    %add3A_51 = arith.addf %add3A_40, %select_n3A_50 : vector<16xf32>
    %xor3A = arith.constant 1 : i32
    %xor3A_52 = vector.broadcast %xor3A : i32 to vector<16xi32>
    %xor3A_53 = arith.xori %iota3A, %xor3A_52 : vector<16xi32>
    %lt3A = arith.constant 0 : i32
    %lt3A_54 = vector.broadcast %lt3A : i32 to vector<16xi32>
    %lt3A_55 = arith.cmpi slt, %xor3A_53, %lt3A_54 : vector<16xi32>
    %add3A_56 = arith.constant 16 : i32
    %add3A_57 = vector.broadcast %add3A_56 : i32 to vector<16xi32>
    %add3A_58 = arith.addi %xor3A_53, %add3A_57 : vector<16xi32>
    %select_n3A_59 = arith.select %lt3A_55, %add3A_58, %xor3A_53 : vector<16xi1>, vector<16xi32>
    %broadcast_in_dim3A_60 = vector.shape_cast %select_n3A_59 : vector<16xi32> to vector<16x1xi32>
    %gather3A = vector.shape_cast %broadcast_in_dim3A_60 : vector<16x1xi32> to vector<16xi32>
    %gather3A_61 = tpu.dynamic_gather %add3A_51[%gather3A] in [0] : vector<16xf32>, vector<16xi32> -> vector<16xf32>
    %add3A_62 = arith.addf %add3A_51, %gather3A_61 : vector<16xf32>
    %xor3A_63 = arith.constant 2 : i32
    %xor3A_64 = vector.broadcast %xor3A_63 : i32 to vector<16xi32>
    %xor3A_65 = arith.xori %iota3A, %xor3A_64 : vector<16xi32>
    %lt3A_66 = arith.constant 0 : i32
    %lt3A_67 = vector.broadcast %lt3A_66 : i32 to vector<16xi32>
    %lt3A_68 = arith.cmpi slt, %xor3A_65, %lt3A_67 : vector<16xi32>
    %add3A_69 = arith.constant 16 : i32
    %add3A_70 = vector.broadcast %add3A_69 : i32 to vector<16xi32>
    %add3A_71 = arith.addi %xor3A_65, %add3A_70 : vector<16xi32>
    %select_n3A_72 = arith.select %lt3A_68, %add3A_71, %xor3A_65 : vector<16xi1>, vector<16xi32>
    %broadcast_in_dim3A_73 = vector.shape_cast %select_n3A_72 : vector<16xi32> to vector<16x1xi32>
    %gather3A_74 = vector.shape_cast %broadcast_in_dim3A_73 : vector<16x1xi32> to vector<16xi32>
    %gather3A_75 = tpu.dynamic_gather %add3A_62[%gather3A_74] in [0] : vector<16xf32>, vector<16xi32> -> vector<16xf32>
    %add3A_76 = arith.addf %add3A_62, %gather3A_75 : vector<16xf32>
    %xor3A_77 = arith.constant 4 : i32
    %xor3A_78 = vector.broadcast %xor3A_77 : i32 to vector<16xi32>
    %xor3A_79 = arith.xori %iota3A, %xor3A_78 : vector<16xi32>
    %lt3A_80 = arith.constant 0 : i32
    %lt3A_81 = vector.broadcast %lt3A_80 : i32 to vector<16xi32>
    %lt3A_82 = arith.cmpi slt, %xor3A_79, %lt3A_81 : vector<16xi32>
    %add3A_83 = arith.constant 16 : i32
    %add3A_84 = vector.broadcast %add3A_83 : i32 to vector<16xi32>
    %add3A_85 = arith.addi %xor3A_79, %add3A_84 : vector<16xi32>
    %select_n3A_86 = arith.select %lt3A_82, %add3A_85, %xor3A_79 : vector<16xi1>, vector<16xi32>
    %broadcast_in_dim3A_87 = vector.shape_cast %select_n3A_86 : vector<16xi32> to vector<16x1xi32>
    %gather3A_88 = vector.shape_cast %broadcast_in_dim3A_87 : vector<16x1xi32> to vector<16xi32>
    %gather3A_89 = tpu.dynamic_gather %add3A_76[%gather3A_88] in [0] : vector<16xf32>, vector<16xi32> -> vector<16xf32>
    %add3A_90 = arith.addf %add3A_76, %gather3A_89 : vector<16xf32>
    %xor3A_91 = arith.constant 8 : i32
    %xor3A_92 = vector.broadcast %xor3A_91 : i32 to vector<16xi32>
    %xor3A_93 = arith.xori %iota3A, %xor3A_92 : vector<16xi32>
    %lt3A_94 = arith.constant 0 : i32
    %lt3A_95 = vector.broadcast %lt3A_94 : i32 to vector<16xi32>
    %lt3A_96 = arith.cmpi slt, %xor3A_93, %lt3A_95 : vector<16xi32>
    %add3A_97 = arith.constant 16 : i32
    %add3A_98 = vector.broadcast %add3A_97 : i32 to vector<16xi32>
    %add3A_99 = arith.addi %xor3A_93, %add3A_98 : vector<16xi32>
    %select_n3A_100 = arith.select %lt3A_96, %add3A_99, %xor3A_93 : vector<16xi1>, vector<16xi32>
    %broadcast_in_dim3A_101 = vector.shape_cast %select_n3A_100 : vector<16xi32> to vector<16x1xi32>
    %gather3A_102 = vector.shape_cast %broadcast_in_dim3A_101 : vector<16x1xi32> to vector<16xi32>
    %gather3A_103 = tpu.dynamic_gather %add3A_90[%gather3A_102] in [0] : vector<16xf32>, vector<16xi32> -> vector<16xf32>
    %add3A_104 = arith.addf %add3A_90, %gather3A_103 : vector<16xf32>
    %get3A_105 = arith.constant 1 : i32
    %get3A_106 = arith.index_cast %get3A_105 : i32 to index
    %get3A_107 = arith.constant 0 : index
    %get3A_108 = tpu.vector_load %arg5[%get3A_106, %get3A_107] {strides = array<i32>} : memref<4x64xf32, #tpu.memory_space<vmem>>, vector<1x16xf32>,
    %get3A_109 = vector.shape_cast %get3A_108 : vector<1x16xf32> to vector<16xf32>
    %add3A_110 = arith.constant 0 : i32
    %add3A_111 = vector.broadcast %add3A_110 : i32 to vector<16xi32>
    %add3A_112 = arith.addi %iota3A, %add3A_111 : vector<16xi32>
    %eq3A_113 = arith.cmpi eq, %add3A_112, %broadcast_in_dim3A_10 : vector<16xi32>
    %select_n3A_114 = arith.select %eq3A_113, %get3A_109, %broadcast_in_dim3A_5 : vector<16xi1>, vector<16xf32>
    %add3A_115 = arith.addf %broadcast_in_dim3A_5, %select_n3A_114 : vector<16xf32>
    %get3A_116 = arith.constant 1 : i32
    %get3A_117 = arith.index_cast %get3A_116 : i32 to index
    %get3A_118 = arith.constant 16 : index
    %get3A_119 = tpu.vector_load %arg5[%get3A_117, %get3A_118] {strides = array<i32>} : memref<4x64xf32, #tpu.memory_space<vmem>>, vector<1x16xf32>,
    %get3A_120 = vector.shape_cast %get3A_119 : vector<1x16xf32> to vector<16xf32>
    %add3A_121 = arith.constant 16 : i32
    %add3A_122 = vector.broadcast %add3A_121 : i32 to vector<16xi32>
    %add3A_123 = arith.addi %iota3A, %add3A_122 : vector<16xi32>
    %eq3A_124 = arith.cmpi eq, %add3A_123, %broadcast_in_dim3A_10 : vector<16xi32>
    %select_n3A_125 = arith.select %eq3A_124, %get3A_120, %broadcast_in_dim3A_5 : vector<16xi1>, vector<16xf32>
    %add3A_126 = arith.addf %add3A_115, %select_n3A_125 : vector<16xf32>
    %get3A_127 = arith.constant 1 : i32
    %get3A_128 = arith.index_cast %get3A_127 : i32 to index
    %get3A_129 = arith.constant 32 : index
    %get3A_130 = tpu.vector_load %arg5[%get3A_128, %get3A_129] {strides = array<i32>} : memref<4x64xf32, #tpu.memory_space<vmem>>, vector<1x16xf32>,
    %get3A_131 = vector.shape_cast %get3A_130 : vector<1x16xf32> to vector<16xf32>
    %add3A_132 = arith.constant 32 : i32
    %add3A_133 = vector.broadcast %add3A_132 : i32 to vector<16xi32>
    %add3A_134 = arith.addi %iota3A, %add3A_133 : vector<16xi32>
    %eq3A_135 = arith.cmpi eq, %add3A_134, %broadcast_in_dim3A_10 : vector<16xi32>
    %select_n3A_136 = arith.select %eq3A_135, %get3A_131, %broadcast_in_dim3A_5 : vector<16xi1>, vector<16xf32>
    %add3A_137 = arith.addf %add3A_126, %select_n3A_136 : vector<16xf32>
    %get3A_138 = arith.constant 1 : i32
    %get3A_139 = arith.index_cast %get3A_138 : i32 to index
    %get3A_140 = arith.constant 48 : index
    %get3A_141 = tpu.vector_load %arg5[%get3A_139, %get3A_140] {strides = array<i32>} : memref<4x64xf32, #tpu.memory_space<vmem>>, vector<1x16xf32>,
    %get3A_142 = vector.shape_cast %get3A_141 : vector<1x16xf32> to vector<16xf32>
    %add3A_143 = arith.constant 48 : i32
    %add3A_144 = vector.broadcast %add3A_143 : i32 to vector<16xi32>
    %add3A_145 = arith.addi %iota3A, %add3A_144 : vector<16xi32>
    %eq3A_146 = arith.cmpi eq, %add3A_145, %broadcast_in_dim3A_10 : vector<16xi32>
    %select_n3A_147 = arith.select %eq3A_146, %get3A_142, %broadcast_in_dim3A_5 : vector<16xi1>, vector<16xf32>
    %add3A_148 = arith.addf %add3A_137, %select_n3A_147 : vector<16xf32>
    %xor3A_149 = arith.constant 1 : i32
    %xor3A_150 = vector.broadcast %xor3A_149 : i32 to vector<16xi32>
    %xor3A_151 = arith.xori %iota3A, %xor3A_150 : vector<16xi32>
    %lt3A_152 = arith.constant 0 : i32
    %lt3A_153 = vector.broadcast %lt3A_152 : i32 to vector<16xi32>
    %lt3A_154 = arith.cmpi slt, %xor3A_151, %lt3A_153 : vector<16xi32>
    %add3A_155 = arith.constant 16 : i32
    %add3A_156 = vector.broadcast %add3A_155 : i32 to vector<16xi32>
    %add3A_157 = arith.addi %xor3A_151, %add3A_156 : vector<16xi32>
    %select_n3A_158 = arith.select %lt3A_154, %add3A_157, %xor3A_151 : vector<16xi1>, vector<16xi32>
    %broadcast_in_dim3A_159 = vector.shape_cast %select_n3A_158 : vector<16xi32> to vector<16x1xi32>
    %gather3A_160 = vector.shape_cast %broadcast_in_dim3A_159 : vector<16x1xi32> to vector<16xi32>
    %gather3A_161 = tpu.dynamic_gather %add3A_148[%gather3A_160] in [0] : vector<16xf32>, vector<16xi32> -> vector<16xf32>
    %add3A_162 = arith.addf %add3A_148, %gather3A_161 : vector<16xf32>
    %xor3A_163 = arith.constant 2 : i32
    %xor3A_164 = vector.broadcast %xor3A_163 : i32 to vector<16xi32>
    %xor3A_165 = arith.xori %iota3A, %xor3A_164 : vector<16xi32>
    %lt3A_166 = arith.constant 0 : i32
    %lt3A_167 = vector.broadcast %lt3A_166 : i32 to vector<16xi32>
    %lt3A_168 = arith.cmpi slt, %xor3A_165, %lt3A_167 : vector<16xi32>
    %add3A_169 = arith.constant 16 : i32
    %add3A_170 = vector.broadcast %add3A_169 : i32 to vector<16xi32>
    %add3A_171 = arith.addi %xor3A_165, %add3A_170 : vector<16xi32>
    %select_n3A_172 = arith.select %lt3A_168, %add3A_171, %xor3A_165 : vector<16xi1>, vector<16xi32>
    %broadcast_in_dim3A_173 = vector.shape_cast %select_n3A_172 : vector<16xi32> to vector<16x1xi32>
    %gather3A_174 = vector.shape_cast %broadcast_in_dim3A_173 : vector<16x1xi32> to vector<16xi32>
    %gather3A_175 = tpu.dynamic_gather %add3A_162[%gather3A_174] in [0] : vector<16xf32>, vector<16xi32> -> vector<16xf32>
    %add3A_176 = arith.addf %add3A_162, %gather3A_175 : vector<16xf32>
    %xor3A_177 = arith.constant 4 : i32
    %xor3A_178 = vector.broadcast %xor3A_177 : i32 to vector<16xi32>
    %xor3A_179 = arith.xori %iota3A, %xor3A_178 : vector<16xi32>
    %lt3A_180 = arith.constant 0 : i32
    %lt3A_181 = vector.broadcast %lt3A_180 : i32 to vector<16xi32>
    %lt3A_182 = arith.cmpi slt, %xor3A_179, %lt3A_181 : vector<16xi32>
    %add3A_183 = arith.constant 16 : i32
    %add3A_184 = vector.broadcast %add3A_183 : i32 to vector<16xi32>
    %add3A_185 = arith.addi %xor3A_179, %add3A_184 : vector<16xi32>
    %select_n3A_186 = arith.select %lt3A_182, %add3A_185, %xor3A_179 : vector<16xi1>, vector<16xi32>
    %broadcast_in_dim3A_187 = vector.shape_cast %select_n3A_186 : vector<16xi32> to vector<16x1xi32>
    %gather3A_188 = vector.shape_cast %broadcast_in_dim3A_187 : vector<16x1xi32> to vector<16xi32>
    %gather3A_189 = tpu.dynamic_gather %add3A_176[%gather3A_188] in [0] : vector<16xf32>, vector<16xi32> -> vector<16xf32>
    %add3A_190 = arith.addf %add3A_176, %gather3A_189 : vector<16xf32>
    %xor3A_191 = arith.constant 8 : i32
    %xor3A_192 = vector.broadcast %xor3A_191 : i32 to vector<16xi32>
    %xor3A_193 = arith.xori %iota3A, %xor3A_192 : vector<16xi32>
    %lt3A_194 = arith.constant 0 : i32
    %lt3A_195 = vector.broadcast %lt3A_194 : i32 to vector<16xi32>
    %lt3A_196 = arith.cmpi slt, %xor3A_193, %lt3A_195 : vector<16xi32>
    %add3A_197 = arith.constant 16 : i32
    %add3A_198 = vector.broadcast %add3A_197 : i32 to vector<16xi32>
    %add3A_199 = arith.addi %xor3A_193, %add3A_198 : vector<16xi32>
    %select_n3A_200 = arith.select %lt3A_196, %add3A_199, %xor3A_193 : vector<16xi1>, vector<16xi32>
    %broadcast_in_dim3A_201 = vector.shape_cast %select_n3A_200 : vector<16xi32> to vector<16x1xi32>
    %gather3A_202 = vector.shape_cast %broadcast_in_dim3A_201 : vector<16x1xi32> to vector<16xi32>
    %gather3A_203 = tpu.dynamic_gather %add3A_190[%gather3A_202] in [0] : vector<16xf32>, vector<16xi32> -> vector<16xf32>
    %add3A_204 = arith.addf %add3A_190, %gather3A_203 : vector<16xf32>
    %get3A_205 = arith.constant 2 : i32
    %get3A_206 = arith.index_cast %get3A_205 : i32 to index
    %get3A_207 = arith.constant 0 : index
    %get3A_208 = tpu.vector_load %arg5[%get3A_206, %get3A_207] {strides = array<i32>} : memref<4x64xf32, #tpu.memory_space<vmem>>, vector<1x16xf32>,
    %get3A_209 = vector.shape_cast %get3A_208 : vector<1x16xf32> to vector<16xf32>
    %add3A_210 = arith.constant 0 : i32
    %add3A_211 = vector.broadcast %add3A_210 : i32 to vector<16xi32>
    %add3A_212 = arith.addi %iota3A, %add3A_211 : vector<16xi32>
    %eq3A_213 = arith.cmpi eq, %add3A_212, %broadcast_in_dim3A_10 : vector<16xi32>
    %select_n3A_214 = arith.select %eq3A_213, %get3A_209, %broadcast_in_dim3A_5 : vector<16xi1>, vector<16xf32>
    %add3A_215 = arith.addf %broadcast_in_dim3A_5, %select_n3A_214 : vector<16xf32>
    %get3A_216 = arith.constant 2 : i32
    %get3A_217 = arith.index_cast %get3A_216 : i32 to index
    %get3A_218 = arith.constant 16 : index
    %get3A_219 = tpu.vector_load %arg5[%get3A_217, %get3A_218] {strides = array<i32>} : memref<4x64xf32, #tpu.memory_space<vmem>>, vector<1x16xf32>,
    %get3A_220 = vector.shape_cast %get3A_219 : vector<1x16xf32> to vector<16xf32>
    %add3A_221 = arith.constant 16 : i32
    %add3A_222 = vector.broadcast %add3A_221 : i32 to vector<16xi32>
    %add3A_223 = arith.addi %iota3A, %add3A_222 : vector<16xi32>
    %eq3A_224 = arith.cmpi eq, %add3A_223, %broadcast_in_dim3A_10 : vector<16xi32>
    %select_n3A_225 = arith.select %eq3A_224, %get3A_220, %broadcast_in_dim3A_5 : vector<16xi1>, vector<16xf32>
    %add3A_226 = arith.addf %add3A_215, %select_n3A_225 : vector<16xf32>
    %get3A_227 = arith.constant 2 : i32
    %get3A_228 = arith.index_cast %get3A_227 : i32 to index
    %get3A_229 = arith.constant 32 : index
    %get3A_230 = tpu.vector_load %arg5[%get3A_228, %get3A_229] {strides = array<i32>} : memref<4x64xf32, #tpu.memory_space<vmem>>, vector<1x16xf32>,
    %get3A_231 = vector.shape_cast %get3A_230 : vector<1x16xf32> to vector<16xf32>
    %add3A_232 = arith.constant 32 : i32
    %add3A_233 = vector.broadcast %add3A_232 : i32 to vector<16xi32>
    %add3A_234 = arith.addi %iota3A, %add3A_233 : vector<16xi32>
    %eq3A_235 = arith.cmpi eq, %add3A_234, %broadcast_in_dim3A_10 : vector<16xi32>
    %select_n3A_236 = arith.select %eq3A_235, %get3A_231, %broadcast_in_dim3A_5 : vector<16xi1>, vector<16xf32>
    %add3A_237 = arith.addf %add3A_226, %select_n3A_236 : vector<16xf32>
    %get3A_238 = arith.constant 2 : i32
    %get3A_239 = arith.index_cast %get3A_238 : i32 to index
    %get3A_240 = arith.constant 48 : index
    %get3A_241 = tpu.vector_load %arg5[%get3A_239, %get3A_240] {strides = array<i32>} : memref<4x64xf32, #tpu.memory_space<vmem>>, vector<1x16xf32>,
    %get3A_242 = vector.shape_cast %get3A_241 : vector<1x16xf32> to vector<16xf32>
    %add3A_243 = arith.constant 48 : i32
    %add3A_244 = vector.broadcast %add3A_243 : i32 to vector<16xi32>
    %add3A_245 = arith.addi %iota3A, %add3A_244 : vector<16xi32>
    %eq3A_246 = arith.cmpi eq, %add3A_245, %broadcast_in_dim3A_10 : vector<16xi32>
    %select_n3A_247 = arith.select %eq3A_246, %get3A_242, %broadcast_in_dim3A_5 : vector<16xi1>, vector<16xf32>
    %add3A_248 = arith.addf %add3A_237, %select_n3A_247 : vector<16xf32>
    %xor3A_249 = arith.constant 1 : i32
    %xor3A_250 = vector.broadcast %xor3A_249 : i32 to vector<16xi32>
    %xor3A_251 = arith.xori %iota3A, %xor3A_250 : vector<16xi32>
    %lt3A_252 = arith.constant 0 : i32
    %lt3A_253 = vector.broadcast %lt3A_252 : i32 to vector<16xi32>
    %lt3A_254 = arith.cmpi slt, %xor3A_251, %lt3A_253 : vector<16xi32>
    %add3A_255 = arith.constant 16 : i32
    %add3A_256 = vector.broadcast %add3A_255 : i32 to vector<16xi32>
    %add3A_257 = arith.addi %xor3A_251, %add3A_256 : vector<16xi32>
    %select_n3A_258 = arith.select %lt3A_254, %add3A_257, %xor3A_251 : vector<16xi1>, vector<16xi32>
    %broadcast_in_dim3A_259 = vector.shape_cast %select_n3A_258 : vector<16xi32> to vector<16x1xi32>
    %gather3A_260 = vector.shape_cast %broadcast_in_dim3A_259 : vector<16x1xi32> to vector<16xi32>
    %gather3A_261 = tpu.dynamic_gather %add3A_248[%gather3A_260] in [0] : vector<16xf32>, vector<16xi32> -> vector<16xf32>
    %add3A_262 = arith.addf %add3A_248, %gather3A_261 : vector<16xf32>
    %xor3A_263 = arith.constant 2 : i32
    %xor3A_264 = vector.broadcast %xor3A_263 : i32 to vector<16xi32>
    %xor3A_265 = arith.xori %iota3A, %xor3A_264 : vector<16xi32>
    %lt3A_266 = arith.constant 0 : i32
    %lt3A_267 = vector.broadcast %lt3A_266 : i32 to vector<16xi32>
    %lt3A_268 = arith.cmpi slt, %xor3A_265, %lt3A_267 : vector<16xi32>
    %add3A_269 = arith.constant 16 : i32
    %add3A_270 = vector.broadcast %add3A_269 : i32 to vector<16xi32>
    %add3A_271 = arith.addi %xor3A_265, %add3A_270 : vector<16xi32>
    %select_n3A_272 = arith.select %lt3A_268, %add3A_271, %xor3A_265 : vector<16xi1>, vector<16xi32>
    %broadcast_in_dim3A_273 = vector.shape_cast %select_n3A_272 : vector<16xi32> to vector<16x1xi32>
    %gather3A_274 = vector.shape_cast %broadcast_in_dim3A_273 : vector<16x1xi32> to vector<16xi32>
    %gather3A_275 = tpu.dynamic_gather %add3A_262[%gather3A_274] in [0] : vector<16xf32>, vector<16xi32> -> vector<16xf32>
    %add3A_276 = arith.addf %add3A_262, %gather3A_275 : vector<16xf32>
    %xor3A_277 = arith.constant 4 : i32
    %xor3A_278 = vector.broadcast %xor3A_277 : i32 to vector<16xi32>
    %xor3A_279 = arith.xori %iota3A, %xor3A_278 : vector<16xi32>
    %lt3A_280 = arith.constant 0 : i32
    %lt3A_281 = vector.broadcast %lt3A_280 : i32 to vector<16xi32>
    %lt3A_282 = arith.cmpi slt, %xor3A_279, %lt3A_281 : vector<16xi32>
    %add3A_283 = arith.constant 16 : i32
    %add3A_284 = vector.broadcast %add3A_283 : i32 to vector<16xi32>
    %add3A_285 = arith.addi %xor3A_279, %add3A_284 : vector<16xi32>
    %select_n3A_286 = arith.select %lt3A_282, %add3A_285, %xor3A_279 : vector<16xi1>, vector<16xi32>
    %broadcast_in_dim3A_287 = vector.shape_cast %select_n3A_286 : vector<16xi32> to vector<16x1xi32>
    %gather3A_288 = vector.shape_cast %broadcast_in_dim3A_287 : vector<16x1xi32> to vector<16xi32>
    %gather3A_289 = tpu.dynamic_gather %add3A_276[%gather3A_288] in [0] : vector<16xf32>, vector<16xi32> -> vector<16xf32>
    %add3A_290 = arith.addf %add3A_276, %gather3A_289 : vector<16xf32>
    %xor3A_291 = arith.constant 8 : i32
    %xor3A_292 = vector.broadcast %xor3A_291 : i32 to vector<16xi32>
    %xor3A_293 = arith.xori %iota3A, %xor3A_292 : vector<16xi32>
    %lt3A_294 = arith.constant 0 : i32
    %lt3A_295 = vector.broadcast %lt3A_294 : i32 to vector<16xi32>
    %lt3A_296 = arith.cmpi slt, %xor3A_293, %lt3A_295 : vector<16xi32>
    %add3A_297 = arith.constant 16 : i32
    %add3A_298 = vector.broadcast %add3A_297 : i32 to vector<16xi32>
    %add3A_299 = arith.addi %xor3A_293, %add3A_298 : vector<16xi32>
    %select_n3A_300 = arith.select %lt3A_296, %add3A_299, %xor3A_293 : vector<16xi1>, vector<16xi32>
    %broadcast_in_dim3A_301 = vector.shape_cast %select_n3A_300 : vector<16xi32> to vector<16x1xi32>
    %gather3A_302 = vector.shape_cast %broadcast_in_dim3A_301 : vector<16x1xi32> to vector<16xi32>
    %gather3A_303 = tpu.dynamic_gather %add3A_290[%gather3A_302] in [0] : vector<16xf32>, vector<16xi32> -> vector<16xf32>
    %add3A_304 = arith.addf %add3A_290, %gather3A_303 : vector<16xf32>
    %get3A_305 = arith.constant 0 : i32
    %get3A_306 = arith.index_cast %get3A_305 : i32 to index
    %get3A_307 = arith.constant 0 : index
    %get3A_308 = tpu.vector_load %arg5[%get3A_306, %get3A_307] {strides = array<i32>} : memref<4x64xf32, #tpu.memory_space<vmem>>, vector<1x16xf32>,
    %get3A_309 = vector.shape_cast %get3A_308 : vector<1x16xf32> to vector<16xf32>
    %sub3A = arith.subf %get3A_309, %add3A_104 : vector<16xf32>
    %mul3A_310 = arith.mulf %sub3A, %sub3A : vector<16xf32>
    %add3A_311 = arith.addf %broadcast_in_dim3A_5, %mul3A_310 : vector<16xf32>
    %get3A_312 = arith.constant 1 : i32
    %get3A_313 = arith.index_cast %get3A_312 : i32 to index
    %get3A_314 = arith.constant 0 : index
    %get3A_315 = tpu.vector_load %arg5[%get3A_313, %get3A_314] {strides = array<i32>} : memref<4x64xf32, #tpu.memory_space<vmem>>, vector<1x16xf32>,
    %get3A_316 = vector.shape_cast %get3A_315 : vector<1x16xf32> to vector<16xf32>
    %sub3A_317 = arith.subf %get3A_316, %add3A_204 : vector<16xf32>
    %mul3A_318 = arith.mulf %sub3A_317, %sub3A_317 : vector<16xf32>
    %add3A_319 = arith.addf %add3A_311, %mul3A_318 : vector<16xf32>
    %get3A_320 = arith.constant 2 : i32
    %get3A_321 = arith.index_cast %get3A_320 : i32 to index
    %get3A_322 = arith.constant 0 : index
    %get3A_323 = tpu.vector_load %arg5[%get3A_321, %get3A_322] {strides = array<i32>} : memref<4x64xf32, #tpu.memory_space<vmem>>, vector<1x16xf32>,
    %get3A_324 = vector.shape_cast %get3A_323 : vector<1x16xf32> to vector<16xf32>
    %sub3A_325 = arith.subf %get3A_324, %add3A_304 : vector<16xf32>
    %mul3A_326 = arith.mulf %sub3A_325, %sub3A_325 : vector<16xf32>
    %add3A_327 = arith.addf %add3A_319, %mul3A_326 : vector<16xf32>
    %add3A_328 = arith.constant 0 : i32
    %add3A_329 = vector.broadcast %add3A_328 : i32 to vector<16xi32>
    %add3A_330 = arith.addi %iota3A, %add3A_329 : vector<16xi32>
    %eq3A_331 = arith.cmpi eq, %add3A_330, %broadcast_in_dim3A_10 : vector<16xi32>
    %select_n3A_332 = arith.select %eq3A_331, %broadcast_in_dim3A_3, %add3A_327 : vector<16xi1>, vector<16xf32>
    %get3A_333 = arith.constant 0 : i32
    %get3A_334 = arith.index_cast %get3A_333 : i32 to index
    %get3A_335 = arith.constant 16 : index
    %get3A_336 = tpu.vector_load %arg5[%get3A_334, %get3A_335] {strides = array<i32>} : memref<4x64xf32, #tpu.memory_space<vmem>>, vector<1x16xf32>,
    %get3A_337 = vector.shape_cast %get3A_336 : vector<1x16xf32> to vector<16xf32>
    %sub3A_338 = arith.subf %get3A_337, %add3A_104 : vector<16xf32>
    %mul3A_339 = arith.mulf %sub3A_338, %sub3A_338 : vector<16xf32>
    %add3A_340 = arith.addf %broadcast_in_dim3A_5, %mul3A_339 : vector<16xf32>
    %get3A_341 = arith.constant 1 : i32
    %get3A_342 = arith.index_cast %get3A_341 : i32 to index
    %get3A_343 = arith.constant 16 : index
    %get3A_344 = tpu.vector_load %arg5[%get3A_342, %get3A_343] {strides = array<i32>} : memref<4x64xf32, #tpu.memory_space<vmem>>, vector<1x16xf32>,
    %get3A_345 = vector.shape_cast %get3A_344 : vector<1x16xf32> to vector<16xf32>
    %sub3A_346 = arith.subf %get3A_345, %add3A_204 : vector<16xf32>
    %mul3A_347 = arith.mulf %sub3A_346, %sub3A_346 : vector<16xf32>
    %add3A_348 = arith.addf %add3A_340, %mul3A_347 : vector<16xf32>
    %get3A_349 = arith.constant 2 : i32
    %get3A_350 = arith.index_cast %get3A_349 : i32 to index
    %get3A_351 = arith.constant 16 : index
    %get3A_352 = tpu.vector_load %arg5[%get3A_350, %get3A_351] {strides = array<i32>} : memref<4x64xf32, #tpu.memory_space<vmem>>, vector<1x16xf32>,
    %get3A_353 = vector.shape_cast %get3A_352 : vector<1x16xf32> to vector<16xf32>
    %sub3A_354 = arith.subf %get3A_353, %add3A_304 : vector<16xf32>
    %mul3A_355 = arith.mulf %sub3A_354, %sub3A_354 : vector<16xf32>
    %add3A_356 = arith.addf %add3A_348, %mul3A_355 : vector<16xf32>
    %add3A_357 = arith.constant 16 : i32
    %add3A_358 = vector.broadcast %add3A_357 : i32 to vector<16xi32>
    %add3A_359 = arith.addi %iota3A, %add3A_358 : vector<16xi32>
    %eq3A_360 = arith.cmpi eq, %add3A_359, %broadcast_in_dim3A_10 : vector<16xi32>
    %select_n3A_361 = arith.select %eq3A_360, %broadcast_in_dim3A_3, %add3A_356 : vector<16xi1>, vector<16xf32>
    %get3A_362 = arith.constant 0 : i32
    %get3A_363 = arith.index_cast %get3A_362 : i32 to index
    %get3A_364 = arith.constant 32 : index
    %get3A_365 = tpu.vector_load %arg5[%get3A_363, %get3A_364] {strides = array<i32>} : memref<4x64xf32, #tpu.memory_space<vmem>>, vector<1x16xf32>,
    %get3A_366 = vector.shape_cast %get3A_365 : vector<1x16xf32> to vector<16xf32>
    %sub3A_367 = arith.subf %get3A_366, %add3A_104 : vector<16xf32>
    %mul3A_368 = arith.mulf %sub3A_367, %sub3A_367 : vector<16xf32>
    %add3A_369 = arith.addf %broadcast_in_dim3A_5, %mul3A_368 : vector<16xf32>
    %get3A_370 = arith.constant 1 : i32
    %get3A_371 = arith.index_cast %get3A_370 : i32 to index
    %get3A_372 = arith.constant 32 : index
    %get3A_373 = tpu.vector_load %arg5[%get3A_371, %get3A_372] {strides = array<i32>} : memref<4x64xf32, #tpu.memory_space<vmem>>, vector<1x16xf32>,
    %get3A_374 = vector.shape_cast %get3A_373 : vector<1x16xf32> to vector<16xf32>
    %sub3A_375 = arith.subf %get3A_374, %add3A_204 : vector<16xf32>
    %mul3A_376 = arith.mulf %sub3A_375, %sub3A_375 : vector<16xf32>
    %add3A_377 = arith.addf %add3A_369, %mul3A_376 : vector<16xf32>
    %get3A_378 = arith.constant 2 : i32
    %get3A_379 = arith.index_cast %get3A_378 : i32 to index
    %get3A_380 = arith.constant 32 : index
    %get3A_381 = tpu.vector_load %arg5[%get3A_379, %get3A_380] {strides = array<i32>} : memref<4x64xf32, #tpu.memory_space<vmem>>, vector<1x16xf32>,
    %get3A_382 = vector.shape_cast %get3A_381 : vector<1x16xf32> to vector<16xf32>
    %sub3A_383 = arith.subf %get3A_382, %add3A_304 : vector<16xf32>
    %mul3A_384 = arith.mulf %sub3A_383, %sub3A_383 : vector<16xf32>
    %add3A_385 = arith.addf %add3A_377, %mul3A_384 : vector<16xf32>
    %add3A_386 = arith.constant 32 : i32
    %add3A_387 = vector.broadcast %add3A_386 : i32 to vector<16xi32>
    %add3A_388 = arith.addi %iota3A, %add3A_387 : vector<16xi32>
    %eq3A_389 = arith.cmpi eq, %add3A_388, %broadcast_in_dim3A_10 : vector<16xi32>
    %select_n3A_390 = arith.select %eq3A_389, %broadcast_in_dim3A_3, %add3A_385 : vector<16xi1>, vector<16xf32>
    %get3A_391 = arith.constant 0 : i32
    %get3A_392 = arith.index_cast %get3A_391 : i32 to index
    %get3A_393 = arith.constant 48 : index
    %get3A_394 = tpu.vector_load %arg5[%get3A_392, %get3A_393] {strides = array<i32>} : memref<4x64xf32, #tpu.memory_space<vmem>>, vector<1x16xf32>,
    %get3A_395 = vector.shape_cast %get3A_394 : vector<1x16xf32> to vector<16xf32>
    %sub3A_396 = arith.subf %get3A_395, %add3A_104 : vector<16xf32>
    %mul3A_397 = arith.mulf %sub3A_396, %sub3A_396 : vector<16xf32>
    %add3A_398 = arith.addf %broadcast_in_dim3A_5, %mul3A_397 : vector<16xf32>
    %get3A_399 = arith.constant 1 : i32
    %get3A_400 = arith.index_cast %get3A_399 : i32 to index
    %get3A_401 = arith.constant 48 : index
    %get3A_402 = tpu.vector_load %arg5[%get3A_400, %get3A_401] {strides = array<i32>} : memref<4x64xf32, #tpu.memory_space<vmem>>, vector<1x16xf32>,
    %get3A_403 = vector.shape_cast %get3A_402 : vector<1x16xf32> to vector<16xf32>
    %sub3A_404 = arith.subf %get3A_403, %add3A_204 : vector<16xf32>
    %mul3A_405 = arith.mulf %sub3A_404, %sub3A_404 : vector<16xf32>
    %add3A_406 = arith.addf %add3A_398, %mul3A_405 : vector<16xf32>
    %get3A_407 = arith.constant 2 : i32
    %get3A_408 = arith.index_cast %get3A_407 : i32 to index
    %get3A_409 = arith.constant 48 : index
    %get3A_410 = tpu.vector_load %arg5[%get3A_408, %get3A_409] {strides = array<i32>} : memref<4x64xf32, #tpu.memory_space<vmem>>, vector<1x16xf32>,
    %get3A_411 = vector.shape_cast %get3A_410 : vector<1x16xf32> to vector<16xf32>
    %sub3A_412 = arith.subf %get3A_411, %add3A_304 : vector<16xf32>
    %mul3A_413 = arith.mulf %sub3A_412, %sub3A_412 : vector<16xf32>
    %add3A_414 = arith.addf %add3A_406, %mul3A_413 : vector<16xf32>
    %add3A_415 = arith.constant 48 : i32
    %add3A_416 = vector.broadcast %add3A_415 : i32 to vector<16xi32>
    %add3A_417 = arith.addi %iota3A, %add3A_416 : vector<16xi32>
    %eq3A_418 = arith.cmpi eq, %add3A_417, %broadcast_in_dim3A_10 : vector<16xi32>
    %select_n3A_419 = arith.select %eq3A_418, %broadcast_in_dim3A_3, %add3A_414 : vector<16xi1>, vector<16xf32>
    %broadcast_in_dim3A_420 = arith.constant 0 : i32
    %broadcast_in_dim3A_421 = vector.broadcast %broadcast_in_dim3A_420 : i32 to vector<16xi32>
    %min3A = arith.minimumf %select_n3A_332, %select_n3A_361 : vector<16xf32>
    %min3A_422 = arith.minimumf %select_n3A_390, %select_n3A_419 : vector<16xf32>
    %min3A_423 = arith.minimumf %min3A, %min3A_422 : vector<16xf32>
    %xor3A_424 = arith.constant 1 : i32
    %xor3A_425 = vector.broadcast %xor3A_424 : i32 to vector<16xi32>
    %xor3A_426 = arith.xori %iota3A, %xor3A_425 : vector<16xi32>
    %lt3A_427 = arith.constant 0 : i32
    %lt3A_428 = vector.broadcast %lt3A_427 : i32 to vector<16xi32>
    %lt3A_429 = arith.cmpi slt, %xor3A_426, %lt3A_428 : vector<16xi32>
    %add3A_430 = arith.constant 16 : i32
    %add3A_431 = vector.broadcast %add3A_430 : i32 to vector<16xi32>
    %add3A_432 = arith.addi %xor3A_426, %add3A_431 : vector<16xi32>
    %select_n3A_433 = arith.select %lt3A_429, %add3A_432, %xor3A_426 : vector<16xi1>, vector<16xi32>
    %broadcast_in_dim3A_434 = vector.shape_cast %select_n3A_433 : vector<16xi32> to vector<16x1xi32>
    %gather3A_435 = vector.shape_cast %broadcast_in_dim3A_434 : vector<16x1xi32> to vector<16xi32>
    %gather3A_436 = tpu.dynamic_gather %min3A_423[%gather3A_435] in [0] : vector<16xf32>, vector<16xi32> -> vector<16xf32>
    %min3A_437 = arith.minimumf %min3A_423, %gather3A_436 : vector<16xf32>
    %xor3A_438 = arith.constant 2 : i32
    %xor3A_439 = vector.broadcast %xor3A_438 : i32 to vector<16xi32>
    %xor3A_440 = arith.xori %iota3A, %xor3A_439 : vector<16xi32>
    %lt3A_441 = arith.constant 0 : i32
    %lt3A_442 = vector.broadcast %lt3A_441 : i32 to vector<16xi32>
    %lt3A_443 = arith.cmpi slt, %xor3A_440, %lt3A_442 : vector<16xi32>
    %add3A_444 = arith.constant 16 : i32
    %add3A_445 = vector.broadcast %add3A_444 : i32 to vector<16xi32>
    %add3A_446 = arith.addi %xor3A_440, %add3A_445 : vector<16xi32>
    %select_n3A_447 = arith.select %lt3A_443, %add3A_446, %xor3A_440 : vector<16xi1>, vector<16xi32>
    %broadcast_in_dim3A_448 = vector.shape_cast %select_n3A_447 : vector<16xi32> to vector<16x1xi32>
    %gather3A_449 = vector.shape_cast %broadcast_in_dim3A_448 : vector<16x1xi32> to vector<16xi32>
    %gather3A_450 = tpu.dynamic_gather %min3A_437[%gather3A_449] in [0] : vector<16xf32>, vector<16xi32> -> vector<16xf32>
    %min3A_451 = arith.minimumf %min3A_437, %gather3A_450 : vector<16xf32>
    %xor3A_452 = arith.constant 4 : i32
    %xor3A_453 = vector.broadcast %xor3A_452 : i32 to vector<16xi32>
    %xor3A_454 = arith.xori %iota3A, %xor3A_453 : vector<16xi32>
    %lt3A_455 = arith.constant 0 : i32
    %lt3A_456 = vector.broadcast %lt3A_455 : i32 to vector<16xi32>
    %lt3A_457 = arith.cmpi slt, %xor3A_454, %lt3A_456 : vector<16xi32>
    %add3A_458 = arith.constant 16 : i32
    %add3A_459 = vector.broadcast %add3A_458 : i32 to vector<16xi32>
    %add3A_460 = arith.addi %xor3A_454, %add3A_459 : vector<16xi32>
    %select_n3A_461 = arith.select %lt3A_457, %add3A_460, %xor3A_454 : vector<16xi1>, vector<16xi32>
    %broadcast_in_dim3A_462 = vector.shape_cast %select_n3A_461 : vector<16xi32> to vector<16x1xi32>
    %gather3A_463 = vector.shape_cast %broadcast_in_dim3A_462 : vector<16x1xi32> to vector<16xi32>
    %gather3A_464 = tpu.dynamic_gather %min3A_451[%gather3A_463] in [0] : vector<16xf32>, vector<16xi32> -> vector<16xf32>
    %min3A_465 = arith.minimumf %min3A_451, %gather3A_464 : vector<16xf32>
    %xor3A_466 = arith.constant 8 : i32
    %xor3A_467 = vector.broadcast %xor3A_466 : i32 to vector<16xi32>
    %xor3A_468 = arith.xori %iota3A, %xor3A_467 : vector<16xi32>
    %lt3A_469 = arith.constant 0 : i32
    %lt3A_470 = vector.broadcast %lt3A_469 : i32 to vector<16xi32>
    %lt3A_471 = arith.cmpi slt, %xor3A_468, %lt3A_470 : vector<16xi32>
    %add3A_472 = arith.constant 16 : i32
    %add3A_473 = vector.broadcast %add3A_472 : i32 to vector<16xi32>
    %add3A_474 = arith.addi %xor3A_468, %add3A_473 : vector<16xi32>
    %select_n3A_475 = arith.select %lt3A_471, %add3A_474, %xor3A_468 : vector<16xi1>, vector<16xi32>
    %broadcast_in_dim3A_476 = vector.shape_cast %select_n3A_475 : vector<16xi32> to vector<16x1xi32>
    %gather3A_477 = vector.shape_cast %broadcast_in_dim3A_476 : vector<16x1xi32> to vector<16xi32>
    %gather3A_478 = tpu.dynamic_gather %min3A_465[%gather3A_477] in [0] : vector<16xf32>, vector<16xi32> -> vector<16xf32>
    %min3A_479 = arith.minimumf %min3A_465, %gather3A_478 : vector<16xf32>
    %eq3A_480 = arith.cmpf oeq, %select_n3A_332, %min3A_479 : vector<16xf32>
    %add3A_481 = arith.constant 0 : i32
    %add3A_482 = vector.broadcast %add3A_481 : i32 to vector<16xi32>
    %add3A_483 = arith.addi %iota3A, %add3A_482 : vector<16xi32>
    %select_n3A_484 = arith.select %eq3A_480, %add3A_483, %broadcast_in_dim3A_1 : vector<16xi1>, vector<16xi32>
    %min3A_485 = arith.minsi %broadcast_in_dim3A_1, %select_n3A_484 : vector<16xi32>
    %eq3A_486 = arith.cmpf oeq, %select_n3A_361, %min3A_479 : vector<16xf32>
    %add3A_487 = arith.constant 16 : i32
    %add3A_488 = vector.broadcast %add3A_487 : i32 to vector<16xi32>
    %add3A_489 = arith.addi %iota3A, %add3A_488 : vector<16xi32>
    %select_n3A_490 = arith.select %eq3A_486, %add3A_489, %broadcast_in_dim3A_1 : vector<16xi1>, vector<16xi32>
    %min3A_491 = arith.minsi %min3A_485, %select_n3A_490 : vector<16xi32>
    %eq3A_492 = arith.cmpf oeq, %select_n3A_390, %min3A_479 : vector<16xf32>
    %add3A_493 = arith.constant 32 : i32
    %add3A_494 = vector.broadcast %add3A_493 : i32 to vector<16xi32>
    %add3A_495 = arith.addi %iota3A, %add3A_494 : vector<16xi32>
    %select_n3A_496 = arith.select %eq3A_492, %add3A_495, %broadcast_in_dim3A_1 : vector<16xi1>, vector<16xi32>
    %min3A_497 = arith.minsi %min3A_491, %select_n3A_496 : vector<16xi32>
    %eq3A_498 = arith.cmpf oeq, %select_n3A_419, %min3A_479 : vector<16xf32>
    %add3A_499 = arith.constant 48 : i32
    %add3A_500 = vector.broadcast %add3A_499 : i32 to vector<16xi32>
    %add3A_501 = arith.addi %iota3A, %add3A_500 : vector<16xi32>
    %select_n3A_502 = arith.select %eq3A_498, %add3A_501, %broadcast_in_dim3A_1 : vector<16xi1>, vector<16xi32>
    %min3A_503 = arith.minsi %min3A_497, %select_n3A_502 : vector<16xi32>
    %xor3A_504 = arith.constant 1 : i32
    %xor3A_505 = vector.broadcast %xor3A_504 : i32 to vector<16xi32>
    %xor3A_506 = arith.xori %iota3A, %xor3A_505 : vector<16xi32>
    %lt3A_507 = arith.constant 0 : i32
    %lt3A_508 = vector.broadcast %lt3A_507 : i32 to vector<16xi32>
    %lt3A_509 = arith.cmpi slt, %xor3A_506, %lt3A_508 : vector<16xi32>
    %add3A_510 = arith.constant 16 : i32
    %add3A_511 = vector.broadcast %add3A_510 : i32 to vector<16xi32>
    %add3A_512 = arith.addi %xor3A_506, %add3A_511 : vector<16xi32>
    %select_n3A_513 = arith.select %lt3A_509, %add3A_512, %xor3A_506 : vector<16xi1>, vector<16xi32>
    %broadcast_in_dim3A_514 = vector.shape_cast %select_n3A_513 : vector<16xi32> to vector<16x1xi32>
    %gather3A_515 = vector.shape_cast %broadcast_in_dim3A_514 : vector<16x1xi32> to vector<16xi32>
    %gather3A_516 = tpu.dynamic_gather %min3A_503[%gather3A_515] in [0] : vector<16xi32>, vector<16xi32> -> vector<16xi32>
    %min3A_517 = arith.minsi %min3A_503, %gather3A_516 : vector<16xi32>
    %xor3A_518 = arith.constant 2 : i32
    %xor3A_519 = vector.broadcast %xor3A_518 : i32 to vector<16xi32>
    %xor3A_520 = arith.xori %iota3A, %xor3A_519 : vector<16xi32>
    %lt3A_521 = arith.constant 0 : i32
    %lt3A_522 = vector.broadcast %lt3A_521 : i32 to vector<16xi32>
    %lt3A_523 = arith.cmpi slt, %xor3A_520, %lt3A_522 : vector<16xi32>
    %add3A_524 = arith.constant 16 : i32
    %add3A_525 = vector.broadcast %add3A_524 : i32 to vector<16xi32>
    %add3A_526 = arith.addi %xor3A_520, %add3A_525 : vector<16xi32>
    %select_n3A_527 = arith.select %lt3A_523, %add3A_526, %xor3A_520 : vector<16xi1>, vector<16xi32>
    %broadcast_in_dim3A_528 = vector.shape_cast %select_n3A_527 : vector<16xi32> to vector<16x1xi32>
    %gather3A_529 = vector.shape_cast %broadcast_in_dim3A_528 : vector<16x1xi32> to vector<16xi32>
    %gather3A_530 = tpu.dynamic_gather %min3A_517[%gather3A_529] in [0] : vector<16xi32>, vector<16xi32> -> vector<16xi32>
    %min3A_531 = arith.minsi %min3A_517, %gather3A_530 : vector<16xi32>
    %xor3A_532 = arith.constant 4 : i32
    %xor3A_533 = vector.broadcast %xor3A_532 : i32 to vector<16xi32>
    %xor3A_534 = arith.xori %iota3A, %xor3A_533 : vector<16xi32>
    %lt3A_535 = arith.constant 0 : i32
    %lt3A_536 = vector.broadcast %lt3A_535 : i32 to vector<16xi32>
    %lt3A_537 = arith.cmpi slt, %xor3A_534, %lt3A_536 : vector<16xi32>
    %add3A_538 = arith.constant 16 : i32
    %add3A_539 = vector.broadcast %add3A_538 : i32 to vector<16xi32>
    %add3A_540 = arith.addi %xor3A_534, %add3A_539 : vector<16xi32>
    %select_n3A_541 = arith.select %lt3A_537, %add3A_540, %xor3A_534 : vector<16xi1>, vector<16xi32>
    %broadcast_in_dim3A_542 = vector.shape_cast %select_n3A_541 : vector<16xi32> to vector<16x1xi32>
    %gather3A_543 = vector.shape_cast %broadcast_in_dim3A_542 : vector<16x1xi32> to vector<16xi32>
    %gather3A_544 = tpu.dynamic_gather %min3A_531[%gather3A_543] in [0] : vector<16xi32>, vector<16xi32> -> vector<16xi32>
    %min3A_545 = arith.minsi %min3A_531, %gather3A_544 : vector<16xi32>
    %xor3A_546 = arith.constant 8 : i32
    %xor3A_547 = vector.broadcast %xor3A_546 : i32 to vector<16xi32>
    %xor3A_548 = arith.xori %iota3A, %xor3A_547 : vector<16xi32>
    %lt3A_549 = arith.constant 0 : i32
    %lt3A_550 = vector.broadcast %lt3A_549 : i32 to vector<16xi32>
    %lt3A_551 = arith.cmpi slt, %xor3A_548, %lt3A_550 : vector<16xi32>
    %add3A_552 = arith.constant 16 : i32
    %add3A_553 = vector.broadcast %add3A_552 : i32 to vector<16xi32>
    %add3A_554 = arith.addi %xor3A_548, %add3A_553 : vector<16xi32>
    %select_n3A_555 = arith.select %lt3A_551, %add3A_554, %xor3A_548 : vector<16xi1>, vector<16xi32>
    %broadcast_in_dim3A_556 = vector.shape_cast %select_n3A_555 : vector<16xi32> to vector<16x1xi32>
    %gather3A_557 = vector.shape_cast %broadcast_in_dim3A_556 : vector<16x1xi32> to vector<16xi32>
    %gather3A_558 = tpu.dynamic_gather %min3A_545[%gather3A_557] in [0] : vector<16xi32>, vector<16xi32> -> vector<16xi32>
    %min3A_559 = arith.minsi %min3A_545, %gather3A_558 : vector<16xi32>
    %eq3A_560 = arith.constant 0 : i32
    %eq3A_561 = vector.broadcast %eq3A_560 : i32 to vector<16xi32>
    %eq3A_562 = arith.cmpi eq, %iota3A, %eq3A_561 : vector<16xi32>
    %select_n3A_563 = arith.select %eq3A_562, %min3A_559, %broadcast_in_dim3A_421 : vector<16xi1>, vector<16xi32>
    %add3A_564 = arith.constant 0 : i32
    %add3A_565 = vector.broadcast %add3A_564 : i32 to vector<16xi32>
    %add3A_566 = arith.addi %iota3A, %add3A_565 : vector<16xi32>
    %eq3A_567 = arith.cmpi eq, %add3A_566, %min3A_559 : vector<16xi32>
    %select_n3A_568 = arith.select %eq3A_567, %broadcast_in_dim3A_3, %select_n3A_332 : vector<16xi1>, vector<16xf32>
    %add3A_569 = arith.constant 16 : i32
    %add3A_570 = vector.broadcast %add3A_569 : i32 to vector<16xi32>
    %add3A_571 = arith.addi %iota3A, %add3A_570 : vector<16xi32>
    %eq3A_572 = arith.cmpi eq, %add3A_571, %min3A_559 : vector<16xi32>
    %select_n3A_573 = arith.select %eq3A_572, %broadcast_in_dim3A_3, %select_n3A_361 : vector<16xi1>, vector<16xf32>
    %add3A_574 = arith.constant 32 : i32
    %add3A_575 = vector.broadcast %add3A_574 : i32 to vector<16xi32>
    %add3A_576 = arith.addi %iota3A, %add3A_575 : vector<16xi32>
    %eq3A_577 = arith.cmpi eq, %add3A_576, %min3A_559 : vector<16xi32>
    %select_n3A_578 = arith.select %eq3A_577, %broadcast_in_dim3A_3, %select_n3A_390 : vector<16xi1>, vector<16xf32>
    %add3A_579 = arith.constant 48 : i32
    %add3A_580 = vector.broadcast %add3A_579 : i32 to vector<16xi32>
    %add3A_581 = arith.addi %iota3A, %add3A_580 : vector<16xi32>
    %eq3A_582 = arith.cmpi eq, %add3A_581, %min3A_559 : vector<16xi32>
    %select_n3A_583 = arith.select %eq3A_582, %broadcast_in_dim3A_3, %select_n3A_419 : vector<16xi1>, vector<16xf32>
    %min3A_584 = arith.minimumf %select_n3A_568, %select_n3A_573 : vector<16xf32>
    %min3A_585 = arith.minimumf %select_n3A_578, %select_n3A_583 : vector<16xf32>
    %min3A_586 = arith.minimumf %min3A_584, %min3A_585 : vector<16xf32>
    %xor3A_587 = arith.constant 1 : i32
    %xor3A_588 = vector.broadcast %xor3A_587 : i32 to vector<16xi32>
    %xor3A_589 = arith.xori %iota3A, %xor3A_588 : vector<16xi32>
    %lt3A_590 = arith.constant 0 : i32
    %lt3A_591 = vector.broadcast %lt3A_590 : i32 to vector<16xi32>
    %lt3A_592 = arith.cmpi slt, %xor3A_589, %lt3A_591 : vector<16xi32>
    %add3A_593 = arith.constant 16 : i32
    %add3A_594 = vector.broadcast %add3A_593 : i32 to vector<16xi32>
    %add3A_595 = arith.addi %xor3A_589, %add3A_594 : vector<16xi32>
    %select_n3A_596 = arith.select %lt3A_592, %add3A_595, %xor3A_589 : vector<16xi1>, vector<16xi32>
    %broadcast_in_dim3A_597 = vector.shape_cast %select_n3A_596 : vector<16xi32> to vector<16x1xi32>
    %gather3A_598 = vector.shape_cast %broadcast_in_dim3A_597 : vector<16x1xi32> to vector<16xi32>
    %gather3A_599 = tpu.dynamic_gather %min3A_586[%gather3A_598] in [0] : vector<16xf32>, vector<16xi32> -> vector<16xf32>
    %min3A_600 = arith.minimumf %min3A_586, %gather3A_599 : vector<16xf32>
    %xor3A_601 = arith.constant 2 : i32
    %xor3A_602 = vector.broadcast %xor3A_601 : i32 to vector<16xi32>
    %xor3A_603 = arith.xori %iota3A, %xor3A_602 : vector<16xi32>
    %lt3A_604 = arith.constant 0 : i32
    %lt3A_605 = vector.broadcast %lt3A_604 : i32 to vector<16xi32>
    %lt3A_606 = arith.cmpi slt, %xor3A_603, %lt3A_605 : vector<16xi32>
    %add3A_607 = arith.constant 16 : i32
    %add3A_608 = vector.broadcast %add3A_607 : i32 to vector<16xi32>
    %add3A_609 = arith.addi %xor3A_603, %add3A_608 : vector<16xi32>
    %select_n3A_610 = arith.select %lt3A_606, %add3A_609, %xor3A_603 : vector<16xi1>, vector<16xi32>
    %broadcast_in_dim3A_611 = vector.shape_cast %select_n3A_610 : vector<16xi32> to vector<16x1xi32>
    %gather3A_612 = vector.shape_cast %broadcast_in_dim3A_611 : vector<16x1xi32> to vector<16xi32>
    %gather3A_613 = tpu.dynamic_gather %min3A_600[%gather3A_612] in [0] : vector<16xf32>, vector<16xi32> -> vector<16xf32>
    %min3A_614 = arith.minimumf %min3A_600, %gather3A_613 : vector<16xf32>
    %xor3A_615 = arith.constant 4 : i32
    %xor3A_616 = vector.broadcast %xor3A_615 : i32 to vector<16xi32>
    %xor3A_617 = arith.xori %iota3A, %xor3A_616 : vector<16xi32>
    %lt3A_618 = arith.constant 0 : i32
    %lt3A_619 = vector.broadcast %lt3A_618 : i32 to vector<16xi32>
    %lt3A_620 = arith.cmpi slt, %xor3A_617, %lt3A_619 : vector<16xi32>
    %add3A_621 = arith.constant 16 : i32
    %add3A_622 = vector.broadcast %add3A_621 : i32 to vector<16xi32>
    %add3A_623 = arith.addi %xor3A_617, %add3A_622 : vector<16xi32>
    %select_n3A_624 = arith.select %lt3A_620, %add3A_623, %xor3A_617 : vector<16xi1>, vector<16xi32>
    %broadcast_in_dim3A_625 = vector.shape_cast %select_n3A_624 : vector<16xi32> to vector<16x1xi32>
    %gather3A_626 = vector.shape_cast %broadcast_in_dim3A_625 : vector<16x1xi32> to vector<16xi32>
    %gather3A_627 = tpu.dynamic_gather %min3A_614[%gather3A_626] in [0] : vector<16xf32>, vector<16xi32> -> vector<16xf32>
    %min3A_628 = arith.minimumf %min3A_614, %gather3A_627 : vector<16xf32>
    %xor3A_629 = arith.constant 8 : i32
    %xor3A_630 = vector.broadcast %xor3A_629 : i32 to vector<16xi32>
    %xor3A_631 = arith.xori %iota3A, %xor3A_630 : vector<16xi32>
    %lt3A_632 = arith.constant 0 : i32
    %lt3A_633 = vector.broadcast %lt3A_632 : i32 to vector<16xi32>
    %lt3A_634 = arith.cmpi slt, %xor3A_631, %lt3A_633 : vector<16xi32>
    %add3A_635 = arith.constant 16 : i32
    %add3A_636 = vector.broadcast %add3A_635 : i32 to vector<16xi32>
    %add3A_637 = arith.addi %xor3A_631, %add3A_636 : vector<16xi32>
    %select_n3A_638 = arith.select %lt3A_634, %add3A_637, %xor3A_631 : vector<16xi1>, vector<16xi32>
    %broadcast_in_dim3A_639 = vector.shape_cast %select_n3A_638 : vector<16xi32> to vector<16x1xi32>
    %gather3A_640 = vector.shape_cast %broadcast_in_dim3A_639 : vector<16x1xi32> to vector<16xi32>
    %gather3A_641 = tpu.dynamic_gather %min3A_628[%gather3A_640] in [0] : vector<16xf32>, vector<16xi32> -> vector<16xf32>
    %min3A_642 = arith.minimumf %min3A_628, %gather3A_641 : vector<16xf32>
    %eq3A_643 = arith.cmpf oeq, %select_n3A_568, %min3A_642 : vector<16xf32>
    %add3A_644 = arith.constant 0 : i32
    %add3A_645 = vector.broadcast %add3A_644 : i32 to vector<16xi32>
    %add3A_646 = arith.addi %iota3A, %add3A_645 : vector<16xi32>
    %select_n3A_647 = arith.select %eq3A_643, %add3A_646, %broadcast_in_dim3A_1 : vector<16xi1>, vector<16xi32>
    %min3A_648 = arith.minsi %broadcast_in_dim3A_1, %select_n3A_647 : vector<16xi32>
    %eq3A_649 = arith.cmpf oeq, %select_n3A_573, %min3A_642 : vector<16xf32>
    %add3A_650 = arith.constant 16 : i32
    %add3A_651 = vector.broadcast %add3A_650 : i32 to vector<16xi32>
    %add3A_652 = arith.addi %iota3A, %add3A_651 : vector<16xi32>
    %select_n3A_653 = arith.select %eq3A_649, %add3A_652, %broadcast_in_dim3A_1 : vector<16xi1>, vector<16xi32>
    %min3A_654 = arith.minsi %min3A_648, %select_n3A_653 : vector<16xi32>
    %eq3A_655 = arith.cmpf oeq, %select_n3A_578, %min3A_642 : vector<16xf32>
    %add3A_656 = arith.constant 32 : i32
    %add3A_657 = vector.broadcast %add3A_656 : i32 to vector<16xi32>
    %add3A_658 = arith.addi %iota3A, %add3A_657 : vector<16xi32>
    %select_n3A_659 = arith.select %eq3A_655, %add3A_658, %broadcast_in_dim3A_1 : vector<16xi1>, vector<16xi32>
    %min3A_660 = arith.minsi %min3A_654, %select_n3A_659 : vector<16xi32>
    %eq3A_661 = arith.cmpf oeq, %select_n3A_583, %min3A_642 : vector<16xf32>
    %add3A_662 = arith.constant 48 : i32
    %add3A_663 = vector.broadcast %add3A_662 : i32 to vector<16xi32>
    %add3A_664 = arith.addi %iota3A, %add3A_663 : vector<16xi32>
    %select_n3A_665 = arith.select %eq3A_661, %add3A_664, %broadcast_in_dim3A_1 : vector<16xi1>, vector<16xi32>
    %min3A_666 = arith.minsi %min3A_660, %select_n3A_665 : vector<16xi32>
    %xor3A_667 = arith.constant 1 : i32
    %xor3A_668 = vector.broadcast %xor3A_667 : i32 to vector<16xi32>
    %xor3A_669 = arith.xori %iota3A, %xor3A_668 : vector<16xi32>
    %lt3A_670 = arith.constant 0 : i32
    %lt3A_671 = vector.broadcast %lt3A_670 : i32 to vector<16xi32>
    %lt3A_672 = arith.cmpi slt, %xor3A_669, %lt3A_671 : vector<16xi32>
    %add3A_673 = arith.constant 16 : i32
    %add3A_674 = vector.broadcast %add3A_673 : i32 to vector<16xi32>
    %add3A_675 = arith.addi %xor3A_669, %add3A_674 : vector<16xi32>
    %select_n3A_676 = arith.select %lt3A_672, %add3A_675, %xor3A_669 : vector<16xi1>, vector<16xi32>
    %broadcast_in_dim3A_677 = vector.shape_cast %select_n3A_676 : vector<16xi32> to vector<16x1xi32>
    %gather3A_678 = vector.shape_cast %broadcast_in_dim3A_677 : vector<16x1xi32> to vector<16xi32>
    %gather3A_679 = tpu.dynamic_gather %min3A_666[%gather3A_678] in [0] : vector<16xi32>, vector<16xi32> -> vector<16xi32>
    %min3A_680 = arith.minsi %min3A_666, %gather3A_679 : vector<16xi32>
    %xor3A_681 = arith.constant 2 : i32
    %xor3A_682 = vector.broadcast %xor3A_681 : i32 to vector<16xi32>
    %xor3A_683 = arith.xori %iota3A, %xor3A_682 : vector<16xi32>
    %lt3A_684 = arith.constant 0 : i32
    %lt3A_685 = vector.broadcast %lt3A_684 : i32 to vector<16xi32>
    %lt3A_686 = arith.cmpi slt, %xor3A_683, %lt3A_685 : vector<16xi32>
    %add3A_687 = arith.constant 16 : i32
    %add3A_688 = vector.broadcast %add3A_687 : i32 to vector<16xi32>
    %add3A_689 = arith.addi %xor3A_683, %add3A_688 : vector<16xi32>
    %select_n3A_690 = arith.select %lt3A_686, %add3A_689, %xor3A_683 : vector<16xi1>, vector<16xi32>
    %broadcast_in_dim3A_691 = vector.shape_cast %select_n3A_690 : vector<16xi32> to vector<16x1xi32>
    %gather3A_692 = vector.shape_cast %broadcast_in_dim3A_691 : vector<16x1xi32> to vector<16xi32>
    %gather3A_693 = tpu.dynamic_gather %min3A_680[%gather3A_692] in [0] : vector<16xi32>, vector<16xi32> -> vector<16xi32>
    %min3A_694 = arith.minsi %min3A_680, %gather3A_693 : vector<16xi32>
    %xor3A_695 = arith.constant 4 : i32
    %xor3A_696 = vector.broadcast %xor3A_695 : i32 to vector<16xi32>
    %xor3A_697 = arith.xori %iota3A, %xor3A_696 : vector<16xi32>
    %lt3A_698 = arith.constant 0 : i32
    %lt3A_699 = vector.broadcast %lt3A_698 : i32 to vector<16xi32>
    %lt3A_700 = arith.cmpi slt, %xor3A_697, %lt3A_699 : vector<16xi32>
    %add3A_701 = arith.constant 16 : i32
    %add3A_702 = vector.broadcast %add3A_701 : i32 to vector<16xi32>
    %add3A_703 = arith.addi %xor3A_697, %add3A_702 : vector<16xi32>
    %select_n3A_704 = arith.select %lt3A_700, %add3A_703, %xor3A_697 : vector<16xi1>, vector<16xi32>
    %broadcast_in_dim3A_705 = vector.shape_cast %select_n3A_704 : vector<16xi32> to vector<16x1xi32>
    %gather3A_706 = vector.shape_cast %broadcast_in_dim3A_705 : vector<16x1xi32> to vector<16xi32>
    %gather3A_707 = tpu.dynamic_gather %min3A_694[%gather3A_706] in [0] : vector<16xi32>, vector<16xi32> -> vector<16xi32>
    %min3A_708 = arith.minsi %min3A_694, %gather3A_707 : vector<16xi32>
    %xor3A_709 = arith.constant 8 : i32
    %xor3A_710 = vector.broadcast %xor3A_709 : i32 to vector<16xi32>
    %xor3A_711 = arith.xori %iota3A, %xor3A_710 : vector<16xi32>
    %lt3A_712 = arith.constant 0 : i32
    %lt3A_713 = vector.broadcast %lt3A_712 : i32 to vector<16xi32>
    %lt3A_714 = arith.cmpi slt, %xor3A_711, %lt3A_713 : vector<16xi32>
    %add3A_715 = arith.constant 16 : i32
    %add3A_716 = vector.broadcast %add3A_715 : i32 to vector<16xi32>
    %add3A_717 = arith.addi %xor3A_711, %add3A_716 : vector<16xi32>
    %select_n3A_718 = arith.select %lt3A_714, %add3A_717, %xor3A_711 : vector<16xi1>, vector<16xi32>
    %broadcast_in_dim3A_719 = vector.shape_cast %select_n3A_718 : vector<16xi32> to vector<16x1xi32>
    %gather3A_720 = vector.shape_cast %broadcast_in_dim3A_719 : vector<16x1xi32> to vector<16xi32>
    %gather3A_721 = tpu.dynamic_gather %min3A_708[%gather3A_720] in [0] : vector<16xi32>, vector<16xi32> -> vector<16xi32>
    %min3A_722 = arith.minsi %min3A_708, %gather3A_721 : vector<16xi32>
    %eq3A_723 = arith.constant 1 : i32
    %eq3A_724 = vector.broadcast %eq3A_723 : i32 to vector<16xi32>
    %eq3A_725 = arith.cmpi eq, %iota3A, %eq3A_724 : vector<16xi32>
    %select_n3A_726 = arith.select %eq3A_725, %min3A_722, %select_n3A_563 : vector<16xi1>, vector<16xi32>
    %add3A_727 = arith.constant 0 : i32
    %add3A_728 = vector.broadcast %add3A_727 : i32 to vector<16xi32>
    %add3A_729 = arith.addi %iota3A, %add3A_728 : vector<16xi32>
    %eq3A_730 = arith.cmpi eq, %add3A_729, %min3A_722 : vector<16xi32>
    %select_n3A_731 = arith.select %eq3A_730, %broadcast_in_dim3A_3, %select_n3A_568 : vector<16xi1>, vector<16xf32>
    %add3A_732 = arith.constant 16 : i32
    %add3A_733 = vector.broadcast %add3A_732 : i32 to vector<16xi32>
    %add3A_734 = arith.addi %iota3A, %add3A_733 : vector<16xi32>
    %eq3A_735 = arith.cmpi eq, %add3A_734, %min3A_722 : vector<16xi32>
    %select_n3A_736 = arith.select %eq3A_735, %broadcast_in_dim3A_3, %select_n3A_573 : vector<16xi1>, vector<16xf32>
    %add3A_737 = arith.constant 32 : i32
    %add3A_738 = vector.broadcast %add3A_737 : i32 to vector<16xi32>
    %add3A_739 = arith.addi %iota3A, %add3A_738 : vector<16xi32>
    %eq3A_740 = arith.cmpi eq, %add3A_739, %min3A_722 : vector<16xi32>
    %select_n3A_741 = arith.select %eq3A_740, %broadcast_in_dim3A_3, %select_n3A_578 : vector<16xi1>, vector<16xf32>
    %add3A_742 = arith.constant 48 : i32
    %add3A_743 = vector.broadcast %add3A_742 : i32 to vector<16xi32>
    %add3A_744 = arith.addi %iota3A, %add3A_743 : vector<16xi32>
    %eq3A_745 = arith.cmpi eq, %add3A_744, %min3A_722 : vector<16xi32>
    %select_n3A_746 = arith.select %eq3A_745, %broadcast_in_dim3A_3, %select_n3A_583 : vector<16xi1>, vector<16xf32>
    %min3A_747 = arith.minimumf %select_n3A_731, %select_n3A_736 : vector<16xf32>
    %min3A_748 = arith.minimumf %select_n3A_741, %select_n3A_746 : vector<16xf32>
    %min3A_749 = arith.minimumf %min3A_747, %min3A_748 : vector<16xf32>
    %xor3A_750 = arith.constant 1 : i32
    %xor3A_751 = vector.broadcast %xor3A_750 : i32 to vector<16xi32>
    %xor3A_752 = arith.xori %iota3A, %xor3A_751 : vector<16xi32>
    %lt3A_753 = arith.constant 0 : i32
    %lt3A_754 = vector.broadcast %lt3A_753 : i32 to vector<16xi32>
    %lt3A_755 = arith.cmpi slt, %xor3A_752, %lt3A_754 : vector<16xi32>
    %add3A_756 = arith.constant 16 : i32
    %add3A_757 = vector.broadcast %add3A_756 : i32 to vector<16xi32>
    %add3A_758 = arith.addi %xor3A_752, %add3A_757 : vector<16xi32>
    %select_n3A_759 = arith.select %lt3A_755, %add3A_758, %xor3A_752 : vector<16xi1>, vector<16xi32>
    %broadcast_in_dim3A_760 = vector.shape_cast %select_n3A_759 : vector<16xi32> to vector<16x1xi32>
    %gather3A_761 = vector.shape_cast %broadcast_in_dim3A_760 : vector<16x1xi32> to vector<16xi32>
    %gather3A_762 = tpu.dynamic_gather %min3A_749[%gather3A_761] in [0] : vector<16xf32>, vector<16xi32> -> vector<16xf32>
    %min3A_763 = arith.minimumf %min3A_749, %gather3A_762 : vector<16xf32>
    %xor3A_764 = arith.constant 2 : i32
    %xor3A_765 = vector.broadcast %xor3A_764 : i32 to vector<16xi32>
    %xor3A_766 = arith.xori %iota3A, %xor3A_765 : vector<16xi32>
    %lt3A_767 = arith.constant 0 : i32
    %lt3A_768 = vector.broadcast %lt3A_767 : i32 to vector<16xi32>
    %lt3A_769 = arith.cmpi slt, %xor3A_766, %lt3A_768 : vector<16xi32>
    %add3A_770 = arith.constant 16 : i32
    %add3A_771 = vector.broadcast %add3A_770 : i32 to vector<16xi32>
    %add3A_772 = arith.addi %xor3A_766, %add3A_771 : vector<16xi32>
    %select_n3A_773 = arith.select %lt3A_769, %add3A_772, %xor3A_766 : vector<16xi1>, vector<16xi32>
    %broadcast_in_dim3A_774 = vector.shape_cast %select_n3A_773 : vector<16xi32> to vector<16x1xi32>
    %gather3A_775 = vector.shape_cast %broadcast_in_dim3A_774 : vector<16x1xi32> to vector<16xi32>
    %gather3A_776 = tpu.dynamic_gather %min3A_763[%gather3A_775] in [0] : vector<16xf32>, vector<16xi32> -> vector<16xf32>
    %min3A_777 = arith.minimumf %min3A_763, %gather3A_776 : vector<16xf32>
    %xor3A_778 = arith.constant 4 : i32
    %xor3A_779 = vector.broadcast %xor3A_778 : i32 to vector<16xi32>
    %xor3A_780 = arith.xori %iota3A, %xor3A_779 : vector<16xi32>
    %lt3A_781 = arith.constant 0 : i32
    %lt3A_782 = vector.broadcast %lt3A_781 : i32 to vector<16xi32>
    %lt3A_783 = arith.cmpi slt, %xor3A_780, %lt3A_782 : vector<16xi32>
    %add3A_784 = arith.constant 16 : i32
    %add3A_785 = vector.broadcast %add3A_784 : i32 to vector<16xi32>
    %add3A_786 = arith.addi %xor3A_780, %add3A_785 : vector<16xi32>
    %select_n3A_787 = arith.select %lt3A_783, %add3A_786, %xor3A_780 : vector<16xi1>, vector<16xi32>
    %broadcast_in_dim3A_788 = vector.shape_cast %select_n3A_787 : vector<16xi32> to vector<16x1xi32>
    %gather3A_789 = vector.shape_cast %broadcast_in_dim3A_788 : vector<16x1xi32> to vector<16xi32>
    %gather3A_790 = tpu.dynamic_gather %min3A_777[%gather3A_789] in [0] : vector<16xf32>, vector<16xi32> -> vector<16xf32>
    %min3A_791 = arith.minimumf %min3A_777, %gather3A_790 : vector<16xf32>
    %xor3A_792 = arith.constant 8 : i32
    %xor3A_793 = vector.broadcast %xor3A_792 : i32 to vector<16xi32>
    %xor3A_794 = arith.xori %iota3A, %xor3A_793 : vector<16xi32>
    %lt3A_795 = arith.constant 0 : i32
    %lt3A_796 = vector.broadcast %lt3A_795 : i32 to vector<16xi32>
    %lt3A_797 = arith.cmpi slt, %xor3A_794, %lt3A_796 : vector<16xi32>
    %add3A_798 = arith.constant 16 : i32
    %add3A_799 = vector.broadcast %add3A_798 : i32 to vector<16xi32>
    %add3A_800 = arith.addi %xor3A_794, %add3A_799 : vector<16xi32>
    %select_n3A_801 = arith.select %lt3A_797, %add3A_800, %xor3A_794 : vector<16xi1>, vector<16xi32>
    %broadcast_in_dim3A_802 = vector.shape_cast %select_n3A_801 : vector<16xi32> to vector<16x1xi32>
    %gather3A_803 = vector.shape_cast %broadcast_in_dim3A_802 : vector<16x1xi32> to vector<16xi32>
    %gather3A_804 = tpu.dynamic_gather %min3A_791[%gather3A_803] in [0] : vector<16xf32>, vector<16xi32> -> vector<16xf32>
    %min3A_805 = arith.minimumf %min3A_791, %gather3A_804 : vector<16xf32>
    %eq3A_806 = arith.cmpf oeq, %select_n3A_731, %min3A_805 : vector<16xf32>
    %add3A_807 = arith.constant 0 : i32
    %add3A_808 = vector.broadcast %add3A_807 : i32 to vector<16xi32>
    %add3A_809 = arith.addi %iota3A, %add3A_808 : vector<16xi32>
    %select_n3A_810 = arith.select %eq3A_806, %add3A_809, %broadcast_in_dim3A_1 : vector<16xi1>, vector<16xi32>
    %min3A_811 = arith.minsi %broadcast_in_dim3A_1, %select_n3A_810 : vector<16xi32>
    %eq3A_812 = arith.cmpf oeq, %select_n3A_736, %min3A_805 : vector<16xf32>
    %add3A_813 = arith.constant 16 : i32
    %add3A_814 = vector.broadcast %add3A_813 : i32 to vector<16xi32>
    %add3A_815 = arith.addi %iota3A, %add3A_814 : vector<16xi32>
    %select_n3A_816 = arith.select %eq3A_812, %add3A_815, %broadcast_in_dim3A_1 : vector<16xi1>, vector<16xi32>
    %min3A_817 = arith.minsi %min3A_811, %select_n3A_816 : vector<16xi32>
    %eq3A_818 = arith.cmpf oeq, %select_n3A_741, %min3A_805 : vector<16xf32>
    %add3A_819 = arith.constant 32 : i32
    %add3A_820 = vector.broadcast %add3A_819 : i32 to vector<16xi32>
    %add3A_821 = arith.addi %iota3A, %add3A_820 : vector<16xi32>
    %select_n3A_822 = arith.select %eq3A_818, %add3A_821, %broadcast_in_dim3A_1 : vector<16xi1>, vector<16xi32>
    %min3A_823 = arith.minsi %min3A_817, %select_n3A_822 : vector<16xi32>
    %eq3A_824 = arith.cmpf oeq, %select_n3A_746, %min3A_805 : vector<16xf32>
    %add3A_825 = arith.constant 48 : i32
    %add3A_826 = vector.broadcast %add3A_825 : i32 to vector<16xi32>
    %add3A_827 = arith.addi %iota3A, %add3A_826 : vector<16xi32>
    %select_n3A_828 = arith.select %eq3A_824, %add3A_827, %broadcast_in_dim3A_1 : vector<16xi1>, vector<16xi32>
    %min3A_829 = arith.minsi %min3A_823, %select_n3A_828 : vector<16xi32>
    %xor3A_830 = arith.constant 1 : i32
    %xor3A_831 = vector.broadcast %xor3A_830 : i32 to vector<16xi32>
    %xor3A_832 = arith.xori %iota3A, %xor3A_831 : vector<16xi32>
    %lt3A_833 = arith.constant 0 : i32
    %lt3A_834 = vector.broadcast %lt3A_833 : i32 to vector<16xi32>
    %lt3A_835 = arith.cmpi slt, %xor3A_832, %lt3A_834 : vector<16xi32>
    %add3A_836 = arith.constant 16 : i32
    %add3A_837 = vector.broadcast %add3A_836 : i32 to vector<16xi32>
    %add3A_838 = arith.addi %xor3A_832, %add3A_837 : vector<16xi32>
    %select_n3A_839 = arith.select %lt3A_835, %add3A_838, %xor3A_832 : vector<16xi1>, vector<16xi32>
    %broadcast_in_dim3A_840 = vector.shape_cast %select_n3A_839 : vector<16xi32> to vector<16x1xi32>
    %gather3A_841 = vector.shape_cast %broadcast_in_dim3A_840 : vector<16x1xi32> to vector<16xi32>
    %gather3A_842 = tpu.dynamic_gather %min3A_829[%gather3A_841] in [0] : vector<16xi32>, vector<16xi32> -> vector<16xi32>
    %min3A_843 = arith.minsi %min3A_829, %gather3A_842 : vector<16xi32>
    %xor3A_844 = arith.constant 2 : i32
    %xor3A_845 = vector.broadcast %xor3A_844 : i32 to vector<16xi32>
    %xor3A_846 = arith.xori %iota3A, %xor3A_845 : vector<16xi32>
    %lt3A_847 = arith.constant 0 : i32
    %lt3A_848 = vector.broadcast %lt3A_847 : i32 to vector<16xi32>
    %lt3A_849 = arith.cmpi slt, %xor3A_846, %lt3A_848 : vector<16xi32>
    %add3A_850 = arith.constant 16 : i32
    %add3A_851 = vector.broadcast %add3A_850 : i32 to vector<16xi32>
    %add3A_852 = arith.addi %xor3A_846, %add3A_851 : vector<16xi32>
    %select_n3A_853 = arith.select %lt3A_849, %add3A_852, %xor3A_846 : vector<16xi1>, vector<16xi32>
    %broadcast_in_dim3A_854 = vector.shape_cast %select_n3A_853 : vector<16xi32> to vector<16x1xi32>
    %gather3A_855 = vector.shape_cast %broadcast_in_dim3A_854 : vector<16x1xi32> to vector<16xi32>
    %gather3A_856 = tpu.dynamic_gather %min3A_843[%gather3A_855] in [0] : vector<16xi32>, vector<16xi32> -> vector<16xi32>
    %min3A_857 = arith.minsi %min3A_843, %gather3A_856 : vector<16xi32>
    %xor3A_858 = arith.constant 4 : i32
    %xor3A_859 = vector.broadcast %xor3A_858 : i32 to vector<16xi32>
    %xor3A_860 = arith.xori %iota3A, %xor3A_859 : vector<16xi32>
    %lt3A_861 = arith.constant 0 : i32
    %lt3A_862 = vector.broadcast %lt3A_861 : i32 to vector<16xi32>
    %lt3A_863 = arith.cmpi slt, %xor3A_860, %lt3A_862 : vector<16xi32>
    %add3A_864 = arith.constant 16 : i32
    %add3A_865 = vector.broadcast %add3A_864 : i32 to vector<16xi32>
    %add3A_866 = arith.addi %xor3A_860, %add3A_865 : vector<16xi32>
    %select_n3A_867 = arith.select %lt3A_863, %add3A_866, %xor3A_860 : vector<16xi1>, vector<16xi32>
    %broadcast_in_dim3A_868 = vector.shape_cast %select_n3A_867 : vector<16xi32> to vector<16x1xi32>
    %gather3A_869 = vector.shape_cast %broadcast_in_dim3A_868 : vector<16x1xi32> to vector<16xi32>
    %gather3A_870 = tpu.dynamic_gather %min3A_857[%gather3A_869] in [0] : vector<16xi32>, vector<16xi32> -> vector<16xi32>
    %min3A_871 = arith.minsi %min3A_857, %gather3A_870 : vector<16xi32>
    %xor3A_872 = arith.constant 8 : i32
    %xor3A_873 = vector.broadcast %xor3A_872 : i32 to vector<16xi32>
    %xor3A_874 = arith.xori %iota3A, %xor3A_873 : vector<16xi32>
    %lt3A_875 = arith.constant 0 : i32
    %lt3A_876 = vector.broadcast %lt3A_875 : i32 to vector<16xi32>
    %lt3A_877 = arith.cmpi slt, %xor3A_874, %lt3A_876 : vector<16xi32>
    %add3A_878 = arith.constant 16 : i32
    %add3A_879 = vector.broadcast %add3A_878 : i32 to vector<16xi32>
    %add3A_880 = arith.addi %xor3A_874, %add3A_879 : vector<16xi32>
    %select_n3A_881 = arith.select %lt3A_877, %add3A_880, %xor3A_874 : vector<16xi1>, vector<16xi32>
    %broadcast_in_dim3A_882 = vector.shape_cast %select_n3A_881 : vector<16xi32> to vector<16x1xi32>
    %gather3A_883 = vector.shape_cast %broadcast_in_dim3A_882 : vector<16x1xi32> to vector<16xi32>
    %gather3A_884 = tpu.dynamic_gather %min3A_871[%gather3A_883] in [0] : vector<16xi32>, vector<16xi32> -> vector<16xi32>
    %min3A_885 = arith.minsi %min3A_871, %gather3A_884 : vector<16xi32>
    %eq3A_886 = arith.constant 2 : i32
    %eq3A_887 = vector.broadcast %eq3A_886 : i32 to vector<16xi32>
    %eq3A_888 = arith.cmpi eq, %iota3A, %eq3A_887 : vector<16xi32>
    %select_n3A_889 = arith.select %eq3A_888, %min3A_885, %select_n3A_726 : vector<16xi1>, vector<16xi32>
    %add3A_890 = arith.constant 0 : i32
    %add3A_891 = vector.broadcast %add3A_890 : i32 to vector<16xi32>
    %add3A_892 = arith.addi %iota3A, %add3A_891 : vector<16xi32>
    %eq3A_893 = arith.cmpi eq, %add3A_892, %min3A_885 : vector<16xi32>
    %select_n3A_894 = arith.select %eq3A_893, %broadcast_in_dim3A_3, %select_n3A_731 : vector<16xi1>, vector<16xf32>
    %add3A_895 = arith.constant 16 : i32
    %add3A_896 = vector.broadcast %add3A_895 : i32 to vector<16xi32>
    %add3A_897 = arith.addi %iota3A, %add3A_896 : vector<16xi32>
    %eq3A_898 = arith.cmpi eq, %add3A_897, %min3A_885 : vector<16xi32>
    %select_n3A_899 = arith.select %eq3A_898, %broadcast_in_dim3A_3, %select_n3A_736 : vector<16xi1>, vector<16xf32>
    %add3A_900 = arith.constant 32 : i32
    %add3A_901 = vector.broadcast %add3A_900 : i32 to vector<16xi32>
    %add3A_902 = arith.addi %iota3A, %add3A_901 : vector<16xi32>
    %eq3A_903 = arith.cmpi eq, %add3A_902, %min3A_885 : vector<16xi32>
    %select_n3A_904 = arith.select %eq3A_903, %broadcast_in_dim3A_3, %select_n3A_741 : vector<16xi1>, vector<16xf32>
    %add3A_905 = arith.constant 48 : i32
    %add3A_906 = vector.broadcast %add3A_905 : i32 to vector<16xi32>
    %add3A_907 = arith.addi %iota3A, %add3A_906 : vector<16xi32>
    %eq3A_908 = arith.cmpi eq, %add3A_907, %min3A_885 : vector<16xi32>
    %select_n3A_909 = arith.select %eq3A_908, %broadcast_in_dim3A_3, %select_n3A_746 : vector<16xi1>, vector<16xf32>
    %min3A_910 = arith.minimumf %select_n3A_894, %select_n3A_899 : vector<16xf32>
    %min3A_911 = arith.minimumf %select_n3A_904, %select_n3A_909 : vector<16xf32>
    %min3A_912 = arith.minimumf %min3A_910, %min3A_911 : vector<16xf32>
    %xor3A_913 = arith.constant 1 : i32
    %xor3A_914 = vector.broadcast %xor3A_913 : i32 to vector<16xi32>
    %xor3A_915 = arith.xori %iota3A, %xor3A_914 : vector<16xi32>
    %lt3A_916 = arith.constant 0 : i32
    %lt3A_917 = vector.broadcast %lt3A_916 : i32 to vector<16xi32>
    %lt3A_918 = arith.cmpi slt, %xor3A_915, %lt3A_917 : vector<16xi32>
    %add3A_919 = arith.constant 16 : i32
    %add3A_920 = vector.broadcast %add3A_919 : i32 to vector<16xi32>
    %add3A_921 = arith.addi %xor3A_915, %add3A_920 : vector<16xi32>
    %select_n3A_922 = arith.select %lt3A_918, %add3A_921, %xor3A_915 : vector<16xi1>, vector<16xi32>
    %broadcast_in_dim3A_923 = vector.shape_cast %select_n3A_922 : vector<16xi32> to vector<16x1xi32>
    %gather3A_924 = vector.shape_cast %broadcast_in_dim3A_923 : vector<16x1xi32> to vector<16xi32>
    %gather3A_925 = tpu.dynamic_gather %min3A_912[%gather3A_924] in [0] : vector<16xf32>, vector<16xi32> -> vector<16xf32>
    %min3A_926 = arith.minimumf %min3A_912, %gather3A_925 : vector<16xf32>
    %xor3A_927 = arith.constant 2 : i32
    %xor3A_928 = vector.broadcast %xor3A_927 : i32 to vector<16xi32>
    %xor3A_929 = arith.xori %iota3A, %xor3A_928 : vector<16xi32>
    %lt3A_930 = arith.constant 0 : i32
    %lt3A_931 = vector.broadcast %lt3A_930 : i32 to vector<16xi32>
    %lt3A_932 = arith.cmpi slt, %xor3A_929, %lt3A_931 : vector<16xi32>
    %add3A_933 = arith.constant 16 : i32
    %add3A_934 = vector.broadcast %add3A_933 : i32 to vector<16xi32>
    %add3A_935 = arith.addi %xor3A_929, %add3A_934 : vector<16xi32>
    %select_n3A_936 = arith.select %lt3A_932, %add3A_935, %xor3A_929 : vector<16xi1>, vector<16xi32>
    %broadcast_in_dim3A_937 = vector.shape_cast %select_n3A_936 : vector<16xi32> to vector<16x1xi32>
    %gather3A_938 = vector.shape_cast %broadcast_in_dim3A_937 : vector<16x1xi32> to vector<16xi32>
    %gather3A_939 = tpu.dynamic_gather %min3A_926[%gather3A_938] in [0] : vector<16xf32>, vector<16xi32> -> vector<16xf32>
    %min3A_940 = arith.minimumf %min3A_926, %gather3A_939 : vector<16xf32>
    %xor3A_941 = arith.constant 4 : i32
    %xor3A_942 = vector.broadcast %xor3A_941 : i32 to vector<16xi32>
    %xor3A_943 = arith.xori %iota3A, %xor3A_942 : vector<16xi32>
    %lt3A_944 = arith.constant 0 : i32
    %lt3A_945 = vector.broadcast %lt3A_944 : i32 to vector<16xi32>
    %lt3A_946 = arith.cmpi slt, %xor3A_943, %lt3A_945 : vector<16xi32>
    %add3A_947 = arith.constant 16 : i32
    %add3A_948 = vector.broadcast %add3A_947 : i32 to vector<16xi32>
    %add3A_949 = arith.addi %xor3A_943, %add3A_948 : vector<16xi32>
    %select_n3A_950 = arith.select %lt3A_946, %add3A_949, %xor3A_943 : vector<16xi1>, vector<16xi32>
    %broadcast_in_dim3A_951 = vector.shape_cast %select_n3A_950 : vector<16xi32> to vector<16x1xi32>
    %gather3A_952 = vector.shape_cast %broadcast_in_dim3A_951 : vector<16x1xi32> to vector<16xi32>
    %gather3A_953 = tpu.dynamic_gather %min3A_940[%gather3A_952] in [0] : vector<16xf32>, vector<16xi32> -> vector<16xf32>
    %min3A_954 = arith.minimumf %min3A_940, %gather3A_953 : vector<16xf32>
    %xor3A_955 = arith.constant 8 : i32
    %xor3A_956 = vector.broadcast %xor3A_955 : i32 to vector<16xi32>
    %xor3A_957 = arith.xori %iota3A, %xor3A_956 : vector<16xi32>
    %lt3A_958 = arith.constant 0 : i32
    %lt3A_959 = vector.broadcast %lt3A_958 : i32 to vector<16xi32>
    %lt3A_960 = arith.cmpi slt, %xor3A_957, %lt3A_959 : vector<16xi32>
    %add3A_961 = arith.constant 16 : i32
    %add3A_962 = vector.broadcast %add3A_961 : i32 to vector<16xi32>
    %add3A_963 = arith.addi %xor3A_957, %add3A_962 : vector<16xi32>
    %select_n3A_964 = arith.select %lt3A_960, %add3A_963, %xor3A_957 : vector<16xi1>, vector<16xi32>
    %broadcast_in_dim3A_965 = vector.shape_cast %select_n3A_964 : vector<16xi32> to vector<16x1xi32>
    %gather3A_966 = vector.shape_cast %broadcast_in_dim3A_965 : vector<16x1xi32> to vector<16xi32>
    %gather3A_967 = tpu.dynamic_gather %min3A_954[%gather3A_966] in [0] : vector<16xf32>, vector<16xi32> -> vector<16xf32>
    %min3A_968 = arith.minimumf %min3A_954, %gather3A_967 : vector<16xf32>
    %eq3A_969 = arith.cmpf oeq, %select_n3A_894, %min3A_968 : vector<16xf32>
    %add3A_970 = arith.constant 0 : i32
    %add3A_971 = vector.broadcast %add3A_970 : i32 to vector<16xi32>
    %add3A_972 = arith.addi %iota3A, %add3A_971 : vector<16xi32>
    %select_n3A_973 = arith.select %eq3A_969, %add3A_972, %broadcast_in_dim3A_1 : vector<16xi1>, vector<16xi32>
    %min3A_974 = arith.minsi %broadcast_in_dim3A_1, %select_n3A_973 : vector<16xi32>
    %eq3A_975 = arith.cmpf oeq, %select_n3A_899, %min3A_968 : vector<16xf32>
    %add3A_976 = arith.constant 16 : i32
    %add3A_977 = vector.broadcast %add3A_976 : i32 to vector<16xi32>
    %add3A_978 = arith.addi %iota3A, %add3A_977 : vector<16xi32>
    %select_n3A_979 = arith.select %eq3A_975, %add3A_978, %broadcast_in_dim3A_1 : vector<16xi1>, vector<16xi32>
    %min3A_980 = arith.minsi %min3A_974, %select_n3A_979 : vector<16xi32>
    %eq3A_981 = arith.cmpf oeq, %select_n3A_904, %min3A_968 : vector<16xf32>
    %add3A_982 = arith.constant 32 : i32
    %add3A_983 = vector.broadcast %add3A_982 : i32 to vector<16xi32>
    %add3A_984 = arith.addi %iota3A, %add3A_983 : vector<16xi32>
    %select_n3A_985 = arith.select %eq3A_981, %add3A_984, %broadcast_in_dim3A_1 : vector<16xi1>, vector<16xi32>
    %min3A_986 = arith.minsi %min3A_980, %select_n3A_985 : vector<16xi32>
    %eq3A_987 = arith.cmpf oeq, %select_n3A_909, %min3A_968 : vector<16xf32>
    %add3A_988 = arith.constant 48 : i32
    %add3A_989 = vector.broadcast %add3A_988 : i32 to vector<16xi32>
    %add3A_990 = arith.addi %iota3A, %add3A_989 : vector<16xi32>
    %select_n3A_991 = arith.select %eq3A_987, %add3A_990, %broadcast_in_dim3A_1 : vector<16xi1>, vector<16xi32>
    %min3A_992 = arith.minsi %min3A_986, %select_n3A_991 : vector<16xi32>
    %xor3A_993 = arith.constant 1 : i32
    %xor3A_994 = vector.broadcast %xor3A_993 : i32 to vector<16xi32>
    %xor3A_995 = arith.xori %iota3A, %xor3A_994 : vector<16xi32>
    %lt3A_996 = arith.constant 0 : i32
    %lt3A_997 = vector.broadcast %lt3A_996 : i32 to vector<16xi32>
    %lt3A_998 = arith.cmpi slt, %xor3A_995, %lt3A_997 : vector<16xi32>
    %add3A_999 = arith.constant 16 : i32
    %add3A_1000 = vector.broadcast %add3A_999 : i32 to vector<16xi32>
    %add3A_1001 = arith.addi %xor3A_995, %add3A_1000 : vector<16xi32>
    %select_n3A_1002 = arith.select %lt3A_998, %add3A_1001, %xor3A_995 : vector<16xi1>, vector<16xi32>
    %broadcast_in_dim3A_1003 = vector.shape_cast %select_n3A_1002 : vector<16xi32> to vector<16x1xi32>
    %gather3A_1004 = vector.shape_cast %broadcast_in_dim3A_1003 : vector<16x1xi32> to vector<16xi32>
    %gather3A_1005 = tpu.dynamic_gather %min3A_992[%gather3A_1004] in [0] : vector<16xi32>, vector<16xi32> -> vector<16xi32>
    %min3A_1006 = arith.minsi %min3A_992, %gather3A_1005 : vector<16xi32>
    %xor3A_1007 = arith.constant 2 : i32
    %xor3A_1008 = vector.broadcast %xor3A_1007 : i32 to vector<16xi32>
    %xor3A_1009 = arith.xori %iota3A, %xor3A_1008 : vector<16xi32>
    %lt3A_1010 = arith.constant 0 : i32
    %lt3A_1011 = vector.broadcast %lt3A_1010 : i32 to vector<16xi32>
    %lt3A_1012 = arith.cmpi slt, %xor3A_1009, %lt3A_1011 : vector<16xi32>
    %add3A_1013 = arith.constant 16 : i32
    %add3A_1014 = vector.broadcast %add3A_1013 : i32 to vector<16xi32>
    %add3A_1015 = arith.addi %xor3A_1009, %add3A_1014 : vector<16xi32>
    %select_n3A_1016 = arith.select %lt3A_1012, %add3A_1015, %xor3A_1009 : vector<16xi1>, vector<16xi32>
    %broadcast_in_dim3A_1017 = vector.shape_cast %select_n3A_1016 : vector<16xi32> to vector<16x1xi32>
    %gather3A_1018 = vector.shape_cast %broadcast_in_dim3A_1017 : vector<16x1xi32> to vector<16xi32>
    %gather3A_1019 = tpu.dynamic_gather %min3A_1006[%gather3A_1018] in [0] : vector<16xi32>, vector<16xi32> -> vector<16xi32>
    %min3A_1020 = arith.minsi %min3A_1006, %gather3A_1019 : vector<16xi32>
    %xor3A_1021 = arith.constant 4 : i32
    %xor3A_1022 = vector.broadcast %xor3A_1021 : i32 to vector<16xi32>
    %xor3A_1023 = arith.xori %iota3A, %xor3A_1022 : vector<16xi32>
    %lt3A_1024 = arith.constant 0 : i32
    %lt3A_1025 = vector.broadcast %lt3A_1024 : i32 to vector<16xi32>
    %lt3A_1026 = arith.cmpi slt, %xor3A_1023, %lt3A_1025 : vector<16xi32>
    %add3A_1027 = arith.constant 16 : i32
    %add3A_1028 = vector.broadcast %add3A_1027 : i32 to vector<16xi32>
    %add3A_1029 = arith.addi %xor3A_1023, %add3A_1028 : vector<16xi32>
    %select_n3A_1030 = arith.select %lt3A_1026, %add3A_1029, %xor3A_1023 : vector<16xi1>, vector<16xi32>
    %broadcast_in_dim3A_1031 = vector.shape_cast %select_n3A_1030 : vector<16xi32> to vector<16x1xi32>
    %gather3A_1032 = vector.shape_cast %broadcast_in_dim3A_1031 : vector<16x1xi32> to vector<16xi32>
    %gather3A_1033 = tpu.dynamic_gather %min3A_1020[%gather3A_1032] in [0] : vector<16xi32>, vector<16xi32> -> vector<16xi32>
    %min3A_1034 = arith.minsi %min3A_1020, %gather3A_1033 : vector<16xi32>
    %xor3A_1035 = arith.constant 8 : i32
    %xor3A_1036 = vector.broadcast %xor3A_1035 : i32 to vector<16xi32>
    %xor3A_1037 = arith.xori %iota3A, %xor3A_1036 : vector<16xi32>
    %lt3A_1038 = arith.constant 0 : i32
    %lt3A_1039 = vector.broadcast %lt3A_1038 : i32 to vector<16xi32>
    %lt3A_1040 = arith.cmpi slt, %xor3A_1037, %lt3A_1039 : vector<16xi32>
    %add3A_1041 = arith.constant 16 : i32
    %add3A_1042 = vector.broadcast %add3A_1041 : i32 to vector<16xi32>
    %add3A_1043 = arith.addi %xor3A_1037, %add3A_1042 : vector<16xi32>
    %select_n3A_1044 = arith.select %lt3A_1040, %add3A_1043, %xor3A_1037 : vector<16xi1>, vector<16xi32>
    %broadcast_in_dim3A_1045 = vector.shape_cast %select_n3A_1044 : vector<16xi32> to vector<16x1xi32>
    %gather3A_1046 = vector.shape_cast %broadcast_in_dim3A_1045 : vector<16x1xi32> to vector<16xi32>
    %gather3A_1047 = tpu.dynamic_gather %min3A_1034[%gather3A_1046] in [0] : vector<16xi32>, vector<16xi32> -> vector<16xi32>
    %min3A_1048 = arith.minsi %min3A_1034, %gather3A_1047 : vector<16xi32>
    %eq3A_1049 = arith.constant 3 : i32
    %eq3A_1050 = vector.broadcast %eq3A_1049 : i32 to vector<16xi32>
    %eq3A_1051 = arith.cmpi eq, %iota3A, %eq3A_1050 : vector<16xi32>
    %select_n3A_1052 = arith.select %eq3A_1051, %min3A_1048, %select_n3A_889 : vector<16xi1>, vector<16xi32>
    %add3A_1053 = arith.constant 0 : i32
    %add3A_1054 = vector.broadcast %add3A_1053 : i32 to vector<16xi32>
    %add3A_1055 = arith.addi %iota3A, %add3A_1054 : vector<16xi32>
    %eq3A_1056 = arith.cmpi eq, %add3A_1055, %min3A_1048 : vector<16xi32>
    %select_n3A_1057 = arith.select %eq3A_1056, %broadcast_in_dim3A_3, %select_n3A_894 : vector<16xi1>, vector<16xf32>
    %add3A_1058 = arith.constant 16 : i32
    %add3A_1059 = vector.broadcast %add3A_1058 : i32 to vector<16xi32>
    %add3A_1060 = arith.addi %iota3A, %add3A_1059 : vector<16xi32>
    %eq3A_1061 = arith.cmpi eq, %add3A_1060, %min3A_1048 : vector<16xi32>
    %select_n3A_1062 = arith.select %eq3A_1061, %broadcast_in_dim3A_3, %select_n3A_899 : vector<16xi1>, vector<16xf32>
    %add3A_1063 = arith.constant 32 : i32
    %add3A_1064 = vector.broadcast %add3A_1063 : i32 to vector<16xi32>
    %add3A_1065 = arith.addi %iota3A, %add3A_1064 : vector<16xi32>
    %eq3A_1066 = arith.cmpi eq, %add3A_1065, %min3A_1048 : vector<16xi32>
    %select_n3A_1067 = arith.select %eq3A_1066, %broadcast_in_dim3A_3, %select_n3A_904 : vector<16xi1>, vector<16xf32>
    %add3A_1068 = arith.constant 48 : i32
    %add3A_1069 = vector.broadcast %add3A_1068 : i32 to vector<16xi32>
    %add3A_1070 = arith.addi %iota3A, %add3A_1069 : vector<16xi32>
    %eq3A_1071 = arith.cmpi eq, %add3A_1070, %min3A_1048 : vector<16xi32>
    %select_n3A_1072 = arith.select %eq3A_1071, %broadcast_in_dim3A_3, %select_n3A_909 : vector<16xi1>, vector<16xf32>
    %swap3A = arith.constant 0 : i32
    %swap3A_1073 = arith.index_cast %swap3A : i32 to index
    %swap3A_1074 = arith.constant 0 : index
    %swap3A_1075 = tpu.vector_load %arg6[%swap3A_1073, %swap3A_1074] {strides = array<i32>} : memref<2x16xi32, #tpu.memory_space<vmem>>, vector<1x16xi32>,
    %swap3A_1076 = vector.shape_cast %swap3A_1075 : vector<1x16xi32> to vector<16xi32>
    %swap3A_1077 = vector.shape_cast %select_n3A_1052 : vector<16xi32> to vector<1x16xi32>
    tpu.vector_store %arg6[%swap3A_1073, %swap3A_1074], %swap3A_1077 {strides = array<i32>} : memref<2x16xi32, #tpu.memory_space<vmem>>, vector<1x16xi32>,
    %get3A_1078 = arith.constant 3 : i32
    %get3A_1079 = arith.index_cast %get3A_1078 : i32 to index
    %get3A_1080 = arith.constant 48 : index
    %get3A_1081 = tpu.vector_load %arg5[%get3A_1079, %get3A_1080] {strides = array<i32>} : memref<4x64xf32, #tpu.memory_space<vmem>>, vector<1x16xf32>,
    %get3A_1082 = vector.shape_cast %get3A_1081 : vector<1x16xf32> to vector<16xf32>
    %get3A_1083 = arith.constant 3 : i32
    %get3A_1084 = arith.index_cast %get3A_1083 : i32 to index
    %get3A_1085 = arith.constant 0 : index
    %get3A_1086 = tpu.vector_load %arg5[%get3A_1084, %get3A_1085] {strides = array<i32>} : memref<4x64xf32, #tpu.memory_space<vmem>>, vector<1x16xf32>,
    %get3A_1087 = vector.shape_cast %get3A_1086 : vector<1x16xf32> to vector<16xf32>
    %mul3A_1088 = arith.mulf %get3A_1087, %add3A_104 : vector<16xf32>
    %add3A_1089 = arith.addf %get3A_1082, %mul3A_1088 : vector<16xf32>
    %get3A_1090 = arith.constant 3 : i32
    %get3A_1091 = arith.index_cast %get3A_1090 : i32 to index
    %get3A_1092 = arith.constant 16 : index
    %get3A_1093 = tpu.vector_load %arg5[%get3A_1091, %get3A_1092] {strides = array<i32>} : memref<4x64xf32, #tpu.memory_space<vmem>>, vector<1x16xf32>,
    %get3A_1094 = vector.shape_cast %get3A_1093 : vector<1x16xf32> to vector<16xf32>
    %mul3A_1095 = arith.mulf %get3A_1094, %add3A_204 : vector<16xf32>
    %add3A_1096 = arith.addf %add3A_1089, %mul3A_1095 : vector<16xf32>
    %get3A_1097 = arith.constant 3 : i32
    %get3A_1098 = arith.index_cast %get3A_1097 : i32 to index
    %get3A_1099 = arith.constant 32 : index
    %get3A_1100 = tpu.vector_load %arg5[%get3A_1098, %get3A_1099] {strides = array<i32>} : memref<4x64xf32, #tpu.memory_space<vmem>>, vector<1x16xf32>,
    %get3A_1101 = vector.shape_cast %get3A_1100 : vector<1x16xf32> to vector<16xf32>
    %mul3A_1102 = arith.mulf %get3A_1101, %add3A_304 : vector<16xf32>
    %add3A_1103 = arith.addf %add3A_1096, %mul3A_1102 : vector<16xf32>
    %swap3A_1104 = arith.constant 0 : i32
    %swap3A_1105 = arith.index_cast %swap3A_1104 : i32 to index
    %swap3A_1106 = arith.constant 0 : index
    %swap3A_1107 = tpu.vector_load %arg7[%swap3A_1105, %swap3A_1106] {strides = array<i32>} : memref<2x16xf32, #tpu.memory_space<vmem>>, vector<1x16xf32>,
    %swap3A_1108 = vector.shape_cast %swap3A_1107 : vector<1x16xf32> to vector<16xf32>
    %swap3A_1109 = vector.shape_cast %add3A_1103 : vector<16xf32> to vector<1x16xf32>
    tpu.vector_store %arg7[%swap3A_1105, %swap3A_1106], %swap3A_1109 {strides = array<i32>} : memref<2x16xf32, #tpu.memory_space<vmem>>, vector<1x16xf32>,
    %mul3A_1110 = arith.constant 2 : i32
    %mul3A_1111 = arith.muli %add3A, %mul3A_1110 : i32
    %add3A_1112 = arith.constant 1 : i32
    %add3A_1113 = arith.addi %mul3A_1111, %add3A_1112 : i32
    %broadcast_in_dim3A_1114 = vector.broadcast %add3A_1113 : i32 to vector<16xi32>
    %get3A_1115 = arith.constant 0 : i32
    %get3A_1116 = arith.index_cast %get3A_1115 : i32 to index
    %get3A_1117 = arith.constant 0 : index
    %get3A_1118 = tpu.vector_load %arg5[%get3A_1116, %get3A_1117] {strides = array<i32>} : memref<4x64xf32, #tpu.memory_space<vmem>>, vector<1x16xf32>,
    %get3A_1119 = vector.shape_cast %get3A_1118 : vector<1x16xf32> to vector<16xf32>
    %add3A_1120 = arith.constant 0 : i32
    %add3A_1121 = vector.broadcast %add3A_1120 : i32 to vector<16xi32>
    %add3A_1122 = arith.addi %iota3A, %add3A_1121 : vector<16xi32>
    %eq3A_1123 = arith.cmpi eq, %add3A_1122, %broadcast_in_dim3A_1114 : vector<16xi32>
    %select_n3A_1124 = arith.select %eq3A_1123, %get3A_1119, %broadcast_in_dim3A_5 : vector<16xi1>, vector<16xf32>
    %add3A_1125 = arith.addf %broadcast_in_dim3A_5, %select_n3A_1124 : vector<16xf32>
    %get3A_1126 = arith.constant 0 : i32
    %get3A_1127 = arith.index_cast %get3A_1126 : i32 to index
    %get3A_1128 = arith.constant 16 : index
    %get3A_1129 = tpu.vector_load %arg5[%get3A_1127, %get3A_1128] {strides = array<i32>} : memref<4x64xf32, #tpu.memory_space<vmem>>, vector<1x16xf32>,
    %get3A_1130 = vector.shape_cast %get3A_1129 : vector<1x16xf32> to vector<16xf32>
    %add3A_1131 = arith.constant 16 : i32
    %add3A_1132 = vector.broadcast %add3A_1131 : i32 to vector<16xi32>
    %add3A_1133 = arith.addi %iota3A, %add3A_1132 : vector<16xi32>
    %eq3A_1134 = arith.cmpi eq, %add3A_1133, %broadcast_in_dim3A_1114 : vector<16xi32>
    %select_n3A_1135 = arith.select %eq3A_1134, %get3A_1130, %broadcast_in_dim3A_5 : vector<16xi1>, vector<16xf32>
    %add3A_1136 = arith.addf %add3A_1125, %select_n3A_1135 : vector<16xf32>
    %get3A_1137 = arith.constant 0 : i32
    %get3A_1138 = arith.index_cast %get3A_1137 : i32 to index
    %get3A_1139 = arith.constant 32 : index
    %get3A_1140 = tpu.vector_load %arg5[%get3A_1138, %get3A_1139] {strides = array<i32>} : memref<4x64xf32, #tpu.memory_space<vmem>>, vector<1x16xf32>,
    %get3A_1141 = vector.shape_cast %get3A_1140 : vector<1x16xf32> to vector<16xf32>
    %add3A_1142 = arith.constant 32 : i32
    %add3A_1143 = vector.broadcast %add3A_1142 : i32 to vector<16xi32>
    %add3A_1144 = arith.addi %iota3A, %add3A_1143 : vector<16xi32>
    %eq3A_1145 = arith.cmpi eq, %add3A_1144, %broadcast_in_dim3A_1114 : vector<16xi32>
    %select_n3A_1146 = arith.select %eq3A_1145, %get3A_1141, %broadcast_in_dim3A_5 : vector<16xi1>, vector<16xf32>
    %add3A_1147 = arith.addf %add3A_1136, %select_n3A_1146 : vector<16xf32>
    %get3A_1148 = arith.constant 0 : i32
    %get3A_1149 = arith.index_cast %get3A_1148 : i32 to index
    %get3A_1150 = arith.constant 48 : index
    %get3A_1151 = tpu.vector_load %arg5[%get3A_1149, %get3A_1150] {strides = array<i32>} : memref<4x64xf32, #tpu.memory_space<vmem>>, vector<1x16xf32>,
    %get3A_1152 = vector.shape_cast %get3A_1151 : vector<1x16xf32> to vector<16xf32>
    %add3A_1153 = arith.constant 48 : i32
    %add3A_1154 = vector.broadcast %add3A_1153 : i32 to vector<16xi32>
    %add3A_1155 = arith.addi %iota3A, %add3A_1154 : vector<16xi32>
    %eq3A_1156 = arith.cmpi eq, %add3A_1155, %broadcast_in_dim3A_1114 : vector<16xi32>
    %select_n3A_1157 = arith.select %eq3A_1156, %get3A_1152, %broadcast_in_dim3A_5 : vector<16xi1>, vector<16xf32>
    %add3A_1158 = arith.addf %add3A_1147, %select_n3A_1157 : vector<16xf32>
    %xor3A_1159 = arith.constant 1 : i32
    %xor3A_1160 = vector.broadcast %xor3A_1159 : i32 to vector<16xi32>
    %xor3A_1161 = arith.xori %iota3A, %xor3A_1160 : vector<16xi32>
    %lt3A_1162 = arith.constant 0 : i32
    %lt3A_1163 = vector.broadcast %lt3A_1162 : i32 to vector<16xi32>
    %lt3A_1164 = arith.cmpi slt, %xor3A_1161, %lt3A_1163 : vector<16xi32>
    %add3A_1165 = arith.constant 16 : i32
    %add3A_1166 = vector.broadcast %add3A_1165 : i32 to vector<16xi32>
    %add3A_1167 = arith.addi %xor3A_1161, %add3A_1166 : vector<16xi32>
    %select_n3A_1168 = arith.select %lt3A_1164, %add3A_1167, %xor3A_1161 : vector<16xi1>, vector<16xi32>
    %broadcast_in_dim3A_1169 = vector.shape_cast %select_n3A_1168 : vector<16xi32> to vector<16x1xi32>
    %gather3A_1170 = vector.shape_cast %broadcast_in_dim3A_1169 : vector<16x1xi32> to vector<16xi32>
    %gather3A_1171 = tpu.dynamic_gather %add3A_1158[%gather3A_1170] in [0] : vector<16xf32>, vector<16xi32> -> vector<16xf32>
    %add3A_1172 = arith.addf %add3A_1158, %gather3A_1171 : vector<16xf32>
    %xor3A_1173 = arith.constant 2 : i32
    %xor3A_1174 = vector.broadcast %xor3A_1173 : i32 to vector<16xi32>
    %xor3A_1175 = arith.xori %iota3A, %xor3A_1174 : vector<16xi32>
    %lt3A_1176 = arith.constant 0 : i32
    %lt3A_1177 = vector.broadcast %lt3A_1176 : i32 to vector<16xi32>
    %lt3A_1178 = arith.cmpi slt, %xor3A_1175, %lt3A_1177 : vector<16xi32>
    %add3A_1179 = arith.constant 16 : i32
    %add3A_1180 = vector.broadcast %add3A_1179 : i32 to vector<16xi32>
    %add3A_1181 = arith.addi %xor3A_1175, %add3A_1180 : vector<16xi32>
    %select_n3A_1182 = arith.select %lt3A_1178, %add3A_1181, %xor3A_1175 : vector<16xi1>, vector<16xi32>
    %broadcast_in_dim3A_1183 = vector.shape_cast %select_n3A_1182 : vector<16xi32> to vector<16x1xi32>
    %gather3A_1184 = vector.shape_cast %broadcast_in_dim3A_1183 : vector<16x1xi32> to vector<16xi32>
    %gather3A_1185 = tpu.dynamic_gather %add3A_1172[%gather3A_1184] in [0] : vector<16xf32>, vector<16xi32> -> vector<16xf32>
    %add3A_1186 = arith.addf %add3A_1172, %gather3A_1185 : vector<16xf32>
    %xor3A_1187 = arith.constant 4 : i32
    %xor3A_1188 = vector.broadcast %xor3A_1187 : i32 to vector<16xi32>
    %xor3A_1189 = arith.xori %iota3A, %xor3A_1188 : vector<16xi32>
    %lt3A_1190 = arith.constant 0 : i32
    %lt3A_1191 = vector.broadcast %lt3A_1190 : i32 to vector<16xi32>
    %lt3A_1192 = arith.cmpi slt, %xor3A_1189, %lt3A_1191 : vector<16xi32>
    %add3A_1193 = arith.constant 16 : i32
    %add3A_1194 = vector.broadcast %add3A_1193 : i32 to vector<16xi32>
    %add3A_1195 = arith.addi %xor3A_1189, %add3A_1194 : vector<16xi32>
    %select_n3A_1196 = arith.select %lt3A_1192, %add3A_1195, %xor3A_1189 : vector<16xi1>, vector<16xi32>
    %broadcast_in_dim3A_1197 = vector.shape_cast %select_n3A_1196 : vector<16xi32> to vector<16x1xi32>
    %gather3A_1198 = vector.shape_cast %broadcast_in_dim3A_1197 : vector<16x1xi32> to vector<16xi32>
    %gather3A_1199 = tpu.dynamic_gather %add3A_1186[%gather3A_1198] in [0] : vector<16xf32>, vector<16xi32> -> vector<16xf32>
    %add3A_1200 = arith.addf %add3A_1186, %gather3A_1199 : vector<16xf32>
    %xor3A_1201 = arith.constant 8 : i32
    %xor3A_1202 = vector.broadcast %xor3A_1201 : i32 to vector<16xi32>
    %xor3A_1203 = arith.xori %iota3A, %xor3A_1202 : vector<16xi32>
    %lt3A_1204 = arith.constant 0 : i32
    %lt3A_1205 = vector.broadcast %lt3A_1204 : i32 to vector<16xi32>
    %lt3A_1206 = arith.cmpi slt, %xor3A_1203, %lt3A_1205 : vector<16xi32>
    %add3A_1207 = arith.constant 16 : i32
    %add3A_1208 = vector.broadcast %add3A_1207 : i32 to vector<16xi32>
    %add3A_1209 = arith.addi %xor3A_1203, %add3A_1208 : vector<16xi32>
    %select_n3A_1210 = arith.select %lt3A_1206, %add3A_1209, %xor3A_1203 : vector<16xi1>, vector<16xi32>
    %broadcast_in_dim3A_1211 = vector.shape_cast %select_n3A_1210 : vector<16xi32> to vector<16x1xi32>
    %gather3A_1212 = vector.shape_cast %broadcast_in_dim3A_1211 : vector<16x1xi32> to vector<16xi32>
    %gather3A_1213 = tpu.dynamic_gather %add3A_1200[%gather3A_1212] in [0] : vector<16xf32>, vector<16xi32> -> vector<16xf32>
    %add3A_1214 = arith.addf %add3A_1200, %gather3A_1213 : vector<16xf32>
    %get3A_1215 = arith.constant 1 : i32
    %get3A_1216 = arith.index_cast %get3A_1215 : i32 to index
    %get3A_1217 = arith.constant 0 : index
    %get3A_1218 = tpu.vector_load %arg5[%get3A_1216, %get3A_1217] {strides = array<i32>} : memref<4x64xf32, #tpu.memory_space<vmem>>, vector<1x16xf32>,
    %get3A_1219 = vector.shape_cast %get3A_1218 : vector<1x16xf32> to vector<16xf32>
    %add3A_1220 = arith.constant 0 : i32
    %add3A_1221 = vector.broadcast %add3A_1220 : i32 to vector<16xi32>
    %add3A_1222 = arith.addi %iota3A, %add3A_1221 : vector<16xi32>
    %eq3A_1223 = arith.cmpi eq, %add3A_1222, %broadcast_in_dim3A_1114 : vector<16xi32>
    %select_n3A_1224 = arith.select %eq3A_1223, %get3A_1219, %broadcast_in_dim3A_5 : vector<16xi1>, vector<16xf32>
    %add3A_1225 = arith.addf %broadcast_in_dim3A_5, %select_n3A_1224 : vector<16xf32>
    %get3A_1226 = arith.constant 1 : i32
    %get3A_1227 = arith.index_cast %get3A_1226 : i32 to index
    %get3A_1228 = arith.constant 16 : index
    %get3A_1229 = tpu.vector_load %arg5[%get3A_1227, %get3A_1228] {strides = array<i32>} : memref<4x64xf32, #tpu.memory_space<vmem>>, vector<1x16xf32>,
    %get3A_1230 = vector.shape_cast %get3A_1229 : vector<1x16xf32> to vector<16xf32>
    %add3A_1231 = arith.constant 16 : i32
    %add3A_1232 = vector.broadcast %add3A_1231 : i32 to vector<16xi32>
    %add3A_1233 = arith.addi %iota3A, %add3A_1232 : vector<16xi32>
    %eq3A_1234 = arith.cmpi eq, %add3A_1233, %broadcast_in_dim3A_1114 : vector<16xi32>
    %select_n3A_1235 = arith.select %eq3A_1234, %get3A_1230, %broadcast_in_dim3A_5 : vector<16xi1>, vector<16xf32>
    %add3A_1236 = arith.addf %add3A_1225, %select_n3A_1235 : vector<16xf32>
    %get3A_1237 = arith.constant 1 : i32
    %get3A_1238 = arith.index_cast %get3A_1237 : i32 to index
    %get3A_1239 = arith.constant 32 : index
    %get3A_1240 = tpu.vector_load %arg5[%get3A_1238, %get3A_1239] {strides = array<i32>} : memref<4x64xf32, #tpu.memory_space<vmem>>, vector<1x16xf32>,
    %get3A_1241 = vector.shape_cast %get3A_1240 : vector<1x16xf32> to vector<16xf32>
    %add3A_1242 = arith.constant 32 : i32
    %add3A_1243 = vector.broadcast %add3A_1242 : i32 to vector<16xi32>
    %add3A_1244 = arith.addi %iota3A, %add3A_1243 : vector<16xi32>
    %eq3A_1245 = arith.cmpi eq, %add3A_1244, %broadcast_in_dim3A_1114 : vector<16xi32>
    %select_n3A_1246 = arith.select %eq3A_1245, %get3A_1241, %broadcast_in_dim3A_5 : vector<16xi1>, vector<16xf32>
    %add3A_1247 = arith.addf %add3A_1236, %select_n3A_1246 : vector<16xf32>
    %get3A_1248 = arith.constant 1 : i32
    %get3A_1249 = arith.index_cast %get3A_1248 : i32 to index
    %get3A_1250 = arith.constant 48 : index
    %get3A_1251 = tpu.vector_load %arg5[%get3A_1249, %get3A_1250] {strides = array<i32>} : memref<4x64xf32, #tpu.memory_space<vmem>>, vector<1x16xf32>,
    %get3A_1252 = vector.shape_cast %get3A_1251 : vector<1x16xf32> to vector<16xf32>
    %add3A_1253 = arith.constant 48 : i32
    %add3A_1254 = vector.broadcast %add3A_1253 : i32 to vector<16xi32>
    %add3A_1255 = arith.addi %iota3A, %add3A_1254 : vector<16xi32>
    %eq3A_1256 = arith.cmpi eq, %add3A_1255, %broadcast_in_dim3A_1114 : vector<16xi32>
    %select_n3A_1257 = arith.select %eq3A_1256, %get3A_1252, %broadcast_in_dim3A_5 : vector<16xi1>, vector<16xf32>
    %add3A_1258 = arith.addf %add3A_1247, %select_n3A_1257 : vector<16xf32>
    %xor3A_1259 = arith.constant 1 : i32
    %xor3A_1260 = vector.broadcast %xor3A_1259 : i32 to vector<16xi32>
    %xor3A_1261 = arith.xori %iota3A, %xor3A_1260 : vector<16xi32>
    %lt3A_1262 = arith.constant 0 : i32
    %lt3A_1263 = vector.broadcast %lt3A_1262 : i32 to vector<16xi32>
    %lt3A_1264 = arith.cmpi slt, %xor3A_1261, %lt3A_1263 : vector<16xi32>
    %add3A_1265 = arith.constant 16 : i32
    %add3A_1266 = vector.broadcast %add3A_1265 : i32 to vector<16xi32>
    %add3A_1267 = arith.addi %xor3A_1261, %add3A_1266 : vector<16xi32>
    %select_n3A_1268 = arith.select %lt3A_1264, %add3A_1267, %xor3A_1261 : vector<16xi1>, vector<16xi32>
    %broadcast_in_dim3A_1269 = vector.shape_cast %select_n3A_1268 : vector<16xi32> to vector<16x1xi32>
    %gather3A_1270 = vector.shape_cast %broadcast_in_dim3A_1269 : vector<16x1xi32> to vector<16xi32>
    %gather3A_1271 = tpu.dynamic_gather %add3A_1258[%gather3A_1270] in [0] : vector<16xf32>, vector<16xi32> -> vector<16xf32>
    %add3A_1272 = arith.addf %add3A_1258, %gather3A_1271 : vector<16xf32>
    %xor3A_1273 = arith.constant 2 : i32
    %xor3A_1274 = vector.broadcast %xor3A_1273 : i32 to vector<16xi32>
    %xor3A_1275 = arith.xori %iota3A, %xor3A_1274 : vector<16xi32>
    %lt3A_1276 = arith.constant 0 : i32
    %lt3A_1277 = vector.broadcast %lt3A_1276 : i32 to vector<16xi32>
    %lt3A_1278 = arith.cmpi slt, %xor3A_1275, %lt3A_1277 : vector<16xi32>
    %add3A_1279 = arith.constant 16 : i32
    %add3A_1280 = vector.broadcast %add3A_1279 : i32 to vector<16xi32>
    %add3A_1281 = arith.addi %xor3A_1275, %add3A_1280 : vector<16xi32>
    %select_n3A_1282 = arith.select %lt3A_1278, %add3A_1281, %xor3A_1275 : vector<16xi1>, vector<16xi32>
    %broadcast_in_dim3A_1283 = vector.shape_cast %select_n3A_1282 : vector<16xi32> to vector<16x1xi32>
    %gather3A_1284 = vector.shape_cast %broadcast_in_dim3A_1283 : vector<16x1xi32> to vector<16xi32>
    %gather3A_1285 = tpu.dynamic_gather %add3A_1272[%gather3A_1284] in [0] : vector<16xf32>, vector<16xi32> -> vector<16xf32>
    %add3A_1286 = arith.addf %add3A_1272, %gather3A_1285 : vector<16xf32>
    %xor3A_1287 = arith.constant 4 : i32
    %xor3A_1288 = vector.broadcast %xor3A_1287 : i32 to vector<16xi32>
    %xor3A_1289 = arith.xori %iota3A, %xor3A_1288 : vector<16xi32>
    %lt3A_1290 = arith.constant 0 : i32
    %lt3A_1291 = vector.broadcast %lt3A_1290 : i32 to vector<16xi32>
    %lt3A_1292 = arith.cmpi slt, %xor3A_1289, %lt3A_1291 : vector<16xi32>
    %add3A_1293 = arith.constant 16 : i32
    %add3A_1294 = vector.broadcast %add3A_1293 : i32 to vector<16xi32>
    %add3A_1295 = arith.addi %xor3A_1289, %add3A_1294 : vector<16xi32>
    %select_n3A_1296 = arith.select %lt3A_1292, %add3A_1295, %xor3A_1289 : vector<16xi1>, vector<16xi32>
    %broadcast_in_dim3A_1297 = vector.shape_cast %select_n3A_1296 : vector<16xi32> to vector<16x1xi32>
    %gather3A_1298 = vector.shape_cast %broadcast_in_dim3A_1297 : vector<16x1xi32> to vector<16xi32>
    %gather3A_1299 = tpu.dynamic_gather %add3A_1286[%gather3A_1298] in [0] : vector<16xf32>, vector<16xi32> -> vector<16xf32>
    %add3A_1300 = arith.addf %add3A_1286, %gather3A_1299 : vector<16xf32>
    %xor3A_1301 = arith.constant 8 : i32
    %xor3A_1302 = vector.broadcast %xor3A_1301 : i32 to vector<16xi32>
    %xor3A_1303 = arith.xori %iota3A, %xor3A_1302 : vector<16xi32>
    %lt3A_1304 = arith.constant 0 : i32
    %lt3A_1305 = vector.broadcast %lt3A_1304 : i32 to vector<16xi32>
    %lt3A_1306 = arith.cmpi slt, %xor3A_1303, %lt3A_1305 : vector<16xi32>
    %add3A_1307 = arith.constant 16 : i32
    %add3A_1308 = vector.broadcast %add3A_1307 : i32 to vector<16xi32>
    %add3A_1309 = arith.addi %xor3A_1303, %add3A_1308 : vector<16xi32>
    %select_n3A_1310 = arith.select %lt3A_1306, %add3A_1309, %xor3A_1303 : vector<16xi1>, vector<16xi32>
    %broadcast_in_dim3A_1311 = vector.shape_cast %select_n3A_1310 : vector<16xi32> to vector<16x1xi32>
    %gather3A_1312 = vector.shape_cast %broadcast_in_dim3A_1311 : vector<16x1xi32> to vector<16xi32>
    %gather3A_1313 = tpu.dynamic_gather %add3A_1300[%gather3A_1312] in [0] : vector<16xf32>, vector<16xi32> -> vector<16xf32>
    %add3A_1314 = arith.addf %add3A_1300, %gather3A_1313 : vector<16xf32>
    %get3A_1315 = arith.constant 2 : i32
    %get3A_1316 = arith.index_cast %get3A_1315 : i32 to index
    %get3A_1317 = arith.constant 0 : index
    %get3A_1318 = tpu.vector_load %arg5[%get3A_1316, %get3A_1317] {strides = array<i32>} : memref<4x64xf32, #tpu.memory_space<vmem>>, vector<1x16xf32>,
    %get3A_1319 = vector.shape_cast %get3A_1318 : vector<1x16xf32> to vector<16xf32>
    %add3A_1320 = arith.constant 0 : i32
    %add3A_1321 = vector.broadcast %add3A_1320 : i32 to vector<16xi32>
    %add3A_1322 = arith.addi %iota3A, %add3A_1321 : vector<16xi32>
    %eq3A_1323 = arith.cmpi eq, %add3A_1322, %broadcast_in_dim3A_1114 : vector<16xi32>
    %select_n3A_1324 = arith.select %eq3A_1323, %get3A_1319, %broadcast_in_dim3A_5 : vector<16xi1>, vector<16xf32>
    %add3A_1325 = arith.addf %broadcast_in_dim3A_5, %select_n3A_1324 : vector<16xf32>
    %get3A_1326 = arith.constant 2 : i32
    %get3A_1327 = arith.index_cast %get3A_1326 : i32 to index
    %get3A_1328 = arith.constant 16 : index
    %get3A_1329 = tpu.vector_load %arg5[%get3A_1327, %get3A_1328] {strides = array<i32>} : memref<4x64xf32, #tpu.memory_space<vmem>>, vector<1x16xf32>,
    %get3A_1330 = vector.shape_cast %get3A_1329 : vector<1x16xf32> to vector<16xf32>
    %add3A_1331 = arith.constant 16 : i32
    %add3A_1332 = vector.broadcast %add3A_1331 : i32 to vector<16xi32>
    %add3A_1333 = arith.addi %iota3A, %add3A_1332 : vector<16xi32>
    %eq3A_1334 = arith.cmpi eq, %add3A_1333, %broadcast_in_dim3A_1114 : vector<16xi32>
    %select_n3A_1335 = arith.select %eq3A_1334, %get3A_1330, %broadcast_in_dim3A_5 : vector<16xi1>, vector<16xf32>
    %add3A_1336 = arith.addf %add3A_1325, %select_n3A_1335 : vector<16xf32>
    %get3A_1337 = arith.constant 2 : i32
    %get3A_1338 = arith.index_cast %get3A_1337 : i32 to index
    %get3A_1339 = arith.constant 32 : index
    %get3A_1340 = tpu.vector_load %arg5[%get3A_1338, %get3A_1339] {strides = array<i32>} : memref<4x64xf32, #tpu.memory_space<vmem>>, vector<1x16xf32>,
    %get3A_1341 = vector.shape_cast %get3A_1340 : vector<1x16xf32> to vector<16xf32>
    %add3A_1342 = arith.constant 32 : i32
    %add3A_1343 = vector.broadcast %add3A_1342 : i32 to vector<16xi32>
    %add3A_1344 = arith.addi %iota3A, %add3A_1343 : vector<16xi32>
    %eq3A_1345 = arith.cmpi eq, %add3A_1344, %broadcast_in_dim3A_1114 : vector<16xi32>
    %select_n3A_1346 = arith.select %eq3A_1345, %get3A_1341, %broadcast_in_dim3A_5 : vector<16xi1>, vector<16xf32>
    %add3A_1347 = arith.addf %add3A_1336, %select_n3A_1346 : vector<16xf32>
    %get3A_1348 = arith.constant 2 : i32
    %get3A_1349 = arith.index_cast %get3A_1348 : i32 to index
    %get3A_1350 = arith.constant 48 : index
    %get3A_1351 = tpu.vector_load %arg5[%get3A_1349, %get3A_1350] {strides = array<i32>} : memref<4x64xf32, #tpu.memory_space<vmem>>, vector<1x16xf32>,
    %get3A_1352 = vector.shape_cast %get3A_1351 : vector<1x16xf32> to vector<16xf32>
    %add3A_1353 = arith.constant 48 : i32
    %add3A_1354 = vector.broadcast %add3A_1353 : i32 to vector<16xi32>
    %add3A_1355 = arith.addi %iota3A, %add3A_1354 : vector<16xi32>
    %eq3A_1356 = arith.cmpi eq, %add3A_1355, %broadcast_in_dim3A_1114 : vector<16xi32>
    %select_n3A_1357 = arith.select %eq3A_1356, %get3A_1352, %broadcast_in_dim3A_5 : vector<16xi1>, vector<16xf32>
    %add3A_1358 = arith.addf %add3A_1347, %select_n3A_1357 : vector<16xf32>
    %xor3A_1359 = arith.constant 1 : i32
    %xor3A_1360 = vector.broadcast %xor3A_1359 : i32 to vector<16xi32>
    %xor3A_1361 = arith.xori %iota3A, %xor3A_1360 : vector<16xi32>
    %lt3A_1362 = arith.constant 0 : i32
    %lt3A_1363 = vector.broadcast %lt3A_1362 : i32 to vector<16xi32>
    %lt3A_1364 = arith.cmpi slt, %xor3A_1361, %lt3A_1363 : vector<16xi32>
    %add3A_1365 = arith.constant 16 : i32
    %add3A_1366 = vector.broadcast %add3A_1365 : i32 to vector<16xi32>
    %add3A_1367 = arith.addi %xor3A_1361, %add3A_1366 : vector<16xi32>
    %select_n3A_1368 = arith.select %lt3A_1364, %add3A_1367, %xor3A_1361 : vector<16xi1>, vector<16xi32>
    %broadcast_in_dim3A_1369 = vector.shape_cast %select_n3A_1368 : vector<16xi32> to vector<16x1xi32>
    %gather3A_1370 = vector.shape_cast %broadcast_in_dim3A_1369 : vector<16x1xi32> to vector<16xi32>
    %gather3A_1371 = tpu.dynamic_gather %add3A_1358[%gather3A_1370] in [0] : vector<16xf32>, vector<16xi32> -> vector<16xf32>
    %add3A_1372 = arith.addf %add3A_1358, %gather3A_1371 : vector<16xf32>
    %xor3A_1373 = arith.constant 2 : i32
    %xor3A_1374 = vector.broadcast %xor3A_1373 : i32 to vector<16xi32>
    %xor3A_1375 = arith.xori %iota3A, %xor3A_1374 : vector<16xi32>
    %lt3A_1376 = arith.constant 0 : i32
    %lt3A_1377 = vector.broadcast %lt3A_1376 : i32 to vector<16xi32>
    %lt3A_1378 = arith.cmpi slt, %xor3A_1375, %lt3A_1377 : vector<16xi32>
    %add3A_1379 = arith.constant 16 : i32
    %add3A_1380 = vector.broadcast %add3A_1379 : i32 to vector<16xi32>
    %add3A_1381 = arith.addi %xor3A_1375, %add3A_1380 : vector<16xi32>
    %select_n3A_1382 = arith.select %lt3A_1378, %add3A_1381, %xor3A_1375 : vector<16xi1>, vector<16xi32>
    %broadcast_in_dim3A_1383 = vector.shape_cast %select_n3A_1382 : vector<16xi32> to vector<16x1xi32>
    %gather3A_1384 = vector.shape_cast %broadcast_in_dim3A_1383 : vector<16x1xi32> to vector<16xi32>
    %gather3A_1385 = tpu.dynamic_gather %add3A_1372[%gather3A_1384] in [0] : vector<16xf32>, vector<16xi32> -> vector<16xf32>
    %add3A_1386 = arith.addf %add3A_1372, %gather3A_1385 : vector<16xf32>
    %xor3A_1387 = arith.constant 4 : i32
    %xor3A_1388 = vector.broadcast %xor3A_1387 : i32 to vector<16xi32>
    %xor3A_1389 = arith.xori %iota3A, %xor3A_1388 : vector<16xi32>
    %lt3A_1390 = arith.constant 0 : i32
    %lt3A_1391 = vector.broadcast %lt3A_1390 : i32 to vector<16xi32>
    %lt3A_1392 = arith.cmpi slt, %xor3A_1389, %lt3A_1391 : vector<16xi32>
    %add3A_1393 = arith.constant 16 : i32
    %add3A_1394 = vector.broadcast %add3A_1393 : i32 to vector<16xi32>
    %add3A_1395 = arith.addi %xor3A_1389, %add3A_1394 : vector<16xi32>
    %select_n3A_1396 = arith.select %lt3A_1392, %add3A_1395, %xor3A_1389 : vector<16xi1>, vector<16xi32>
    %broadcast_in_dim3A_1397 = vector.shape_cast %select_n3A_1396 : vector<16xi32> to vector<16x1xi32>
    %gather3A_1398 = vector.shape_cast %broadcast_in_dim3A_1397 : vector<16x1xi32> to vector<16xi32>
    %gather3A_1399 = tpu.dynamic_gather %add3A_1386[%gather3A_1398] in [0] : vector<16xf32>, vector<16xi32> -> vector<16xf32>
    %add3A_1400 = arith.addf %add3A_1386, %gather3A_1399 : vector<16xf32>
    %xor3A_1401 = arith.constant 8 : i32
    %xor3A_1402 = vector.broadcast %xor3A_1401 : i32 to vector<16xi32>
    %xor3A_1403 = arith.xori %iota3A, %xor3A_1402 : vector<16xi32>
    %lt3A_1404 = arith.constant 0 : i32
    %lt3A_1405 = vector.broadcast %lt3A_1404 : i32 to vector<16xi32>
    %lt3A_1406 = arith.cmpi slt, %xor3A_1403, %lt3A_1405 : vector<16xi32>
    %add3A_1407 = arith.constant 16 : i32
    %add3A_1408 = vector.broadcast %add3A_1407 : i32 to vector<16xi32>
    %add3A_1409 = arith.addi %xor3A_1403, %add3A_1408 : vector<16xi32>
    %select_n3A_1410 = arith.select %lt3A_1406, %add3A_1409, %xor3A_1403 : vector<16xi1>, vector<16xi32>
    %broadcast_in_dim3A_1411 = vector.shape_cast %select_n3A_1410 : vector<16xi32> to vector<16x1xi32>
    %gather3A_1412 = vector.shape_cast %broadcast_in_dim3A_1411 : vector<16x1xi32> to vector<16xi32>
    %gather3A_1413 = tpu.dynamic_gather %add3A_1400[%gather3A_1412] in [0] : vector<16xf32>, vector<16xi32> -> vector<16xf32>
    %add3A_1414 = arith.addf %add3A_1400, %gather3A_1413 : vector<16xf32>
    %get3A_1415 = arith.constant 0 : i32
    %get3A_1416 = arith.index_cast %get3A_1415 : i32 to index
    %get3A_1417 = arith.constant 0 : index
    %get3A_1418 = tpu.vector_load %arg5[%get3A_1416, %get3A_1417] {strides = array<i32>} : memref<4x64xf32, #tpu.memory_space<vmem>>, vector<1x16xf32>,
    %get3A_1419 = vector.shape_cast %get3A_1418 : vector<1x16xf32> to vector<16xf32>
    %sub3A_1420 = arith.subf %get3A_1419, %add3A_1214 : vector<16xf32>
    %mul3A_1421 = arith.mulf %sub3A_1420, %sub3A_1420 : vector<16xf32>
    %add3A_1422 = arith.addf %broadcast_in_dim3A_5, %mul3A_1421 : vector<16xf32>
    %get3A_1423 = arith.constant 1 : i32
    %get3A_1424 = arith.index_cast %get3A_1423 : i32 to index
    %get3A_1425 = arith.constant 0 : index
    %get3A_1426 = tpu.vector_load %arg5[%get3A_1424, %get3A_1425] {strides = array<i32>} : memref<4x64xf32, #tpu.memory_space<vmem>>, vector<1x16xf32>,
    %get3A_1427 = vector.shape_cast %get3A_1426 : vector<1x16xf32> to vector<16xf32>
    %sub3A_1428 = arith.subf %get3A_1427, %add3A_1314 : vector<16xf32>
    %mul3A_1429 = arith.mulf %sub3A_1428, %sub3A_1428 : vector<16xf32>
    %add3A_1430 = arith.addf %add3A_1422, %mul3A_1429 : vector<16xf32>
    %get3A_1431 = arith.constant 2 : i32
    %get3A_1432 = arith.index_cast %get3A_1431 : i32 to index
    %get3A_1433 = arith.constant 0 : index
    %get3A_1434 = tpu.vector_load %arg5[%get3A_1432, %get3A_1433] {strides = array<i32>} : memref<4x64xf32, #tpu.memory_space<vmem>>, vector<1x16xf32>,
    %get3A_1435 = vector.shape_cast %get3A_1434 : vector<1x16xf32> to vector<16xf32>
    %sub3A_1436 = arith.subf %get3A_1435, %add3A_1414 : vector<16xf32>
    %mul3A_1437 = arith.mulf %sub3A_1436, %sub3A_1436 : vector<16xf32>
    %add3A_1438 = arith.addf %add3A_1430, %mul3A_1437 : vector<16xf32>
    %add3A_1439 = arith.constant 0 : i32
    %add3A_1440 = vector.broadcast %add3A_1439 : i32 to vector<16xi32>
    %add3A_1441 = arith.addi %iota3A, %add3A_1440 : vector<16xi32>
    %eq3A_1442 = arith.cmpi eq, %add3A_1441, %broadcast_in_dim3A_1114 : vector<16xi32>
    %select_n3A_1443 = arith.select %eq3A_1442, %broadcast_in_dim3A_3, %add3A_1438 : vector<16xi1>, vector<16xf32>
    %get3A_1444 = arith.constant 0 : i32
    %get3A_1445 = arith.index_cast %get3A_1444 : i32 to index
    %get3A_1446 = arith.constant 16 : index
    %get3A_1447 = tpu.vector_load %arg5[%get3A_1445, %get3A_1446] {strides = array<i32>} : memref<4x64xf32, #tpu.memory_space<vmem>>, vector<1x16xf32>,
    %get3A_1448 = vector.shape_cast %get3A_1447 : vector<1x16xf32> to vector<16xf32>
    %sub3A_1449 = arith.subf %get3A_1448, %add3A_1214 : vector<16xf32>
    %mul3A_1450 = arith.mulf %sub3A_1449, %sub3A_1449 : vector<16xf32>
    %add3A_1451 = arith.addf %broadcast_in_dim3A_5, %mul3A_1450 : vector<16xf32>
    %get3A_1452 = arith.constant 1 : i32
    %get3A_1453 = arith.index_cast %get3A_1452 : i32 to index
    %get3A_1454 = arith.constant 16 : index
    %get3A_1455 = tpu.vector_load %arg5[%get3A_1453, %get3A_1454] {strides = array<i32>} : memref<4x64xf32, #tpu.memory_space<vmem>>, vector<1x16xf32>,
    %get3A_1456 = vector.shape_cast %get3A_1455 : vector<1x16xf32> to vector<16xf32>
    %sub3A_1457 = arith.subf %get3A_1456, %add3A_1314 : vector<16xf32>
    %mul3A_1458 = arith.mulf %sub3A_1457, %sub3A_1457 : vector<16xf32>
    %add3A_1459 = arith.addf %add3A_1451, %mul3A_1458 : vector<16xf32>
    %get3A_1460 = arith.constant 2 : i32
    %get3A_1461 = arith.index_cast %get3A_1460 : i32 to index
    %get3A_1462 = arith.constant 16 : index
    %get3A_1463 = tpu.vector_load %arg5[%get3A_1461, %get3A_1462] {strides = array<i32>} : memref<4x64xf32, #tpu.memory_space<vmem>>, vector<1x16xf32>,
    %get3A_1464 = vector.shape_cast %get3A_1463 : vector<1x16xf32> to vector<16xf32>
    %sub3A_1465 = arith.subf %get3A_1464, %add3A_1414 : vector<16xf32>
    %mul3A_1466 = arith.mulf %sub3A_1465, %sub3A_1465 : vector<16xf32>
    %add3A_1467 = arith.addf %add3A_1459, %mul3A_1466 : vector<16xf32>
    %add3A_1468 = arith.constant 16 : i32
    %add3A_1469 = vector.broadcast %add3A_1468 : i32 to vector<16xi32>
    %add3A_1470 = arith.addi %iota3A, %add3A_1469 : vector<16xi32>
    %eq3A_1471 = arith.cmpi eq, %add3A_1470, %broadcast_in_dim3A_1114 : vector<16xi32>
    %select_n3A_1472 = arith.select %eq3A_1471, %broadcast_in_dim3A_3, %add3A_1467 : vector<16xi1>, vector<16xf32>
    %get3A_1473 = arith.constant 0 : i32
    %get3A_1474 = arith.index_cast %get3A_1473 : i32 to index
    %get3A_1475 = arith.constant 32 : index
    %get3A_1476 = tpu.vector_load %arg5[%get3A_1474, %get3A_1475] {strides = array<i32>} : memref<4x64xf32, #tpu.memory_space<vmem>>, vector<1x16xf32>,
    %get3A_1477 = vector.shape_cast %get3A_1476 : vector<1x16xf32> to vector<16xf32>
    %sub3A_1478 = arith.subf %get3A_1477, %add3A_1214 : vector<16xf32>
    %mul3A_1479 = arith.mulf %sub3A_1478, %sub3A_1478 : vector<16xf32>
    %add3A_1480 = arith.addf %broadcast_in_dim3A_5, %mul3A_1479 : vector<16xf32>
    %get3A_1481 = arith.constant 1 : i32
    %get3A_1482 = arith.index_cast %get3A_1481 : i32 to index
    %get3A_1483 = arith.constant 32 : index
    %get3A_1484 = tpu.vector_load %arg5[%get3A_1482, %get3A_1483] {strides = array<i32>} : memref<4x64xf32, #tpu.memory_space<vmem>>, vector<1x16xf32>,
    %get3A_1485 = vector.shape_cast %get3A_1484 : vector<1x16xf32> to vector<16xf32>
    %sub3A_1486 = arith.subf %get3A_1485, %add3A_1314 : vector<16xf32>
    %mul3A_1487 = arith.mulf %sub3A_1486, %sub3A_1486 : vector<16xf32>
    %add3A_1488 = arith.addf %add3A_1480, %mul3A_1487 : vector<16xf32>
    %get3A_1489 = arith.constant 2 : i32
    %get3A_1490 = arith.index_cast %get3A_1489 : i32 to index
    %get3A_1491 = arith.constant 32 : index
    %get3A_1492 = tpu.vector_load %arg5[%get3A_1490, %get3A_1491] {strides = array<i32>} : memref<4x64xf32, #tpu.memory_space<vmem>>, vector<1x16xf32>,
    %get3A_1493 = vector.shape_cast %get3A_1492 : vector<1x16xf32> to vector<16xf32>
    %sub3A_1494 = arith.subf %get3A_1493, %add3A_1414 : vector<16xf32>
    %mul3A_1495 = arith.mulf %sub3A_1494, %sub3A_1494 : vector<16xf32>
    %add3A_1496 = arith.addf %add3A_1488, %mul3A_1495 : vector<16xf32>
    %add3A_1497 = arith.constant 32 : i32
    %add3A_1498 = vector.broadcast %add3A_1497 : i32 to vector<16xi32>
    %add3A_1499 = arith.addi %iota3A, %add3A_1498 : vector<16xi32>
    %eq3A_1500 = arith.cmpi eq, %add3A_1499, %broadcast_in_dim3A_1114 : vector<16xi32>
    %select_n3A_1501 = arith.select %eq3A_1500, %broadcast_in_dim3A_3, %add3A_1496 : vector<16xi1>, vector<16xf32>
    %get3A_1502 = arith.constant 0 : i32
    %get3A_1503 = arith.index_cast %get3A_1502 : i32 to index
    %get3A_1504 = arith.constant 48 : index
    %get3A_1505 = tpu.vector_load %arg5[%get3A_1503, %get3A_1504] {strides = array<i32>} : memref<4x64xf32, #tpu.memory_space<vmem>>, vector<1x16xf32>,
    %get3A_1506 = vector.shape_cast %get3A_1505 : vector<1x16xf32> to vector<16xf32>
    %sub3A_1507 = arith.subf %get3A_1506, %add3A_1214 : vector<16xf32>
    %mul3A_1508 = arith.mulf %sub3A_1507, %sub3A_1507 : vector<16xf32>
    %add3A_1509 = arith.addf %broadcast_in_dim3A_5, %mul3A_1508 : vector<16xf32>
    %get3A_1510 = arith.constant 1 : i32
    %get3A_1511 = arith.index_cast %get3A_1510 : i32 to index
    %get3A_1512 = arith.constant 48 : index
    %get3A_1513 = tpu.vector_load %arg5[%get3A_1511, %get3A_1512] {strides = array<i32>} : memref<4x64xf32, #tpu.memory_space<vmem>>, vector<1x16xf32>,
    %get3A_1514 = vector.shape_cast %get3A_1513 : vector<1x16xf32> to vector<16xf32>
    %sub3A_1515 = arith.subf %get3A_1514, %add3A_1314 : vector<16xf32>
    %mul3A_1516 = arith.mulf %sub3A_1515, %sub3A_1515 : vector<16xf32>
    %add3A_1517 = arith.addf %add3A_1509, %mul3A_1516 : vector<16xf32>
    %get3A_1518 = arith.constant 2 : i32
    %get3A_1519 = arith.index_cast %get3A_1518 : i32 to index
    %get3A_1520 = arith.constant 48 : index
    %get3A_1521 = tpu.vector_load %arg5[%get3A_1519, %get3A_1520] {strides = array<i32>} : memref<4x64xf32, #tpu.memory_space<vmem>>, vector<1x16xf32>,
    %get3A_1522 = vector.shape_cast %get3A_1521 : vector<1x16xf32> to vector<16xf32>
    %sub3A_1523 = arith.subf %get3A_1522, %add3A_1414 : vector<16xf32>
    %mul3A_1524 = arith.mulf %sub3A_1523, %sub3A_1523 : vector<16xf32>
    %add3A_1525 = arith.addf %add3A_1517, %mul3A_1524 : vector<16xf32>
    %add3A_1526 = arith.constant 48 : i32
    %add3A_1527 = vector.broadcast %add3A_1526 : i32 to vector<16xi32>
    %add3A_1528 = arith.addi %iota3A, %add3A_1527 : vector<16xi32>
    %eq3A_1529 = arith.cmpi eq, %add3A_1528, %broadcast_in_dim3A_1114 : vector<16xi32>
    %select_n3A_1530 = arith.select %eq3A_1529, %broadcast_in_dim3A_3, %add3A_1525 : vector<16xi1>, vector<16xf32>
    %broadcast_in_dim3A_1531 = arith.constant 0 : i32
    %broadcast_in_dim3A_1532 = vector.broadcast %broadcast_in_dim3A_1531 : i32 to vector<16xi32>
    %min3A_1533 = arith.minimumf %select_n3A_1443, %select_n3A_1472 : vector<16xf32>
    %min3A_1534 = arith.minimumf %select_n3A_1501, %select_n3A_1530 : vector<16xf32>
    %min3A_1535 = arith.minimumf %min3A_1533, %min3A_1534 : vector<16xf32>
    %xor3A_1536 = arith.constant 1 : i32
    %xor3A_1537 = vector.broadcast %xor3A_1536 : i32 to vector<16xi32>
    %xor3A_1538 = arith.xori %iota3A, %xor3A_1537 : vector<16xi32>
    %lt3A_1539 = arith.constant 0 : i32
    %lt3A_1540 = vector.broadcast %lt3A_1539 : i32 to vector<16xi32>
    %lt3A_1541 = arith.cmpi slt, %xor3A_1538, %lt3A_1540 : vector<16xi32>
    %add3A_1542 = arith.constant 16 : i32
    %add3A_1543 = vector.broadcast %add3A_1542 : i32 to vector<16xi32>
    %add3A_1544 = arith.addi %xor3A_1538, %add3A_1543 : vector<16xi32>
    %select_n3A_1545 = arith.select %lt3A_1541, %add3A_1544, %xor3A_1538 : vector<16xi1>, vector<16xi32>
    %broadcast_in_dim3A_1546 = vector.shape_cast %select_n3A_1545 : vector<16xi32> to vector<16x1xi32>
    %gather3A_1547 = vector.shape_cast %broadcast_in_dim3A_1546 : vector<16x1xi32> to vector<16xi32>
    %gather3A_1548 = tpu.dynamic_gather %min3A_1535[%gather3A_1547] in [0] : vector<16xf32>, vector<16xi32> -> vector<16xf32>
    %min3A_1549 = arith.minimumf %min3A_1535, %gather3A_1548 : vector<16xf32>
    %xor3A_1550 = arith.constant 2 : i32
    %xor3A_1551 = vector.broadcast %xor3A_1550 : i32 to vector<16xi32>
    %xor3A_1552 = arith.xori %iota3A, %xor3A_1551 : vector<16xi32>
    %lt3A_1553 = arith.constant 0 : i32
    %lt3A_1554 = vector.broadcast %lt3A_1553 : i32 to vector<16xi32>
    %lt3A_1555 = arith.cmpi slt, %xor3A_1552, %lt3A_1554 : vector<16xi32>
    %add3A_1556 = arith.constant 16 : i32
    %add3A_1557 = vector.broadcast %add3A_1556 : i32 to vector<16xi32>
    %add3A_1558 = arith.addi %xor3A_1552, %add3A_1557 : vector<16xi32>
    %select_n3A_1559 = arith.select %lt3A_1555, %add3A_1558, %xor3A_1552 : vector<16xi1>, vector<16xi32>
    %broadcast_in_dim3A_1560 = vector.shape_cast %select_n3A_1559 : vector<16xi32> to vector<16x1xi32>
    %gather3A_1561 = vector.shape_cast %broadcast_in_dim3A_1560 : vector<16x1xi32> to vector<16xi32>
    %gather3A_1562 = tpu.dynamic_gather %min3A_1549[%gather3A_1561] in [0] : vector<16xf32>, vector<16xi32> -> vector<16xf32>
    %min3A_1563 = arith.minimumf %min3A_1549, %gather3A_1562 : vector<16xf32>
    %xor3A_1564 = arith.constant 4 : i32
    %xor3A_1565 = vector.broadcast %xor3A_1564 : i32 to vector<16xi32>
    %xor3A_1566 = arith.xori %iota3A, %xor3A_1565 : vector<16xi32>
    %lt3A_1567 = arith.constant 0 : i32
    %lt3A_1568 = vector.broadcast %lt3A_1567 : i32 to vector<16xi32>
    %lt3A_1569 = arith.cmpi slt, %xor3A_1566, %lt3A_1568 : vector<16xi32>
    %add3A_1570 = arith.constant 16 : i32
    %add3A_1571 = vector.broadcast %add3A_1570 : i32 to vector<16xi32>
    %add3A_1572 = arith.addi %xor3A_1566, %add3A_1571 : vector<16xi32>
    %select_n3A_1573 = arith.select %lt3A_1569, %add3A_1572, %xor3A_1566 : vector<16xi1>, vector<16xi32>
    %broadcast_in_dim3A_1574 = vector.shape_cast %select_n3A_1573 : vector<16xi32> to vector<16x1xi32>
    %gather3A_1575 = vector.shape_cast %broadcast_in_dim3A_1574 : vector<16x1xi32> to vector<16xi32>
    %gather3A_1576 = tpu.dynamic_gather %min3A_1563[%gather3A_1575] in [0] : vector<16xf32>, vector<16xi32> -> vector<16xf32>
    %min3A_1577 = arith.minimumf %min3A_1563, %gather3A_1576 : vector<16xf32>
    %xor3A_1578 = arith.constant 8 : i32
    %xor3A_1579 = vector.broadcast %xor3A_1578 : i32 to vector<16xi32>
    %xor3A_1580 = arith.xori %iota3A, %xor3A_1579 : vector<16xi32>
    %lt3A_1581 = arith.constant 0 : i32
    %lt3A_1582 = vector.broadcast %lt3A_1581 : i32 to vector<16xi32>
    %lt3A_1583 = arith.cmpi slt, %xor3A_1580, %lt3A_1582 : vector<16xi32>
    %add3A_1584 = arith.constant 16 : i32
    %add3A_1585 = vector.broadcast %add3A_1584 : i32 to vector<16xi32>
    %add3A_1586 = arith.addi %xor3A_1580, %add3A_1585 : vector<16xi32>
    %select_n3A_1587 = arith.select %lt3A_1583, %add3A_1586, %xor3A_1580 : vector<16xi1>, vector<16xi32>
    %broadcast_in_dim3A_1588 = vector.shape_cast %select_n3A_1587 : vector<16xi32> to vector<16x1xi32>
    %gather3A_1589 = vector.shape_cast %broadcast_in_dim3A_1588 : vector<16x1xi32> to vector<16xi32>
    %gather3A_1590 = tpu.dynamic_gather %min3A_1577[%gather3A_1589] in [0] : vector<16xf32>, vector<16xi32> -> vector<16xf32>
    %min3A_1591 = arith.minimumf %min3A_1577, %gather3A_1590 : vector<16xf32>
    %eq3A_1592 = arith.cmpf oeq, %select_n3A_1443, %min3A_1591 : vector<16xf32>
    %add3A_1593 = arith.constant 0 : i32
    %add3A_1594 = vector.broadcast %add3A_1593 : i32 to vector<16xi32>
    %add3A_1595 = arith.addi %iota3A, %add3A_1594 : vector<16xi32>
    %select_n3A_1596 = arith.select %eq3A_1592, %add3A_1595, %broadcast_in_dim3A_1 : vector<16xi1>, vector<16xi32>
    %min3A_1597 = arith.minsi %broadcast_in_dim3A_1, %select_n3A_1596 : vector<16xi32>
    %eq3A_1598 = arith.cmpf oeq, %select_n3A_1472, %min3A_1591 : vector<16xf32>
    %add3A_1599 = arith.constant 16 : i32
    %add3A_1600 = vector.broadcast %add3A_1599 : i32 to vector<16xi32>
    %add3A_1601 = arith.addi %iota3A, %add3A_1600 : vector<16xi32>
    %select_n3A_1602 = arith.select %eq3A_1598, %add3A_1601, %broadcast_in_dim3A_1 : vector<16xi1>, vector<16xi32>
    %min3A_1603 = arith.minsi %min3A_1597, %select_n3A_1602 : vector<16xi32>
    %eq3A_1604 = arith.cmpf oeq, %select_n3A_1501, %min3A_1591 : vector<16xf32>
    %add3A_1605 = arith.constant 32 : i32
    %add3A_1606 = vector.broadcast %add3A_1605 : i32 to vector<16xi32>
    %add3A_1607 = arith.addi %iota3A, %add3A_1606 : vector<16xi32>
    %select_n3A_1608 = arith.select %eq3A_1604, %add3A_1607, %broadcast_in_dim3A_1 : vector<16xi1>, vector<16xi32>
    %min3A_1609 = arith.minsi %min3A_1603, %select_n3A_1608 : vector<16xi32>
    %eq3A_1610 = arith.cmpf oeq, %select_n3A_1530, %min3A_1591 : vector<16xf32>
    %add3A_1611 = arith.constant 48 : i32
    %add3A_1612 = vector.broadcast %add3A_1611 : i32 to vector<16xi32>
    %add3A_1613 = arith.addi %iota3A, %add3A_1612 : vector<16xi32>
    %select_n3A_1614 = arith.select %eq3A_1610, %add3A_1613, %broadcast_in_dim3A_1 : vector<16xi1>, vector<16xi32>
    %min3A_1615 = arith.minsi %min3A_1609, %select_n3A_1614 : vector<16xi32>
    %xor3A_1616 = arith.constant 1 : i32
    %xor3A_1617 = vector.broadcast %xor3A_1616 : i32 to vector<16xi32>
    %xor3A_1618 = arith.xori %iota3A, %xor3A_1617 : vector<16xi32>
    %lt3A_1619 = arith.constant 0 : i32
    %lt3A_1620 = vector.broadcast %lt3A_1619 : i32 to vector<16xi32>
    %lt3A_1621 = arith.cmpi slt, %xor3A_1618, %lt3A_1620 : vector<16xi32>
    %add3A_1622 = arith.constant 16 : i32
    %add3A_1623 = vector.broadcast %add3A_1622 : i32 to vector<16xi32>
    %add3A_1624 = arith.addi %xor3A_1618, %add3A_1623 : vector<16xi32>
    %select_n3A_1625 = arith.select %lt3A_1621, %add3A_1624, %xor3A_1618 : vector<16xi1>, vector<16xi32>
    %broadcast_in_dim3A_1626 = vector.shape_cast %select_n3A_1625 : vector<16xi32> to vector<16x1xi32>
    %gather3A_1627 = vector.shape_cast %broadcast_in_dim3A_1626 : vector<16x1xi32> to vector<16xi32>
    %gather3A_1628 = tpu.dynamic_gather %min3A_1615[%gather3A_1627] in [0] : vector<16xi32>, vector<16xi32> -> vector<16xi32>
    %min3A_1629 = arith.minsi %min3A_1615, %gather3A_1628 : vector<16xi32>
    %xor3A_1630 = arith.constant 2 : i32
    %xor3A_1631 = vector.broadcast %xor3A_1630 : i32 to vector<16xi32>
    %xor3A_1632 = arith.xori %iota3A, %xor3A_1631 : vector<16xi32>
    %lt3A_1633 = arith.constant 0 : i32
    %lt3A_1634 = vector.broadcast %lt3A_1633 : i32 to vector<16xi32>
    %lt3A_1635 = arith.cmpi slt, %xor3A_1632, %lt3A_1634 : vector<16xi32>
    %add3A_1636 = arith.constant 16 : i32
    %add3A_1637 = vector.broadcast %add3A_1636 : i32 to vector<16xi32>
    %add3A_1638 = arith.addi %xor3A_1632, %add3A_1637 : vector<16xi32>
    %select_n3A_1639 = arith.select %lt3A_1635, %add3A_1638, %xor3A_1632 : vector<16xi1>, vector<16xi32>
    %broadcast_in_dim3A_1640 = vector.shape_cast %select_n3A_1639 : vector<16xi32> to vector<16x1xi32>
    %gather3A_1641 = vector.shape_cast %broadcast_in_dim3A_1640 : vector<16x1xi32> to vector<16xi32>
    %gather3A_1642 = tpu.dynamic_gather %min3A_1629[%gather3A_1641] in [0] : vector<16xi32>, vector<16xi32> -> vector<16xi32>
    %min3A_1643 = arith.minsi %min3A_1629, %gather3A_1642 : vector<16xi32>
    %xor3A_1644 = arith.constant 4 : i32
    %xor3A_1645 = vector.broadcast %xor3A_1644 : i32 to vector<16xi32>
    %xor3A_1646 = arith.xori %iota3A, %xor3A_1645 : vector<16xi32>
    %lt3A_1647 = arith.constant 0 : i32
    %lt3A_1648 = vector.broadcast %lt3A_1647 : i32 to vector<16xi32>
    %lt3A_1649 = arith.cmpi slt, %xor3A_1646, %lt3A_1648 : vector<16xi32>
    %add3A_1650 = arith.constant 16 : i32
    %add3A_1651 = vector.broadcast %add3A_1650 : i32 to vector<16xi32>
    %add3A_1652 = arith.addi %xor3A_1646, %add3A_1651 : vector<16xi32>
    %select_n3A_1653 = arith.select %lt3A_1649, %add3A_1652, %xor3A_1646 : vector<16xi1>, vector<16xi32>
    %broadcast_in_dim3A_1654 = vector.shape_cast %select_n3A_1653 : vector<16xi32> to vector<16x1xi32>
    %gather3A_1655 = vector.shape_cast %broadcast_in_dim3A_1654 : vector<16x1xi32> to vector<16xi32>
    %gather3A_1656 = tpu.dynamic_gather %min3A_1643[%gather3A_1655] in [0] : vector<16xi32>, vector<16xi32> -> vector<16xi32>
    %min3A_1657 = arith.minsi %min3A_1643, %gather3A_1656 : vector<16xi32>
    %xor3A_1658 = arith.constant 8 : i32
    %xor3A_1659 = vector.broadcast %xor3A_1658 : i32 to vector<16xi32>
    %xor3A_1660 = arith.xori %iota3A, %xor3A_1659 : vector<16xi32>
    %lt3A_1661 = arith.constant 0 : i32
    %lt3A_1662 = vector.broadcast %lt3A_1661 : i32 to vector<16xi32>
    %lt3A_1663 = arith.cmpi slt, %xor3A_1660, %lt3A_1662 : vector<16xi32>
    %add3A_1664 = arith.constant 16 : i32
    %add3A_1665 = vector.broadcast %add3A_1664 : i32 to vector<16xi32>
    %add3A_1666 = arith.addi %xor3A_1660, %add3A_1665 : vector<16xi32>
    %select_n3A_1667 = arith.select %lt3A_1663, %add3A_1666, %xor3A_1660 : vector<16xi1>, vector<16xi32>
    %broadcast_in_dim3A_1668 = vector.shape_cast %select_n3A_1667 : vector<16xi32> to vector<16x1xi32>
    %gather3A_1669 = vector.shape_cast %broadcast_in_dim3A_1668 : vector<16x1xi32> to vector<16xi32>
    %gather3A_1670 = tpu.dynamic_gather %min3A_1657[%gather3A_1669] in [0] : vector<16xi32>, vector<16xi32> -> vector<16xi32>
    %min3A_1671 = arith.minsi %min3A_1657, %gather3A_1670 : vector<16xi32>
    %eq3A_1672 = arith.constant 0 : i32
    %eq3A_1673 = vector.broadcast %eq3A_1672 : i32 to vector<16xi32>
    %eq3A_1674 = arith.cmpi eq, %iota3A, %eq3A_1673 : vector<16xi32>
    %select_n3A_1675 = arith.select %eq3A_1674, %min3A_1671, %broadcast_in_dim3A_1532 : vector<16xi1>, vector<16xi32>
    %add3A_1676 = arith.constant 0 : i32
    %add3A_1677 = vector.broadcast %add3A_1676 : i32 to vector<16xi32>
    %add3A_1678 = arith.addi %iota3A, %add3A_1677 : vector<16xi32>
    %eq3A_1679 = arith.cmpi eq, %add3A_1678, %min3A_1671 : vector<16xi32>
    %select_n3A_1680 = arith.select %eq3A_1679, %broadcast_in_dim3A_3, %select_n3A_1443 : vector<16xi1>, vector<16xf32>
    %add3A_1681 = arith.constant 16 : i32
    %add3A_1682 = vector.broadcast %add3A_1681 : i32 to vector<16xi32>
    %add3A_1683 = arith.addi %iota3A, %add3A_1682 : vector<16xi32>
    %eq3A_1684 = arith.cmpi eq, %add3A_1683, %min3A_1671 : vector<16xi32>
    %select_n3A_1685 = arith.select %eq3A_1684, %broadcast_in_dim3A_3, %select_n3A_1472 : vector<16xi1>, vector<16xf32>
    %add3A_1686 = arith.constant 32 : i32
    %add3A_1687 = vector.broadcast %add3A_1686 : i32 to vector<16xi32>
    %add3A_1688 = arith.addi %iota3A, %add3A_1687 : vector<16xi32>
    %eq3A_1689 = arith.cmpi eq, %add3A_1688, %min3A_1671 : vector<16xi32>
    %select_n3A_1690 = arith.select %eq3A_1689, %broadcast_in_dim3A_3, %select_n3A_1501 : vector<16xi1>, vector<16xf32>
    %add3A_1691 = arith.constant 48 : i32
    %add3A_1692 = vector.broadcast %add3A_1691 : i32 to vector<16xi32>
    %add3A_1693 = arith.addi %iota3A, %add3A_1692 : vector<16xi32>
    %eq3A_1694 = arith.cmpi eq, %add3A_1693, %min3A_1671 : vector<16xi32>
    %select_n3A_1695 = arith.select %eq3A_1694, %broadcast_in_dim3A_3, %select_n3A_1530 : vector<16xi1>, vector<16xf32>
    %min3A_1696 = arith.minimumf %select_n3A_1680, %select_n3A_1685 : vector<16xf32>
    %min3A_1697 = arith.minimumf %select_n3A_1690, %select_n3A_1695 : vector<16xf32>
    %min3A_1698 = arith.minimumf %min3A_1696, %min3A_1697 : vector<16xf32>
    %xor3A_1699 = arith.constant 1 : i32
    %xor3A_1700 = vector.broadcast %xor3A_1699 : i32 to vector<16xi32>
    %xor3A_1701 = arith.xori %iota3A, %xor3A_1700 : vector<16xi32>
    %lt3A_1702 = arith.constant 0 : i32
    %lt3A_1703 = vector.broadcast %lt3A_1702 : i32 to vector<16xi32>
    %lt3A_1704 = arith.cmpi slt, %xor3A_1701, %lt3A_1703 : vector<16xi32>
    %add3A_1705 = arith.constant 16 : i32
    %add3A_1706 = vector.broadcast %add3A_1705 : i32 to vector<16xi32>
    %add3A_1707 = arith.addi %xor3A_1701, %add3A_1706 : vector<16xi32>
    %select_n3A_1708 = arith.select %lt3A_1704, %add3A_1707, %xor3A_1701 : vector<16xi1>, vector<16xi32>
    %broadcast_in_dim3A_1709 = vector.shape_cast %select_n3A_1708 : vector<16xi32> to vector<16x1xi32>
    %gather3A_1710 = vector.shape_cast %broadcast_in_dim3A_1709 : vector<16x1xi32> to vector<16xi32>
    %gather3A_1711 = tpu.dynamic_gather %min3A_1698[%gather3A_1710] in [0] : vector<16xf32>, vector<16xi32> -> vector<16xf32>
    %min3A_1712 = arith.minimumf %min3A_1698, %gather3A_1711 : vector<16xf32>
    %xor3A_1713 = arith.constant 2 : i32
    %xor3A_1714 = vector.broadcast %xor3A_1713 : i32 to vector<16xi32>
    %xor3A_1715 = arith.xori %iota3A, %xor3A_1714 : vector<16xi32>
    %lt3A_1716 = arith.constant 0 : i32
    %lt3A_1717 = vector.broadcast %lt3A_1716 : i32 to vector<16xi32>
    %lt3A_1718 = arith.cmpi slt, %xor3A_1715, %lt3A_1717 : vector<16xi32>
    %add3A_1719 = arith.constant 16 : i32
    %add3A_1720 = vector.broadcast %add3A_1719 : i32 to vector<16xi32>
    %add3A_1721 = arith.addi %xor3A_1715, %add3A_1720 : vector<16xi32>
    %select_n3A_1722 = arith.select %lt3A_1718, %add3A_1721, %xor3A_1715 : vector<16xi1>, vector<16xi32>
    %broadcast_in_dim3A_1723 = vector.shape_cast %select_n3A_1722 : vector<16xi32> to vector<16x1xi32>
    %gather3A_1724 = vector.shape_cast %broadcast_in_dim3A_1723 : vector<16x1xi32> to vector<16xi32>
    %gather3A_1725 = tpu.dynamic_gather %min3A_1712[%gather3A_1724] in [0] : vector<16xf32>, vector<16xi32> -> vector<16xf32>
    %min3A_1726 = arith.minimumf %min3A_1712, %gather3A_1725 : vector<16xf32>
    %xor3A_1727 = arith.constant 4 : i32
    %xor3A_1728 = vector.broadcast %xor3A_1727 : i32 to vector<16xi32>
    %xor3A_1729 = arith.xori %iota3A, %xor3A_1728 : vector<16xi32>
    %lt3A_1730 = arith.constant 0 : i32
    %lt3A_1731 = vector.broadcast %lt3A_1730 : i32 to vector<16xi32>
    %lt3A_1732 = arith.cmpi slt, %xor3A_1729, %lt3A_1731 : vector<16xi32>
    %add3A_1733 = arith.constant 16 : i32
    %add3A_1734 = vector.broadcast %add3A_1733 : i32 to vector<16xi32>
    %add3A_1735 = arith.addi %xor3A_1729, %add3A_1734 : vector<16xi32>
    %select_n3A_1736 = arith.select %lt3A_1732, %add3A_1735, %xor3A_1729 : vector<16xi1>, vector<16xi32>
    %broadcast_in_dim3A_1737 = vector.shape_cast %select_n3A_1736 : vector<16xi32> to vector<16x1xi32>
    %gather3A_1738 = vector.shape_cast %broadcast_in_dim3A_1737 : vector<16x1xi32> to vector<16xi32>
    %gather3A_1739 = tpu.dynamic_gather %min3A_1726[%gather3A_1738] in [0] : vector<16xf32>, vector<16xi32> -> vector<16xf32>
    %min3A_1740 = arith.minimumf %min3A_1726, %gather3A_1739 : vector<16xf32>
    %xor3A_1741 = arith.constant 8 : i32
    %xor3A_1742 = vector.broadcast %xor3A_1741 : i32 to vector<16xi32>
    %xor3A_1743 = arith.xori %iota3A, %xor3A_1742 : vector<16xi32>
    %lt3A_1744 = arith.constant 0 : i32
    %lt3A_1745 = vector.broadcast %lt3A_1744 : i32 to vector<16xi32>
    %lt3A_1746 = arith.cmpi slt, %xor3A_1743, %lt3A_1745 : vector<16xi32>
    %add3A_1747 = arith.constant 16 : i32
    %add3A_1748 = vector.broadcast %add3A_1747 : i32 to vector<16xi32>
    %add3A_1749 = arith.addi %xor3A_1743, %add3A_1748 : vector<16xi32>
    %select_n3A_1750 = arith.select %lt3A_1746, %add3A_1749, %xor3A_1743 : vector<16xi1>, vector<16xi32>
    %broadcast_in_dim3A_1751 = vector.shape_cast %select_n3A_1750 : vector<16xi32> to vector<16x1xi32>
    %gather3A_1752 = vector.shape_cast %broadcast_in_dim3A_1751 : vector<16x1xi32> to vector<16xi32>
    %gather3A_1753 = tpu.dynamic_gather %min3A_1740[%gather3A_1752] in [0] : vector<16xf32>, vector<16xi32> -> vector<16xf32>
    %min3A_1754 = arith.minimumf %min3A_1740, %gather3A_1753 : vector<16xf32>
    %eq3A_1755 = arith.cmpf oeq, %select_n3A_1680, %min3A_1754 : vector<16xf32>
    %add3A_1756 = arith.constant 0 : i32
    %add3A_1757 = vector.broadcast %add3A_1756 : i32 to vector<16xi32>
    %add3A_1758 = arith.addi %iota3A, %add3A_1757 : vector<16xi32>
    %select_n3A_1759 = arith.select %eq3A_1755, %add3A_1758, %broadcast_in_dim3A_1 : vector<16xi1>, vector<16xi32>
    %min3A_1760 = arith.minsi %broadcast_in_dim3A_1, %select_n3A_1759 : vector<16xi32>
    %eq3A_1761 = arith.cmpf oeq, %select_n3A_1685, %min3A_1754 : vector<16xf32>
    %add3A_1762 = arith.constant 16 : i32
    %add3A_1763 = vector.broadcast %add3A_1762 : i32 to vector<16xi32>
    %add3A_1764 = arith.addi %iota3A, %add3A_1763 : vector<16xi32>
    %select_n3A_1765 = arith.select %eq3A_1761, %add3A_1764, %broadcast_in_dim3A_1 : vector<16xi1>, vector<16xi32>
    %min3A_1766 = arith.minsi %min3A_1760, %select_n3A_1765 : vector<16xi32>
    %eq3A_1767 = arith.cmpf oeq, %select_n3A_1690, %min3A_1754 : vector<16xf32>
    %add3A_1768 = arith.constant 32 : i32
    %add3A_1769 = vector.broadcast %add3A_1768 : i32 to vector<16xi32>
    %add3A_1770 = arith.addi %iota3A, %add3A_1769 : vector<16xi32>
    %select_n3A_1771 = arith.select %eq3A_1767, %add3A_1770, %broadcast_in_dim3A_1 : vector<16xi1>, vector<16xi32>
    %min3A_1772 = arith.minsi %min3A_1766, %select_n3A_1771 : vector<16xi32>
    %eq3A_1773 = arith.cmpf oeq, %select_n3A_1695, %min3A_1754 : vector<16xf32>
    %add3A_1774 = arith.constant 48 : i32
    %add3A_1775 = vector.broadcast %add3A_1774 : i32 to vector<16xi32>
    %add3A_1776 = arith.addi %iota3A, %add3A_1775 : vector<16xi32>
    %select_n3A_1777 = arith.select %eq3A_1773, %add3A_1776, %broadcast_in_dim3A_1 : vector<16xi1>, vector<16xi32>
    %min3A_1778 = arith.minsi %min3A_1772, %select_n3A_1777 : vector<16xi32>
    %xor3A_1779 = arith.constant 1 : i32
    %xor3A_1780 = vector.broadcast %xor3A_1779 : i32 to vector<16xi32>
    %xor3A_1781 = arith.xori %iota3A, %xor3A_1780 : vector<16xi32>
    %lt3A_1782 = arith.constant 0 : i32
    %lt3A_1783 = vector.broadcast %lt3A_1782 : i32 to vector<16xi32>
    %lt3A_1784 = arith.cmpi slt, %xor3A_1781, %lt3A_1783 : vector<16xi32>
    %add3A_1785 = arith.constant 16 : i32
    %add3A_1786 = vector.broadcast %add3A_1785 : i32 to vector<16xi32>
    %add3A_1787 = arith.addi %xor3A_1781, %add3A_1786 : vector<16xi32>
    %select_n3A_1788 = arith.select %lt3A_1784, %add3A_1787, %xor3A_1781 : vector<16xi1>, vector<16xi32>
    %broadcast_in_dim3A_1789 = vector.shape_cast %select_n3A_1788 : vector<16xi32> to vector<16x1xi32>
    %gather3A_1790 = vector.shape_cast %broadcast_in_dim3A_1789 : vector<16x1xi32> to vector<16xi32>
    %gather3A_1791 = tpu.dynamic_gather %min3A_1778[%gather3A_1790] in [0] : vector<16xi32>, vector<16xi32> -> vector<16xi32>
    %min3A_1792 = arith.minsi %min3A_1778, %gather3A_1791 : vector<16xi32>
    %xor3A_1793 = arith.constant 2 : i32
    %xor3A_1794 = vector.broadcast %xor3A_1793 : i32 to vector<16xi32>
    %xor3A_1795 = arith.xori %iota3A, %xor3A_1794 : vector<16xi32>
    %lt3A_1796 = arith.constant 0 : i32
    %lt3A_1797 = vector.broadcast %lt3A_1796 : i32 to vector<16xi32>
    %lt3A_1798 = arith.cmpi slt, %xor3A_1795, %lt3A_1797 : vector<16xi32>
    %add3A_1799 = arith.constant 16 : i32
    %add3A_1800 = vector.broadcast %add3A_1799 : i32 to vector<16xi32>
    %add3A_1801 = arith.addi %xor3A_1795, %add3A_1800 : vector<16xi32>
    %select_n3A_1802 = arith.select %lt3A_1798, %add3A_1801, %xor3A_1795 : vector<16xi1>, vector<16xi32>
    %broadcast_in_dim3A_1803 = vector.shape_cast %select_n3A_1802 : vector<16xi32> to vector<16x1xi32>
    %gather3A_1804 = vector.shape_cast %broadcast_in_dim3A_1803 : vector<16x1xi32> to vector<16xi32>
    %gather3A_1805 = tpu.dynamic_gather %min3A_1792[%gather3A_1804] in [0] : vector<16xi32>, vector<16xi32> -> vector<16xi32>
    %min3A_1806 = arith.minsi %min3A_1792, %gather3A_1805 : vector<16xi32>
    %xor3A_1807 = arith.constant 4 : i32
    %xor3A_1808 = vector.broadcast %xor3A_1807 : i32 to vector<16xi32>
    %xor3A_1809 = arith.xori %iota3A, %xor3A_1808 : vector<16xi32>
    %lt3A_1810 = arith.constant 0 : i32
    %lt3A_1811 = vector.broadcast %lt3A_1810 : i32 to vector<16xi32>
    %lt3A_1812 = arith.cmpi slt, %xor3A_1809, %lt3A_1811 : vector<16xi32>
    %add3A_1813 = arith.constant 16 : i32
    %add3A_1814 = vector.broadcast %add3A_1813 : i32 to vector<16xi32>
    %add3A_1815 = arith.addi %xor3A_1809, %add3A_1814 : vector<16xi32>
    %select_n3A_1816 = arith.select %lt3A_1812, %add3A_1815, %xor3A_1809 : vector<16xi1>, vector<16xi32>
    %broadcast_in_dim3A_1817 = vector.shape_cast %select_n3A_1816 : vector<16xi32> to vector<16x1xi32>
    %gather3A_1818 = vector.shape_cast %broadcast_in_dim3A_1817 : vector<16x1xi32> to vector<16xi32>
    %gather3A_1819 = tpu.dynamic_gather %min3A_1806[%gather3A_1818] in [0] : vector<16xi32>, vector<16xi32> -> vector<16xi32>
    %min3A_1820 = arith.minsi %min3A_1806, %gather3A_1819 : vector<16xi32>
    %xor3A_1821 = arith.constant 8 : i32
    %xor3A_1822 = vector.broadcast %xor3A_1821 : i32 to vector<16xi32>
    %xor3A_1823 = arith.xori %iota3A, %xor3A_1822 : vector<16xi32>
    %lt3A_1824 = arith.constant 0 : i32
    %lt3A_1825 = vector.broadcast %lt3A_1824 : i32 to vector<16xi32>
    %lt3A_1826 = arith.cmpi slt, %xor3A_1823, %lt3A_1825 : vector<16xi32>
    %add3A_1827 = arith.constant 16 : i32
    %add3A_1828 = vector.broadcast %add3A_1827 : i32 to vector<16xi32>
    %add3A_1829 = arith.addi %xor3A_1823, %add3A_1828 : vector<16xi32>
    %select_n3A_1830 = arith.select %lt3A_1826, %add3A_1829, %xor3A_1823 : vector<16xi1>, vector<16xi32>
    %broadcast_in_dim3A_1831 = vector.shape_cast %select_n3A_1830 : vector<16xi32> to vector<16x1xi32>
    %gather3A_1832 = vector.shape_cast %broadcast_in_dim3A_1831 : vector<16x1xi32> to vector<16xi32>
    %gather3A_1833 = tpu.dynamic_gather %min3A_1820[%gather3A_1832] in [0] : vector<16xi32>, vector<16xi32> -> vector<16xi32>
    %min3A_1834 = arith.minsi %min3A_1820, %gather3A_1833 : vector<16xi32>
    %eq3A_1835 = arith.constant 1 : i32
    %eq3A_1836 = vector.broadcast %eq3A_1835 : i32 to vector<16xi32>
    %eq3A_1837 = arith.cmpi eq, %iota3A, %eq3A_1836 : vector<16xi32>
    %select_n3A_1838 = arith.select %eq3A_1837, %min3A_1834, %select_n3A_1675 : vector<16xi1>, vector<16xi32>
    %add3A_1839 = arith.constant 0 : i32
    %add3A_1840 = vector.broadcast %add3A_1839 : i32 to vector<16xi32>
    %add3A_1841 = arith.addi %iota3A, %add3A_1840 : vector<16xi32>
    %eq3A_1842 = arith.cmpi eq, %add3A_1841, %min3A_1834 : vector<16xi32>
    %select_n3A_1843 = arith.select %eq3A_1842, %broadcast_in_dim3A_3, %select_n3A_1680 : vector<16xi1>, vector<16xf32>
    %add3A_1844 = arith.constant 16 : i32
    %add3A_1845 = vector.broadcast %add3A_1844 : i32 to vector<16xi32>
    %add3A_1846 = arith.addi %iota3A, %add3A_1845 : vector<16xi32>
    %eq3A_1847 = arith.cmpi eq, %add3A_1846, %min3A_1834 : vector<16xi32>
    %select_n3A_1848 = arith.select %eq3A_1847, %broadcast_in_dim3A_3, %select_n3A_1685 : vector<16xi1>, vector<16xf32>
    %add3A_1849 = arith.constant 32 : i32
    %add3A_1850 = vector.broadcast %add3A_1849 : i32 to vector<16xi32>
    %add3A_1851 = arith.addi %iota3A, %add3A_1850 : vector<16xi32>
    %eq3A_1852 = arith.cmpi eq, %add3A_1851, %min3A_1834 : vector<16xi32>
    %select_n3A_1853 = arith.select %eq3A_1852, %broadcast_in_dim3A_3, %select_n3A_1690 : vector<16xi1>, vector<16xf32>
    %add3A_1854 = arith.constant 48 : i32
    %add3A_1855 = vector.broadcast %add3A_1854 : i32 to vector<16xi32>
    %add3A_1856 = arith.addi %iota3A, %add3A_1855 : vector<16xi32>
    %eq3A_1857 = arith.cmpi eq, %add3A_1856, %min3A_1834 : vector<16xi32>
    %select_n3A_1858 = arith.select %eq3A_1857, %broadcast_in_dim3A_3, %select_n3A_1695 : vector<16xi1>, vector<16xf32>
    %min3A_1859 = arith.minimumf %select_n3A_1843, %select_n3A_1848 : vector<16xf32>
    %min3A_1860 = arith.minimumf %select_n3A_1853, %select_n3A_1858 : vector<16xf32>
    %min3A_1861 = arith.minimumf %min3A_1859, %min3A_1860 : vector<16xf32>
    %xor3A_1862 = arith.constant 1 : i32
    %xor3A_1863 = vector.broadcast %xor3A_1862 : i32 to vector<16xi32>
    %xor3A_1864 = arith.xori %iota3A, %xor3A_1863 : vector<16xi32>
    %lt3A_1865 = arith.constant 0 : i32
    %lt3A_1866 = vector.broadcast %lt3A_1865 : i32 to vector<16xi32>
    %lt3A_1867 = arith.cmpi slt, %xor3A_1864, %lt3A_1866 : vector<16xi32>
    %add3A_1868 = arith.constant 16 : i32
    %add3A_1869 = vector.broadcast %add3A_1868 : i32 to vector<16xi32>
    %add3A_1870 = arith.addi %xor3A_1864, %add3A_1869 : vector<16xi32>
    %select_n3A_1871 = arith.select %lt3A_1867, %add3A_1870, %xor3A_1864 : vector<16xi1>, vector<16xi32>
    %broadcast_in_dim3A_1872 = vector.shape_cast %select_n3A_1871 : vector<16xi32> to vector<16x1xi32>
    %gather3A_1873 = vector.shape_cast %broadcast_in_dim3A_1872 : vector<16x1xi32> to vector<16xi32>
    %gather3A_1874 = tpu.dynamic_gather %min3A_1861[%gather3A_1873] in [0] : vector<16xf32>, vector<16xi32> -> vector<16xf32>
    %min3A_1875 = arith.minimumf %min3A_1861, %gather3A_1874 : vector<16xf32>
    %xor3A_1876 = arith.constant 2 : i32
    %xor3A_1877 = vector.broadcast %xor3A_1876 : i32 to vector<16xi32>
    %xor3A_1878 = arith.xori %iota3A, %xor3A_1877 : vector<16xi32>
    %lt3A_1879 = arith.constant 0 : i32
    %lt3A_1880 = vector.broadcast %lt3A_1879 : i32 to vector<16xi32>
    %lt3A_1881 = arith.cmpi slt, %xor3A_1878, %lt3A_1880 : vector<16xi32>
    %add3A_1882 = arith.constant 16 : i32
    %add3A_1883 = vector.broadcast %add3A_1882 : i32 to vector<16xi32>
    %add3A_1884 = arith.addi %xor3A_1878, %add3A_1883 : vector<16xi32>
    %select_n3A_1885 = arith.select %lt3A_1881, %add3A_1884, %xor3A_1878 : vector<16xi1>, vector<16xi32>
    %broadcast_in_dim3A_1886 = vector.shape_cast %select_n3A_1885 : vector<16xi32> to vector<16x1xi32>
    %gather3A_1887 = vector.shape_cast %broadcast_in_dim3A_1886 : vector<16x1xi32> to vector<16xi32>
    %gather3A_1888 = tpu.dynamic_gather %min3A_1875[%gather3A_1887] in [0] : vector<16xf32>, vector<16xi32> -> vector<16xf32>
    %min3A_1889 = arith.minimumf %min3A_1875, %gather3A_1888 : vector<16xf32>
    %xor3A_1890 = arith.constant 4 : i32
    %xor3A_1891 = vector.broadcast %xor3A_1890 : i32 to vector<16xi32>
    %xor3A_1892 = arith.xori %iota3A, %xor3A_1891 : vector<16xi32>
    %lt3A_1893 = arith.constant 0 : i32
    %lt3A_1894 = vector.broadcast %lt3A_1893 : i32 to vector<16xi32>
    %lt3A_1895 = arith.cmpi slt, %xor3A_1892, %lt3A_1894 : vector<16xi32>
    %add3A_1896 = arith.constant 16 : i32
    %add3A_1897 = vector.broadcast %add3A_1896 : i32 to vector<16xi32>
    %add3A_1898 = arith.addi %xor3A_1892, %add3A_1897 : vector<16xi32>
    %select_n3A_1899 = arith.select %lt3A_1895, %add3A_1898, %xor3A_1892 : vector<16xi1>, vector<16xi32>
    %broadcast_in_dim3A_1900 = vector.shape_cast %select_n3A_1899 : vector<16xi32> to vector<16x1xi32>
    %gather3A_1901 = vector.shape_cast %broadcast_in_dim3A_1900 : vector<16x1xi32> to vector<16xi32>
    %gather3A_1902 = tpu.dynamic_gather %min3A_1889[%gather3A_1901] in [0] : vector<16xf32>, vector<16xi32> -> vector<16xf32>
    %min3A_1903 = arith.minimumf %min3A_1889, %gather3A_1902 : vector<16xf32>
    %xor3A_1904 = arith.constant 8 : i32
    %xor3A_1905 = vector.broadcast %xor3A_1904 : i32 to vector<16xi32>
    %xor3A_1906 = arith.xori %iota3A, %xor3A_1905 : vector<16xi32>
    %lt3A_1907 = arith.constant 0 : i32
    %lt3A_1908 = vector.broadcast %lt3A_1907 : i32 to vector<16xi32>
    %lt3A_1909 = arith.cmpi slt, %xor3A_1906, %lt3A_1908 : vector<16xi32>
    %add3A_1910 = arith.constant 16 : i32
    %add3A_1911 = vector.broadcast %add3A_1910 : i32 to vector<16xi32>
    %add3A_1912 = arith.addi %xor3A_1906, %add3A_1911 : vector<16xi32>
    %select_n3A_1913 = arith.select %lt3A_1909, %add3A_1912, %xor3A_1906 : vector<16xi1>, vector<16xi32>
    %broadcast_in_dim3A_1914 = vector.shape_cast %select_n3A_1913 : vector<16xi32> to vector<16x1xi32>
    %gather3A_1915 = vector.shape_cast %broadcast_in_dim3A_1914 : vector<16x1xi32> to vector<16xi32>
    %gather3A_1916 = tpu.dynamic_gather %min3A_1903[%gather3A_1915] in [0] : vector<16xf32>, vector<16xi32> -> vector<16xf32>
    %min3A_1917 = arith.minimumf %min3A_1903, %gather3A_1916 : vector<16xf32>
    %eq3A_1918 = arith.cmpf oeq, %select_n3A_1843, %min3A_1917 : vector<16xf32>
    %add3A_1919 = arith.constant 0 : i32
    %add3A_1920 = vector.broadcast %add3A_1919 : i32 to vector<16xi32>
    %add3A_1921 = arith.addi %iota3A, %add3A_1920 : vector<16xi32>
    %select_n3A_1922 = arith.select %eq3A_1918, %add3A_1921, %broadcast_in_dim3A_1 : vector<16xi1>, vector<16xi32>
    %min3A_1923 = arith.minsi %broadcast_in_dim3A_1, %select_n3A_1922 : vector<16xi32>
    %eq3A_1924 = arith.cmpf oeq, %select_n3A_1848, %min3A_1917 : vector<16xf32>
    %add3A_1925 = arith.constant 16 : i32
    %add3A_1926 = vector.broadcast %add3A_1925 : i32 to vector<16xi32>
    %add3A_1927 = arith.addi %iota3A, %add3A_1926 : vector<16xi32>
    %select_n3A_1928 = arith.select %eq3A_1924, %add3A_1927, %broadcast_in_dim3A_1 : vector<16xi1>, vector<16xi32>
    %min3A_1929 = arith.minsi %min3A_1923, %select_n3A_1928 : vector<16xi32>
    %eq3A_1930 = arith.cmpf oeq, %select_n3A_1853, %min3A_1917 : vector<16xf32>
    %add3A_1931 = arith.constant 32 : i32
    %add3A_1932 = vector.broadcast %add3A_1931 : i32 to vector<16xi32>
    %add3A_1933 = arith.addi %iota3A, %add3A_1932 : vector<16xi32>
    %select_n3A_1934 = arith.select %eq3A_1930, %add3A_1933, %broadcast_in_dim3A_1 : vector<16xi1>, vector<16xi32>
    %min3A_1935 = arith.minsi %min3A_1929, %select_n3A_1934 : vector<16xi32>
    %eq3A_1936 = arith.cmpf oeq, %select_n3A_1858, %min3A_1917 : vector<16xf32>
    %add3A_1937 = arith.constant 48 : i32
    %add3A_1938 = vector.broadcast %add3A_1937 : i32 to vector<16xi32>
    %add3A_1939 = arith.addi %iota3A, %add3A_1938 : vector<16xi32>
    %select_n3A_1940 = arith.select %eq3A_1936, %add3A_1939, %broadcast_in_dim3A_1 : vector<16xi1>, vector<16xi32>
    %min3A_1941 = arith.minsi %min3A_1935, %select_n3A_1940 : vector<16xi32>
    %xor3A_1942 = arith.constant 1 : i32
    %xor3A_1943 = vector.broadcast %xor3A_1942 : i32 to vector<16xi32>
    %xor3A_1944 = arith.xori %iota3A, %xor3A_1943 : vector<16xi32>
    %lt3A_1945 = arith.constant 0 : i32
    %lt3A_1946 = vector.broadcast %lt3A_1945 : i32 to vector<16xi32>
    %lt3A_1947 = arith.cmpi slt, %xor3A_1944, %lt3A_1946 : vector<16xi32>
    %add3A_1948 = arith.constant 16 : i32
    %add3A_1949 = vector.broadcast %add3A_1948 : i32 to vector<16xi32>
    %add3A_1950 = arith.addi %xor3A_1944, %add3A_1949 : vector<16xi32>
    %select_n3A_1951 = arith.select %lt3A_1947, %add3A_1950, %xor3A_1944 : vector<16xi1>, vector<16xi32>
    %broadcast_in_dim3A_1952 = vector.shape_cast %select_n3A_1951 : vector<16xi32> to vector<16x1xi32>
    %gather3A_1953 = vector.shape_cast %broadcast_in_dim3A_1952 : vector<16x1xi32> to vector<16xi32>
    %gather3A_1954 = tpu.dynamic_gather %min3A_1941[%gather3A_1953] in [0] : vector<16xi32>, vector<16xi32> -> vector<16xi32>
    %min3A_1955 = arith.minsi %min3A_1941, %gather3A_1954 : vector<16xi32>
    %xor3A_1956 = arith.constant 2 : i32
    %xor3A_1957 = vector.broadcast %xor3A_1956 : i32 to vector<16xi32>
    %xor3A_1958 = arith.xori %iota3A, %xor3A_1957 : vector<16xi32>
    %lt3A_1959 = arith.constant 0 : i32
    %lt3A_1960 = vector.broadcast %lt3A_1959 : i32 to vector<16xi32>
    %lt3A_1961 = arith.cmpi slt, %xor3A_1958, %lt3A_1960 : vector<16xi32>
    %add3A_1962 = arith.constant 16 : i32
    %add3A_1963 = vector.broadcast %add3A_1962 : i32 to vector<16xi32>
    %add3A_1964 = arith.addi %xor3A_1958, %add3A_1963 : vector<16xi32>
    %select_n3A_1965 = arith.select %lt3A_1961, %add3A_1964, %xor3A_1958 : vector<16xi1>, vector<16xi32>
    %broadcast_in_dim3A_1966 = vector.shape_cast %select_n3A_1965 : vector<16xi32> to vector<16x1xi32>
    %gather3A_1967 = vector.shape_cast %broadcast_in_dim3A_1966 : vector<16x1xi32> to vector<16xi32>
    %gather3A_1968 = tpu.dynamic_gather %min3A_1955[%gather3A_1967] in [0] : vector<16xi32>, vector<16xi32> -> vector<16xi32>
    %min3A_1969 = arith.minsi %min3A_1955, %gather3A_1968 : vector<16xi32>
    %xor3A_1970 = arith.constant 4 : i32
    %xor3A_1971 = vector.broadcast %xor3A_1970 : i32 to vector<16xi32>
    %xor3A_1972 = arith.xori %iota3A, %xor3A_1971 : vector<16xi32>
    %lt3A_1973 = arith.constant 0 : i32
    %lt3A_1974 = vector.broadcast %lt3A_1973 : i32 to vector<16xi32>
    %lt3A_1975 = arith.cmpi slt, %xor3A_1972, %lt3A_1974 : vector<16xi32>
    %add3A_1976 = arith.constant 16 : i32
    %add3A_1977 = vector.broadcast %add3A_1976 : i32 to vector<16xi32>
    %add3A_1978 = arith.addi %xor3A_1972, %add3A_1977 : vector<16xi32>
    %select_n3A_1979 = arith.select %lt3A_1975, %add3A_1978, %xor3A_1972 : vector<16xi1>, vector<16xi32>
    %broadcast_in_dim3A_1980 = vector.shape_cast %select_n3A_1979 : vector<16xi32> to vector<16x1xi32>
    %gather3A_1981 = vector.shape_cast %broadcast_in_dim3A_1980 : vector<16x1xi32> to vector<16xi32>
    %gather3A_1982 = tpu.dynamic_gather %min3A_1969[%gather3A_1981] in [0] : vector<16xi32>, vector<16xi32> -> vector<16xi32>
    %min3A_1983 = arith.minsi %min3A_1969, %gather3A_1982 : vector<16xi32>
    %xor3A_1984 = arith.constant 8 : i32
    %xor3A_1985 = vector.broadcast %xor3A_1984 : i32 to vector<16xi32>
    %xor3A_1986 = arith.xori %iota3A, %xor3A_1985 : vector<16xi32>
    %lt3A_1987 = arith.constant 0 : i32
    %lt3A_1988 = vector.broadcast %lt3A_1987 : i32 to vector<16xi32>
    %lt3A_1989 = arith.cmpi slt, %xor3A_1986, %lt3A_1988 : vector<16xi32>
    %add3A_1990 = arith.constant 16 : i32
    %add3A_1991 = vector.broadcast %add3A_1990 : i32 to vector<16xi32>
    %add3A_1992 = arith.addi %xor3A_1986, %add3A_1991 : vector<16xi32>
    %select_n3A_1993 = arith.select %lt3A_1989, %add3A_1992, %xor3A_1986 : vector<16xi1>, vector<16xi32>
    %broadcast_in_dim3A_1994 = vector.shape_cast %select_n3A_1993 : vector<16xi32> to vector<16x1xi32>
    %gather3A_1995 = vector.shape_cast %broadcast_in_dim3A_1994 : vector<16x1xi32> to vector<16xi32>
    %gather3A_1996 = tpu.dynamic_gather %min3A_1983[%gather3A_1995] in [0] : vector<16xi32>, vector<16xi32> -> vector<16xi32>
    %min3A_1997 = arith.minsi %min3A_1983, %gather3A_1996 : vector<16xi32>
    %eq3A_1998 = arith.constant 2 : i32
    %eq3A_1999 = vector.broadcast %eq3A_1998 : i32 to vector<16xi32>
    %eq3A_2000 = arith.cmpi eq, %iota3A, %eq3A_1999 : vector<16xi32>
    %select_n3A_2001 = arith.select %eq3A_2000, %min3A_1997, %select_n3A_1838 : vector<16xi1>, vector<16xi32>
    %add3A_2002 = arith.constant 0 : i32
    %add3A_2003 = vector.broadcast %add3A_2002 : i32 to vector<16xi32>
    %add3A_2004 = arith.addi %iota3A, %add3A_2003 : vector<16xi32>
    %eq3A_2005 = arith.cmpi eq, %add3A_2004, %min3A_1997 : vector<16xi32>
    %select_n3A_2006 = arith.select %eq3A_2005, %broadcast_in_dim3A_3, %select_n3A_1843 : vector<16xi1>, vector<16xf32>
    %add3A_2007 = arith.constant 16 : i32
    %add3A_2008 = vector.broadcast %add3A_2007 : i32 to vector<16xi32>
    %add3A_2009 = arith.addi %iota3A, %add3A_2008 : vector<16xi32>
    %eq3A_2010 = arith.cmpi eq, %add3A_2009, %min3A_1997 : vector<16xi32>
    %select_n3A_2011 = arith.select %eq3A_2010, %broadcast_in_dim3A_3, %select_n3A_1848 : vector<16xi1>, vector<16xf32>
    %add3A_2012 = arith.constant 32 : i32
    %add3A_2013 = vector.broadcast %add3A_2012 : i32 to vector<16xi32>
    %add3A_2014 = arith.addi %iota3A, %add3A_2013 : vector<16xi32>
    %eq3A_2015 = arith.cmpi eq, %add3A_2014, %min3A_1997 : vector<16xi32>
    %select_n3A_2016 = arith.select %eq3A_2015, %broadcast_in_dim3A_3, %select_n3A_1853 : vector<16xi1>, vector<16xf32>
    %add3A_2017 = arith.constant 48 : i32
    %add3A_2018 = vector.broadcast %add3A_2017 : i32 to vector<16xi32>
    %add3A_2019 = arith.addi %iota3A, %add3A_2018 : vector<16xi32>
    %eq3A_2020 = arith.cmpi eq, %add3A_2019, %min3A_1997 : vector<16xi32>
    %select_n3A_2021 = arith.select %eq3A_2020, %broadcast_in_dim3A_3, %select_n3A_1858 : vector<16xi1>, vector<16xf32>
    %min3A_2022 = arith.minimumf %select_n3A_2006, %select_n3A_2011 : vector<16xf32>
    %min3A_2023 = arith.minimumf %select_n3A_2016, %select_n3A_2021 : vector<16xf32>
    %min3A_2024 = arith.minimumf %min3A_2022, %min3A_2023 : vector<16xf32>
    %xor3A_2025 = arith.constant 1 : i32
    %xor3A_2026 = vector.broadcast %xor3A_2025 : i32 to vector<16xi32>
    %xor3A_2027 = arith.xori %iota3A, %xor3A_2026 : vector<16xi32>
    %lt3A_2028 = arith.constant 0 : i32
    %lt3A_2029 = vector.broadcast %lt3A_2028 : i32 to vector<16xi32>
    %lt3A_2030 = arith.cmpi slt, %xor3A_2027, %lt3A_2029 : vector<16xi32>
    %add3A_2031 = arith.constant 16 : i32
    %add3A_2032 = vector.broadcast %add3A_2031 : i32 to vector<16xi32>
    %add3A_2033 = arith.addi %xor3A_2027, %add3A_2032 : vector<16xi32>
    %select_n3A_2034 = arith.select %lt3A_2030, %add3A_2033, %xor3A_2027 : vector<16xi1>, vector<16xi32>
    %broadcast_in_dim3A_2035 = vector.shape_cast %select_n3A_2034 : vector<16xi32> to vector<16x1xi32>
    %gather3A_2036 = vector.shape_cast %broadcast_in_dim3A_2035 : vector<16x1xi32> to vector<16xi32>
    %gather3A_2037 = tpu.dynamic_gather %min3A_2024[%gather3A_2036] in [0] : vector<16xf32>, vector<16xi32> -> vector<16xf32>
    %min3A_2038 = arith.minimumf %min3A_2024, %gather3A_2037 : vector<16xf32>
    %xor3A_2039 = arith.constant 2 : i32
    %xor3A_2040 = vector.broadcast %xor3A_2039 : i32 to vector<16xi32>
    %xor3A_2041 = arith.xori %iota3A, %xor3A_2040 : vector<16xi32>
    %lt3A_2042 = arith.constant 0 : i32
    %lt3A_2043 = vector.broadcast %lt3A_2042 : i32 to vector<16xi32>
    %lt3A_2044 = arith.cmpi slt, %xor3A_2041, %lt3A_2043 : vector<16xi32>
    %add3A_2045 = arith.constant 16 : i32
    %add3A_2046 = vector.broadcast %add3A_2045 : i32 to vector<16xi32>
    %add3A_2047 = arith.addi %xor3A_2041, %add3A_2046 : vector<16xi32>
    %select_n3A_2048 = arith.select %lt3A_2044, %add3A_2047, %xor3A_2041 : vector<16xi1>, vector<16xi32>
    %broadcast_in_dim3A_2049 = vector.shape_cast %select_n3A_2048 : vector<16xi32> to vector<16x1xi32>
    %gather3A_2050 = vector.shape_cast %broadcast_in_dim3A_2049 : vector<16x1xi32> to vector<16xi32>
    %gather3A_2051 = tpu.dynamic_gather %min3A_2038[%gather3A_2050] in [0] : vector<16xf32>, vector<16xi32> -> vector<16xf32>
    %min3A_2052 = arith.minimumf %min3A_2038, %gather3A_2051 : vector<16xf32>
    %xor3A_2053 = arith.constant 4 : i32
    %xor3A_2054 = vector.broadcast %xor3A_2053 : i32 to vector<16xi32>
    %xor3A_2055 = arith.xori %iota3A, %xor3A_2054 : vector<16xi32>
    %lt3A_2056 = arith.constant 0 : i32
    %lt3A_2057 = vector.broadcast %lt3A_2056 : i32 to vector<16xi32>
    %lt3A_2058 = arith.cmpi slt, %xor3A_2055, %lt3A_2057 : vector<16xi32>
    %add3A_2059 = arith.constant 16 : i32
    %add3A_2060 = vector.broadcast %add3A_2059 : i32 to vector<16xi32>
    %add3A_2061 = arith.addi %xor3A_2055, %add3A_2060 : vector<16xi32>
    %select_n3A_2062 = arith.select %lt3A_2058, %add3A_2061, %xor3A_2055 : vector<16xi1>, vector<16xi32>
    %broadcast_in_dim3A_2063 = vector.shape_cast %select_n3A_2062 : vector<16xi32> to vector<16x1xi32>
    %gather3A_2064 = vector.shape_cast %broadcast_in_dim3A_2063 : vector<16x1xi32> to vector<16xi32>
    %gather3A_2065 = tpu.dynamic_gather %min3A_2052[%gather3A_2064] in [0] : vector<16xf32>, vector<16xi32> -> vector<16xf32>
    %min3A_2066 = arith.minimumf %min3A_2052, %gather3A_2065 : vector<16xf32>
    %xor3A_2067 = arith.constant 8 : i32
    %xor3A_2068 = vector.broadcast %xor3A_2067 : i32 to vector<16xi32>
    %xor3A_2069 = arith.xori %iota3A, %xor3A_2068 : vector<16xi32>
    %lt3A_2070 = arith.constant 0 : i32
    %lt3A_2071 = vector.broadcast %lt3A_2070 : i32 to vector<16xi32>
    %lt3A_2072 = arith.cmpi slt, %xor3A_2069, %lt3A_2071 : vector<16xi32>
    %add3A_2073 = arith.constant 16 : i32
    %add3A_2074 = vector.broadcast %add3A_2073 : i32 to vector<16xi32>
    %add3A_2075 = arith.addi %xor3A_2069, %add3A_2074 : vector<16xi32>
    %select_n3A_2076 = arith.select %lt3A_2072, %add3A_2075, %xor3A_2069 : vector<16xi1>, vector<16xi32>
    %broadcast_in_dim3A_2077 = vector.shape_cast %select_n3A_2076 : vector<16xi32> to vector<16x1xi32>
    %gather3A_2078 = vector.shape_cast %broadcast_in_dim3A_2077 : vector<16x1xi32> to vector<16xi32>
    %gather3A_2079 = tpu.dynamic_gather %min3A_2066[%gather3A_2078] in [0] : vector<16xf32>, vector<16xi32> -> vector<16xf32>
    %min3A_2080 = arith.minimumf %min3A_2066, %gather3A_2079 : vector<16xf32>
    %eq3A_2081 = arith.cmpf oeq, %select_n3A_2006, %min3A_2080 : vector<16xf32>
    %add3A_2082 = arith.constant 0 : i32
    %add3A_2083 = vector.broadcast %add3A_2082 : i32 to vector<16xi32>
    %add3A_2084 = arith.addi %iota3A, %add3A_2083 : vector<16xi32>
    %select_n3A_2085 = arith.select %eq3A_2081, %add3A_2084, %broadcast_in_dim3A_1 : vector<16xi1>, vector<16xi32>
    %min3A_2086 = arith.minsi %broadcast_in_dim3A_1, %select_n3A_2085 : vector<16xi32>
    %eq3A_2087 = arith.cmpf oeq, %select_n3A_2011, %min3A_2080 : vector<16xf32>
    %add3A_2088 = arith.constant 16 : i32
    %add3A_2089 = vector.broadcast %add3A_2088 : i32 to vector<16xi32>
    %add3A_2090 = arith.addi %iota3A, %add3A_2089 : vector<16xi32>
    %select_n3A_2091 = arith.select %eq3A_2087, %add3A_2090, %broadcast_in_dim3A_1 : vector<16xi1>, vector<16xi32>
    %min3A_2092 = arith.minsi %min3A_2086, %select_n3A_2091 : vector<16xi32>
    %eq3A_2093 = arith.cmpf oeq, %select_n3A_2016, %min3A_2080 : vector<16xf32>
    %add3A_2094 = arith.constant 32 : i32
    %add3A_2095 = vector.broadcast %add3A_2094 : i32 to vector<16xi32>
    %add3A_2096 = arith.addi %iota3A, %add3A_2095 : vector<16xi32>
    %select_n3A_2097 = arith.select %eq3A_2093, %add3A_2096, %broadcast_in_dim3A_1 : vector<16xi1>, vector<16xi32>
    %min3A_2098 = arith.minsi %min3A_2092, %select_n3A_2097 : vector<16xi32>
    %eq3A_2099 = arith.cmpf oeq, %select_n3A_2021, %min3A_2080 : vector<16xf32>
    %add3A_2100 = arith.constant 48 : i32
    %add3A_2101 = vector.broadcast %add3A_2100 : i32 to vector<16xi32>
    %add3A_2102 = arith.addi %iota3A, %add3A_2101 : vector<16xi32>
    %select_n3A_2103 = arith.select %eq3A_2099, %add3A_2102, %broadcast_in_dim3A_1 : vector<16xi1>, vector<16xi32>
    %min3A_2104 = arith.minsi %min3A_2098, %select_n3A_2103 : vector<16xi32>
    %xor3A_2105 = arith.constant 1 : i32
    %xor3A_2106 = vector.broadcast %xor3A_2105 : i32 to vector<16xi32>
    %xor3A_2107 = arith.xori %iota3A, %xor3A_2106 : vector<16xi32>
    %lt3A_2108 = arith.constant 0 : i32
    %lt3A_2109 = vector.broadcast %lt3A_2108 : i32 to vector<16xi32>
    %lt3A_2110 = arith.cmpi slt, %xor3A_2107, %lt3A_2109 : vector<16xi32>
    %add3A_2111 = arith.constant 16 : i32
    %add3A_2112 = vector.broadcast %add3A_2111 : i32 to vector<16xi32>
    %add3A_2113 = arith.addi %xor3A_2107, %add3A_2112 : vector<16xi32>
    %select_n3A_2114 = arith.select %lt3A_2110, %add3A_2113, %xor3A_2107 : vector<16xi1>, vector<16xi32>
    %broadcast_in_dim3A_2115 = vector.shape_cast %select_n3A_2114 : vector<16xi32> to vector<16x1xi32>
    %gather3A_2116 = vector.shape_cast %broadcast_in_dim3A_2115 : vector<16x1xi32> to vector<16xi32>
    %gather3A_2117 = tpu.dynamic_gather %min3A_2104[%gather3A_2116] in [0] : vector<16xi32>, vector<16xi32> -> vector<16xi32>
    %min3A_2118 = arith.minsi %min3A_2104, %gather3A_2117 : vector<16xi32>
    %xor3A_2119 = arith.constant 2 : i32
    %xor3A_2120 = vector.broadcast %xor3A_2119 : i32 to vector<16xi32>
    %xor3A_2121 = arith.xori %iota3A, %xor3A_2120 : vector<16xi32>
    %lt3A_2122 = arith.constant 0 : i32
    %lt3A_2123 = vector.broadcast %lt3A_2122 : i32 to vector<16xi32>
    %lt3A_2124 = arith.cmpi slt, %xor3A_2121, %lt3A_2123 : vector<16xi32>
    %add3A_2125 = arith.constant 16 : i32
    %add3A_2126 = vector.broadcast %add3A_2125 : i32 to vector<16xi32>
    %add3A_2127 = arith.addi %xor3A_2121, %add3A_2126 : vector<16xi32>
    %select_n3A_2128 = arith.select %lt3A_2124, %add3A_2127, %xor3A_2121 : vector<16xi1>, vector<16xi32>
    %broadcast_in_dim3A_2129 = vector.shape_cast %select_n3A_2128 : vector<16xi32> to vector<16x1xi32>
    %gather3A_2130 = vector.shape_cast %broadcast_in_dim3A_2129 : vector<16x1xi32> to vector<16xi32>
    %gather3A_2131 = tpu.dynamic_gather %min3A_2118[%gather3A_2130] in [0] : vector<16xi32>, vector<16xi32> -> vector<16xi32>
    %min3A_2132 = arith.minsi %min3A_2118, %gather3A_2131 : vector<16xi32>
    %xor3A_2133 = arith.constant 4 : i32
    %xor3A_2134 = vector.broadcast %xor3A_2133 : i32 to vector<16xi32>
    %xor3A_2135 = arith.xori %iota3A, %xor3A_2134 : vector<16xi32>
    %lt3A_2136 = arith.constant 0 : i32
    %lt3A_2137 = vector.broadcast %lt3A_2136 : i32 to vector<16xi32>
    %lt3A_2138 = arith.cmpi slt, %xor3A_2135, %lt3A_2137 : vector<16xi32>
    %add3A_2139 = arith.constant 16 : i32
    %add3A_2140 = vector.broadcast %add3A_2139 : i32 to vector<16xi32>
    %add3A_2141 = arith.addi %xor3A_2135, %add3A_2140 : vector<16xi32>
    %select_n3A_2142 = arith.select %lt3A_2138, %add3A_2141, %xor3A_2135 : vector<16xi1>, vector<16xi32>
    %broadcast_in_dim3A_2143 = vector.shape_cast %select_n3A_2142 : vector<16xi32> to vector<16x1xi32>
    %gather3A_2144 = vector.shape_cast %broadcast_in_dim3A_2143 : vector<16x1xi32> to vector<16xi32>
    %gather3A_2145 = tpu.dynamic_gather %min3A_2132[%gather3A_2144] in [0] : vector<16xi32>, vector<16xi32> -> vector<16xi32>
    %min3A_2146 = arith.minsi %min3A_2132, %gather3A_2145 : vector<16xi32>
    %xor3A_2147 = arith.constant 8 : i32
    %xor3A_2148 = vector.broadcast %xor3A_2147 : i32 to vector<16xi32>
    %xor3A_2149 = arith.xori %iota3A, %xor3A_2148 : vector<16xi32>
    %lt3A_2150 = arith.constant 0 : i32
    %lt3A_2151 = vector.broadcast %lt3A_2150 : i32 to vector<16xi32>
    %lt3A_2152 = arith.cmpi slt, %xor3A_2149, %lt3A_2151 : vector<16xi32>
    %add3A_2153 = arith.constant 16 : i32
    %add3A_2154 = vector.broadcast %add3A_2153 : i32 to vector<16xi32>
    %add3A_2155 = arith.addi %xor3A_2149, %add3A_2154 : vector<16xi32>
    %select_n3A_2156 = arith.select %lt3A_2152, %add3A_2155, %xor3A_2149 : vector<16xi1>, vector<16xi32>
    %broadcast_in_dim3A_2157 = vector.shape_cast %select_n3A_2156 : vector<16xi32> to vector<16x1xi32>
    %gather3A_2158 = vector.shape_cast %broadcast_in_dim3A_2157 : vector<16x1xi32> to vector<16xi32>
    %gather3A_2159 = tpu.dynamic_gather %min3A_2146[%gather3A_2158] in [0] : vector<16xi32>, vector<16xi32> -> vector<16xi32>
    %min3A_2160 = arith.minsi %min3A_2146, %gather3A_2159 : vector<16xi32>
    %eq3A_2161 = arith.constant 3 : i32
    %eq3A_2162 = vector.broadcast %eq3A_2161 : i32 to vector<16xi32>
    %eq3A_2163 = arith.cmpi eq, %iota3A, %eq3A_2162 : vector<16xi32>
    %select_n3A_2164 = arith.select %eq3A_2163, %min3A_2160, %select_n3A_2001 : vector<16xi1>, vector<16xi32>
    %add3A_2165 = arith.constant 0 : i32
    %add3A_2166 = vector.broadcast %add3A_2165 : i32 to vector<16xi32>
    %add3A_2167 = arith.addi %iota3A, %add3A_2166 : vector<16xi32>
    %eq3A_2168 = arith.cmpi eq, %add3A_2167, %min3A_2160 : vector<16xi32>
    %select_n3A_2169 = arith.select %eq3A_2168, %broadcast_in_dim3A_3, %select_n3A_2006 : vector<16xi1>, vector<16xf32>
    %add3A_2170 = arith.constant 16 : i32
    %add3A_2171 = vector.broadcast %add3A_2170 : i32 to vector<16xi32>
    %add3A_2172 = arith.addi %iota3A, %add3A_2171 : vector<16xi32>
    %eq3A_2173 = arith.cmpi eq, %add3A_2172, %min3A_2160 : vector<16xi32>
    %select_n3A_2174 = arith.select %eq3A_2173, %broadcast_in_dim3A_3, %select_n3A_2011 : vector<16xi1>, vector<16xf32>
    %add3A_2175 = arith.constant 32 : i32
    %add3A_2176 = vector.broadcast %add3A_2175 : i32 to vector<16xi32>
    %add3A_2177 = arith.addi %iota3A, %add3A_2176 : vector<16xi32>
    %eq3A_2178 = arith.cmpi eq, %add3A_2177, %min3A_2160 : vector<16xi32>
    %select_n3A_2179 = arith.select %eq3A_2178, %broadcast_in_dim3A_3, %select_n3A_2016 : vector<16xi1>, vector<16xf32>
    %add3A_2180 = arith.constant 48 : i32
    %add3A_2181 = vector.broadcast %add3A_2180 : i32 to vector<16xi32>
    %add3A_2182 = arith.addi %iota3A, %add3A_2181 : vector<16xi32>
    %eq3A_2183 = arith.cmpi eq, %add3A_2182, %min3A_2160 : vector<16xi32>
    %select_n3A_2184 = arith.select %eq3A_2183, %broadcast_in_dim3A_3, %select_n3A_2021 : vector<16xi1>, vector<16xf32>
    %swap3A_2185 = arith.constant 1 : i32
    %swap3A_2186 = arith.index_cast %swap3A_2185 : i32 to index
    %swap3A_2187 = arith.constant 0 : index
    %swap3A_2188 = tpu.vector_load %arg6[%swap3A_2186, %swap3A_2187] {strides = array<i32>} : memref<2x16xi32, #tpu.memory_space<vmem>>, vector<1x16xi32>,
    %swap3A_2189 = vector.shape_cast %swap3A_2188 : vector<1x16xi32> to vector<16xi32>
    %swap3A_2190 = vector.shape_cast %select_n3A_2164 : vector<16xi32> to vector<1x16xi32>
    tpu.vector_store %arg6[%swap3A_2186, %swap3A_2187], %swap3A_2190 {strides = array<i32>} : memref<2x16xi32, #tpu.memory_space<vmem>>, vector<1x16xi32>,
    %get3A_2191 = arith.constant 3 : i32
    %get3A_2192 = arith.index_cast %get3A_2191 : i32 to index
    %get3A_2193 = arith.constant 48 : index
    %get3A_2194 = tpu.vector_load %arg5[%get3A_2192, %get3A_2193] {strides = array<i32>} : memref<4x64xf32, #tpu.memory_space<vmem>>, vector<1x16xf32>,
    %get3A_2195 = vector.shape_cast %get3A_2194 : vector<1x16xf32> to vector<16xf32>
    %get3A_2196 = arith.constant 3 : i32
    %get3A_2197 = arith.index_cast %get3A_2196 : i32 to index
    %get3A_2198 = arith.constant 0 : index
    %get3A_2199 = tpu.vector_load %arg5[%get3A_2197, %get3A_2198] {strides = array<i32>} : memref<4x64xf32, #tpu.memory_space<vmem>>, vector<1x16xf32>,
    %get3A_2200 = vector.shape_cast %get3A_2199 : vector<1x16xf32> to vector<16xf32>
    %mul3A_2201 = arith.mulf %get3A_2200, %add3A_1214 : vector<16xf32>
    %add3A_2202 = arith.addf %get3A_2195, %mul3A_2201 : vector<16xf32>
    %get3A_2203 = arith.constant 3 : i32
    %get3A_2204 = arith.index_cast %get3A_2203 : i32 to index
    %get3A_2205 = arith.constant 16 : index
    %get3A_2206 = tpu.vector_load %arg5[%get3A_2204, %get3A_2205] {strides = array<i32>} : memref<4x64xf32, #tpu.memory_space<vmem>>, vector<1x16xf32>,
    %get3A_2207 = vector.shape_cast %get3A_2206 : vector<1x16xf32> to vector<16xf32>
    %mul3A_2208 = arith.mulf %get3A_2207, %add3A_1314 : vector<16xf32>
    %add3A_2209 = arith.addf %add3A_2202, %mul3A_2208 : vector<16xf32>
    %get3A_2210 = arith.constant 3 : i32
    %get3A_2211 = arith.index_cast %get3A_2210 : i32 to index
    %get3A_2212 = arith.constant 32 : index
    %get3A_2213 = tpu.vector_load %arg5[%get3A_2211, %get3A_2212] {strides = array<i32>} : memref<4x64xf32, #tpu.memory_space<vmem>>, vector<1x16xf32>,
    %get3A_2214 = vector.shape_cast %get3A_2213 : vector<1x16xf32> to vector<16xf32>
    %mul3A_2215 = arith.mulf %get3A_2214, %add3A_1414 : vector<16xf32>
    %add3A_2216 = arith.addf %add3A_2209, %mul3A_2215 : vector<16xf32>
    %swap3A_2217 = arith.constant 1 : i32
    %swap3A_2218 = arith.index_cast %swap3A_2217 : i32 to index
    %swap3A_2219 = arith.constant 0 : index
    %swap3A_2220 = tpu.vector_load %arg7[%swap3A_2218, %swap3A_2219] {strides = array<i32>} : memref<2x16xf32, #tpu.memory_space<vmem>>, vector<1x16xf32>,
    %swap3A_2221 = vector.shape_cast %swap3A_2220 : vector<1x16xf32> to vector<16xf32>
    %swap3A_2222 = vector.shape_cast %add3A_2216 : vector<16xf32> to vector<1x16xf32>
    tpu.vector_store %arg7[%swap3A_2218, %swap3A_2219], %swap3A_2222 {strides = array<i32>} : memref<2x16xf32, #tpu.memory_space<vmem>>, vector<1x16xf32>,
    %mul3A_2223 = arith.constant 2 : i32
    %mul3A_2224 = arith.muli %add3A, %mul3A_2223 : i32
    "tpu.region"() ({
      %run_scoped3A = tpu.sem_alloc : memref<!tpu.dma_semaphore, #tpu.memory_space<semaphore_mem>>
      %dma_start3A = arith.constant 0 : i32
      %dma_start3A_2225 = tpu.memref_slice %arg3[%mul3A_2224, %dma_start3A] : memref<64x16xi32, #tpu.memory_space<hbm>> -> memref<2x16xi32, #tpu.memory_space<hbm>>
      %dma_start3A_2226 = arith.constant 0 : i32
      %dma_start3A_2227 = tpu.memref_slice %arg3[%mul3A_2224, %dma_start3A_2226] : memref<64x16xi32, #tpu.memory_space<hbm>> -> memref<2x16xi32, #tpu.memory_space<hbm>>
      tpu.enqueue_dma source(%arg6 : memref<2x16xi32, #tpu.memory_space<vmem>>) target(%dma_start3A_2227 : memref<2x16xi32, #tpu.memory_space<hbm>>) target_semaphore(%run_scoped3A : memref<!tpu.dma_semaphore, #tpu.memory_space<semaphore_mem>>)
      %dma_wait3A = arith.constant 0 : i32
      %dma_wait3A_2228 = tpu.memref_slice %arg3[%mul3A_2224, %dma_wait3A] : memref<64x16xi32, #tpu.memory_space<hbm>> -> memref<2x16xi32, #tpu.memory_space<hbm>>
      %dma_wait3A_2229 = arith.constant 0 : i32
      %dma_wait3A_2230 = tpu.memref_slice %arg3[%mul3A_2224, %dma_wait3A_2229] : memref<64x16xi32, #tpu.memory_space<hbm>> -> memref<2x16xi32, #tpu.memory_space<hbm>>
      tpu.wait_dma2 semaphore(%run_scoped3A : memref<!tpu.dma_semaphore, #tpu.memory_space<semaphore_mem>>) src(%arg6 : memref<2x16xi32, #tpu.memory_space<vmem>>) dst(%dma_wait3A_2230 : memref<2x16xi32, #tpu.memory_space<hbm>>)
      tpu.yield
    }) : () -> ()
    "tpu.region"() ({
      %run_scoped3A = tpu.sem_alloc : memref<!tpu.dma_semaphore, #tpu.memory_space<semaphore_mem>>
      %dma_start3A = arith.constant 0 : i32
      %dma_start3A_2225 = tpu.memref_slice %arg4[%mul3A_2224, %dma_start3A] : memref<64x16xf32, #tpu.memory_space<hbm>> -> memref<2x16xf32, #tpu.memory_space<hbm>>
      %dma_start3A_2226 = arith.constant 0 : i32
      %dma_start3A_2227 = tpu.memref_slice %arg4[%mul3A_2224, %dma_start3A_2226] : memref<64x16xf32, #tpu.memory_space<hbm>> -> memref<2x16xf32, #tpu.memory_space<hbm>>
      tpu.enqueue_dma source(%arg7 : memref<2x16xf32, #tpu.memory_space<vmem>>) target(%dma_start3A_2227 : memref<2x16xf32, #tpu.memory_space<hbm>>) target_semaphore(%run_scoped3A : memref<!tpu.dma_semaphore, #tpu.memory_space<semaphore_mem>>)
      %dma_wait3A = arith.constant 0 : i32
      %dma_wait3A_2228 = tpu.memref_slice %arg4[%mul3A_2224, %dma_wait3A] : memref<64x16xf32, #tpu.memory_space<hbm>> -> memref<2x16xf32, #tpu.memory_space<hbm>>
      %dma_wait3A_2229 = arith.constant 0 : i32
      %dma_wait3A_2230 = tpu.memref_slice %arg4[%mul3A_2224, %dma_wait3A_2229] : memref<64x16xf32, #tpu.memory_space<hbm>> -> memref<2x16xf32, #tpu.memory_space<hbm>>
      tpu.wait_dma2 semaphore(%run_scoped3A : memref<!tpu.dma_semaphore, #tpu.memory_space<semaphore_mem>>) src(%arg7 : memref<2x16xf32, #tpu.memory_space<vmem>>) dst(%dma_wait3A_2230 : memref<2x16xf32, #tpu.memory_space<hbm>>)
      tpu.yield
    }) : () -> ()
    return
  }
}

module attributes {stable_mosaic.version = 14 : i64} {
  func.func @_attn_body(%arg0: i32, %arg1: memref<64x16xi32, #tpu.memory_space<smem>>, %arg2: memref<8x512x16xf32, #tpu.memory_space<vmem>>, %arg3: memref<1x512x16xf32, #tpu.memory_space<vmem>>, %arg4: memref<1x512x16xf32, #tpu.memory_space<vmem>>, %arg5: memref<1x512x16xf32, #tpu.memory_space<vmem>>, %arg6: memref<1x512x16xf32, #tpu.memory_space<vmem>>, %arg7: memref<1x512x16xf32, #tpu.memory_space<vmem>>, %arg8: memref<1x512x16xf32, #tpu.memory_space<vmem>>, %arg9: memref<1x512x16xf32, #tpu.memory_space<vmem>>, %arg10: memref<1x512x16xf32, #tpu.memory_space<vmem>>, %arg11: memref<1x512x16xf32, #tpu.memory_space<vmem>>, %arg12: memref<1x512x16xf32, #tpu.memory_space<vmem>>, %arg13: memref<1x512x16xf32, #tpu.memory_space<vmem>>, %arg14: memref<1x512x16xf32, #tpu.memory_space<vmem>>, %arg15: memref<1x512x16xf32, #tpu.memory_space<vmem>>, %arg16: memref<1x512x16xf32, #tpu.memory_space<vmem>>, %arg17: memref<1x512x16xf32, #tpu.memory_space<vmem>>, %arg18: memref<1x512x16xf32, #tpu.memory_space<vmem>>, %arg19: memref<1x512x16xf32, #tpu.memory_space<vmem>>, %arg20: memref<1x512x16xf32, #tpu.memory_space<vmem>>, %arg21: memref<1x512x16xf32, #tpu.memory_space<vmem>>, %arg22: memref<1x512x16xf32, #tpu.memory_space<vmem>>, %arg23: memref<1x512x16xf32, #tpu.memory_space<vmem>>, %arg24: memref<1x512x16xf32, #tpu.memory_space<vmem>>, %arg25: memref<1x512x16xf32, #tpu.memory_space<vmem>>, %arg26: memref<1x512x16xf32, #tpu.memory_space<vmem>>, %arg27: memref<1x512x16xf32, #tpu.memory_space<vmem>>, %arg28: memref<1x512x16xf32, #tpu.memory_space<vmem>>, %arg29: memref<1x512x16xf32, #tpu.memory_space<vmem>>, %arg30: memref<1x512x16xf32, #tpu.memory_space<vmem>>, %arg31: memref<1x512x16xf32, #tpu.memory_space<vmem>>, %arg32: memref<1x512x16xf32, #tpu.memory_space<vmem>>, %arg33: memref<1x512x16xf32, #tpu.memory_space<vmem>>, %arg34: memref<1x512x16xf32, #tpu.memory_space<vmem>>, %arg35: memref<64x16xf32, #tpu.memory_space<vmem>>, %arg36: memref<1x16xf32, #tpu.memory_space<vmem>>, %arg37: memref<1x16xf32, #tpu.memory_space<vmem>>, %arg38: memref<8x512x16xf32, #tpu.memory_space<vmem>>) attributes {dimension_semantics = [#tpu.dimension_semantics<parallel>], iteration_bounds = array<i64: 8>, scalar_prefetch = 1 : i64, scratch_operands = 0 : i64, tpu.core_type = #tpu.core_type<tc>, window_params = [{transform_indices = @transform_0, window_bounds = array<i64: 8, 512, 16>}, {transform_indices = @transform_1, window_bounds = array<i64: 1, 512, 16>}, {transform_indices = @transform_2, window_bounds = array<i64: 1, 512, 16>}, {transform_indices = @transform_3, window_bounds = array<i64: 1, 512, 16>}, {transform_indices = @transform_4, window_bounds = array<i64: 1, 512, 16>}, {transform_indices = @transform_5, window_bounds = array<i64: 1, 512, 16>}, {transform_indices = @transform_6, window_bounds = array<i64: 1, 512, 16>}, {transform_indices = @transform_7, window_bounds = array<i64: 1, 512, 16>}, {transform_indices = @transform_8, window_bounds = array<i64: 1, 512, 16>}, {transform_indices = @transform_9, window_bounds = array<i64: 1, 512, 16>}, {transform_indices = @transform_10, window_bounds = array<i64: 1, 512, 16>}, {transform_indices = @transform_11, window_bounds = array<i64: 1, 512, 16>}, {transform_indices = @transform_12, window_bounds = array<i64: 1, 512, 16>}, {transform_indices = @transform_13, window_bounds = array<i64: 1, 512, 16>}, {transform_indices = @transform_14, window_bounds = array<i64: 1, 512, 16>}, {transform_indices = @transform_15, window_bounds = array<i64: 1, 512, 16>}, {transform_indices = @transform_16, window_bounds = array<i64: 1, 512, 16>}, {transform_indices = @transform_17, window_bounds = array<i64: 1, 512, 16>}, {transform_indices = @transform_18, window_bounds = array<i64: 1, 512, 16>}, {transform_indices = @transform_19, window_bounds = array<i64: 1, 512, 16>}, {transform_indices = @transform_20, window_bounds = array<i64: 1, 512, 16>}, {transform_indices = @transform_21, window_bounds = array<i64: 1, 512, 16>}, {transform_indices = @transform_22, window_bounds = array<i64: 1, 512, 16>}, {transform_indices = @transform_23, window_bounds = array<i64: 1, 512, 16>}, {transform_indices = @transform_24, window_bounds = array<i64: 1, 512, 16>}, {transform_indices = @transform_25, window_bounds = array<i64: 1, 512, 16>}, {transform_indices = @transform_26, window_bounds = array<i64: 1, 512, 16>}, {transform_indices = @transform_27, window_bounds = array<i64: 1, 512, 16>}, {transform_indices = @transform_28, window_bounds = array<i64: 1, 512, 16>}, {transform_indices = @transform_29, window_bounds = array<i64: 1, 512, 16>}, {transform_indices = @transform_30, window_bounds = array<i64: 1, 512, 16>}, {transform_indices = @transform_31, window_bounds = array<i64: 1, 512, 16>}, {transform_indices = @transform_32, window_bounds = array<i64: 1, 512, 16>}, {pipeline_mode = #tpu.pipeline_mode<synchronous>, transform_indices = @transform_33, window_bounds = array<i64: 64, 16>}, {pipeline_mode = #tpu.pipeline_mode<synchronous>, transform_indices = @transform_34, window_bounds = array<i64: 1, 16>}, {pipeline_mode = #tpu.pipeline_mode<synchronous>, transform_indices = @transform_35, window_bounds = array<i64: 1, 16>}, {transform_indices = @transform_36, window_bounds = array<i64: 8, 512, 16>}]} {
    %get3A = arith.constant 0 : index
    %get3A_0 = arith.constant 0 : index
    %get3A_1 = arith.constant 0 : index
    %get3A_2 = vector.load %arg2[%get3A, %get3A_0, %get3A_1] : memref<8x512x16xf32, #tpu.memory_space<vmem>>, vector<1x512x16xf32>
    %get3A_3 = vector.shape_cast %get3A_2 : vector<1x512x16xf32> to vector<512x16xf32>
    %mul3A = arith.constant 8 : i32
    %mul3A_4 = arith.muli %arg0, %mul3A : i32
    %add3A = arith.constant 0 : i32
    %add3A_5 = arith.addi %mul3A_4, %add3A : i32
    %get3A_6 = arith.index_cast %add3A_5 : i32 to index
    %get3A_7 = arith.constant 0 : index
    %get3A_8 = vector.load %arg35[%get3A_6, %get3A_7] : memref<64x16xf32, #tpu.memory_space<vmem>>, vector<1x16xf32>
    %add3A_9 = vector.broadcast %get3A_8 : vector<1x16xf32> to vector<512x16xf32>
    %add3A_10 = arith.addf %get3A_3, %add3A_9 : vector<512x16xf32>
    %mul3A_11 = arith.constant 2.500000e-01 : f32
    %mul3A_12 = vector.broadcast %mul3A_11 : f32 to vector<512x16xf32>
    %mul3A_13 = arith.mulf %add3A_10, %mul3A_12 : vector<512x16xf32>
    %convert_element_type3A = arith.truncf %mul3A_13 : vector<512x16xf32> to vector<512x16xbf16>
    %broadcast_in_dim3A = arith.constant 0.000000e+00 : f32
    %broadcast_in_dim3A_14 = vector.broadcast %broadcast_in_dim3A : f32 to vector<512x16xf32>
    %get3A_15 = arith.constant 0 : index
    %get3A_16 = arith.constant 0 : index
    %get3A_17 = arith.constant 0 : index
    %get3A_18 = vector.load %arg3[%get3A_15, %get3A_16, %get3A_17] : memref<1x512x16xf32, #tpu.memory_space<vmem>>, vector<1x512x16xf32>
    %get3A_19 = vector.shape_cast %get3A_18 : vector<1x512x16xf32> to vector<512x16xf32>
    %get3A_20 = arith.index_cast %add3A_5 : i32 to index
    %get3A_21 = arith.constant 0 : index
    %get3A_22 = memref.load %arg1[%get3A_20, %get3A_21] : memref<64x16xi32, #tpu.memory_space<smem>>
    %get3A_23 = arith.index_cast %get3A_22 : i32 to index
    %get3A_24 = arith.constant 0 : index
    %get3A_25 = vector.load %arg35[%get3A_23, %get3A_24] : memref<64x16xf32, #tpu.memory_space<vmem>>, vector<1x16xf32>
    %add3A_26 = vector.broadcast %get3A_25 : vector<1x16xf32> to vector<512x16xf32>
    %add3A_27 = arith.addf %get3A_19, %add3A_26 : vector<512x16xf32>
    %convert_element_type3A_28 = arith.truncf %add3A_27 : vector<512x16xf32> to vector<512x16xbf16>
    %dot_general3A = arith.constant dense<0.000000e+00> : vector<512x512xf32>
    %dot_general3A_29 = tpu.matmul %convert_element_type3A, %convert_element_type3A_28, %dot_general3A {dimension_numbers = #tpu.dot_dimension_numbers<[1], [1], [0], [0], [0, 0, 1, 0], [], []>, transpose_lhs_hint = false} : vector<512x16xbf16>, vector<512x16xbf16>, vector<512x512xf32> -> vector<512x512xf32>
    %exp3A = math.exp %dot_general3A_29 : vector<512x512xf32>
    %convert_element_type3A_30 = arith.truncf %exp3A : vector<512x512xf32> to vector<512x512xbf16>
    %convert_element_type3A_31 = arith.truncf %get3A_19 : vector<512x16xf32> to vector<512x16xbf16>
    %broadcast_in_dim3A_32 = arith.constant 1.000000e+00 : bf16
    %broadcast_in_dim3A_33 = vector.broadcast %broadcast_in_dim3A_32 : bf16 to vector<512x16xbf16>
    %concatenate3A = tpu.concatenate %convert_element_type3A_31, %broadcast_in_dim3A_33 in 1 : vector<512x16xbf16>, vector<512x16xbf16> -> vector<512x32xbf16>
    %dot_general3A_34 = arith.constant dense<0.000000e+00> : vector<512x32xf32>
    %dot_general3A_35 = tpu.matmul %convert_element_type3A_30, %concatenate3A, %dot_general3A_34 {dimension_numbers = #tpu.dot_dimension_numbers<[1], [0], [0], [1], [0, 0, 1, 1], [], []>, transpose_lhs_hint = false} : vector<512x512xbf16>, vector<512x32xbf16>, vector<512x32xf32> -> vector<512x32xf32>
    %slice3A = vector.extract_strided_slice %dot_general3A_35 {offsets = [0, 0], sizes = [512, 16], strides = [1, 1]} : vector<512x32xf32> to vector<512x16xf32>
    %slice3A_36 = vector.extract_strided_slice %dot_general3A_35 {offsets = [0, 16], sizes = [512, 16], strides = [1, 1]} : vector<512x32xf32> to vector<512x16xf32>
    %div3A = arith.divf %slice3A, %slice3A_36 : vector<512x16xf32>
    %add3A_37 = arith.addf %broadcast_in_dim3A_14, %div3A : vector<512x16xf32>
    %get3A_38 = arith.constant 0 : index
    %get3A_39 = arith.constant 0 : index
    %get3A_40 = arith.constant 0 : index
    %get3A_41 = vector.load %arg4[%get3A_38, %get3A_39, %get3A_40] : memref<1x512x16xf32, #tpu.memory_space<vmem>>, vector<1x512x16xf32>
    %get3A_42 = vector.shape_cast %get3A_41 : vector<1x512x16xf32> to vector<512x16xf32>
    %get3A_43 = arith.index_cast %add3A_5 : i32 to index
    %get3A_44 = arith.constant 1 : index
    %get3A_45 = memref.load %arg1[%get3A_43, %get3A_44] : memref<64x16xi32, #tpu.memory_space<smem>>
    %get3A_46 = arith.index_cast %get3A_45 : i32 to index
    %get3A_47 = arith.constant 0 : index
    %get3A_48 = vector.load %arg35[%get3A_46, %get3A_47] : memref<64x16xf32, #tpu.memory_space<vmem>>, vector<1x16xf32>
    %add3A_49 = vector.broadcast %get3A_48 : vector<1x16xf32> to vector<512x16xf32>
    %add3A_50 = arith.addf %get3A_42, %add3A_49 : vector<512x16xf32>
    %convert_element_type3A_51 = arith.truncf %add3A_50 : vector<512x16xf32> to vector<512x16xbf16>
    %dot_general3A_52 = arith.constant dense<0.000000e+00> : vector<512x512xf32>
    %dot_general3A_53 = tpu.matmul %convert_element_type3A, %convert_element_type3A_51, %dot_general3A_52 {dimension_numbers = #tpu.dot_dimension_numbers<[1], [1], [0], [0], [0, 0, 1, 0], [], []>, transpose_lhs_hint = false} : vector<512x16xbf16>, vector<512x16xbf16>, vector<512x512xf32> -> vector<512x512xf32>
    %exp3A_54 = math.exp %dot_general3A_53 : vector<512x512xf32>
    %convert_element_type3A_55 = arith.truncf %exp3A_54 : vector<512x512xf32> to vector<512x512xbf16>
    %convert_element_type3A_56 = arith.truncf %get3A_42 : vector<512x16xf32> to vector<512x16xbf16>
    %broadcast_in_dim3A_57 = arith.constant 1.000000e+00 : bf16
    %broadcast_in_dim3A_58 = vector.broadcast %broadcast_in_dim3A_57 : bf16 to vector<512x16xbf16>
    %concatenate3A_59 = tpu.concatenate %convert_element_type3A_56, %broadcast_in_dim3A_58 in 1 : vector<512x16xbf16>, vector<512x16xbf16> -> vector<512x32xbf16>
    %dot_general3A_60 = arith.constant dense<0.000000e+00> : vector<512x32xf32>
    %dot_general3A_61 = tpu.matmul %convert_element_type3A_55, %concatenate3A_59, %dot_general3A_60 {dimension_numbers = #tpu.dot_dimension_numbers<[1], [0], [0], [1], [0, 0, 1, 1], [], []>, transpose_lhs_hint = false} : vector<512x512xbf16>, vector<512x32xbf16>, vector<512x32xf32> -> vector<512x32xf32>
    %slice3A_62 = vector.extract_strided_slice %dot_general3A_61 {offsets = [0, 0], sizes = [512, 16], strides = [1, 1]} : vector<512x32xf32> to vector<512x16xf32>
    %slice3A_63 = vector.extract_strided_slice %dot_general3A_61 {offsets = [0, 16], sizes = [512, 16], strides = [1, 1]} : vector<512x32xf32> to vector<512x16xf32>
    %div3A_64 = arith.divf %slice3A_62, %slice3A_63 : vector<512x16xf32>
    %add3A_65 = arith.addf %add3A_37, %div3A_64 : vector<512x16xf32>
    %get3A_66 = arith.constant 0 : index
    %get3A_67 = arith.constant 0 : index
    %get3A_68 = arith.constant 0 : index
    %get3A_69 = vector.load %arg5[%get3A_66, %get3A_67, %get3A_68] : memref<1x512x16xf32, #tpu.memory_space<vmem>>, vector<1x512x16xf32>
    %get3A_70 = vector.shape_cast %get3A_69 : vector<1x512x16xf32> to vector<512x16xf32>
    %get3A_71 = arith.index_cast %add3A_5 : i32 to index
    %get3A_72 = arith.constant 2 : index
    %get3A_73 = memref.load %arg1[%get3A_71, %get3A_72] : memref<64x16xi32, #tpu.memory_space<smem>>
    %get3A_74 = arith.index_cast %get3A_73 : i32 to index
    %get3A_75 = arith.constant 0 : index
    %get3A_76 = vector.load %arg35[%get3A_74, %get3A_75] : memref<64x16xf32, #tpu.memory_space<vmem>>, vector<1x16xf32>
    %add3A_77 = vector.broadcast %get3A_76 : vector<1x16xf32> to vector<512x16xf32>
    %add3A_78 = arith.addf %get3A_70, %add3A_77 : vector<512x16xf32>
    %convert_element_type3A_79 = arith.truncf %add3A_78 : vector<512x16xf32> to vector<512x16xbf16>
    %dot_general3A_80 = arith.constant dense<0.000000e+00> : vector<512x512xf32>
    %dot_general3A_81 = tpu.matmul %convert_element_type3A, %convert_element_type3A_79, %dot_general3A_80 {dimension_numbers = #tpu.dot_dimension_numbers<[1], [1], [0], [0], [0, 0, 1, 0], [], []>, transpose_lhs_hint = false} : vector<512x16xbf16>, vector<512x16xbf16>, vector<512x512xf32> -> vector<512x512xf32>
    %exp3A_82 = math.exp %dot_general3A_81 : vector<512x512xf32>
    %convert_element_type3A_83 = arith.truncf %exp3A_82 : vector<512x512xf32> to vector<512x512xbf16>
    %convert_element_type3A_84 = arith.truncf %get3A_70 : vector<512x16xf32> to vector<512x16xbf16>
    %broadcast_in_dim3A_85 = arith.constant 1.000000e+00 : bf16
    %broadcast_in_dim3A_86 = vector.broadcast %broadcast_in_dim3A_85 : bf16 to vector<512x16xbf16>
    %concatenate3A_87 = tpu.concatenate %convert_element_type3A_84, %broadcast_in_dim3A_86 in 1 : vector<512x16xbf16>, vector<512x16xbf16> -> vector<512x32xbf16>
    %dot_general3A_88 = arith.constant dense<0.000000e+00> : vector<512x32xf32>
    %dot_general3A_89 = tpu.matmul %convert_element_type3A_83, %concatenate3A_87, %dot_general3A_88 {dimension_numbers = #tpu.dot_dimension_numbers<[1], [0], [0], [1], [0, 0, 1, 1], [], []>, transpose_lhs_hint = false} : vector<512x512xbf16>, vector<512x32xbf16>, vector<512x32xf32> -> vector<512x32xf32>
    %slice3A_90 = vector.extract_strided_slice %dot_general3A_89 {offsets = [0, 0], sizes = [512, 16], strides = [1, 1]} : vector<512x32xf32> to vector<512x16xf32>
    %slice3A_91 = vector.extract_strided_slice %dot_general3A_89 {offsets = [0, 16], sizes = [512, 16], strides = [1, 1]} : vector<512x32xf32> to vector<512x16xf32>
    %div3A_92 = arith.divf %slice3A_90, %slice3A_91 : vector<512x16xf32>
    %add3A_93 = arith.addf %add3A_65, %div3A_92 : vector<512x16xf32>
    %get3A_94 = arith.constant 0 : index
    %get3A_95 = arith.constant 0 : index
    %get3A_96 = arith.constant 0 : index
    %get3A_97 = vector.load %arg6[%get3A_94, %get3A_95, %get3A_96] : memref<1x512x16xf32, #tpu.memory_space<vmem>>, vector<1x512x16xf32>
    %get3A_98 = vector.shape_cast %get3A_97 : vector<1x512x16xf32> to vector<512x16xf32>
    %get3A_99 = arith.index_cast %add3A_5 : i32 to index
    %get3A_100 = arith.constant 3 : index
    %get3A_101 = memref.load %arg1[%get3A_99, %get3A_100] : memref<64x16xi32, #tpu.memory_space<smem>>
    %get3A_102 = arith.index_cast %get3A_101 : i32 to index
    %get3A_103 = arith.constant 0 : index
    %get3A_104 = vector.load %arg35[%get3A_102, %get3A_103] : memref<64x16xf32, #tpu.memory_space<vmem>>, vector<1x16xf32>
    %add3A_105 = vector.broadcast %get3A_104 : vector<1x16xf32> to vector<512x16xf32>
    %add3A_106 = arith.addf %get3A_98, %add3A_105 : vector<512x16xf32>
    %convert_element_type3A_107 = arith.truncf %add3A_106 : vector<512x16xf32> to vector<512x16xbf16>
    %dot_general3A_108 = arith.constant dense<0.000000e+00> : vector<512x512xf32>
    %dot_general3A_109 = tpu.matmul %convert_element_type3A, %convert_element_type3A_107, %dot_general3A_108 {dimension_numbers = #tpu.dot_dimension_numbers<[1], [1], [0], [0], [0, 0, 1, 0], [], []>, transpose_lhs_hint = false} : vector<512x16xbf16>, vector<512x16xbf16>, vector<512x512xf32> -> vector<512x512xf32>
    %exp3A_110 = math.exp %dot_general3A_109 : vector<512x512xf32>
    %convert_element_type3A_111 = arith.truncf %exp3A_110 : vector<512x512xf32> to vector<512x512xbf16>
    %convert_element_type3A_112 = arith.truncf %get3A_98 : vector<512x16xf32> to vector<512x16xbf16>
    %broadcast_in_dim3A_113 = arith.constant 1.000000e+00 : bf16
    %broadcast_in_dim3A_114 = vector.broadcast %broadcast_in_dim3A_113 : bf16 to vector<512x16xbf16>
    %concatenate3A_115 = tpu.concatenate %convert_element_type3A_112, %broadcast_in_dim3A_114 in 1 : vector<512x16xbf16>, vector<512x16xbf16> -> vector<512x32xbf16>
    %dot_general3A_116 = arith.constant dense<0.000000e+00> : vector<512x32xf32>
    %dot_general3A_117 = tpu.matmul %convert_element_type3A_111, %concatenate3A_115, %dot_general3A_116 {dimension_numbers = #tpu.dot_dimension_numbers<[1], [0], [0], [1], [0, 0, 1, 1], [], []>, transpose_lhs_hint = false} : vector<512x512xbf16>, vector<512x32xbf16>, vector<512x32xf32> -> vector<512x32xf32>
    %slice3A_118 = vector.extract_strided_slice %dot_general3A_117 {offsets = [0, 0], sizes = [512, 16], strides = [1, 1]} : vector<512x32xf32> to vector<512x16xf32>
    %slice3A_119 = vector.extract_strided_slice %dot_general3A_117 {offsets = [0, 16], sizes = [512, 16], strides = [1, 1]} : vector<512x32xf32> to vector<512x16xf32>
    %div3A_120 = arith.divf %slice3A_118, %slice3A_119 : vector<512x16xf32>
    %add3A_121 = arith.addf %add3A_93, %div3A_120 : vector<512x16xf32>
    %mul3A_122 = arith.constant 2.000000e-01 : f32
    %mul3A_123 = vector.broadcast %mul3A_122 : f32 to vector<512x16xf32>
    %mul3A_124 = arith.mulf %mul3A_123, %add3A_121 : vector<512x16xf32>
    %add3A_125 = arith.addf %get3A_3, %mul3A_124 : vector<512x16xf32>
    %reduce_sum3A = arith.constant dense<0.000000e+00> : vector<512xf32>
    %reduce_sum3A_126 = vector.multi_reduction <add>, %add3A_125, %reduce_sum3A [1] : vector<512x16xf32> to vector<512xf32>
    %broadcast_in_dim3A_127 = vector.shape_cast %reduce_sum3A_126 : vector<512xf32> to vector<512x1xf32>
    %div3A_128 = arith.constant 1.600000e+01 : f32
    %div3A_129 = vector.broadcast %div3A_128 : f32 to vector<512x1xf32>
    %div3A_130 = arith.divf %broadcast_in_dim3A_127, %div3A_129 : vector<512x1xf32>
    %sub3A = vector.broadcast %div3A_130 : vector<512x1xf32> to vector<512x16xf32>
    %sub3A_131 = arith.subf %add3A_125, %sub3A : vector<512x16xf32>
    %mul3A_132 = arith.mulf %sub3A_131, %sub3A_131 : vector<512x16xf32>
    %reduce_sum3A_133 = arith.constant dense<0.000000e+00> : vector<512xf32>
    %reduce_sum3A_134 = vector.multi_reduction <add>, %mul3A_132, %reduce_sum3A_133 [1] : vector<512x16xf32> to vector<512xf32>
    %broadcast_in_dim3A_135 = vector.shape_cast %reduce_sum3A_134 : vector<512xf32> to vector<512x1xf32>
    %div3A_136 = arith.constant 1.600000e+01 : f32
    %div3A_137 = vector.broadcast %div3A_136 : f32 to vector<512x1xf32>
    %div3A_138 = arith.divf %broadcast_in_dim3A_135, %div3A_137 : vector<512x1xf32>
    %add3A_139 = arith.constant 9.99999974E-6 : f32
    %add3A_140 = vector.broadcast %add3A_139 : f32 to vector<512x1xf32>
    %add3A_141 = arith.addf %div3A_138, %add3A_140 : vector<512x1xf32>
    %rsqrt3A = math.rsqrt %add3A_141 : vector<512x1xf32>
    %mul3A_142 = vector.broadcast %rsqrt3A : vector<512x1xf32> to vector<512x16xf32>
    %mul3A_143 = arith.mulf %sub3A_131, %mul3A_142 : vector<512x16xf32>
    %get3A_144 = arith.constant 0 : index
    %get3A_145 = arith.constant 0 : index
    %get3A_146 = vector.load %arg36[%get3A_144, %get3A_145] : memref<1x16xf32, #tpu.memory_space<vmem>>, vector<1x16xf32>
    %mul3A_147 = vector.broadcast %get3A_146 : vector<1x16xf32> to vector<512x16xf32>
    %mul3A_148 = arith.mulf %mul3A_143, %mul3A_147 : vector<512x16xf32>
    %get3A_149 = arith.constant 0 : index
    %get3A_150 = arith.constant 0 : index
    %get3A_151 = vector.load %arg37[%get3A_149, %get3A_150] : memref<1x16xf32, #tpu.memory_space<vmem>>, vector<1x16xf32>
    %add3A_152 = vector.broadcast %get3A_151 : vector<1x16xf32> to vector<512x16xf32>
    %add3A_153 = arith.addf %mul3A_148, %add3A_152 : vector<512x16xf32>
    %swap3A = arith.constant 0 : index
    %swap3A_154 = arith.constant 0 : index
    %swap3A_155 = arith.constant 0 : index
    %swap3A_156 = vector.load %arg38[%swap3A, %swap3A_154, %swap3A_155] : memref<8x512x16xf32, #tpu.memory_space<vmem>>, vector<1x512x16xf32>
    %swap3A_157 = vector.shape_cast %swap3A_156 : vector<1x512x16xf32> to vector<512x16xf32>
    %swap3A_158 = vector.shape_cast %add3A_153 : vector<512x16xf32> to vector<1x512x16xf32>
    tpu.vector_store %arg38[%swap3A, %swap3A_154, %swap3A_155], %swap3A_158 {strides = array<i32>} : memref<8x512x16xf32, #tpu.memory_space<vmem>>, vector<1x512x16xf32>,
    %get3A_159 = arith.constant 1 : index
    %get3A_160 = arith.constant 0 : index
    %get3A_161 = arith.constant 0 : index
    %get3A_162 = vector.load %arg2[%get3A_159, %get3A_160, %get3A_161] : memref<8x512x16xf32, #tpu.memory_space<vmem>>, vector<1x512x16xf32>
    %get3A_163 = vector.shape_cast %get3A_162 : vector<1x512x16xf32> to vector<512x16xf32>
    %mul3A_164 = arith.constant 8 : i32
    %mul3A_165 = arith.muli %arg0, %mul3A_164 : i32
    %add3A_166 = arith.constant 1 : i32
    %add3A_167 = arith.addi %mul3A_165, %add3A_166 : i32
    %get3A_168 = arith.index_cast %add3A_167 : i32 to index
    %get3A_169 = arith.constant 0 : index
    %get3A_170 = vector.load %arg35[%get3A_168, %get3A_169] : memref<64x16xf32, #tpu.memory_space<vmem>>, vector<1x16xf32>
    %add3A_171 = vector.broadcast %get3A_170 : vector<1x16xf32> to vector<512x16xf32>
    %add3A_172 = arith.addf %get3A_163, %add3A_171 : vector<512x16xf32>
    %mul3A_173 = arith.constant 2.500000e-01 : f32
    %mul3A_174 = vector.broadcast %mul3A_173 : f32 to vector<512x16xf32>
    %mul3A_175 = arith.mulf %add3A_172, %mul3A_174 : vector<512x16xf32>
    %convert_element_type3A_176 = arith.truncf %mul3A_175 : vector<512x16xf32> to vector<512x16xbf16>
    %broadcast_in_dim3A_177 = arith.constant 0.000000e+00 : f32
    %broadcast_in_dim3A_178 = vector.broadcast %broadcast_in_dim3A_177 : f32 to vector<512x16xf32>
    %get3A_179 = arith.constant 0 : index
    %get3A_180 = arith.constant 0 : index
    %get3A_181 = arith.constant 0 : index
    %get3A_182 = vector.load %arg7[%get3A_179, %get3A_180, %get3A_181] : memref<1x512x16xf32, #tpu.memory_space<vmem>>, vector<1x512x16xf32>
    %get3A_183 = vector.shape_cast %get3A_182 : vector<1x512x16xf32> to vector<512x16xf32>
    %get3A_184 = arith.index_cast %add3A_167 : i32 to index
    %get3A_185 = arith.constant 0 : index
    %get3A_186 = memref.load %arg1[%get3A_184, %get3A_185] : memref<64x16xi32, #tpu.memory_space<smem>>
    %get3A_187 = arith.index_cast %get3A_186 : i32 to index
    %get3A_188 = arith.constant 0 : index
    %get3A_189 = vector.load %arg35[%get3A_187, %get3A_188] : memref<64x16xf32, #tpu.memory_space<vmem>>, vector<1x16xf32>
    %add3A_190 = vector.broadcast %get3A_189 : vector<1x16xf32> to vector<512x16xf32>
    %add3A_191 = arith.addf %get3A_183, %add3A_190 : vector<512x16xf32>
    %convert_element_type3A_192 = arith.truncf %add3A_191 : vector<512x16xf32> to vector<512x16xbf16>
    %dot_general3A_193 = arith.constant dense<0.000000e+00> : vector<512x512xf32>
    %dot_general3A_194 = tpu.matmul %convert_element_type3A_176, %convert_element_type3A_192, %dot_general3A_193 {dimension_numbers = #tpu.dot_dimension_numbers<[1], [1], [0], [0], [0, 0, 1, 0], [], []>, transpose_lhs_hint = false} : vector<512x16xbf16>, vector<512x16xbf16>, vector<512x512xf32> -> vector<512x512xf32>
    %exp3A_195 = math.exp %dot_general3A_194 : vector<512x512xf32>
    %convert_element_type3A_196 = arith.truncf %exp3A_195 : vector<512x512xf32> to vector<512x512xbf16>
    %convert_element_type3A_197 = arith.truncf %get3A_183 : vector<512x16xf32> to vector<512x16xbf16>
    %broadcast_in_dim3A_198 = arith.constant 1.000000e+00 : bf16
    %broadcast_in_dim3A_199 = vector.broadcast %broadcast_in_dim3A_198 : bf16 to vector<512x16xbf16>
    %concatenate3A_200 = tpu.concatenate %convert_element_type3A_197, %broadcast_in_dim3A_199 in 1 : vector<512x16xbf16>, vector<512x16xbf16> -> vector<512x32xbf16>
    %dot_general3A_201 = arith.constant dense<0.000000e+00> : vector<512x32xf32>
    %dot_general3A_202 = tpu.matmul %convert_element_type3A_196, %concatenate3A_200, %dot_general3A_201 {dimension_numbers = #tpu.dot_dimension_numbers<[1], [0], [0], [1], [0, 0, 1, 1], [], []>, transpose_lhs_hint = false} : vector<512x512xbf16>, vector<512x32xbf16>, vector<512x32xf32> -> vector<512x32xf32>
    %slice3A_203 = vector.extract_strided_slice %dot_general3A_202 {offsets = [0, 0], sizes = [512, 16], strides = [1, 1]} : vector<512x32xf32> to vector<512x16xf32>
    %slice3A_204 = vector.extract_strided_slice %dot_general3A_202 {offsets = [0, 16], sizes = [512, 16], strides = [1, 1]} : vector<512x32xf32> to vector<512x16xf32>
    %div3A_205 = arith.divf %slice3A_203, %slice3A_204 : vector<512x16xf32>
    %add3A_206 = arith.addf %broadcast_in_dim3A_178, %div3A_205 : vector<512x16xf32>
    %get3A_207 = arith.constant 0 : index
    %get3A_208 = arith.constant 0 : index
    %get3A_209 = arith.constant 0 : index
    %get3A_210 = vector.load %arg8[%get3A_207, %get3A_208, %get3A_209] : memref<1x512x16xf32, #tpu.memory_space<vmem>>, vector<1x512x16xf32>
    %get3A_211 = vector.shape_cast %get3A_210 : vector<1x512x16xf32> to vector<512x16xf32>
    %get3A_212 = arith.index_cast %add3A_167 : i32 to index
    %get3A_213 = arith.constant 1 : index
    %get3A_214 = memref.load %arg1[%get3A_212, %get3A_213] : memref<64x16xi32, #tpu.memory_space<smem>>
    %get3A_215 = arith.index_cast %get3A_214 : i32 to index
    %get3A_216 = arith.constant 0 : index
    %get3A_217 = vector.load %arg35[%get3A_215, %get3A_216] : memref<64x16xf32, #tpu.memory_space<vmem>>, vector<1x16xf32>
    %add3A_218 = vector.broadcast %get3A_217 : vector<1x16xf32> to vector<512x16xf32>
    %add3A_219 = arith.addf %get3A_211, %add3A_218 : vector<512x16xf32>
    %convert_element_type3A_220 = arith.truncf %add3A_219 : vector<512x16xf32> to vector<512x16xbf16>
    %dot_general3A_221 = arith.constant dense<0.000000e+00> : vector<512x512xf32>
    %dot_general3A_222 = tpu.matmul %convert_element_type3A_176, %convert_element_type3A_220, %dot_general3A_221 {dimension_numbers = #tpu.dot_dimension_numbers<[1], [1], [0], [0], [0, 0, 1, 0], [], []>, transpose_lhs_hint = false} : vector<512x16xbf16>, vector<512x16xbf16>, vector<512x512xf32> -> vector<512x512xf32>
    %exp3A_223 = math.exp %dot_general3A_222 : vector<512x512xf32>
    %convert_element_type3A_224 = arith.truncf %exp3A_223 : vector<512x512xf32> to vector<512x512xbf16>
    %convert_element_type3A_225 = arith.truncf %get3A_211 : vector<512x16xf32> to vector<512x16xbf16>
    %broadcast_in_dim3A_226 = arith.constant 1.000000e+00 : bf16
    %broadcast_in_dim3A_227 = vector.broadcast %broadcast_in_dim3A_226 : bf16 to vector<512x16xbf16>
    %concatenate3A_228 = tpu.concatenate %convert_element_type3A_225, %broadcast_in_dim3A_227 in 1 : vector<512x16xbf16>, vector<512x16xbf16> -> vector<512x32xbf16>
    %dot_general3A_229 = arith.constant dense<0.000000e+00> : vector<512x32xf32>
    %dot_general3A_230 = tpu.matmul %convert_element_type3A_224, %concatenate3A_228, %dot_general3A_229 {dimension_numbers = #tpu.dot_dimension_numbers<[1], [0], [0], [1], [0, 0, 1, 1], [], []>, transpose_lhs_hint = false} : vector<512x512xbf16>, vector<512x32xbf16>, vector<512x32xf32> -> vector<512x32xf32>
    %slice3A_231 = vector.extract_strided_slice %dot_general3A_230 {offsets = [0, 0], sizes = [512, 16], strides = [1, 1]} : vector<512x32xf32> to vector<512x16xf32>
    %slice3A_232 = vector.extract_strided_slice %dot_general3A_230 {offsets = [0, 16], sizes = [512, 16], strides = [1, 1]} : vector<512x32xf32> to vector<512x16xf32>
    %div3A_233 = arith.divf %slice3A_231, %slice3A_232 : vector<512x16xf32>
    %add3A_234 = arith.addf %add3A_206, %div3A_233 : vector<512x16xf32>
    %get3A_235 = arith.constant 0 : index
    %get3A_236 = arith.constant 0 : index
    %get3A_237 = arith.constant 0 : index
    %get3A_238 = vector.load %arg9[%get3A_235, %get3A_236, %get3A_237] : memref<1x512x16xf32, #tpu.memory_space<vmem>>, vector<1x512x16xf32>
    %get3A_239 = vector.shape_cast %get3A_238 : vector<1x512x16xf32> to vector<512x16xf32>
    %get3A_240 = arith.index_cast %add3A_167 : i32 to index
    %get3A_241 = arith.constant 2 : index
    %get3A_242 = memref.load %arg1[%get3A_240, %get3A_241] : memref<64x16xi32, #tpu.memory_space<smem>>
    %get3A_243 = arith.index_cast %get3A_242 : i32 to index
    %get3A_244 = arith.constant 0 : index
    %get3A_245 = vector.load %arg35[%get3A_243, %get3A_244] : memref<64x16xf32, #tpu.memory_space<vmem>>, vector<1x16xf32>
    %add3A_246 = vector.broadcast %get3A_245 : vector<1x16xf32> to vector<512x16xf32>
    %add3A_247 = arith.addf %get3A_239, %add3A_246 : vector<512x16xf32>
    %convert_element_type3A_248 = arith.truncf %add3A_247 : vector<512x16xf32> to vector<512x16xbf16>
    %dot_general3A_249 = arith.constant dense<0.000000e+00> : vector<512x512xf32>
    %dot_general3A_250 = tpu.matmul %convert_element_type3A_176, %convert_element_type3A_248, %dot_general3A_249 {dimension_numbers = #tpu.dot_dimension_numbers<[1], [1], [0], [0], [0, 0, 1, 0], [], []>, transpose_lhs_hint = false} : vector<512x16xbf16>, vector<512x16xbf16>, vector<512x512xf32> -> vector<512x512xf32>
    %exp3A_251 = math.exp %dot_general3A_250 : vector<512x512xf32>
    %convert_element_type3A_252 = arith.truncf %exp3A_251 : vector<512x512xf32> to vector<512x512xbf16>
    %convert_element_type3A_253 = arith.truncf %get3A_239 : vector<512x16xf32> to vector<512x16xbf16>
    %broadcast_in_dim3A_254 = arith.constant 1.000000e+00 : bf16
    %broadcast_in_dim3A_255 = vector.broadcast %broadcast_in_dim3A_254 : bf16 to vector<512x16xbf16>
    %concatenate3A_256 = tpu.concatenate %convert_element_type3A_253, %broadcast_in_dim3A_255 in 1 : vector<512x16xbf16>, vector<512x16xbf16> -> vector<512x32xbf16>
    %dot_general3A_257 = arith.constant dense<0.000000e+00> : vector<512x32xf32>
    %dot_general3A_258 = tpu.matmul %convert_element_type3A_252, %concatenate3A_256, %dot_general3A_257 {dimension_numbers = #tpu.dot_dimension_numbers<[1], [0], [0], [1], [0, 0, 1, 1], [], []>, transpose_lhs_hint = false} : vector<512x512xbf16>, vector<512x32xbf16>, vector<512x32xf32> -> vector<512x32xf32>
    %slice3A_259 = vector.extract_strided_slice %dot_general3A_258 {offsets = [0, 0], sizes = [512, 16], strides = [1, 1]} : vector<512x32xf32> to vector<512x16xf32>
    %slice3A_260 = vector.extract_strided_slice %dot_general3A_258 {offsets = [0, 16], sizes = [512, 16], strides = [1, 1]} : vector<512x32xf32> to vector<512x16xf32>
    %div3A_261 = arith.divf %slice3A_259, %slice3A_260 : vector<512x16xf32>
    %add3A_262 = arith.addf %add3A_234, %div3A_261 : vector<512x16xf32>
    %get3A_263 = arith.constant 0 : index
    %get3A_264 = arith.constant 0 : index
    %get3A_265 = arith.constant 0 : index
    %get3A_266 = vector.load %arg10[%get3A_263, %get3A_264, %get3A_265] : memref<1x512x16xf32, #tpu.memory_space<vmem>>, vector<1x512x16xf32>
    %get3A_267 = vector.shape_cast %get3A_266 : vector<1x512x16xf32> to vector<512x16xf32>
    %get3A_268 = arith.index_cast %add3A_167 : i32 to index
    %get3A_269 = arith.constant 3 : index
    %get3A_270 = memref.load %arg1[%get3A_268, %get3A_269] : memref<64x16xi32, #tpu.memory_space<smem>>
    %get3A_271 = arith.index_cast %get3A_270 : i32 to index
    %get3A_272 = arith.constant 0 : index
    %get3A_273 = vector.load %arg35[%get3A_271, %get3A_272] : memref<64x16xf32, #tpu.memory_space<vmem>>, vector<1x16xf32>
    %add3A_274 = vector.broadcast %get3A_273 : vector<1x16xf32> to vector<512x16xf32>
    %add3A_275 = arith.addf %get3A_267, %add3A_274 : vector<512x16xf32>
    %convert_element_type3A_276 = arith.truncf %add3A_275 : vector<512x16xf32> to vector<512x16xbf16>
    %dot_general3A_277 = arith.constant dense<0.000000e+00> : vector<512x512xf32>
    %dot_general3A_278 = tpu.matmul %convert_element_type3A_176, %convert_element_type3A_276, %dot_general3A_277 {dimension_numbers = #tpu.dot_dimension_numbers<[1], [1], [0], [0], [0, 0, 1, 0], [], []>, transpose_lhs_hint = false} : vector<512x16xbf16>, vector<512x16xbf16>, vector<512x512xf32> -> vector<512x512xf32>
    %exp3A_279 = math.exp %dot_general3A_278 : vector<512x512xf32>
    %convert_element_type3A_280 = arith.truncf %exp3A_279 : vector<512x512xf32> to vector<512x512xbf16>
    %convert_element_type3A_281 = arith.truncf %get3A_267 : vector<512x16xf32> to vector<512x16xbf16>
    %broadcast_in_dim3A_282 = arith.constant 1.000000e+00 : bf16
    %broadcast_in_dim3A_283 = vector.broadcast %broadcast_in_dim3A_282 : bf16 to vector<512x16xbf16>
    %concatenate3A_284 = tpu.concatenate %convert_element_type3A_281, %broadcast_in_dim3A_283 in 1 : vector<512x16xbf16>, vector<512x16xbf16> -> vector<512x32xbf16>
    %dot_general3A_285 = arith.constant dense<0.000000e+00> : vector<512x32xf32>
    %dot_general3A_286 = tpu.matmul %convert_element_type3A_280, %concatenate3A_284, %dot_general3A_285 {dimension_numbers = #tpu.dot_dimension_numbers<[1], [0], [0], [1], [0, 0, 1, 1], [], []>, transpose_lhs_hint = false} : vector<512x512xbf16>, vector<512x32xbf16>, vector<512x32xf32> -> vector<512x32xf32>
    %slice3A_287 = vector.extract_strided_slice %dot_general3A_286 {offsets = [0, 0], sizes = [512, 16], strides = [1, 1]} : vector<512x32xf32> to vector<512x16xf32>
    %slice3A_288 = vector.extract_strided_slice %dot_general3A_286 {offsets = [0, 16], sizes = [512, 16], strides = [1, 1]} : vector<512x32xf32> to vector<512x16xf32>
    %div3A_289 = arith.divf %slice3A_287, %slice3A_288 : vector<512x16xf32>
    %add3A_290 = arith.addf %add3A_262, %div3A_289 : vector<512x16xf32>
    %mul3A_291 = arith.constant 2.000000e-01 : f32
    %mul3A_292 = vector.broadcast %mul3A_291 : f32 to vector<512x16xf32>
    %mul3A_293 = arith.mulf %mul3A_292, %add3A_290 : vector<512x16xf32>
    %add3A_294 = arith.addf %get3A_163, %mul3A_293 : vector<512x16xf32>
    %reduce_sum3A_295 = arith.constant dense<0.000000e+00> : vector<512xf32>
    %reduce_sum3A_296 = vector.multi_reduction <add>, %add3A_294, %reduce_sum3A_295 [1] : vector<512x16xf32> to vector<512xf32>
    %broadcast_in_dim3A_297 = vector.shape_cast %reduce_sum3A_296 : vector<512xf32> to vector<512x1xf32>
    %div3A_298 = arith.constant 1.600000e+01 : f32
    %div3A_299 = vector.broadcast %div3A_298 : f32 to vector<512x1xf32>
    %div3A_300 = arith.divf %broadcast_in_dim3A_297, %div3A_299 : vector<512x1xf32>
    %sub3A_301 = vector.broadcast %div3A_300 : vector<512x1xf32> to vector<512x16xf32>
    %sub3A_302 = arith.subf %add3A_294, %sub3A_301 : vector<512x16xf32>
    %mul3A_303 = arith.mulf %sub3A_302, %sub3A_302 : vector<512x16xf32>
    %reduce_sum3A_304 = arith.constant dense<0.000000e+00> : vector<512xf32>
    %reduce_sum3A_305 = vector.multi_reduction <add>, %mul3A_303, %reduce_sum3A_304 [1] : vector<512x16xf32> to vector<512xf32>
    %broadcast_in_dim3A_306 = vector.shape_cast %reduce_sum3A_305 : vector<512xf32> to vector<512x1xf32>
    %div3A_307 = arith.constant 1.600000e+01 : f32
    %div3A_308 = vector.broadcast %div3A_307 : f32 to vector<512x1xf32>
    %div3A_309 = arith.divf %broadcast_in_dim3A_306, %div3A_308 : vector<512x1xf32>
    %add3A_310 = arith.constant 9.99999974E-6 : f32
    %add3A_311 = vector.broadcast %add3A_310 : f32 to vector<512x1xf32>
    %add3A_312 = arith.addf %div3A_309, %add3A_311 : vector<512x1xf32>
    %rsqrt3A_313 = math.rsqrt %add3A_312 : vector<512x1xf32>
    %mul3A_314 = vector.broadcast %rsqrt3A_313 : vector<512x1xf32> to vector<512x16xf32>
    %mul3A_315 = arith.mulf %sub3A_302, %mul3A_314 : vector<512x16xf32>
    %get3A_316 = arith.constant 0 : index
    %get3A_317 = arith.constant 0 : index
    %get3A_318 = vector.load %arg36[%get3A_316, %get3A_317] : memref<1x16xf32, #tpu.memory_space<vmem>>, vector<1x16xf32>
    %mul3A_319 = vector.broadcast %get3A_318 : vector<1x16xf32> to vector<512x16xf32>
    %mul3A_320 = arith.mulf %mul3A_315, %mul3A_319 : vector<512x16xf32>
    %get3A_321 = arith.constant 0 : index
    %get3A_322 = arith.constant 0 : index
    %get3A_323 = vector.load %arg37[%get3A_321, %get3A_322] : memref<1x16xf32, #tpu.memory_space<vmem>>, vector<1x16xf32>
    %add3A_324 = vector.broadcast %get3A_323 : vector<1x16xf32> to vector<512x16xf32>
    %add3A_325 = arith.addf %mul3A_320, %add3A_324 : vector<512x16xf32>
    %swap3A_326 = arith.constant 1 : index
    %swap3A_327 = arith.constant 0 : index
    %swap3A_328 = arith.constant 0 : index
    %swap3A_329 = vector.load %arg38[%swap3A_326, %swap3A_327, %swap3A_328] : memref<8x512x16xf32, #tpu.memory_space<vmem>>, vector<1x512x16xf32>
    %swap3A_330 = vector.shape_cast %swap3A_329 : vector<1x512x16xf32> to vector<512x16xf32>
    %swap3A_331 = vector.shape_cast %add3A_325 : vector<512x16xf32> to vector<1x512x16xf32>
    tpu.vector_store %arg38[%swap3A_326, %swap3A_327, %swap3A_328], %swap3A_331 {strides = array<i32>} : memref<8x512x16xf32, #tpu.memory_space<vmem>>, vector<1x512x16xf32>,
    %get3A_332 = arith.constant 2 : index
    %get3A_333 = arith.constant 0 : index
    %get3A_334 = arith.constant 0 : index
    %get3A_335 = vector.load %arg2[%get3A_332, %get3A_333, %get3A_334] : memref<8x512x16xf32, #tpu.memory_space<vmem>>, vector<1x512x16xf32>
    %get3A_336 = vector.shape_cast %get3A_335 : vector<1x512x16xf32> to vector<512x16xf32>
    %mul3A_337 = arith.constant 8 : i32
    %mul3A_338 = arith.muli %arg0, %mul3A_337 : i32
    %add3A_339 = arith.constant 2 : i32
    %add3A_340 = arith.addi %mul3A_338, %add3A_339 : i32
    %get3A_341 = arith.index_cast %add3A_340 : i32 to index
    %get3A_342 = arith.constant 0 : index
    %get3A_343 = vector.load %arg35[%get3A_341, %get3A_342] : memref<64x16xf32, #tpu.memory_space<vmem>>, vector<1x16xf32>
    %add3A_344 = vector.broadcast %get3A_343 : vector<1x16xf32> to vector<512x16xf32>
    %add3A_345 = arith.addf %get3A_336, %add3A_344 : vector<512x16xf32>
    %mul3A_346 = arith.constant 2.500000e-01 : f32
    %mul3A_347 = vector.broadcast %mul3A_346 : f32 to vector<512x16xf32>
    %mul3A_348 = arith.mulf %add3A_345, %mul3A_347 : vector<512x16xf32>
    %convert_element_type3A_349 = arith.truncf %mul3A_348 : vector<512x16xf32> to vector<512x16xbf16>
    %broadcast_in_dim3A_350 = arith.constant 0.000000e+00 : f32
    %broadcast_in_dim3A_351 = vector.broadcast %broadcast_in_dim3A_350 : f32 to vector<512x16xf32>
    %get3A_352 = arith.constant 0 : index
    %get3A_353 = arith.constant 0 : index
    %get3A_354 = arith.constant 0 : index
    %get3A_355 = vector.load %arg11[%get3A_352, %get3A_353, %get3A_354] : memref<1x512x16xf32, #tpu.memory_space<vmem>>, vector<1x512x16xf32>
    %get3A_356 = vector.shape_cast %get3A_355 : vector<1x512x16xf32> to vector<512x16xf32>
    %get3A_357 = arith.index_cast %add3A_340 : i32 to index
    %get3A_358 = arith.constant 0 : index
    %get3A_359 = memref.load %arg1[%get3A_357, %get3A_358] : memref<64x16xi32, #tpu.memory_space<smem>>
    %get3A_360 = arith.index_cast %get3A_359 : i32 to index
    %get3A_361 = arith.constant 0 : index
    %get3A_362 = vector.load %arg35[%get3A_360, %get3A_361] : memref<64x16xf32, #tpu.memory_space<vmem>>, vector<1x16xf32>
    %add3A_363 = vector.broadcast %get3A_362 : vector<1x16xf32> to vector<512x16xf32>
    %add3A_364 = arith.addf %get3A_356, %add3A_363 : vector<512x16xf32>
    %convert_element_type3A_365 = arith.truncf %add3A_364 : vector<512x16xf32> to vector<512x16xbf16>
    %dot_general3A_366 = arith.constant dense<0.000000e+00> : vector<512x512xf32>
    %dot_general3A_367 = tpu.matmul %convert_element_type3A_349, %convert_element_type3A_365, %dot_general3A_366 {dimension_numbers = #tpu.dot_dimension_numbers<[1], [1], [0], [0], [0, 0, 1, 0], [], []>, transpose_lhs_hint = false} : vector<512x16xbf16>, vector<512x16xbf16>, vector<512x512xf32> -> vector<512x512xf32>
    %exp3A_368 = math.exp %dot_general3A_367 : vector<512x512xf32>
    %convert_element_type3A_369 = arith.truncf %exp3A_368 : vector<512x512xf32> to vector<512x512xbf16>
    %convert_element_type3A_370 = arith.truncf %get3A_356 : vector<512x16xf32> to vector<512x16xbf16>
    %broadcast_in_dim3A_371 = arith.constant 1.000000e+00 : bf16
    %broadcast_in_dim3A_372 = vector.broadcast %broadcast_in_dim3A_371 : bf16 to vector<512x16xbf16>
    %concatenate3A_373 = tpu.concatenate %convert_element_type3A_370, %broadcast_in_dim3A_372 in 1 : vector<512x16xbf16>, vector<512x16xbf16> -> vector<512x32xbf16>
    %dot_general3A_374 = arith.constant dense<0.000000e+00> : vector<512x32xf32>
    %dot_general3A_375 = tpu.matmul %convert_element_type3A_369, %concatenate3A_373, %dot_general3A_374 {dimension_numbers = #tpu.dot_dimension_numbers<[1], [0], [0], [1], [0, 0, 1, 1], [], []>, transpose_lhs_hint = false} : vector<512x512xbf16>, vector<512x32xbf16>, vector<512x32xf32> -> vector<512x32xf32>
    %slice3A_376 = vector.extract_strided_slice %dot_general3A_375 {offsets = [0, 0], sizes = [512, 16], strides = [1, 1]} : vector<512x32xf32> to vector<512x16xf32>
    %slice3A_377 = vector.extract_strided_slice %dot_general3A_375 {offsets = [0, 16], sizes = [512, 16], strides = [1, 1]} : vector<512x32xf32> to vector<512x16xf32>
    %div3A_378 = arith.divf %slice3A_376, %slice3A_377 : vector<512x16xf32>
    %add3A_379 = arith.addf %broadcast_in_dim3A_351, %div3A_378 : vector<512x16xf32>
    %get3A_380 = arith.constant 0 : index
    %get3A_381 = arith.constant 0 : index
    %get3A_382 = arith.constant 0 : index
    %get3A_383 = vector.load %arg12[%get3A_380, %get3A_381, %get3A_382] : memref<1x512x16xf32, #tpu.memory_space<vmem>>, vector<1x512x16xf32>
    %get3A_384 = vector.shape_cast %get3A_383 : vector<1x512x16xf32> to vector<512x16xf32>
    %get3A_385 = arith.index_cast %add3A_340 : i32 to index
    %get3A_386 = arith.constant 1 : index
    %get3A_387 = memref.load %arg1[%get3A_385, %get3A_386] : memref<64x16xi32, #tpu.memory_space<smem>>
    %get3A_388 = arith.index_cast %get3A_387 : i32 to index
    %get3A_389 = arith.constant 0 : index
    %get3A_390 = vector.load %arg35[%get3A_388, %get3A_389] : memref<64x16xf32, #tpu.memory_space<vmem>>, vector<1x16xf32>
    %add3A_391 = vector.broadcast %get3A_390 : vector<1x16xf32> to vector<512x16xf32>
    %add3A_392 = arith.addf %get3A_384, %add3A_391 : vector<512x16xf32>
    %convert_element_type3A_393 = arith.truncf %add3A_392 : vector<512x16xf32> to vector<512x16xbf16>
    %dot_general3A_394 = arith.constant dense<0.000000e+00> : vector<512x512xf32>
    %dot_general3A_395 = tpu.matmul %convert_element_type3A_349, %convert_element_type3A_393, %dot_general3A_394 {dimension_numbers = #tpu.dot_dimension_numbers<[1], [1], [0], [0], [0, 0, 1, 0], [], []>, transpose_lhs_hint = false} : vector<512x16xbf16>, vector<512x16xbf16>, vector<512x512xf32> -> vector<512x512xf32>
    %exp3A_396 = math.exp %dot_general3A_395 : vector<512x512xf32>
    %convert_element_type3A_397 = arith.truncf %exp3A_396 : vector<512x512xf32> to vector<512x512xbf16>
    %convert_element_type3A_398 = arith.truncf %get3A_384 : vector<512x16xf32> to vector<512x16xbf16>
    %broadcast_in_dim3A_399 = arith.constant 1.000000e+00 : bf16
    %broadcast_in_dim3A_400 = vector.broadcast %broadcast_in_dim3A_399 : bf16 to vector<512x16xbf16>
    %concatenate3A_401 = tpu.concatenate %convert_element_type3A_398, %broadcast_in_dim3A_400 in 1 : vector<512x16xbf16>, vector<512x16xbf16> -> vector<512x32xbf16>
    %dot_general3A_402 = arith.constant dense<0.000000e+00> : vector<512x32xf32>
    %dot_general3A_403 = tpu.matmul %convert_element_type3A_397, %concatenate3A_401, %dot_general3A_402 {dimension_numbers = #tpu.dot_dimension_numbers<[1], [0], [0], [1], [0, 0, 1, 1], [], []>, transpose_lhs_hint = false} : vector<512x512xbf16>, vector<512x32xbf16>, vector<512x32xf32> -> vector<512x32xf32>
    %slice3A_404 = vector.extract_strided_slice %dot_general3A_403 {offsets = [0, 0], sizes = [512, 16], strides = [1, 1]} : vector<512x32xf32> to vector<512x16xf32>
    %slice3A_405 = vector.extract_strided_slice %dot_general3A_403 {offsets = [0, 16], sizes = [512, 16], strides = [1, 1]} : vector<512x32xf32> to vector<512x16xf32>
    %div3A_406 = arith.divf %slice3A_404, %slice3A_405 : vector<512x16xf32>
    %add3A_407 = arith.addf %add3A_379, %div3A_406 : vector<512x16xf32>
    %get3A_408 = arith.constant 0 : index
    %get3A_409 = arith.constant 0 : index
    %get3A_410 = arith.constant 0 : index
    %get3A_411 = vector.load %arg13[%get3A_408, %get3A_409, %get3A_410] : memref<1x512x16xf32, #tpu.memory_space<vmem>>, vector<1x512x16xf32>
    %get3A_412 = vector.shape_cast %get3A_411 : vector<1x512x16xf32> to vector<512x16xf32>
    %get3A_413 = arith.index_cast %add3A_340 : i32 to index
    %get3A_414 = arith.constant 2 : index
    %get3A_415 = memref.load %arg1[%get3A_413, %get3A_414] : memref<64x16xi32, #tpu.memory_space<smem>>
    %get3A_416 = arith.index_cast %get3A_415 : i32 to index
    %get3A_417 = arith.constant 0 : index
    %get3A_418 = vector.load %arg35[%get3A_416, %get3A_417] : memref<64x16xf32, #tpu.memory_space<vmem>>, vector<1x16xf32>
    %add3A_419 = vector.broadcast %get3A_418 : vector<1x16xf32> to vector<512x16xf32>
    %add3A_420 = arith.addf %get3A_412, %add3A_419 : vector<512x16xf32>
    %convert_element_type3A_421 = arith.truncf %add3A_420 : vector<512x16xf32> to vector<512x16xbf16>
    %dot_general3A_422 = arith.constant dense<0.000000e+00> : vector<512x512xf32>
    %dot_general3A_423 = tpu.matmul %convert_element_type3A_349, %convert_element_type3A_421, %dot_general3A_422 {dimension_numbers = #tpu.dot_dimension_numbers<[1], [1], [0], [0], [0, 0, 1, 0], [], []>, transpose_lhs_hint = false} : vector<512x16xbf16>, vector<512x16xbf16>, vector<512x512xf32> -> vector<512x512xf32>
    %exp3A_424 = math.exp %dot_general3A_423 : vector<512x512xf32>
    %convert_element_type3A_425 = arith.truncf %exp3A_424 : vector<512x512xf32> to vector<512x512xbf16>
    %convert_element_type3A_426 = arith.truncf %get3A_412 : vector<512x16xf32> to vector<512x16xbf16>
    %broadcast_in_dim3A_427 = arith.constant 1.000000e+00 : bf16
    %broadcast_in_dim3A_428 = vector.broadcast %broadcast_in_dim3A_427 : bf16 to vector<512x16xbf16>
    %concatenate3A_429 = tpu.concatenate %convert_element_type3A_426, %broadcast_in_dim3A_428 in 1 : vector<512x16xbf16>, vector<512x16xbf16> -> vector<512x32xbf16>
    %dot_general3A_430 = arith.constant dense<0.000000e+00> : vector<512x32xf32>
    %dot_general3A_431 = tpu.matmul %convert_element_type3A_425, %concatenate3A_429, %dot_general3A_430 {dimension_numbers = #tpu.dot_dimension_numbers<[1], [0], [0], [1], [0, 0, 1, 1], [], []>, transpose_lhs_hint = false} : vector<512x512xbf16>, vector<512x32xbf16>, vector<512x32xf32> -> vector<512x32xf32>
    %slice3A_432 = vector.extract_strided_slice %dot_general3A_431 {offsets = [0, 0], sizes = [512, 16], strides = [1, 1]} : vector<512x32xf32> to vector<512x16xf32>
    %slice3A_433 = vector.extract_strided_slice %dot_general3A_431 {offsets = [0, 16], sizes = [512, 16], strides = [1, 1]} : vector<512x32xf32> to vector<512x16xf32>
    %div3A_434 = arith.divf %slice3A_432, %slice3A_433 : vector<512x16xf32>
    %add3A_435 = arith.addf %add3A_407, %div3A_434 : vector<512x16xf32>
    %get3A_436 = arith.constant 0 : index
    %get3A_437 = arith.constant 0 : index
    %get3A_438 = arith.constant 0 : index
    %get3A_439 = vector.load %arg14[%get3A_436, %get3A_437, %get3A_438] : memref<1x512x16xf32, #tpu.memory_space<vmem>>, vector<1x512x16xf32>
    %get3A_440 = vector.shape_cast %get3A_439 : vector<1x512x16xf32> to vector<512x16xf32>
    %get3A_441 = arith.index_cast %add3A_340 : i32 to index
    %get3A_442 = arith.constant 3 : index
    %get3A_443 = memref.load %arg1[%get3A_441, %get3A_442] : memref<64x16xi32, #tpu.memory_space<smem>>
    %get3A_444 = arith.index_cast %get3A_443 : i32 to index
    %get3A_445 = arith.constant 0 : index
    %get3A_446 = vector.load %arg35[%get3A_444, %get3A_445] : memref<64x16xf32, #tpu.memory_space<vmem>>, vector<1x16xf32>
    %add3A_447 = vector.broadcast %get3A_446 : vector<1x16xf32> to vector<512x16xf32>
    %add3A_448 = arith.addf %get3A_440, %add3A_447 : vector<512x16xf32>
    %convert_element_type3A_449 = arith.truncf %add3A_448 : vector<512x16xf32> to vector<512x16xbf16>
    %dot_general3A_450 = arith.constant dense<0.000000e+00> : vector<512x512xf32>
    %dot_general3A_451 = tpu.matmul %convert_element_type3A_349, %convert_element_type3A_449, %dot_general3A_450 {dimension_numbers = #tpu.dot_dimension_numbers<[1], [1], [0], [0], [0, 0, 1, 0], [], []>, transpose_lhs_hint = false} : vector<512x16xbf16>, vector<512x16xbf16>, vector<512x512xf32> -> vector<512x512xf32>
    %exp3A_452 = math.exp %dot_general3A_451 : vector<512x512xf32>
    %convert_element_type3A_453 = arith.truncf %exp3A_452 : vector<512x512xf32> to vector<512x512xbf16>
    %convert_element_type3A_454 = arith.truncf %get3A_440 : vector<512x16xf32> to vector<512x16xbf16>
    %broadcast_in_dim3A_455 = arith.constant 1.000000e+00 : bf16
    %broadcast_in_dim3A_456 = vector.broadcast %broadcast_in_dim3A_455 : bf16 to vector<512x16xbf16>
    %concatenate3A_457 = tpu.concatenate %convert_element_type3A_454, %broadcast_in_dim3A_456 in 1 : vector<512x16xbf16>, vector<512x16xbf16> -> vector<512x32xbf16>
    %dot_general3A_458 = arith.constant dense<0.000000e+00> : vector<512x32xf32>
    %dot_general3A_459 = tpu.matmul %convert_element_type3A_453, %concatenate3A_457, %dot_general3A_458 {dimension_numbers = #tpu.dot_dimension_numbers<[1], [0], [0], [1], [0, 0, 1, 1], [], []>, transpose_lhs_hint = false} : vector<512x512xbf16>, vector<512x32xbf16>, vector<512x32xf32> -> vector<512x32xf32>
    %slice3A_460 = vector.extract_strided_slice %dot_general3A_459 {offsets = [0, 0], sizes = [512, 16], strides = [1, 1]} : vector<512x32xf32> to vector<512x16xf32>
    %slice3A_461 = vector.extract_strided_slice %dot_general3A_459 {offsets = [0, 16], sizes = [512, 16], strides = [1, 1]} : vector<512x32xf32> to vector<512x16xf32>
    %div3A_462 = arith.divf %slice3A_460, %slice3A_461 : vector<512x16xf32>
    %add3A_463 = arith.addf %add3A_435, %div3A_462 : vector<512x16xf32>
    %mul3A_464 = arith.constant 2.000000e-01 : f32
    %mul3A_465 = vector.broadcast %mul3A_464 : f32 to vector<512x16xf32>
    %mul3A_466 = arith.mulf %mul3A_465, %add3A_463 : vector<512x16xf32>
    %add3A_467 = arith.addf %get3A_336, %mul3A_466 : vector<512x16xf32>
    %reduce_sum3A_468 = arith.constant dense<0.000000e+00> : vector<512xf32>
    %reduce_sum3A_469 = vector.multi_reduction <add>, %add3A_467, %reduce_sum3A_468 [1] : vector<512x16xf32> to vector<512xf32>
    %broadcast_in_dim3A_470 = vector.shape_cast %reduce_sum3A_469 : vector<512xf32> to vector<512x1xf32>
    %div3A_471 = arith.constant 1.600000e+01 : f32
    %div3A_472 = vector.broadcast %div3A_471 : f32 to vector<512x1xf32>
    %div3A_473 = arith.divf %broadcast_in_dim3A_470, %div3A_472 : vector<512x1xf32>
    %sub3A_474 = vector.broadcast %div3A_473 : vector<512x1xf32> to vector<512x16xf32>
    %sub3A_475 = arith.subf %add3A_467, %sub3A_474 : vector<512x16xf32>
    %mul3A_476 = arith.mulf %sub3A_475, %sub3A_475 : vector<512x16xf32>
    %reduce_sum3A_477 = arith.constant dense<0.000000e+00> : vector<512xf32>
    %reduce_sum3A_478 = vector.multi_reduction <add>, %mul3A_476, %reduce_sum3A_477 [1] : vector<512x16xf32> to vector<512xf32>
    %broadcast_in_dim3A_479 = vector.shape_cast %reduce_sum3A_478 : vector<512xf32> to vector<512x1xf32>
    %div3A_480 = arith.constant 1.600000e+01 : f32
    %div3A_481 = vector.broadcast %div3A_480 : f32 to vector<512x1xf32>
    %div3A_482 = arith.divf %broadcast_in_dim3A_479, %div3A_481 : vector<512x1xf32>
    %add3A_483 = arith.constant 9.99999974E-6 : f32
    %add3A_484 = vector.broadcast %add3A_483 : f32 to vector<512x1xf32>
    %add3A_485 = arith.addf %div3A_482, %add3A_484 : vector<512x1xf32>
    %rsqrt3A_486 = math.rsqrt %add3A_485 : vector<512x1xf32>
    %mul3A_487 = vector.broadcast %rsqrt3A_486 : vector<512x1xf32> to vector<512x16xf32>
    %mul3A_488 = arith.mulf %sub3A_475, %mul3A_487 : vector<512x16xf32>
    %get3A_489 = arith.constant 0 : index
    %get3A_490 = arith.constant 0 : index
    %get3A_491 = vector.load %arg36[%get3A_489, %get3A_490] : memref<1x16xf32, #tpu.memory_space<vmem>>, vector<1x16xf32>
    %mul3A_492 = vector.broadcast %get3A_491 : vector<1x16xf32> to vector<512x16xf32>
    %mul3A_493 = arith.mulf %mul3A_488, %mul3A_492 : vector<512x16xf32>
    %get3A_494 = arith.constant 0 : index
    %get3A_495 = arith.constant 0 : index
    %get3A_496 = vector.load %arg37[%get3A_494, %get3A_495] : memref<1x16xf32, #tpu.memory_space<vmem>>, vector<1x16xf32>
    %add3A_497 = vector.broadcast %get3A_496 : vector<1x16xf32> to vector<512x16xf32>
    %add3A_498 = arith.addf %mul3A_493, %add3A_497 : vector<512x16xf32>
    %swap3A_499 = arith.constant 2 : index
    %swap3A_500 = arith.constant 0 : index
    %swap3A_501 = arith.constant 0 : index
    %swap3A_502 = vector.load %arg38[%swap3A_499, %swap3A_500, %swap3A_501] : memref<8x512x16xf32, #tpu.memory_space<vmem>>, vector<1x512x16xf32>
    %swap3A_503 = vector.shape_cast %swap3A_502 : vector<1x512x16xf32> to vector<512x16xf32>
    %swap3A_504 = vector.shape_cast %add3A_498 : vector<512x16xf32> to vector<1x512x16xf32>
    tpu.vector_store %arg38[%swap3A_499, %swap3A_500, %swap3A_501], %swap3A_504 {strides = array<i32>} : memref<8x512x16xf32, #tpu.memory_space<vmem>>, vector<1x512x16xf32>,
    %get3A_505 = arith.constant 3 : index
    %get3A_506 = arith.constant 0 : index
    %get3A_507 = arith.constant 0 : index
    %get3A_508 = vector.load %arg2[%get3A_505, %get3A_506, %get3A_507] : memref<8x512x16xf32, #tpu.memory_space<vmem>>, vector<1x512x16xf32>
    %get3A_509 = vector.shape_cast %get3A_508 : vector<1x512x16xf32> to vector<512x16xf32>
    %mul3A_510 = arith.constant 8 : i32
    %mul3A_511 = arith.muli %arg0, %mul3A_510 : i32
    %add3A_512 = arith.constant 3 : i32
    %add3A_513 = arith.addi %mul3A_511, %add3A_512 : i32
    %get3A_514 = arith.index_cast %add3A_513 : i32 to index
    %get3A_515 = arith.constant 0 : index
    %get3A_516 = vector.load %arg35[%get3A_514, %get3A_515] : memref<64x16xf32, #tpu.memory_space<vmem>>, vector<1x16xf32>
    %add3A_517 = vector.broadcast %get3A_516 : vector<1x16xf32> to vector<512x16xf32>
    %add3A_518 = arith.addf %get3A_509, %add3A_517 : vector<512x16xf32>
    %mul3A_519 = arith.constant 2.500000e-01 : f32
    %mul3A_520 = vector.broadcast %mul3A_519 : f32 to vector<512x16xf32>
    %mul3A_521 = arith.mulf %add3A_518, %mul3A_520 : vector<512x16xf32>
    %convert_element_type3A_522 = arith.truncf %mul3A_521 : vector<512x16xf32> to vector<512x16xbf16>
    %broadcast_in_dim3A_523 = arith.constant 0.000000e+00 : f32
    %broadcast_in_dim3A_524 = vector.broadcast %broadcast_in_dim3A_523 : f32 to vector<512x16xf32>
    %get3A_525 = arith.constant 0 : index
    %get3A_526 = arith.constant 0 : index
    %get3A_527 = arith.constant 0 : index
    %get3A_528 = vector.load %arg15[%get3A_525, %get3A_526, %get3A_527] : memref<1x512x16xf32, #tpu.memory_space<vmem>>, vector<1x512x16xf32>
    %get3A_529 = vector.shape_cast %get3A_528 : vector<1x512x16xf32> to vector<512x16xf32>
    %get3A_530 = arith.index_cast %add3A_513 : i32 to index
    %get3A_531 = arith.constant 0 : index
    %get3A_532 = memref.load %arg1[%get3A_530, %get3A_531] : memref<64x16xi32, #tpu.memory_space<smem>>
    %get3A_533 = arith.index_cast %get3A_532 : i32 to index
    %get3A_534 = arith.constant 0 : index
    %get3A_535 = vector.load %arg35[%get3A_533, %get3A_534] : memref<64x16xf32, #tpu.memory_space<vmem>>, vector<1x16xf32>
    %add3A_536 = vector.broadcast %get3A_535 : vector<1x16xf32> to vector<512x16xf32>
    %add3A_537 = arith.addf %get3A_529, %add3A_536 : vector<512x16xf32>
    %convert_element_type3A_538 = arith.truncf %add3A_537 : vector<512x16xf32> to vector<512x16xbf16>
    %dot_general3A_539 = arith.constant dense<0.000000e+00> : vector<512x512xf32>
    %dot_general3A_540 = tpu.matmul %convert_element_type3A_522, %convert_element_type3A_538, %dot_general3A_539 {dimension_numbers = #tpu.dot_dimension_numbers<[1], [1], [0], [0], [0, 0, 1, 0], [], []>, transpose_lhs_hint = false} : vector<512x16xbf16>, vector<512x16xbf16>, vector<512x512xf32> -> vector<512x512xf32>
    %exp3A_541 = math.exp %dot_general3A_540 : vector<512x512xf32>
    %convert_element_type3A_542 = arith.truncf %exp3A_541 : vector<512x512xf32> to vector<512x512xbf16>
    %convert_element_type3A_543 = arith.truncf %get3A_529 : vector<512x16xf32> to vector<512x16xbf16>
    %broadcast_in_dim3A_544 = arith.constant 1.000000e+00 : bf16
    %broadcast_in_dim3A_545 = vector.broadcast %broadcast_in_dim3A_544 : bf16 to vector<512x16xbf16>
    %concatenate3A_546 = tpu.concatenate %convert_element_type3A_543, %broadcast_in_dim3A_545 in 1 : vector<512x16xbf16>, vector<512x16xbf16> -> vector<512x32xbf16>
    %dot_general3A_547 = arith.constant dense<0.000000e+00> : vector<512x32xf32>
    %dot_general3A_548 = tpu.matmul %convert_element_type3A_542, %concatenate3A_546, %dot_general3A_547 {dimension_numbers = #tpu.dot_dimension_numbers<[1], [0], [0], [1], [0, 0, 1, 1], [], []>, transpose_lhs_hint = false} : vector<512x512xbf16>, vector<512x32xbf16>, vector<512x32xf32> -> vector<512x32xf32>
    %slice3A_549 = vector.extract_strided_slice %dot_general3A_548 {offsets = [0, 0], sizes = [512, 16], strides = [1, 1]} : vector<512x32xf32> to vector<512x16xf32>
    %slice3A_550 = vector.extract_strided_slice %dot_general3A_548 {offsets = [0, 16], sizes = [512, 16], strides = [1, 1]} : vector<512x32xf32> to vector<512x16xf32>
    %div3A_551 = arith.divf %slice3A_549, %slice3A_550 : vector<512x16xf32>
    %add3A_552 = arith.addf %broadcast_in_dim3A_524, %div3A_551 : vector<512x16xf32>
    %get3A_553 = arith.constant 0 : index
    %get3A_554 = arith.constant 0 : index
    %get3A_555 = arith.constant 0 : index
    %get3A_556 = vector.load %arg16[%get3A_553, %get3A_554, %get3A_555] : memref<1x512x16xf32, #tpu.memory_space<vmem>>, vector<1x512x16xf32>
    %get3A_557 = vector.shape_cast %get3A_556 : vector<1x512x16xf32> to vector<512x16xf32>
    %get3A_558 = arith.index_cast %add3A_513 : i32 to index
    %get3A_559 = arith.constant 1 : index
    %get3A_560 = memref.load %arg1[%get3A_558, %get3A_559] : memref<64x16xi32, #tpu.memory_space<smem>>
    %get3A_561 = arith.index_cast %get3A_560 : i32 to index
    %get3A_562 = arith.constant 0 : index
    %get3A_563 = vector.load %arg35[%get3A_561, %get3A_562] : memref<64x16xf32, #tpu.memory_space<vmem>>, vector<1x16xf32>
    %add3A_564 = vector.broadcast %get3A_563 : vector<1x16xf32> to vector<512x16xf32>
    %add3A_565 = arith.addf %get3A_557, %add3A_564 : vector<512x16xf32>
    %convert_element_type3A_566 = arith.truncf %add3A_565 : vector<512x16xf32> to vector<512x16xbf16>
    %dot_general3A_567 = arith.constant dense<0.000000e+00> : vector<512x512xf32>
    %dot_general3A_568 = tpu.matmul %convert_element_type3A_522, %convert_element_type3A_566, %dot_general3A_567 {dimension_numbers = #tpu.dot_dimension_numbers<[1], [1], [0], [0], [0, 0, 1, 0], [], []>, transpose_lhs_hint = false} : vector<512x16xbf16>, vector<512x16xbf16>, vector<512x512xf32> -> vector<512x512xf32>
    %exp3A_569 = math.exp %dot_general3A_568 : vector<512x512xf32>
    %convert_element_type3A_570 = arith.truncf %exp3A_569 : vector<512x512xf32> to vector<512x512xbf16>
    %convert_element_type3A_571 = arith.truncf %get3A_557 : vector<512x16xf32> to vector<512x16xbf16>
    %broadcast_in_dim3A_572 = arith.constant 1.000000e+00 : bf16
    %broadcast_in_dim3A_573 = vector.broadcast %broadcast_in_dim3A_572 : bf16 to vector<512x16xbf16>
    %concatenate3A_574 = tpu.concatenate %convert_element_type3A_571, %broadcast_in_dim3A_573 in 1 : vector<512x16xbf16>, vector<512x16xbf16> -> vector<512x32xbf16>
    %dot_general3A_575 = arith.constant dense<0.000000e+00> : vector<512x32xf32>
    %dot_general3A_576 = tpu.matmul %convert_element_type3A_570, %concatenate3A_574, %dot_general3A_575 {dimension_numbers = #tpu.dot_dimension_numbers<[1], [0], [0], [1], [0, 0, 1, 1], [], []>, transpose_lhs_hint = false} : vector<512x512xbf16>, vector<512x32xbf16>, vector<512x32xf32> -> vector<512x32xf32>
    %slice3A_577 = vector.extract_strided_slice %dot_general3A_576 {offsets = [0, 0], sizes = [512, 16], strides = [1, 1]} : vector<512x32xf32> to vector<512x16xf32>
    %slice3A_578 = vector.extract_strided_slice %dot_general3A_576 {offsets = [0, 16], sizes = [512, 16], strides = [1, 1]} : vector<512x32xf32> to vector<512x16xf32>
    %div3A_579 = arith.divf %slice3A_577, %slice3A_578 : vector<512x16xf32>
    %add3A_580 = arith.addf %add3A_552, %div3A_579 : vector<512x16xf32>
    %get3A_581 = arith.constant 0 : index
    %get3A_582 = arith.constant 0 : index
    %get3A_583 = arith.constant 0 : index
    %get3A_584 = vector.load %arg17[%get3A_581, %get3A_582, %get3A_583] : memref<1x512x16xf32, #tpu.memory_space<vmem>>, vector<1x512x16xf32>
    %get3A_585 = vector.shape_cast %get3A_584 : vector<1x512x16xf32> to vector<512x16xf32>
    %get3A_586 = arith.index_cast %add3A_513 : i32 to index
    %get3A_587 = arith.constant 2 : index
    %get3A_588 = memref.load %arg1[%get3A_586, %get3A_587] : memref<64x16xi32, #tpu.memory_space<smem>>
    %get3A_589 = arith.index_cast %get3A_588 : i32 to index
    %get3A_590 = arith.constant 0 : index
    %get3A_591 = vector.load %arg35[%get3A_589, %get3A_590] : memref<64x16xf32, #tpu.memory_space<vmem>>, vector<1x16xf32>
    %add3A_592 = vector.broadcast %get3A_591 : vector<1x16xf32> to vector<512x16xf32>
    %add3A_593 = arith.addf %get3A_585, %add3A_592 : vector<512x16xf32>
    %convert_element_type3A_594 = arith.truncf %add3A_593 : vector<512x16xf32> to vector<512x16xbf16>
    %dot_general3A_595 = arith.constant dense<0.000000e+00> : vector<512x512xf32>
    %dot_general3A_596 = tpu.matmul %convert_element_type3A_522, %convert_element_type3A_594, %dot_general3A_595 {dimension_numbers = #tpu.dot_dimension_numbers<[1], [1], [0], [0], [0, 0, 1, 0], [], []>, transpose_lhs_hint = false} : vector<512x16xbf16>, vector<512x16xbf16>, vector<512x512xf32> -> vector<512x512xf32>
    %exp3A_597 = math.exp %dot_general3A_596 : vector<512x512xf32>
    %convert_element_type3A_598 = arith.truncf %exp3A_597 : vector<512x512xf32> to vector<512x512xbf16>
    %convert_element_type3A_599 = arith.truncf %get3A_585 : vector<512x16xf32> to vector<512x16xbf16>
    %broadcast_in_dim3A_600 = arith.constant 1.000000e+00 : bf16
    %broadcast_in_dim3A_601 = vector.broadcast %broadcast_in_dim3A_600 : bf16 to vector<512x16xbf16>
    %concatenate3A_602 = tpu.concatenate %convert_element_type3A_599, %broadcast_in_dim3A_601 in 1 : vector<512x16xbf16>, vector<512x16xbf16> -> vector<512x32xbf16>
    %dot_general3A_603 = arith.constant dense<0.000000e+00> : vector<512x32xf32>
    %dot_general3A_604 = tpu.matmul %convert_element_type3A_598, %concatenate3A_602, %dot_general3A_603 {dimension_numbers = #tpu.dot_dimension_numbers<[1], [0], [0], [1], [0, 0, 1, 1], [], []>, transpose_lhs_hint = false} : vector<512x512xbf16>, vector<512x32xbf16>, vector<512x32xf32> -> vector<512x32xf32>
    %slice3A_605 = vector.extract_strided_slice %dot_general3A_604 {offsets = [0, 0], sizes = [512, 16], strides = [1, 1]} : vector<512x32xf32> to vector<512x16xf32>
    %slice3A_606 = vector.extract_strided_slice %dot_general3A_604 {offsets = [0, 16], sizes = [512, 16], strides = [1, 1]} : vector<512x32xf32> to vector<512x16xf32>
    %div3A_607 = arith.divf %slice3A_605, %slice3A_606 : vector<512x16xf32>
    %add3A_608 = arith.addf %add3A_580, %div3A_607 : vector<512x16xf32>
    %get3A_609 = arith.constant 0 : index
    %get3A_610 = arith.constant 0 : index
    %get3A_611 = arith.constant 0 : index
    %get3A_612 = vector.load %arg18[%get3A_609, %get3A_610, %get3A_611] : memref<1x512x16xf32, #tpu.memory_space<vmem>>, vector<1x512x16xf32>
    %get3A_613 = vector.shape_cast %get3A_612 : vector<1x512x16xf32> to vector<512x16xf32>
    %get3A_614 = arith.index_cast %add3A_513 : i32 to index
    %get3A_615 = arith.constant 3 : index
    %get3A_616 = memref.load %arg1[%get3A_614, %get3A_615] : memref<64x16xi32, #tpu.memory_space<smem>>
    %get3A_617 = arith.index_cast %get3A_616 : i32 to index
    %get3A_618 = arith.constant 0 : index
    %get3A_619 = vector.load %arg35[%get3A_617, %get3A_618] : memref<64x16xf32, #tpu.memory_space<vmem>>, vector<1x16xf32>
    %add3A_620 = vector.broadcast %get3A_619 : vector<1x16xf32> to vector<512x16xf32>
    %add3A_621 = arith.addf %get3A_613, %add3A_620 : vector<512x16xf32>
    %convert_element_type3A_622 = arith.truncf %add3A_621 : vector<512x16xf32> to vector<512x16xbf16>
    %dot_general3A_623 = arith.constant dense<0.000000e+00> : vector<512x512xf32>
    %dot_general3A_624 = tpu.matmul %convert_element_type3A_522, %convert_element_type3A_622, %dot_general3A_623 {dimension_numbers = #tpu.dot_dimension_numbers<[1], [1], [0], [0], [0, 0, 1, 0], [], []>, transpose_lhs_hint = false} : vector<512x16xbf16>, vector<512x16xbf16>, vector<512x512xf32> -> vector<512x512xf32>
    %exp3A_625 = math.exp %dot_general3A_624 : vector<512x512xf32>
    %convert_element_type3A_626 = arith.truncf %exp3A_625 : vector<512x512xf32> to vector<512x512xbf16>
    %convert_element_type3A_627 = arith.truncf %get3A_613 : vector<512x16xf32> to vector<512x16xbf16>
    %broadcast_in_dim3A_628 = arith.constant 1.000000e+00 : bf16
    %broadcast_in_dim3A_629 = vector.broadcast %broadcast_in_dim3A_628 : bf16 to vector<512x16xbf16>
    %concatenate3A_630 = tpu.concatenate %convert_element_type3A_627, %broadcast_in_dim3A_629 in 1 : vector<512x16xbf16>, vector<512x16xbf16> -> vector<512x32xbf16>
    %dot_general3A_631 = arith.constant dense<0.000000e+00> : vector<512x32xf32>
    %dot_general3A_632 = tpu.matmul %convert_element_type3A_626, %concatenate3A_630, %dot_general3A_631 {dimension_numbers = #tpu.dot_dimension_numbers<[1], [0], [0], [1], [0, 0, 1, 1], [], []>, transpose_lhs_hint = false} : vector<512x512xbf16>, vector<512x32xbf16>, vector<512x32xf32> -> vector<512x32xf32>
    %slice3A_633 = vector.extract_strided_slice %dot_general3A_632 {offsets = [0, 0], sizes = [512, 16], strides = [1, 1]} : vector<512x32xf32> to vector<512x16xf32>
    %slice3A_634 = vector.extract_strided_slice %dot_general3A_632 {offsets = [0, 16], sizes = [512, 16], strides = [1, 1]} : vector<512x32xf32> to vector<512x16xf32>
    %div3A_635 = arith.divf %slice3A_633, %slice3A_634 : vector<512x16xf32>
    %add3A_636 = arith.addf %add3A_608, %div3A_635 : vector<512x16xf32>
    %mul3A_637 = arith.constant 2.000000e-01 : f32
    %mul3A_638 = vector.broadcast %mul3A_637 : f32 to vector<512x16xf32>
    %mul3A_639 = arith.mulf %mul3A_638, %add3A_636 : vector<512x16xf32>
    %add3A_640 = arith.addf %get3A_509, %mul3A_639 : vector<512x16xf32>
    %reduce_sum3A_641 = arith.constant dense<0.000000e+00> : vector<512xf32>
    %reduce_sum3A_642 = vector.multi_reduction <add>, %add3A_640, %reduce_sum3A_641 [1] : vector<512x16xf32> to vector<512xf32>
    %broadcast_in_dim3A_643 = vector.shape_cast %reduce_sum3A_642 : vector<512xf32> to vector<512x1xf32>
    %div3A_644 = arith.constant 1.600000e+01 : f32
    %div3A_645 = vector.broadcast %div3A_644 : f32 to vector<512x1xf32>
    %div3A_646 = arith.divf %broadcast_in_dim3A_643, %div3A_645 : vector<512x1xf32>
    %sub3A_647 = vector.broadcast %div3A_646 : vector<512x1xf32> to vector<512x16xf32>
    %sub3A_648 = arith.subf %add3A_640, %sub3A_647 : vector<512x16xf32>
    %mul3A_649 = arith.mulf %sub3A_648, %sub3A_648 : vector<512x16xf32>
    %reduce_sum3A_650 = arith.constant dense<0.000000e+00> : vector<512xf32>
    %reduce_sum3A_651 = vector.multi_reduction <add>, %mul3A_649, %reduce_sum3A_650 [1] : vector<512x16xf32> to vector<512xf32>
    %broadcast_in_dim3A_652 = vector.shape_cast %reduce_sum3A_651 : vector<512xf32> to vector<512x1xf32>
    %div3A_653 = arith.constant 1.600000e+01 : f32
    %div3A_654 = vector.broadcast %div3A_653 : f32 to vector<512x1xf32>
    %div3A_655 = arith.divf %broadcast_in_dim3A_652, %div3A_654 : vector<512x1xf32>
    %add3A_656 = arith.constant 9.99999974E-6 : f32
    %add3A_657 = vector.broadcast %add3A_656 : f32 to vector<512x1xf32>
    %add3A_658 = arith.addf %div3A_655, %add3A_657 : vector<512x1xf32>
    %rsqrt3A_659 = math.rsqrt %add3A_658 : vector<512x1xf32>
    %mul3A_660 = vector.broadcast %rsqrt3A_659 : vector<512x1xf32> to vector<512x16xf32>
    %mul3A_661 = arith.mulf %sub3A_648, %mul3A_660 : vector<512x16xf32>
    %get3A_662 = arith.constant 0 : index
    %get3A_663 = arith.constant 0 : index
    %get3A_664 = vector.load %arg36[%get3A_662, %get3A_663] : memref<1x16xf32, #tpu.memory_space<vmem>>, vector<1x16xf32>
    %mul3A_665 = vector.broadcast %get3A_664 : vector<1x16xf32> to vector<512x16xf32>
    %mul3A_666 = arith.mulf %mul3A_661, %mul3A_665 : vector<512x16xf32>
    %get3A_667 = arith.constant 0 : index
    %get3A_668 = arith.constant 0 : index
    %get3A_669 = vector.load %arg37[%get3A_667, %get3A_668] : memref<1x16xf32, #tpu.memory_space<vmem>>, vector<1x16xf32>
    %add3A_670 = vector.broadcast %get3A_669 : vector<1x16xf32> to vector<512x16xf32>
    %add3A_671 = arith.addf %mul3A_666, %add3A_670 : vector<512x16xf32>
    %swap3A_672 = arith.constant 3 : index
    %swap3A_673 = arith.constant 0 : index
    %swap3A_674 = arith.constant 0 : index
    %swap3A_675 = vector.load %arg38[%swap3A_672, %swap3A_673, %swap3A_674] : memref<8x512x16xf32, #tpu.memory_space<vmem>>, vector<1x512x16xf32>
    %swap3A_676 = vector.shape_cast %swap3A_675 : vector<1x512x16xf32> to vector<512x16xf32>
    %swap3A_677 = vector.shape_cast %add3A_671 : vector<512x16xf32> to vector<1x512x16xf32>
    tpu.vector_store %arg38[%swap3A_672, %swap3A_673, %swap3A_674], %swap3A_677 {strides = array<i32>} : memref<8x512x16xf32, #tpu.memory_space<vmem>>, vector<1x512x16xf32>,
    %get3A_678 = arith.constant 4 : index
    %get3A_679 = arith.constant 0 : index
    %get3A_680 = arith.constant 0 : index
    %get3A_681 = vector.load %arg2[%get3A_678, %get3A_679, %get3A_680] : memref<8x512x16xf32, #tpu.memory_space<vmem>>, vector<1x512x16xf32>
    %get3A_682 = vector.shape_cast %get3A_681 : vector<1x512x16xf32> to vector<512x16xf32>
    %mul3A_683 = arith.constant 8 : i32
    %mul3A_684 = arith.muli %arg0, %mul3A_683 : i32
    %add3A_685 = arith.constant 4 : i32
    %add3A_686 = arith.addi %mul3A_684, %add3A_685 : i32
    %get3A_687 = arith.index_cast %add3A_686 : i32 to index
    %get3A_688 = arith.constant 0 : index
    %get3A_689 = vector.load %arg35[%get3A_687, %get3A_688] : memref<64x16xf32, #tpu.memory_space<vmem>>, vector<1x16xf32>
    %add3A_690 = vector.broadcast %get3A_689 : vector<1x16xf32> to vector<512x16xf32>
    %add3A_691 = arith.addf %get3A_682, %add3A_690 : vector<512x16xf32>
    %mul3A_692 = arith.constant 2.500000e-01 : f32
    %mul3A_693 = vector.broadcast %mul3A_692 : f32 to vector<512x16xf32>
    %mul3A_694 = arith.mulf %add3A_691, %mul3A_693 : vector<512x16xf32>
    %convert_element_type3A_695 = arith.truncf %mul3A_694 : vector<512x16xf32> to vector<512x16xbf16>
    %broadcast_in_dim3A_696 = arith.constant 0.000000e+00 : f32
    %broadcast_in_dim3A_697 = vector.broadcast %broadcast_in_dim3A_696 : f32 to vector<512x16xf32>
    %get3A_698 = arith.constant 0 : index
    %get3A_699 = arith.constant 0 : index
    %get3A_700 = arith.constant 0 : index
    %get3A_701 = vector.load %arg19[%get3A_698, %get3A_699, %get3A_700] : memref<1x512x16xf32, #tpu.memory_space<vmem>>, vector<1x512x16xf32>
    %get3A_702 = vector.shape_cast %get3A_701 : vector<1x512x16xf32> to vector<512x16xf32>
    %get3A_703 = arith.index_cast %add3A_686 : i32 to index
    %get3A_704 = arith.constant 0 : index
    %get3A_705 = memref.load %arg1[%get3A_703, %get3A_704] : memref<64x16xi32, #tpu.memory_space<smem>>
    %get3A_706 = arith.index_cast %get3A_705 : i32 to index
    %get3A_707 = arith.constant 0 : index
    %get3A_708 = vector.load %arg35[%get3A_706, %get3A_707] : memref<64x16xf32, #tpu.memory_space<vmem>>, vector<1x16xf32>
    %add3A_709 = vector.broadcast %get3A_708 : vector<1x16xf32> to vector<512x16xf32>
    %add3A_710 = arith.addf %get3A_702, %add3A_709 : vector<512x16xf32>
    %convert_element_type3A_711 = arith.truncf %add3A_710 : vector<512x16xf32> to vector<512x16xbf16>
    %dot_general3A_712 = arith.constant dense<0.000000e+00> : vector<512x512xf32>
    %dot_general3A_713 = tpu.matmul %convert_element_type3A_695, %convert_element_type3A_711, %dot_general3A_712 {dimension_numbers = #tpu.dot_dimension_numbers<[1], [1], [0], [0], [0, 0, 1, 0], [], []>, transpose_lhs_hint = false} : vector<512x16xbf16>, vector<512x16xbf16>, vector<512x512xf32> -> vector<512x512xf32>
    %exp3A_714 = math.exp %dot_general3A_713 : vector<512x512xf32>
    %convert_element_type3A_715 = arith.truncf %exp3A_714 : vector<512x512xf32> to vector<512x512xbf16>
    %convert_element_type3A_716 = arith.truncf %get3A_702 : vector<512x16xf32> to vector<512x16xbf16>
    %broadcast_in_dim3A_717 = arith.constant 1.000000e+00 : bf16
    %broadcast_in_dim3A_718 = vector.broadcast %broadcast_in_dim3A_717 : bf16 to vector<512x16xbf16>
    %concatenate3A_719 = tpu.concatenate %convert_element_type3A_716, %broadcast_in_dim3A_718 in 1 : vector<512x16xbf16>, vector<512x16xbf16> -> vector<512x32xbf16>
    %dot_general3A_720 = arith.constant dense<0.000000e+00> : vector<512x32xf32>
    %dot_general3A_721 = tpu.matmul %convert_element_type3A_715, %concatenate3A_719, %dot_general3A_720 {dimension_numbers = #tpu.dot_dimension_numbers<[1], [0], [0], [1], [0, 0, 1, 1], [], []>, transpose_lhs_hint = false} : vector<512x512xbf16>, vector<512x32xbf16>, vector<512x32xf32> -> vector<512x32xf32>
    %slice3A_722 = vector.extract_strided_slice %dot_general3A_721 {offsets = [0, 0], sizes = [512, 16], strides = [1, 1]} : vector<512x32xf32> to vector<512x16xf32>
    %slice3A_723 = vector.extract_strided_slice %dot_general3A_721 {offsets = [0, 16], sizes = [512, 16], strides = [1, 1]} : vector<512x32xf32> to vector<512x16xf32>
    %div3A_724 = arith.divf %slice3A_722, %slice3A_723 : vector<512x16xf32>
    %add3A_725 = arith.addf %broadcast_in_dim3A_697, %div3A_724 : vector<512x16xf32>
    %get3A_726 = arith.constant 0 : index
    %get3A_727 = arith.constant 0 : index
    %get3A_728 = arith.constant 0 : index
    %get3A_729 = vector.load %arg20[%get3A_726, %get3A_727, %get3A_728] : memref<1x512x16xf32, #tpu.memory_space<vmem>>, vector<1x512x16xf32>
    %get3A_730 = vector.shape_cast %get3A_729 : vector<1x512x16xf32> to vector<512x16xf32>
    %get3A_731 = arith.index_cast %add3A_686 : i32 to index
    %get3A_732 = arith.constant 1 : index
    %get3A_733 = memref.load %arg1[%get3A_731, %get3A_732] : memref<64x16xi32, #tpu.memory_space<smem>>
    %get3A_734 = arith.index_cast %get3A_733 : i32 to index
    %get3A_735 = arith.constant 0 : index
    %get3A_736 = vector.load %arg35[%get3A_734, %get3A_735] : memref<64x16xf32, #tpu.memory_space<vmem>>, vector<1x16xf32>
    %add3A_737 = vector.broadcast %get3A_736 : vector<1x16xf32> to vector<512x16xf32>
    %add3A_738 = arith.addf %get3A_730, %add3A_737 : vector<512x16xf32>
    %convert_element_type3A_739 = arith.truncf %add3A_738 : vector<512x16xf32> to vector<512x16xbf16>
    %dot_general3A_740 = arith.constant dense<0.000000e+00> : vector<512x512xf32>
    %dot_general3A_741 = tpu.matmul %convert_element_type3A_695, %convert_element_type3A_739, %dot_general3A_740 {dimension_numbers = #tpu.dot_dimension_numbers<[1], [1], [0], [0], [0, 0, 1, 0], [], []>, transpose_lhs_hint = false} : vector<512x16xbf16>, vector<512x16xbf16>, vector<512x512xf32> -> vector<512x512xf32>
    %exp3A_742 = math.exp %dot_general3A_741 : vector<512x512xf32>
    %convert_element_type3A_743 = arith.truncf %exp3A_742 : vector<512x512xf32> to vector<512x512xbf16>
    %convert_element_type3A_744 = arith.truncf %get3A_730 : vector<512x16xf32> to vector<512x16xbf16>
    %broadcast_in_dim3A_745 = arith.constant 1.000000e+00 : bf16
    %broadcast_in_dim3A_746 = vector.broadcast %broadcast_in_dim3A_745 : bf16 to vector<512x16xbf16>
    %concatenate3A_747 = tpu.concatenate %convert_element_type3A_744, %broadcast_in_dim3A_746 in 1 : vector<512x16xbf16>, vector<512x16xbf16> -> vector<512x32xbf16>
    %dot_general3A_748 = arith.constant dense<0.000000e+00> : vector<512x32xf32>
    %dot_general3A_749 = tpu.matmul %convert_element_type3A_743, %concatenate3A_747, %dot_general3A_748 {dimension_numbers = #tpu.dot_dimension_numbers<[1], [0], [0], [1], [0, 0, 1, 1], [], []>, transpose_lhs_hint = false} : vector<512x512xbf16>, vector<512x32xbf16>, vector<512x32xf32> -> vector<512x32xf32>
    %slice3A_750 = vector.extract_strided_slice %dot_general3A_749 {offsets = [0, 0], sizes = [512, 16], strides = [1, 1]} : vector<512x32xf32> to vector<512x16xf32>
    %slice3A_751 = vector.extract_strided_slice %dot_general3A_749 {offsets = [0, 16], sizes = [512, 16], strides = [1, 1]} : vector<512x32xf32> to vector<512x16xf32>
    %div3A_752 = arith.divf %slice3A_750, %slice3A_751 : vector<512x16xf32>
    %add3A_753 = arith.addf %add3A_725, %div3A_752 : vector<512x16xf32>
    %get3A_754 = arith.constant 0 : index
    %get3A_755 = arith.constant 0 : index
    %get3A_756 = arith.constant 0 : index
    %get3A_757 = vector.load %arg21[%get3A_754, %get3A_755, %get3A_756] : memref<1x512x16xf32, #tpu.memory_space<vmem>>, vector<1x512x16xf32>
    %get3A_758 = vector.shape_cast %get3A_757 : vector<1x512x16xf32> to vector<512x16xf32>
    %get3A_759 = arith.index_cast %add3A_686 : i32 to index
    %get3A_760 = arith.constant 2 : index
    %get3A_761 = memref.load %arg1[%get3A_759, %get3A_760] : memref<64x16xi32, #tpu.memory_space<smem>>
    %get3A_762 = arith.index_cast %get3A_761 : i32 to index
    %get3A_763 = arith.constant 0 : index
    %get3A_764 = vector.load %arg35[%get3A_762, %get3A_763] : memref<64x16xf32, #tpu.memory_space<vmem>>, vector<1x16xf32>
    %add3A_765 = vector.broadcast %get3A_764 : vector<1x16xf32> to vector<512x16xf32>
    %add3A_766 = arith.addf %get3A_758, %add3A_765 : vector<512x16xf32>
    %convert_element_type3A_767 = arith.truncf %add3A_766 : vector<512x16xf32> to vector<512x16xbf16>
    %dot_general3A_768 = arith.constant dense<0.000000e+00> : vector<512x512xf32>
    %dot_general3A_769 = tpu.matmul %convert_element_type3A_695, %convert_element_type3A_767, %dot_general3A_768 {dimension_numbers = #tpu.dot_dimension_numbers<[1], [1], [0], [0], [0, 0, 1, 0], [], []>, transpose_lhs_hint = false} : vector<512x16xbf16>, vector<512x16xbf16>, vector<512x512xf32> -> vector<512x512xf32>
    %exp3A_770 = math.exp %dot_general3A_769 : vector<512x512xf32>
    %convert_element_type3A_771 = arith.truncf %exp3A_770 : vector<512x512xf32> to vector<512x512xbf16>
    %convert_element_type3A_772 = arith.truncf %get3A_758 : vector<512x16xf32> to vector<512x16xbf16>
    %broadcast_in_dim3A_773 = arith.constant 1.000000e+00 : bf16
    %broadcast_in_dim3A_774 = vector.broadcast %broadcast_in_dim3A_773 : bf16 to vector<512x16xbf16>
    %concatenate3A_775 = tpu.concatenate %convert_element_type3A_772, %broadcast_in_dim3A_774 in 1 : vector<512x16xbf16>, vector<512x16xbf16> -> vector<512x32xbf16>
    %dot_general3A_776 = arith.constant dense<0.000000e+00> : vector<512x32xf32>
    %dot_general3A_777 = tpu.matmul %convert_element_type3A_771, %concatenate3A_775, %dot_general3A_776 {dimension_numbers = #tpu.dot_dimension_numbers<[1], [0], [0], [1], [0, 0, 1, 1], [], []>, transpose_lhs_hint = false} : vector<512x512xbf16>, vector<512x32xbf16>, vector<512x32xf32> -> vector<512x32xf32>
    %slice3A_778 = vector.extract_strided_slice %dot_general3A_777 {offsets = [0, 0], sizes = [512, 16], strides = [1, 1]} : vector<512x32xf32> to vector<512x16xf32>
    %slice3A_779 = vector.extract_strided_slice %dot_general3A_777 {offsets = [0, 16], sizes = [512, 16], strides = [1, 1]} : vector<512x32xf32> to vector<512x16xf32>
    %div3A_780 = arith.divf %slice3A_778, %slice3A_779 : vector<512x16xf32>
    %add3A_781 = arith.addf %add3A_753, %div3A_780 : vector<512x16xf32>
    %get3A_782 = arith.constant 0 : index
    %get3A_783 = arith.constant 0 : index
    %get3A_784 = arith.constant 0 : index
    %get3A_785 = vector.load %arg22[%get3A_782, %get3A_783, %get3A_784] : memref<1x512x16xf32, #tpu.memory_space<vmem>>, vector<1x512x16xf32>
    %get3A_786 = vector.shape_cast %get3A_785 : vector<1x512x16xf32> to vector<512x16xf32>
    %get3A_787 = arith.index_cast %add3A_686 : i32 to index
    %get3A_788 = arith.constant 3 : index
    %get3A_789 = memref.load %arg1[%get3A_787, %get3A_788] : memref<64x16xi32, #tpu.memory_space<smem>>
    %get3A_790 = arith.index_cast %get3A_789 : i32 to index
    %get3A_791 = arith.constant 0 : index
    %get3A_792 = vector.load %arg35[%get3A_790, %get3A_791] : memref<64x16xf32, #tpu.memory_space<vmem>>, vector<1x16xf32>
    %add3A_793 = vector.broadcast %get3A_792 : vector<1x16xf32> to vector<512x16xf32>
    %add3A_794 = arith.addf %get3A_786, %add3A_793 : vector<512x16xf32>
    %convert_element_type3A_795 = arith.truncf %add3A_794 : vector<512x16xf32> to vector<512x16xbf16>
    %dot_general3A_796 = arith.constant dense<0.000000e+00> : vector<512x512xf32>
    %dot_general3A_797 = tpu.matmul %convert_element_type3A_695, %convert_element_type3A_795, %dot_general3A_796 {dimension_numbers = #tpu.dot_dimension_numbers<[1], [1], [0], [0], [0, 0, 1, 0], [], []>, transpose_lhs_hint = false} : vector<512x16xbf16>, vector<512x16xbf16>, vector<512x512xf32> -> vector<512x512xf32>
    %exp3A_798 = math.exp %dot_general3A_797 : vector<512x512xf32>
    %convert_element_type3A_799 = arith.truncf %exp3A_798 : vector<512x512xf32> to vector<512x512xbf16>
    %convert_element_type3A_800 = arith.truncf %get3A_786 : vector<512x16xf32> to vector<512x16xbf16>
    %broadcast_in_dim3A_801 = arith.constant 1.000000e+00 : bf16
    %broadcast_in_dim3A_802 = vector.broadcast %broadcast_in_dim3A_801 : bf16 to vector<512x16xbf16>
    %concatenate3A_803 = tpu.concatenate %convert_element_type3A_800, %broadcast_in_dim3A_802 in 1 : vector<512x16xbf16>, vector<512x16xbf16> -> vector<512x32xbf16>
    %dot_general3A_804 = arith.constant dense<0.000000e+00> : vector<512x32xf32>
    %dot_general3A_805 = tpu.matmul %convert_element_type3A_799, %concatenate3A_803, %dot_general3A_804 {dimension_numbers = #tpu.dot_dimension_numbers<[1], [0], [0], [1], [0, 0, 1, 1], [], []>, transpose_lhs_hint = false} : vector<512x512xbf16>, vector<512x32xbf16>, vector<512x32xf32> -> vector<512x32xf32>
    %slice3A_806 = vector.extract_strided_slice %dot_general3A_805 {offsets = [0, 0], sizes = [512, 16], strides = [1, 1]} : vector<512x32xf32> to vector<512x16xf32>
    %slice3A_807 = vector.extract_strided_slice %dot_general3A_805 {offsets = [0, 16], sizes = [512, 16], strides = [1, 1]} : vector<512x32xf32> to vector<512x16xf32>
    %div3A_808 = arith.divf %slice3A_806, %slice3A_807 : vector<512x16xf32>
    %add3A_809 = arith.addf %add3A_781, %div3A_808 : vector<512x16xf32>
    %mul3A_810 = arith.constant 2.000000e-01 : f32
    %mul3A_811 = vector.broadcast %mul3A_810 : f32 to vector<512x16xf32>
    %mul3A_812 = arith.mulf %mul3A_811, %add3A_809 : vector<512x16xf32>
    %add3A_813 = arith.addf %get3A_682, %mul3A_812 : vector<512x16xf32>
    %reduce_sum3A_814 = arith.constant dense<0.000000e+00> : vector<512xf32>
    %reduce_sum3A_815 = vector.multi_reduction <add>, %add3A_813, %reduce_sum3A_814 [1] : vector<512x16xf32> to vector<512xf32>
    %broadcast_in_dim3A_816 = vector.shape_cast %reduce_sum3A_815 : vector<512xf32> to vector<512x1xf32>
    %div3A_817 = arith.constant 1.600000e+01 : f32
    %div3A_818 = vector.broadcast %div3A_817 : f32 to vector<512x1xf32>
    %div3A_819 = arith.divf %broadcast_in_dim3A_816, %div3A_818 : vector<512x1xf32>
    %sub3A_820 = vector.broadcast %div3A_819 : vector<512x1xf32> to vector<512x16xf32>
    %sub3A_821 = arith.subf %add3A_813, %sub3A_820 : vector<512x16xf32>
    %mul3A_822 = arith.mulf %sub3A_821, %sub3A_821 : vector<512x16xf32>
    %reduce_sum3A_823 = arith.constant dense<0.000000e+00> : vector<512xf32>
    %reduce_sum3A_824 = vector.multi_reduction <add>, %mul3A_822, %reduce_sum3A_823 [1] : vector<512x16xf32> to vector<512xf32>
    %broadcast_in_dim3A_825 = vector.shape_cast %reduce_sum3A_824 : vector<512xf32> to vector<512x1xf32>
    %div3A_826 = arith.constant 1.600000e+01 : f32
    %div3A_827 = vector.broadcast %div3A_826 : f32 to vector<512x1xf32>
    %div3A_828 = arith.divf %broadcast_in_dim3A_825, %div3A_827 : vector<512x1xf32>
    %add3A_829 = arith.constant 9.99999974E-6 : f32
    %add3A_830 = vector.broadcast %add3A_829 : f32 to vector<512x1xf32>
    %add3A_831 = arith.addf %div3A_828, %add3A_830 : vector<512x1xf32>
    %rsqrt3A_832 = math.rsqrt %add3A_831 : vector<512x1xf32>
    %mul3A_833 = vector.broadcast %rsqrt3A_832 : vector<512x1xf32> to vector<512x16xf32>
    %mul3A_834 = arith.mulf %sub3A_821, %mul3A_833 : vector<512x16xf32>
    %get3A_835 = arith.constant 0 : index
    %get3A_836 = arith.constant 0 : index
    %get3A_837 = vector.load %arg36[%get3A_835, %get3A_836] : memref<1x16xf32, #tpu.memory_space<vmem>>, vector<1x16xf32>
    %mul3A_838 = vector.broadcast %get3A_837 : vector<1x16xf32> to vector<512x16xf32>
    %mul3A_839 = arith.mulf %mul3A_834, %mul3A_838 : vector<512x16xf32>
    %get3A_840 = arith.constant 0 : index
    %get3A_841 = arith.constant 0 : index
    %get3A_842 = vector.load %arg37[%get3A_840, %get3A_841] : memref<1x16xf32, #tpu.memory_space<vmem>>, vector<1x16xf32>
    %add3A_843 = vector.broadcast %get3A_842 : vector<1x16xf32> to vector<512x16xf32>
    %add3A_844 = arith.addf %mul3A_839, %add3A_843 : vector<512x16xf32>
    %swap3A_845 = arith.constant 4 : index
    %swap3A_846 = arith.constant 0 : index
    %swap3A_847 = arith.constant 0 : index
    %swap3A_848 = vector.load %arg38[%swap3A_845, %swap3A_846, %swap3A_847] : memref<8x512x16xf32, #tpu.memory_space<vmem>>, vector<1x512x16xf32>
    %swap3A_849 = vector.shape_cast %swap3A_848 : vector<1x512x16xf32> to vector<512x16xf32>
    %swap3A_850 = vector.shape_cast %add3A_844 : vector<512x16xf32> to vector<1x512x16xf32>
    tpu.vector_store %arg38[%swap3A_845, %swap3A_846, %swap3A_847], %swap3A_850 {strides = array<i32>} : memref<8x512x16xf32, #tpu.memory_space<vmem>>, vector<1x512x16xf32>,
    %get3A_851 = arith.constant 5 : index
    %get3A_852 = arith.constant 0 : index
    %get3A_853 = arith.constant 0 : index
    %get3A_854 = vector.load %arg2[%get3A_851, %get3A_852, %get3A_853] : memref<8x512x16xf32, #tpu.memory_space<vmem>>, vector<1x512x16xf32>
    %get3A_855 = vector.shape_cast %get3A_854 : vector<1x512x16xf32> to vector<512x16xf32>
    %mul3A_856 = arith.constant 8 : i32
    %mul3A_857 = arith.muli %arg0, %mul3A_856 : i32
    %add3A_858 = arith.constant 5 : i32
    %add3A_859 = arith.addi %mul3A_857, %add3A_858 : i32
    %get3A_860 = arith.index_cast %add3A_859 : i32 to index
    %get3A_861 = arith.constant 0 : index
    %get3A_862 = vector.load %arg35[%get3A_860, %get3A_861] : memref<64x16xf32, #tpu.memory_space<vmem>>, vector<1x16xf32>
    %add3A_863 = vector.broadcast %get3A_862 : vector<1x16xf32> to vector<512x16xf32>
    %add3A_864 = arith.addf %get3A_855, %add3A_863 : vector<512x16xf32>
    %mul3A_865 = arith.constant 2.500000e-01 : f32
    %mul3A_866 = vector.broadcast %mul3A_865 : f32 to vector<512x16xf32>
    %mul3A_867 = arith.mulf %add3A_864, %mul3A_866 : vector<512x16xf32>
    %convert_element_type3A_868 = arith.truncf %mul3A_867 : vector<512x16xf32> to vector<512x16xbf16>
    %broadcast_in_dim3A_869 = arith.constant 0.000000e+00 : f32
    %broadcast_in_dim3A_870 = vector.broadcast %broadcast_in_dim3A_869 : f32 to vector<512x16xf32>
    %get3A_871 = arith.constant 0 : index
    %get3A_872 = arith.constant 0 : index
    %get3A_873 = arith.constant 0 : index
    %get3A_874 = vector.load %arg23[%get3A_871, %get3A_872, %get3A_873] : memref<1x512x16xf32, #tpu.memory_space<vmem>>, vector<1x512x16xf32>
    %get3A_875 = vector.shape_cast %get3A_874 : vector<1x512x16xf32> to vector<512x16xf32>
    %get3A_876 = arith.index_cast %add3A_859 : i32 to index
    %get3A_877 = arith.constant 0 : index
    %get3A_878 = memref.load %arg1[%get3A_876, %get3A_877] : memref<64x16xi32, #tpu.memory_space<smem>>
    %get3A_879 = arith.index_cast %get3A_878 : i32 to index
    %get3A_880 = arith.constant 0 : index
    %get3A_881 = vector.load %arg35[%get3A_879, %get3A_880] : memref<64x16xf32, #tpu.memory_space<vmem>>, vector<1x16xf32>
    %add3A_882 = vector.broadcast %get3A_881 : vector<1x16xf32> to vector<512x16xf32>
    %add3A_883 = arith.addf %get3A_875, %add3A_882 : vector<512x16xf32>
    %convert_element_type3A_884 = arith.truncf %add3A_883 : vector<512x16xf32> to vector<512x16xbf16>
    %dot_general3A_885 = arith.constant dense<0.000000e+00> : vector<512x512xf32>
    %dot_general3A_886 = tpu.matmul %convert_element_type3A_868, %convert_element_type3A_884, %dot_general3A_885 {dimension_numbers = #tpu.dot_dimension_numbers<[1], [1], [0], [0], [0, 0, 1, 0], [], []>, transpose_lhs_hint = false} : vector<512x16xbf16>, vector<512x16xbf16>, vector<512x512xf32> -> vector<512x512xf32>
    %exp3A_887 = math.exp %dot_general3A_886 : vector<512x512xf32>
    %convert_element_type3A_888 = arith.truncf %exp3A_887 : vector<512x512xf32> to vector<512x512xbf16>
    %convert_element_type3A_889 = arith.truncf %get3A_875 : vector<512x16xf32> to vector<512x16xbf16>
    %broadcast_in_dim3A_890 = arith.constant 1.000000e+00 : bf16
    %broadcast_in_dim3A_891 = vector.broadcast %broadcast_in_dim3A_890 : bf16 to vector<512x16xbf16>
    %concatenate3A_892 = tpu.concatenate %convert_element_type3A_889, %broadcast_in_dim3A_891 in 1 : vector<512x16xbf16>, vector<512x16xbf16> -> vector<512x32xbf16>
    %dot_general3A_893 = arith.constant dense<0.000000e+00> : vector<512x32xf32>
    %dot_general3A_894 = tpu.matmul %convert_element_type3A_888, %concatenate3A_892, %dot_general3A_893 {dimension_numbers = #tpu.dot_dimension_numbers<[1], [0], [0], [1], [0, 0, 1, 1], [], []>, transpose_lhs_hint = false} : vector<512x512xbf16>, vector<512x32xbf16>, vector<512x32xf32> -> vector<512x32xf32>
    %slice3A_895 = vector.extract_strided_slice %dot_general3A_894 {offsets = [0, 0], sizes = [512, 16], strides = [1, 1]} : vector<512x32xf32> to vector<512x16xf32>
    %slice3A_896 = vector.extract_strided_slice %dot_general3A_894 {offsets = [0, 16], sizes = [512, 16], strides = [1, 1]} : vector<512x32xf32> to vector<512x16xf32>
    %div3A_897 = arith.divf %slice3A_895, %slice3A_896 : vector<512x16xf32>
    %add3A_898 = arith.addf %broadcast_in_dim3A_870, %div3A_897 : vector<512x16xf32>
    %get3A_899 = arith.constant 0 : index
    %get3A_900 = arith.constant 0 : index
    %get3A_901 = arith.constant 0 : index
    %get3A_902 = vector.load %arg24[%get3A_899, %get3A_900, %get3A_901] : memref<1x512x16xf32, #tpu.memory_space<vmem>>, vector<1x512x16xf32>
    %get3A_903 = vector.shape_cast %get3A_902 : vector<1x512x16xf32> to vector<512x16xf32>
    %get3A_904 = arith.index_cast %add3A_859 : i32 to index
    %get3A_905 = arith.constant 1 : index
    %get3A_906 = memref.load %arg1[%get3A_904, %get3A_905] : memref<64x16xi32, #tpu.memory_space<smem>>
    %get3A_907 = arith.index_cast %get3A_906 : i32 to index
    %get3A_908 = arith.constant 0 : index
    %get3A_909 = vector.load %arg35[%get3A_907, %get3A_908] : memref<64x16xf32, #tpu.memory_space<vmem>>, vector<1x16xf32>
    %add3A_910 = vector.broadcast %get3A_909 : vector<1x16xf32> to vector<512x16xf32>
    %add3A_911 = arith.addf %get3A_903, %add3A_910 : vector<512x16xf32>
    %convert_element_type3A_912 = arith.truncf %add3A_911 : vector<512x16xf32> to vector<512x16xbf16>
    %dot_general3A_913 = arith.constant dense<0.000000e+00> : vector<512x512xf32>
    %dot_general3A_914 = tpu.matmul %convert_element_type3A_868, %convert_element_type3A_912, %dot_general3A_913 {dimension_numbers = #tpu.dot_dimension_numbers<[1], [1], [0], [0], [0, 0, 1, 0], [], []>, transpose_lhs_hint = false} : vector<512x16xbf16>, vector<512x16xbf16>, vector<512x512xf32> -> vector<512x512xf32>
    %exp3A_915 = math.exp %dot_general3A_914 : vector<512x512xf32>
    %convert_element_type3A_916 = arith.truncf %exp3A_915 : vector<512x512xf32> to vector<512x512xbf16>
    %convert_element_type3A_917 = arith.truncf %get3A_903 : vector<512x16xf32> to vector<512x16xbf16>
    %broadcast_in_dim3A_918 = arith.constant 1.000000e+00 : bf16
    %broadcast_in_dim3A_919 = vector.broadcast %broadcast_in_dim3A_918 : bf16 to vector<512x16xbf16>
    %concatenate3A_920 = tpu.concatenate %convert_element_type3A_917, %broadcast_in_dim3A_919 in 1 : vector<512x16xbf16>, vector<512x16xbf16> -> vector<512x32xbf16>
    %dot_general3A_921 = arith.constant dense<0.000000e+00> : vector<512x32xf32>
    %dot_general3A_922 = tpu.matmul %convert_element_type3A_916, %concatenate3A_920, %dot_general3A_921 {dimension_numbers = #tpu.dot_dimension_numbers<[1], [0], [0], [1], [0, 0, 1, 1], [], []>, transpose_lhs_hint = false} : vector<512x512xbf16>, vector<512x32xbf16>, vector<512x32xf32> -> vector<512x32xf32>
    %slice3A_923 = vector.extract_strided_slice %dot_general3A_922 {offsets = [0, 0], sizes = [512, 16], strides = [1, 1]} : vector<512x32xf32> to vector<512x16xf32>
    %slice3A_924 = vector.extract_strided_slice %dot_general3A_922 {offsets = [0, 16], sizes = [512, 16], strides = [1, 1]} : vector<512x32xf32> to vector<512x16xf32>
    %div3A_925 = arith.divf %slice3A_923, %slice3A_924 : vector<512x16xf32>
    %add3A_926 = arith.addf %add3A_898, %div3A_925 : vector<512x16xf32>
    %get3A_927 = arith.constant 0 : index
    %get3A_928 = arith.constant 0 : index
    %get3A_929 = arith.constant 0 : index
    %get3A_930 = vector.load %arg25[%get3A_927, %get3A_928, %get3A_929] : memref<1x512x16xf32, #tpu.memory_space<vmem>>, vector<1x512x16xf32>
    %get3A_931 = vector.shape_cast %get3A_930 : vector<1x512x16xf32> to vector<512x16xf32>
    %get3A_932 = arith.index_cast %add3A_859 : i32 to index
    %get3A_933 = arith.constant 2 : index
    %get3A_934 = memref.load %arg1[%get3A_932, %get3A_933] : memref<64x16xi32, #tpu.memory_space<smem>>
    %get3A_935 = arith.index_cast %get3A_934 : i32 to index
    %get3A_936 = arith.constant 0 : index
    %get3A_937 = vector.load %arg35[%get3A_935, %get3A_936] : memref<64x16xf32, #tpu.memory_space<vmem>>, vector<1x16xf32>
    %add3A_938 = vector.broadcast %get3A_937 : vector<1x16xf32> to vector<512x16xf32>
    %add3A_939 = arith.addf %get3A_931, %add3A_938 : vector<512x16xf32>
    %convert_element_type3A_940 = arith.truncf %add3A_939 : vector<512x16xf32> to vector<512x16xbf16>
    %dot_general3A_941 = arith.constant dense<0.000000e+00> : vector<512x512xf32>
    %dot_general3A_942 = tpu.matmul %convert_element_type3A_868, %convert_element_type3A_940, %dot_general3A_941 {dimension_numbers = #tpu.dot_dimension_numbers<[1], [1], [0], [0], [0, 0, 1, 0], [], []>, transpose_lhs_hint = false} : vector<512x16xbf16>, vector<512x16xbf16>, vector<512x512xf32> -> vector<512x512xf32>
    %exp3A_943 = math.exp %dot_general3A_942 : vector<512x512xf32>
    %convert_element_type3A_944 = arith.truncf %exp3A_943 : vector<512x512xf32> to vector<512x512xbf16>
    %convert_element_type3A_945 = arith.truncf %get3A_931 : vector<512x16xf32> to vector<512x16xbf16>
    %broadcast_in_dim3A_946 = arith.constant 1.000000e+00 : bf16
    %broadcast_in_dim3A_947 = vector.broadcast %broadcast_in_dim3A_946 : bf16 to vector<512x16xbf16>
    %concatenate3A_948 = tpu.concatenate %convert_element_type3A_945, %broadcast_in_dim3A_947 in 1 : vector<512x16xbf16>, vector<512x16xbf16> -> vector<512x32xbf16>
    %dot_general3A_949 = arith.constant dense<0.000000e+00> : vector<512x32xf32>
    %dot_general3A_950 = tpu.matmul %convert_element_type3A_944, %concatenate3A_948, %dot_general3A_949 {dimension_numbers = #tpu.dot_dimension_numbers<[1], [0], [0], [1], [0, 0, 1, 1], [], []>, transpose_lhs_hint = false} : vector<512x512xbf16>, vector<512x32xbf16>, vector<512x32xf32> -> vector<512x32xf32>
    %slice3A_951 = vector.extract_strided_slice %dot_general3A_950 {offsets = [0, 0], sizes = [512, 16], strides = [1, 1]} : vector<512x32xf32> to vector<512x16xf32>
    %slice3A_952 = vector.extract_strided_slice %dot_general3A_950 {offsets = [0, 16], sizes = [512, 16], strides = [1, 1]} : vector<512x32xf32> to vector<512x16xf32>
    %div3A_953 = arith.divf %slice3A_951, %slice3A_952 : vector<512x16xf32>
    %add3A_954 = arith.addf %add3A_926, %div3A_953 : vector<512x16xf32>
    %get3A_955 = arith.constant 0 : index
    %get3A_956 = arith.constant 0 : index
    %get3A_957 = arith.constant 0 : index
    %get3A_958 = vector.load %arg26[%get3A_955, %get3A_956, %get3A_957] : memref<1x512x16xf32, #tpu.memory_space<vmem>>, vector<1x512x16xf32>
    %get3A_959 = vector.shape_cast %get3A_958 : vector<1x512x16xf32> to vector<512x16xf32>
    %get3A_960 = arith.index_cast %add3A_859 : i32 to index
    %get3A_961 = arith.constant 3 : index
    %get3A_962 = memref.load %arg1[%get3A_960, %get3A_961] : memref<64x16xi32, #tpu.memory_space<smem>>
    %get3A_963 = arith.index_cast %get3A_962 : i32 to index
    %get3A_964 = arith.constant 0 : index
    %get3A_965 = vector.load %arg35[%get3A_963, %get3A_964] : memref<64x16xf32, #tpu.memory_space<vmem>>, vector<1x16xf32>
    %add3A_966 = vector.broadcast %get3A_965 : vector<1x16xf32> to vector<512x16xf32>
    %add3A_967 = arith.addf %get3A_959, %add3A_966 : vector<512x16xf32>
    %convert_element_type3A_968 = arith.truncf %add3A_967 : vector<512x16xf32> to vector<512x16xbf16>
    %dot_general3A_969 = arith.constant dense<0.000000e+00> : vector<512x512xf32>
    %dot_general3A_970 = tpu.matmul %convert_element_type3A_868, %convert_element_type3A_968, %dot_general3A_969 {dimension_numbers = #tpu.dot_dimension_numbers<[1], [1], [0], [0], [0, 0, 1, 0], [], []>, transpose_lhs_hint = false} : vector<512x16xbf16>, vector<512x16xbf16>, vector<512x512xf32> -> vector<512x512xf32>
    %exp3A_971 = math.exp %dot_general3A_970 : vector<512x512xf32>
    %convert_element_type3A_972 = arith.truncf %exp3A_971 : vector<512x512xf32> to vector<512x512xbf16>
    %convert_element_type3A_973 = arith.truncf %get3A_959 : vector<512x16xf32> to vector<512x16xbf16>
    %broadcast_in_dim3A_974 = arith.constant 1.000000e+00 : bf16
    %broadcast_in_dim3A_975 = vector.broadcast %broadcast_in_dim3A_974 : bf16 to vector<512x16xbf16>
    %concatenate3A_976 = tpu.concatenate %convert_element_type3A_973, %broadcast_in_dim3A_975 in 1 : vector<512x16xbf16>, vector<512x16xbf16> -> vector<512x32xbf16>
    %dot_general3A_977 = arith.constant dense<0.000000e+00> : vector<512x32xf32>
    %dot_general3A_978 = tpu.matmul %convert_element_type3A_972, %concatenate3A_976, %dot_general3A_977 {dimension_numbers = #tpu.dot_dimension_numbers<[1], [0], [0], [1], [0, 0, 1, 1], [], []>, transpose_lhs_hint = false} : vector<512x512xbf16>, vector<512x32xbf16>, vector<512x32xf32> -> vector<512x32xf32>
    %slice3A_979 = vector.extract_strided_slice %dot_general3A_978 {offsets = [0, 0], sizes = [512, 16], strides = [1, 1]} : vector<512x32xf32> to vector<512x16xf32>
    %slice3A_980 = vector.extract_strided_slice %dot_general3A_978 {offsets = [0, 16], sizes = [512, 16], strides = [1, 1]} : vector<512x32xf32> to vector<512x16xf32>
    %div3A_981 = arith.divf %slice3A_979, %slice3A_980 : vector<512x16xf32>
    %add3A_982 = arith.addf %add3A_954, %div3A_981 : vector<512x16xf32>
    %mul3A_983 = arith.constant 2.000000e-01 : f32
    %mul3A_984 = vector.broadcast %mul3A_983 : f32 to vector<512x16xf32>
    %mul3A_985 = arith.mulf %mul3A_984, %add3A_982 : vector<512x16xf32>
    %add3A_986 = arith.addf %get3A_855, %mul3A_985 : vector<512x16xf32>
    %reduce_sum3A_987 = arith.constant dense<0.000000e+00> : vector<512xf32>
    %reduce_sum3A_988 = vector.multi_reduction <add>, %add3A_986, %reduce_sum3A_987 [1] : vector<512x16xf32> to vector<512xf32>
    %broadcast_in_dim3A_989 = vector.shape_cast %reduce_sum3A_988 : vector<512xf32> to vector<512x1xf32>
    %div3A_990 = arith.constant 1.600000e+01 : f32
    %div3A_991 = vector.broadcast %div3A_990 : f32 to vector<512x1xf32>
    %div3A_992 = arith.divf %broadcast_in_dim3A_989, %div3A_991 : vector<512x1xf32>
    %sub3A_993 = vector.broadcast %div3A_992 : vector<512x1xf32> to vector<512x16xf32>
    %sub3A_994 = arith.subf %add3A_986, %sub3A_993 : vector<512x16xf32>
    %mul3A_995 = arith.mulf %sub3A_994, %sub3A_994 : vector<512x16xf32>
    %reduce_sum3A_996 = arith.constant dense<0.000000e+00> : vector<512xf32>
    %reduce_sum3A_997 = vector.multi_reduction <add>, %mul3A_995, %reduce_sum3A_996 [1] : vector<512x16xf32> to vector<512xf32>
    %broadcast_in_dim3A_998 = vector.shape_cast %reduce_sum3A_997 : vector<512xf32> to vector<512x1xf32>
    %div3A_999 = arith.constant 1.600000e+01 : f32
    %div3A_1000 = vector.broadcast %div3A_999 : f32 to vector<512x1xf32>
    %div3A_1001 = arith.divf %broadcast_in_dim3A_998, %div3A_1000 : vector<512x1xf32>
    %add3A_1002 = arith.constant 9.99999974E-6 : f32
    %add3A_1003 = vector.broadcast %add3A_1002 : f32 to vector<512x1xf32>
    %add3A_1004 = arith.addf %div3A_1001, %add3A_1003 : vector<512x1xf32>
    %rsqrt3A_1005 = math.rsqrt %add3A_1004 : vector<512x1xf32>
    %mul3A_1006 = vector.broadcast %rsqrt3A_1005 : vector<512x1xf32> to vector<512x16xf32>
    %mul3A_1007 = arith.mulf %sub3A_994, %mul3A_1006 : vector<512x16xf32>
    %get3A_1008 = arith.constant 0 : index
    %get3A_1009 = arith.constant 0 : index
    %get3A_1010 = vector.load %arg36[%get3A_1008, %get3A_1009] : memref<1x16xf32, #tpu.memory_space<vmem>>, vector<1x16xf32>
    %mul3A_1011 = vector.broadcast %get3A_1010 : vector<1x16xf32> to vector<512x16xf32>
    %mul3A_1012 = arith.mulf %mul3A_1007, %mul3A_1011 : vector<512x16xf32>
    %get3A_1013 = arith.constant 0 : index
    %get3A_1014 = arith.constant 0 : index
    %get3A_1015 = vector.load %arg37[%get3A_1013, %get3A_1014] : memref<1x16xf32, #tpu.memory_space<vmem>>, vector<1x16xf32>
    %add3A_1016 = vector.broadcast %get3A_1015 : vector<1x16xf32> to vector<512x16xf32>
    %add3A_1017 = arith.addf %mul3A_1012, %add3A_1016 : vector<512x16xf32>
    %swap3A_1018 = arith.constant 5 : index
    %swap3A_1019 = arith.constant 0 : index
    %swap3A_1020 = arith.constant 0 : index
    %swap3A_1021 = vector.load %arg38[%swap3A_1018, %swap3A_1019, %swap3A_1020] : memref<8x512x16xf32, #tpu.memory_space<vmem>>, vector<1x512x16xf32>
    %swap3A_1022 = vector.shape_cast %swap3A_1021 : vector<1x512x16xf32> to vector<512x16xf32>
    %swap3A_1023 = vector.shape_cast %add3A_1017 : vector<512x16xf32> to vector<1x512x16xf32>
    tpu.vector_store %arg38[%swap3A_1018, %swap3A_1019, %swap3A_1020], %swap3A_1023 {strides = array<i32>} : memref<8x512x16xf32, #tpu.memory_space<vmem>>, vector<1x512x16xf32>,
    %get3A_1024 = arith.constant 6 : index
    %get3A_1025 = arith.constant 0 : index
    %get3A_1026 = arith.constant 0 : index
    %get3A_1027 = vector.load %arg2[%get3A_1024, %get3A_1025, %get3A_1026] : memref<8x512x16xf32, #tpu.memory_space<vmem>>, vector<1x512x16xf32>
    %get3A_1028 = vector.shape_cast %get3A_1027 : vector<1x512x16xf32> to vector<512x16xf32>
    %mul3A_1029 = arith.constant 8 : i32
    %mul3A_1030 = arith.muli %arg0, %mul3A_1029 : i32
    %add3A_1031 = arith.constant 6 : i32
    %add3A_1032 = arith.addi %mul3A_1030, %add3A_1031 : i32
    %get3A_1033 = arith.index_cast %add3A_1032 : i32 to index
    %get3A_1034 = arith.constant 0 : index
    %get3A_1035 = vector.load %arg35[%get3A_1033, %get3A_1034] : memref<64x16xf32, #tpu.memory_space<vmem>>, vector<1x16xf32>
    %add3A_1036 = vector.broadcast %get3A_1035 : vector<1x16xf32> to vector<512x16xf32>
    %add3A_1037 = arith.addf %get3A_1028, %add3A_1036 : vector<512x16xf32>
    %mul3A_1038 = arith.constant 2.500000e-01 : f32
    %mul3A_1039 = vector.broadcast %mul3A_1038 : f32 to vector<512x16xf32>
    %mul3A_1040 = arith.mulf %add3A_1037, %mul3A_1039 : vector<512x16xf32>
    %convert_element_type3A_1041 = arith.truncf %mul3A_1040 : vector<512x16xf32> to vector<512x16xbf16>
    %broadcast_in_dim3A_1042 = arith.constant 0.000000e+00 : f32
    %broadcast_in_dim3A_1043 = vector.broadcast %broadcast_in_dim3A_1042 : f32 to vector<512x16xf32>
    %get3A_1044 = arith.constant 0 : index
    %get3A_1045 = arith.constant 0 : index
    %get3A_1046 = arith.constant 0 : index
    %get3A_1047 = vector.load %arg27[%get3A_1044, %get3A_1045, %get3A_1046] : memref<1x512x16xf32, #tpu.memory_space<vmem>>, vector<1x512x16xf32>
    %get3A_1048 = vector.shape_cast %get3A_1047 : vector<1x512x16xf32> to vector<512x16xf32>
    %get3A_1049 = arith.index_cast %add3A_1032 : i32 to index
    %get3A_1050 = arith.constant 0 : index
    %get3A_1051 = memref.load %arg1[%get3A_1049, %get3A_1050] : memref<64x16xi32, #tpu.memory_space<smem>>
    %get3A_1052 = arith.index_cast %get3A_1051 : i32 to index
    %get3A_1053 = arith.constant 0 : index
    %get3A_1054 = vector.load %arg35[%get3A_1052, %get3A_1053] : memref<64x16xf32, #tpu.memory_space<vmem>>, vector<1x16xf32>
    %add3A_1055 = vector.broadcast %get3A_1054 : vector<1x16xf32> to vector<512x16xf32>
    %add3A_1056 = arith.addf %get3A_1048, %add3A_1055 : vector<512x16xf32>
    %convert_element_type3A_1057 = arith.truncf %add3A_1056 : vector<512x16xf32> to vector<512x16xbf16>
    %dot_general3A_1058 = arith.constant dense<0.000000e+00> : vector<512x512xf32>
    %dot_general3A_1059 = tpu.matmul %convert_element_type3A_1041, %convert_element_type3A_1057, %dot_general3A_1058 {dimension_numbers = #tpu.dot_dimension_numbers<[1], [1], [0], [0], [0, 0, 1, 0], [], []>, transpose_lhs_hint = false} : vector<512x16xbf16>, vector<512x16xbf16>, vector<512x512xf32> -> vector<512x512xf32>
    %exp3A_1060 = math.exp %dot_general3A_1059 : vector<512x512xf32>
    %convert_element_type3A_1061 = arith.truncf %exp3A_1060 : vector<512x512xf32> to vector<512x512xbf16>
    %convert_element_type3A_1062 = arith.truncf %get3A_1048 : vector<512x16xf32> to vector<512x16xbf16>
    %broadcast_in_dim3A_1063 = arith.constant 1.000000e+00 : bf16
    %broadcast_in_dim3A_1064 = vector.broadcast %broadcast_in_dim3A_1063 : bf16 to vector<512x16xbf16>
    %concatenate3A_1065 = tpu.concatenate %convert_element_type3A_1062, %broadcast_in_dim3A_1064 in 1 : vector<512x16xbf16>, vector<512x16xbf16> -> vector<512x32xbf16>
    %dot_general3A_1066 = arith.constant dense<0.000000e+00> : vector<512x32xf32>
    %dot_general3A_1067 = tpu.matmul %convert_element_type3A_1061, %concatenate3A_1065, %dot_general3A_1066 {dimension_numbers = #tpu.dot_dimension_numbers<[1], [0], [0], [1], [0, 0, 1, 1], [], []>, transpose_lhs_hint = false} : vector<512x512xbf16>, vector<512x32xbf16>, vector<512x32xf32> -> vector<512x32xf32>
    %slice3A_1068 = vector.extract_strided_slice %dot_general3A_1067 {offsets = [0, 0], sizes = [512, 16], strides = [1, 1]} : vector<512x32xf32> to vector<512x16xf32>
    %slice3A_1069 = vector.extract_strided_slice %dot_general3A_1067 {offsets = [0, 16], sizes = [512, 16], strides = [1, 1]} : vector<512x32xf32> to vector<512x16xf32>
    %div3A_1070 = arith.divf %slice3A_1068, %slice3A_1069 : vector<512x16xf32>
    %add3A_1071 = arith.addf %broadcast_in_dim3A_1043, %div3A_1070 : vector<512x16xf32>
    %get3A_1072 = arith.constant 0 : index
    %get3A_1073 = arith.constant 0 : index
    %get3A_1074 = arith.constant 0 : index
    %get3A_1075 = vector.load %arg28[%get3A_1072, %get3A_1073, %get3A_1074] : memref<1x512x16xf32, #tpu.memory_space<vmem>>, vector<1x512x16xf32>
    %get3A_1076 = vector.shape_cast %get3A_1075 : vector<1x512x16xf32> to vector<512x16xf32>
    %get3A_1077 = arith.index_cast %add3A_1032 : i32 to index
    %get3A_1078 = arith.constant 1 : index
    %get3A_1079 = memref.load %arg1[%get3A_1077, %get3A_1078] : memref<64x16xi32, #tpu.memory_space<smem>>
    %get3A_1080 = arith.index_cast %get3A_1079 : i32 to index
    %get3A_1081 = arith.constant 0 : index
    %get3A_1082 = vector.load %arg35[%get3A_1080, %get3A_1081] : memref<64x16xf32, #tpu.memory_space<vmem>>, vector<1x16xf32>
    %add3A_1083 = vector.broadcast %get3A_1082 : vector<1x16xf32> to vector<512x16xf32>
    %add3A_1084 = arith.addf %get3A_1076, %add3A_1083 : vector<512x16xf32>
    %convert_element_type3A_1085 = arith.truncf %add3A_1084 : vector<512x16xf32> to vector<512x16xbf16>
    %dot_general3A_1086 = arith.constant dense<0.000000e+00> : vector<512x512xf32>
    %dot_general3A_1087 = tpu.matmul %convert_element_type3A_1041, %convert_element_type3A_1085, %dot_general3A_1086 {dimension_numbers = #tpu.dot_dimension_numbers<[1], [1], [0], [0], [0, 0, 1, 0], [], []>, transpose_lhs_hint = false} : vector<512x16xbf16>, vector<512x16xbf16>, vector<512x512xf32> -> vector<512x512xf32>
    %exp3A_1088 = math.exp %dot_general3A_1087 : vector<512x512xf32>
    %convert_element_type3A_1089 = arith.truncf %exp3A_1088 : vector<512x512xf32> to vector<512x512xbf16>
    %convert_element_type3A_1090 = arith.truncf %get3A_1076 : vector<512x16xf32> to vector<512x16xbf16>
    %broadcast_in_dim3A_1091 = arith.constant 1.000000e+00 : bf16
    %broadcast_in_dim3A_1092 = vector.broadcast %broadcast_in_dim3A_1091 : bf16 to vector<512x16xbf16>
    %concatenate3A_1093 = tpu.concatenate %convert_element_type3A_1090, %broadcast_in_dim3A_1092 in 1 : vector<512x16xbf16>, vector<512x16xbf16> -> vector<512x32xbf16>
    %dot_general3A_1094 = arith.constant dense<0.000000e+00> : vector<512x32xf32>
    %dot_general3A_1095 = tpu.matmul %convert_element_type3A_1089, %concatenate3A_1093, %dot_general3A_1094 {dimension_numbers = #tpu.dot_dimension_numbers<[1], [0], [0], [1], [0, 0, 1, 1], [], []>, transpose_lhs_hint = false} : vector<512x512xbf16>, vector<512x32xbf16>, vector<512x32xf32> -> vector<512x32xf32>
    %slice3A_1096 = vector.extract_strided_slice %dot_general3A_1095 {offsets = [0, 0], sizes = [512, 16], strides = [1, 1]} : vector<512x32xf32> to vector<512x16xf32>
    %slice3A_1097 = vector.extract_strided_slice %dot_general3A_1095 {offsets = [0, 16], sizes = [512, 16], strides = [1, 1]} : vector<512x32xf32> to vector<512x16xf32>
    %div3A_1098 = arith.divf %slice3A_1096, %slice3A_1097 : vector<512x16xf32>
    %add3A_1099 = arith.addf %add3A_1071, %div3A_1098 : vector<512x16xf32>
    %get3A_1100 = arith.constant 0 : index
    %get3A_1101 = arith.constant 0 : index
    %get3A_1102 = arith.constant 0 : index
    %get3A_1103 = vector.load %arg29[%get3A_1100, %get3A_1101, %get3A_1102] : memref<1x512x16xf32, #tpu.memory_space<vmem>>, vector<1x512x16xf32>
    %get3A_1104 = vector.shape_cast %get3A_1103 : vector<1x512x16xf32> to vector<512x16xf32>
    %get3A_1105 = arith.index_cast %add3A_1032 : i32 to index
    %get3A_1106 = arith.constant 2 : index
    %get3A_1107 = memref.load %arg1[%get3A_1105, %get3A_1106] : memref<64x16xi32, #tpu.memory_space<smem>>
    %get3A_1108 = arith.index_cast %get3A_1107 : i32 to index
    %get3A_1109 = arith.constant 0 : index
    %get3A_1110 = vector.load %arg35[%get3A_1108, %get3A_1109] : memref<64x16xf32, #tpu.memory_space<vmem>>, vector<1x16xf32>
    %add3A_1111 = vector.broadcast %get3A_1110 : vector<1x16xf32> to vector<512x16xf32>
    %add3A_1112 = arith.addf %get3A_1104, %add3A_1111 : vector<512x16xf32>
    %convert_element_type3A_1113 = arith.truncf %add3A_1112 : vector<512x16xf32> to vector<512x16xbf16>
    %dot_general3A_1114 = arith.constant dense<0.000000e+00> : vector<512x512xf32>
    %dot_general3A_1115 = tpu.matmul %convert_element_type3A_1041, %convert_element_type3A_1113, %dot_general3A_1114 {dimension_numbers = #tpu.dot_dimension_numbers<[1], [1], [0], [0], [0, 0, 1, 0], [], []>, transpose_lhs_hint = false} : vector<512x16xbf16>, vector<512x16xbf16>, vector<512x512xf32> -> vector<512x512xf32>
    %exp3A_1116 = math.exp %dot_general3A_1115 : vector<512x512xf32>
    %convert_element_type3A_1117 = arith.truncf %exp3A_1116 : vector<512x512xf32> to vector<512x512xbf16>
    %convert_element_type3A_1118 = arith.truncf %get3A_1104 : vector<512x16xf32> to vector<512x16xbf16>
    %broadcast_in_dim3A_1119 = arith.constant 1.000000e+00 : bf16
    %broadcast_in_dim3A_1120 = vector.broadcast %broadcast_in_dim3A_1119 : bf16 to vector<512x16xbf16>
    %concatenate3A_1121 = tpu.concatenate %convert_element_type3A_1118, %broadcast_in_dim3A_1120 in 1 : vector<512x16xbf16>, vector<512x16xbf16> -> vector<512x32xbf16>
    %dot_general3A_1122 = arith.constant dense<0.000000e+00> : vector<512x32xf32>
    %dot_general3A_1123 = tpu.matmul %convert_element_type3A_1117, %concatenate3A_1121, %dot_general3A_1122 {dimension_numbers = #tpu.dot_dimension_numbers<[1], [0], [0], [1], [0, 0, 1, 1], [], []>, transpose_lhs_hint = false} : vector<512x512xbf16>, vector<512x32xbf16>, vector<512x32xf32> -> vector<512x32xf32>
    %slice3A_1124 = vector.extract_strided_slice %dot_general3A_1123 {offsets = [0, 0], sizes = [512, 16], strides = [1, 1]} : vector<512x32xf32> to vector<512x16xf32>
    %slice3A_1125 = vector.extract_strided_slice %dot_general3A_1123 {offsets = [0, 16], sizes = [512, 16], strides = [1, 1]} : vector<512x32xf32> to vector<512x16xf32>
    %div3A_1126 = arith.divf %slice3A_1124, %slice3A_1125 : vector<512x16xf32>
    %add3A_1127 = arith.addf %add3A_1099, %div3A_1126 : vector<512x16xf32>
    %get3A_1128 = arith.constant 0 : index
    %get3A_1129 = arith.constant 0 : index
    %get3A_1130 = arith.constant 0 : index
    %get3A_1131 = vector.load %arg30[%get3A_1128, %get3A_1129, %get3A_1130] : memref<1x512x16xf32, #tpu.memory_space<vmem>>, vector<1x512x16xf32>
    %get3A_1132 = vector.shape_cast %get3A_1131 : vector<1x512x16xf32> to vector<512x16xf32>
    %get3A_1133 = arith.index_cast %add3A_1032 : i32 to index
    %get3A_1134 = arith.constant 3 : index
    %get3A_1135 = memref.load %arg1[%get3A_1133, %get3A_1134] : memref<64x16xi32, #tpu.memory_space<smem>>
    %get3A_1136 = arith.index_cast %get3A_1135 : i32 to index
    %get3A_1137 = arith.constant 0 : index
    %get3A_1138 = vector.load %arg35[%get3A_1136, %get3A_1137] : memref<64x16xf32, #tpu.memory_space<vmem>>, vector<1x16xf32>
    %add3A_1139 = vector.broadcast %get3A_1138 : vector<1x16xf32> to vector<512x16xf32>
    %add3A_1140 = arith.addf %get3A_1132, %add3A_1139 : vector<512x16xf32>
    %convert_element_type3A_1141 = arith.truncf %add3A_1140 : vector<512x16xf32> to vector<512x16xbf16>
    %dot_general3A_1142 = arith.constant dense<0.000000e+00> : vector<512x512xf32>
    %dot_general3A_1143 = tpu.matmul %convert_element_type3A_1041, %convert_element_type3A_1141, %dot_general3A_1142 {dimension_numbers = #tpu.dot_dimension_numbers<[1], [1], [0], [0], [0, 0, 1, 0], [], []>, transpose_lhs_hint = false} : vector<512x16xbf16>, vector<512x16xbf16>, vector<512x512xf32> -> vector<512x512xf32>
    %exp3A_1144 = math.exp %dot_general3A_1143 : vector<512x512xf32>
    %convert_element_type3A_1145 = arith.truncf %exp3A_1144 : vector<512x512xf32> to vector<512x512xbf16>
    %convert_element_type3A_1146 = arith.truncf %get3A_1132 : vector<512x16xf32> to vector<512x16xbf16>
    %broadcast_in_dim3A_1147 = arith.constant 1.000000e+00 : bf16
    %broadcast_in_dim3A_1148 = vector.broadcast %broadcast_in_dim3A_1147 : bf16 to vector<512x16xbf16>
    %concatenate3A_1149 = tpu.concatenate %convert_element_type3A_1146, %broadcast_in_dim3A_1148 in 1 : vector<512x16xbf16>, vector<512x16xbf16> -> vector<512x32xbf16>
    %dot_general3A_1150 = arith.constant dense<0.000000e+00> : vector<512x32xf32>
    %dot_general3A_1151 = tpu.matmul %convert_element_type3A_1145, %concatenate3A_1149, %dot_general3A_1150 {dimension_numbers = #tpu.dot_dimension_numbers<[1], [0], [0], [1], [0, 0, 1, 1], [], []>, transpose_lhs_hint = false} : vector<512x512xbf16>, vector<512x32xbf16>, vector<512x32xf32> -> vector<512x32xf32>
    %slice3A_1152 = vector.extract_strided_slice %dot_general3A_1151 {offsets = [0, 0], sizes = [512, 16], strides = [1, 1]} : vector<512x32xf32> to vector<512x16xf32>
    %slice3A_1153 = vector.extract_strided_slice %dot_general3A_1151 {offsets = [0, 16], sizes = [512, 16], strides = [1, 1]} : vector<512x32xf32> to vector<512x16xf32>
    %div3A_1154 = arith.divf %slice3A_1152, %slice3A_1153 : vector<512x16xf32>
    %add3A_1155 = arith.addf %add3A_1127, %div3A_1154 : vector<512x16xf32>
    %mul3A_1156 = arith.constant 2.000000e-01 : f32
    %mul3A_1157 = vector.broadcast %mul3A_1156 : f32 to vector<512x16xf32>
    %mul3A_1158 = arith.mulf %mul3A_1157, %add3A_1155 : vector<512x16xf32>
    %add3A_1159 = arith.addf %get3A_1028, %mul3A_1158 : vector<512x16xf32>
    %reduce_sum3A_1160 = arith.constant dense<0.000000e+00> : vector<512xf32>
    %reduce_sum3A_1161 = vector.multi_reduction <add>, %add3A_1159, %reduce_sum3A_1160 [1] : vector<512x16xf32> to vector<512xf32>
    %broadcast_in_dim3A_1162 = vector.shape_cast %reduce_sum3A_1161 : vector<512xf32> to vector<512x1xf32>
    %div3A_1163 = arith.constant 1.600000e+01 : f32
    %div3A_1164 = vector.broadcast %div3A_1163 : f32 to vector<512x1xf32>
    %div3A_1165 = arith.divf %broadcast_in_dim3A_1162, %div3A_1164 : vector<512x1xf32>
    %sub3A_1166 = vector.broadcast %div3A_1165 : vector<512x1xf32> to vector<512x16xf32>
    %sub3A_1167 = arith.subf %add3A_1159, %sub3A_1166 : vector<512x16xf32>
    %mul3A_1168 = arith.mulf %sub3A_1167, %sub3A_1167 : vector<512x16xf32>
    %reduce_sum3A_1169 = arith.constant dense<0.000000e+00> : vector<512xf32>
    %reduce_sum3A_1170 = vector.multi_reduction <add>, %mul3A_1168, %reduce_sum3A_1169 [1] : vector<512x16xf32> to vector<512xf32>
    %broadcast_in_dim3A_1171 = vector.shape_cast %reduce_sum3A_1170 : vector<512xf32> to vector<512x1xf32>
    %div3A_1172 = arith.constant 1.600000e+01 : f32
    %div3A_1173 = vector.broadcast %div3A_1172 : f32 to vector<512x1xf32>
    %div3A_1174 = arith.divf %broadcast_in_dim3A_1171, %div3A_1173 : vector<512x1xf32>
    %add3A_1175 = arith.constant 9.99999974E-6 : f32
    %add3A_1176 = vector.broadcast %add3A_1175 : f32 to vector<512x1xf32>
    %add3A_1177 = arith.addf %div3A_1174, %add3A_1176 : vector<512x1xf32>
    %rsqrt3A_1178 = math.rsqrt %add3A_1177 : vector<512x1xf32>
    %mul3A_1179 = vector.broadcast %rsqrt3A_1178 : vector<512x1xf32> to vector<512x16xf32>
    %mul3A_1180 = arith.mulf %sub3A_1167, %mul3A_1179 : vector<512x16xf32>
    %get3A_1181 = arith.constant 0 : index
    %get3A_1182 = arith.constant 0 : index
    %get3A_1183 = vector.load %arg36[%get3A_1181, %get3A_1182] : memref<1x16xf32, #tpu.memory_space<vmem>>, vector<1x16xf32>
    %mul3A_1184 = vector.broadcast %get3A_1183 : vector<1x16xf32> to vector<512x16xf32>
    %mul3A_1185 = arith.mulf %mul3A_1180, %mul3A_1184 : vector<512x16xf32>
    %get3A_1186 = arith.constant 0 : index
    %get3A_1187 = arith.constant 0 : index
    %get3A_1188 = vector.load %arg37[%get3A_1186, %get3A_1187] : memref<1x16xf32, #tpu.memory_space<vmem>>, vector<1x16xf32>
    %add3A_1189 = vector.broadcast %get3A_1188 : vector<1x16xf32> to vector<512x16xf32>
    %add3A_1190 = arith.addf %mul3A_1185, %add3A_1189 : vector<512x16xf32>
    %swap3A_1191 = arith.constant 6 : index
    %swap3A_1192 = arith.constant 0 : index
    %swap3A_1193 = arith.constant 0 : index
    %swap3A_1194 = vector.load %arg38[%swap3A_1191, %swap3A_1192, %swap3A_1193] : memref<8x512x16xf32, #tpu.memory_space<vmem>>, vector<1x512x16xf32>
    %swap3A_1195 = vector.shape_cast %swap3A_1194 : vector<1x512x16xf32> to vector<512x16xf32>
    %swap3A_1196 = vector.shape_cast %add3A_1190 : vector<512x16xf32> to vector<1x512x16xf32>
    tpu.vector_store %arg38[%swap3A_1191, %swap3A_1192, %swap3A_1193], %swap3A_1196 {strides = array<i32>} : memref<8x512x16xf32, #tpu.memory_space<vmem>>, vector<1x512x16xf32>,
    %get3A_1197 = arith.constant 7 : index
    %get3A_1198 = arith.constant 0 : index
    %get3A_1199 = arith.constant 0 : index
    %get3A_1200 = vector.load %arg2[%get3A_1197, %get3A_1198, %get3A_1199] : memref<8x512x16xf32, #tpu.memory_space<vmem>>, vector<1x512x16xf32>
    %get3A_1201 = vector.shape_cast %get3A_1200 : vector<1x512x16xf32> to vector<512x16xf32>
    %mul3A_1202 = arith.constant 8 : i32
    %mul3A_1203 = arith.muli %arg0, %mul3A_1202 : i32
    %add3A_1204 = arith.constant 7 : i32
    %add3A_1205 = arith.addi %mul3A_1203, %add3A_1204 : i32
    %get3A_1206 = arith.index_cast %add3A_1205 : i32 to index
    %get3A_1207 = arith.constant 0 : index
    %get3A_1208 = vector.load %arg35[%get3A_1206, %get3A_1207] : memref<64x16xf32, #tpu.memory_space<vmem>>, vector<1x16xf32>
    %add3A_1209 = vector.broadcast %get3A_1208 : vector<1x16xf32> to vector<512x16xf32>
    %add3A_1210 = arith.addf %get3A_1201, %add3A_1209 : vector<512x16xf32>
    %mul3A_1211 = arith.constant 2.500000e-01 : f32
    %mul3A_1212 = vector.broadcast %mul3A_1211 : f32 to vector<512x16xf32>
    %mul3A_1213 = arith.mulf %add3A_1210, %mul3A_1212 : vector<512x16xf32>
    %convert_element_type3A_1214 = arith.truncf %mul3A_1213 : vector<512x16xf32> to vector<512x16xbf16>
    %broadcast_in_dim3A_1215 = arith.constant 0.000000e+00 : f32
    %broadcast_in_dim3A_1216 = vector.broadcast %broadcast_in_dim3A_1215 : f32 to vector<512x16xf32>
    %get3A_1217 = arith.constant 0 : index
    %get3A_1218 = arith.constant 0 : index
    %get3A_1219 = arith.constant 0 : index
    %get3A_1220 = vector.load %arg31[%get3A_1217, %get3A_1218, %get3A_1219] : memref<1x512x16xf32, #tpu.memory_space<vmem>>, vector<1x512x16xf32>
    %get3A_1221 = vector.shape_cast %get3A_1220 : vector<1x512x16xf32> to vector<512x16xf32>
    %get3A_1222 = arith.index_cast %add3A_1205 : i32 to index
    %get3A_1223 = arith.constant 0 : index
    %get3A_1224 = memref.load %arg1[%get3A_1222, %get3A_1223] : memref<64x16xi32, #tpu.memory_space<smem>>
    %get3A_1225 = arith.index_cast %get3A_1224 : i32 to index
    %get3A_1226 = arith.constant 0 : index
    %get3A_1227 = vector.load %arg35[%get3A_1225, %get3A_1226] : memref<64x16xf32, #tpu.memory_space<vmem>>, vector<1x16xf32>
    %add3A_1228 = vector.broadcast %get3A_1227 : vector<1x16xf32> to vector<512x16xf32>
    %add3A_1229 = arith.addf %get3A_1221, %add3A_1228 : vector<512x16xf32>
    %convert_element_type3A_1230 = arith.truncf %add3A_1229 : vector<512x16xf32> to vector<512x16xbf16>
    %dot_general3A_1231 = arith.constant dense<0.000000e+00> : vector<512x512xf32>
    %dot_general3A_1232 = tpu.matmul %convert_element_type3A_1214, %convert_element_type3A_1230, %dot_general3A_1231 {dimension_numbers = #tpu.dot_dimension_numbers<[1], [1], [0], [0], [0, 0, 1, 0], [], []>, transpose_lhs_hint = false} : vector<512x16xbf16>, vector<512x16xbf16>, vector<512x512xf32> -> vector<512x512xf32>
    %exp3A_1233 = math.exp %dot_general3A_1232 : vector<512x512xf32>
    %convert_element_type3A_1234 = arith.truncf %exp3A_1233 : vector<512x512xf32> to vector<512x512xbf16>
    %convert_element_type3A_1235 = arith.truncf %get3A_1221 : vector<512x16xf32> to vector<512x16xbf16>
    %broadcast_in_dim3A_1236 = arith.constant 1.000000e+00 : bf16
    %broadcast_in_dim3A_1237 = vector.broadcast %broadcast_in_dim3A_1236 : bf16 to vector<512x16xbf16>
    %concatenate3A_1238 = tpu.concatenate %convert_element_type3A_1235, %broadcast_in_dim3A_1237 in 1 : vector<512x16xbf16>, vector<512x16xbf16> -> vector<512x32xbf16>
    %dot_general3A_1239 = arith.constant dense<0.000000e+00> : vector<512x32xf32>
    %dot_general3A_1240 = tpu.matmul %convert_element_type3A_1234, %concatenate3A_1238, %dot_general3A_1239 {dimension_numbers = #tpu.dot_dimension_numbers<[1], [0], [0], [1], [0, 0, 1, 1], [], []>, transpose_lhs_hint = false} : vector<512x512xbf16>, vector<512x32xbf16>, vector<512x32xf32> -> vector<512x32xf32>
    %slice3A_1241 = vector.extract_strided_slice %dot_general3A_1240 {offsets = [0, 0], sizes = [512, 16], strides = [1, 1]} : vector<512x32xf32> to vector<512x16xf32>
    %slice3A_1242 = vector.extract_strided_slice %dot_general3A_1240 {offsets = [0, 16], sizes = [512, 16], strides = [1, 1]} : vector<512x32xf32> to vector<512x16xf32>
    %div3A_1243 = arith.divf %slice3A_1241, %slice3A_1242 : vector<512x16xf32>
    %add3A_1244 = arith.addf %broadcast_in_dim3A_1216, %div3A_1243 : vector<512x16xf32>
    %get3A_1245 = arith.constant 0 : index
    %get3A_1246 = arith.constant 0 : index
    %get3A_1247 = arith.constant 0 : index
    %get3A_1248 = vector.load %arg32[%get3A_1245, %get3A_1246, %get3A_1247] : memref<1x512x16xf32, #tpu.memory_space<vmem>>, vector<1x512x16xf32>
    %get3A_1249 = vector.shape_cast %get3A_1248 : vector<1x512x16xf32> to vector<512x16xf32>
    %get3A_1250 = arith.index_cast %add3A_1205 : i32 to index
    %get3A_1251 = arith.constant 1 : index
    %get3A_1252 = memref.load %arg1[%get3A_1250, %get3A_1251] : memref<64x16xi32, #tpu.memory_space<smem>>
    %get3A_1253 = arith.index_cast %get3A_1252 : i32 to index
    %get3A_1254 = arith.constant 0 : index
    %get3A_1255 = vector.load %arg35[%get3A_1253, %get3A_1254] : memref<64x16xf32, #tpu.memory_space<vmem>>, vector<1x16xf32>
    %add3A_1256 = vector.broadcast %get3A_1255 : vector<1x16xf32> to vector<512x16xf32>
    %add3A_1257 = arith.addf %get3A_1249, %add3A_1256 : vector<512x16xf32>
    %convert_element_type3A_1258 = arith.truncf %add3A_1257 : vector<512x16xf32> to vector<512x16xbf16>
    %dot_general3A_1259 = arith.constant dense<0.000000e+00> : vector<512x512xf32>
    %dot_general3A_1260 = tpu.matmul %convert_element_type3A_1214, %convert_element_type3A_1258, %dot_general3A_1259 {dimension_numbers = #tpu.dot_dimension_numbers<[1], [1], [0], [0], [0, 0, 1, 0], [], []>, transpose_lhs_hint = false} : vector<512x16xbf16>, vector<512x16xbf16>, vector<512x512xf32> -> vector<512x512xf32>
    %exp3A_1261 = math.exp %dot_general3A_1260 : vector<512x512xf32>
    %convert_element_type3A_1262 = arith.truncf %exp3A_1261 : vector<512x512xf32> to vector<512x512xbf16>
    %convert_element_type3A_1263 = arith.truncf %get3A_1249 : vector<512x16xf32> to vector<512x16xbf16>
    %broadcast_in_dim3A_1264 = arith.constant 1.000000e+00 : bf16
    %broadcast_in_dim3A_1265 = vector.broadcast %broadcast_in_dim3A_1264 : bf16 to vector<512x16xbf16>
    %concatenate3A_1266 = tpu.concatenate %convert_element_type3A_1263, %broadcast_in_dim3A_1265 in 1 : vector<512x16xbf16>, vector<512x16xbf16> -> vector<512x32xbf16>
    %dot_general3A_1267 = arith.constant dense<0.000000e+00> : vector<512x32xf32>
    %dot_general3A_1268 = tpu.matmul %convert_element_type3A_1262, %concatenate3A_1266, %dot_general3A_1267 {dimension_numbers = #tpu.dot_dimension_numbers<[1], [0], [0], [1], [0, 0, 1, 1], [], []>, transpose_lhs_hint = false} : vector<512x512xbf16>, vector<512x32xbf16>, vector<512x32xf32> -> vector<512x32xf32>
    %slice3A_1269 = vector.extract_strided_slice %dot_general3A_1268 {offsets = [0, 0], sizes = [512, 16], strides = [1, 1]} : vector<512x32xf32> to vector<512x16xf32>
    %slice3A_1270 = vector.extract_strided_slice %dot_general3A_1268 {offsets = [0, 16], sizes = [512, 16], strides = [1, 1]} : vector<512x32xf32> to vector<512x16xf32>
    %div3A_1271 = arith.divf %slice3A_1269, %slice3A_1270 : vector<512x16xf32>
    %add3A_1272 = arith.addf %add3A_1244, %div3A_1271 : vector<512x16xf32>
    %get3A_1273 = arith.constant 0 : index
    %get3A_1274 = arith.constant 0 : index
    %get3A_1275 = arith.constant 0 : index
    %get3A_1276 = vector.load %arg33[%get3A_1273, %get3A_1274, %get3A_1275] : memref<1x512x16xf32, #tpu.memory_space<vmem>>, vector<1x512x16xf32>
    %get3A_1277 = vector.shape_cast %get3A_1276 : vector<1x512x16xf32> to vector<512x16xf32>
    %get3A_1278 = arith.index_cast %add3A_1205 : i32 to index
    %get3A_1279 = arith.constant 2 : index
    %get3A_1280 = memref.load %arg1[%get3A_1278, %get3A_1279] : memref<64x16xi32, #tpu.memory_space<smem>>
    %get3A_1281 = arith.index_cast %get3A_1280 : i32 to index
    %get3A_1282 = arith.constant 0 : index
    %get3A_1283 = vector.load %arg35[%get3A_1281, %get3A_1282] : memref<64x16xf32, #tpu.memory_space<vmem>>, vector<1x16xf32>
    %add3A_1284 = vector.broadcast %get3A_1283 : vector<1x16xf32> to vector<512x16xf32>
    %add3A_1285 = arith.addf %get3A_1277, %add3A_1284 : vector<512x16xf32>
    %convert_element_type3A_1286 = arith.truncf %add3A_1285 : vector<512x16xf32> to vector<512x16xbf16>
    %dot_general3A_1287 = arith.constant dense<0.000000e+00> : vector<512x512xf32>
    %dot_general3A_1288 = tpu.matmul %convert_element_type3A_1214, %convert_element_type3A_1286, %dot_general3A_1287 {dimension_numbers = #tpu.dot_dimension_numbers<[1], [1], [0], [0], [0, 0, 1, 0], [], []>, transpose_lhs_hint = false} : vector<512x16xbf16>, vector<512x16xbf16>, vector<512x512xf32> -> vector<512x512xf32>
    %exp3A_1289 = math.exp %dot_general3A_1288 : vector<512x512xf32>
    %convert_element_type3A_1290 = arith.truncf %exp3A_1289 : vector<512x512xf32> to vector<512x512xbf16>
    %convert_element_type3A_1291 = arith.truncf %get3A_1277 : vector<512x16xf32> to vector<512x16xbf16>
    %broadcast_in_dim3A_1292 = arith.constant 1.000000e+00 : bf16
    %broadcast_in_dim3A_1293 = vector.broadcast %broadcast_in_dim3A_1292 : bf16 to vector<512x16xbf16>
    %concatenate3A_1294 = tpu.concatenate %convert_element_type3A_1291, %broadcast_in_dim3A_1293 in 1 : vector<512x16xbf16>, vector<512x16xbf16> -> vector<512x32xbf16>
    %dot_general3A_1295 = arith.constant dense<0.000000e+00> : vector<512x32xf32>
    %dot_general3A_1296 = tpu.matmul %convert_element_type3A_1290, %concatenate3A_1294, %dot_general3A_1295 {dimension_numbers = #tpu.dot_dimension_numbers<[1], [0], [0], [1], [0, 0, 1, 1], [], []>, transpose_lhs_hint = false} : vector<512x512xbf16>, vector<512x32xbf16>, vector<512x32xf32> -> vector<512x32xf32>
    %slice3A_1297 = vector.extract_strided_slice %dot_general3A_1296 {offsets = [0, 0], sizes = [512, 16], strides = [1, 1]} : vector<512x32xf32> to vector<512x16xf32>
    %slice3A_1298 = vector.extract_strided_slice %dot_general3A_1296 {offsets = [0, 16], sizes = [512, 16], strides = [1, 1]} : vector<512x32xf32> to vector<512x16xf32>
    %div3A_1299 = arith.divf %slice3A_1297, %slice3A_1298 : vector<512x16xf32>
    %add3A_1300 = arith.addf %add3A_1272, %div3A_1299 : vector<512x16xf32>
    %get3A_1301 = arith.constant 0 : index
    %get3A_1302 = arith.constant 0 : index
    %get3A_1303 = arith.constant 0 : index
    %get3A_1304 = vector.load %arg34[%get3A_1301, %get3A_1302, %get3A_1303] : memref<1x512x16xf32, #tpu.memory_space<vmem>>, vector<1x512x16xf32>
    %get3A_1305 = vector.shape_cast %get3A_1304 : vector<1x512x16xf32> to vector<512x16xf32>
    %get3A_1306 = arith.index_cast %add3A_1205 : i32 to index
    %get3A_1307 = arith.constant 3 : index
    %get3A_1308 = memref.load %arg1[%get3A_1306, %get3A_1307] : memref<64x16xi32, #tpu.memory_space<smem>>
    %get3A_1309 = arith.index_cast %get3A_1308 : i32 to index
    %get3A_1310 = arith.constant 0 : index
    %get3A_1311 = vector.load %arg35[%get3A_1309, %get3A_1310] : memref<64x16xf32, #tpu.memory_space<vmem>>, vector<1x16xf32>
    %add3A_1312 = vector.broadcast %get3A_1311 : vector<1x16xf32> to vector<512x16xf32>
    %add3A_1313 = arith.addf %get3A_1305, %add3A_1312 : vector<512x16xf32>
    %convert_element_type3A_1314 = arith.truncf %add3A_1313 : vector<512x16xf32> to vector<512x16xbf16>
    %dot_general3A_1315 = arith.constant dense<0.000000e+00> : vector<512x512xf32>
    %dot_general3A_1316 = tpu.matmul %convert_element_type3A_1214, %convert_element_type3A_1314, %dot_general3A_1315 {dimension_numbers = #tpu.dot_dimension_numbers<[1], [1], [0], [0], [0, 0, 1, 0], [], []>, transpose_lhs_hint = false} : vector<512x16xbf16>, vector<512x16xbf16>, vector<512x512xf32> -> vector<512x512xf32>
    %exp3A_1317 = math.exp %dot_general3A_1316 : vector<512x512xf32>
    %convert_element_type3A_1318 = arith.truncf %exp3A_1317 : vector<512x512xf32> to vector<512x512xbf16>
    %convert_element_type3A_1319 = arith.truncf %get3A_1305 : vector<512x16xf32> to vector<512x16xbf16>
    %broadcast_in_dim3A_1320 = arith.constant 1.000000e+00 : bf16
    %broadcast_in_dim3A_1321 = vector.broadcast %broadcast_in_dim3A_1320 : bf16 to vector<512x16xbf16>
    %concatenate3A_1322 = tpu.concatenate %convert_element_type3A_1319, %broadcast_in_dim3A_1321 in 1 : vector<512x16xbf16>, vector<512x16xbf16> -> vector<512x32xbf16>
    %dot_general3A_1323 = arith.constant dense<0.000000e+00> : vector<512x32xf32>
    %dot_general3A_1324 = tpu.matmul %convert_element_type3A_1318, %concatenate3A_1322, %dot_general3A_1323 {dimension_numbers = #tpu.dot_dimension_numbers<[1], [0], [0], [1], [0, 0, 1, 1], [], []>, transpose_lhs_hint = false} : vector<512x512xbf16>, vector<512x32xbf16>, vector<512x32xf32> -> vector<512x32xf32>
    %slice3A_1325 = vector.extract_strided_slice %dot_general3A_1324 {offsets = [0, 0], sizes = [512, 16], strides = [1, 1]} : vector<512x32xf32> to vector<512x16xf32>
    %slice3A_1326 = vector.extract_strided_slice %dot_general3A_1324 {offsets = [0, 16], sizes = [512, 16], strides = [1, 1]} : vector<512x32xf32> to vector<512x16xf32>
    %div3A_1327 = arith.divf %slice3A_1325, %slice3A_1326 : vector<512x16xf32>
    %add3A_1328 = arith.addf %add3A_1300, %div3A_1327 : vector<512x16xf32>
    %mul3A_1329 = arith.constant 2.000000e-01 : f32
    %mul3A_1330 = vector.broadcast %mul3A_1329 : f32 to vector<512x16xf32>
    %mul3A_1331 = arith.mulf %mul3A_1330, %add3A_1328 : vector<512x16xf32>
    %add3A_1332 = arith.addf %get3A_1201, %mul3A_1331 : vector<512x16xf32>
    %reduce_sum3A_1333 = arith.constant dense<0.000000e+00> : vector<512xf32>
    %reduce_sum3A_1334 = vector.multi_reduction <add>, %add3A_1332, %reduce_sum3A_1333 [1] : vector<512x16xf32> to vector<512xf32>
    %broadcast_in_dim3A_1335 = vector.shape_cast %reduce_sum3A_1334 : vector<512xf32> to vector<512x1xf32>
    %div3A_1336 = arith.constant 1.600000e+01 : f32
    %div3A_1337 = vector.broadcast %div3A_1336 : f32 to vector<512x1xf32>
    %div3A_1338 = arith.divf %broadcast_in_dim3A_1335, %div3A_1337 : vector<512x1xf32>
    %sub3A_1339 = vector.broadcast %div3A_1338 : vector<512x1xf32> to vector<512x16xf32>
    %sub3A_1340 = arith.subf %add3A_1332, %sub3A_1339 : vector<512x16xf32>
    %mul3A_1341 = arith.mulf %sub3A_1340, %sub3A_1340 : vector<512x16xf32>
    %reduce_sum3A_1342 = arith.constant dense<0.000000e+00> : vector<512xf32>
    %reduce_sum3A_1343 = vector.multi_reduction <add>, %mul3A_1341, %reduce_sum3A_1342 [1] : vector<512x16xf32> to vector<512xf32>
    %broadcast_in_dim3A_1344 = vector.shape_cast %reduce_sum3A_1343 : vector<512xf32> to vector<512x1xf32>
    %div3A_1345 = arith.constant 1.600000e+01 : f32
    %div3A_1346 = vector.broadcast %div3A_1345 : f32 to vector<512x1xf32>
    %div3A_1347 = arith.divf %broadcast_in_dim3A_1344, %div3A_1346 : vector<512x1xf32>
    %add3A_1348 = arith.constant 9.99999974E-6 : f32
    %add3A_1349 = vector.broadcast %add3A_1348 : f32 to vector<512x1xf32>
    %add3A_1350 = arith.addf %div3A_1347, %add3A_1349 : vector<512x1xf32>
    %rsqrt3A_1351 = math.rsqrt %add3A_1350 : vector<512x1xf32>
    %mul3A_1352 = vector.broadcast %rsqrt3A_1351 : vector<512x1xf32> to vector<512x16xf32>
    %mul3A_1353 = arith.mulf %sub3A_1340, %mul3A_1352 : vector<512x16xf32>
    %get3A_1354 = arith.constant 0 : index
    %get3A_1355 = arith.constant 0 : index
    %get3A_1356 = vector.load %arg36[%get3A_1354, %get3A_1355] : memref<1x16xf32, #tpu.memory_space<vmem>>, vector<1x16xf32>
    %mul3A_1357 = vector.broadcast %get3A_1356 : vector<1x16xf32> to vector<512x16xf32>
    %mul3A_1358 = arith.mulf %mul3A_1353, %mul3A_1357 : vector<512x16xf32>
    %get3A_1359 = arith.constant 0 : index
    %get3A_1360 = arith.constant 0 : index
    %get3A_1361 = vector.load %arg37[%get3A_1359, %get3A_1360] : memref<1x16xf32, #tpu.memory_space<vmem>>, vector<1x16xf32>
    %add3A_1362 = vector.broadcast %get3A_1361 : vector<1x16xf32> to vector<512x16xf32>
    %add3A_1363 = arith.addf %mul3A_1358, %add3A_1362 : vector<512x16xf32>
    %swap3A_1364 = arith.constant 7 : index
    %swap3A_1365 = arith.constant 0 : index
    %swap3A_1366 = arith.constant 0 : index
    %swap3A_1367 = vector.load %arg38[%swap3A_1364, %swap3A_1365, %swap3A_1366] : memref<8x512x16xf32, #tpu.memory_space<vmem>>, vector<1x512x16xf32>
    %swap3A_1368 = vector.shape_cast %swap3A_1367 : vector<1x512x16xf32> to vector<512x16xf32>
    %swap3A_1369 = vector.shape_cast %add3A_1363 : vector<512x16xf32> to vector<1x512x16xf32>
    tpu.vector_store %arg38[%swap3A_1364, %swap3A_1365, %swap3A_1366], %swap3A_1369 {strides = array<i32>} : memref<8x512x16xf32, #tpu.memory_space<vmem>>, vector<1x512x16xf32>,
    return
  }
  func.func @transform_0(%arg0: i32, %arg1: memref<64x16xi32, #tpu.memory_space<smem>>) -> (i32, i32, i32) {
    %c0_i32 = arith.constant 0 : i32
    %c0_i32_0 = arith.constant 0 : i32
    %c0_i32_1 = arith.constant 0 : i32
    return %arg0, %c0_i32, %c0_i32_0 : i32, i32, i32
  }
  func.func @transform_1(%arg0: i32, %arg1: memref<64x16xi32, #tpu.memory_space<smem>>) -> (i32, i32, i32) {
    %mul3A = arith.constant 8 : i32
    %mul3A_0 = arith.muli %arg0, %mul3A : i32
    %add3A = arith.constant 0 : i32
    %add3A_1 = arith.addi %mul3A_0, %add3A : i32
    %get3A = arith.index_cast %add3A_1 : i32 to index
    %get3A_2 = arith.constant 0 : index
    %get3A_3 = memref.load %arg1[%get3A, %get3A_2] : memref<64x16xi32, #tpu.memory_space<smem>>
    %c0_i32 = arith.constant 0 : i32
    %c0_i32_4 = arith.constant 0 : i32
    %c0_i32_5 = arith.constant 0 : i32
    return %get3A_3, %c0_i32, %c0_i32_4 : i32, i32, i32
  }
  func.func @transform_2(%arg0: i32, %arg1: memref<64x16xi32, #tpu.memory_space<smem>>) -> (i32, i32, i32) {
    %mul3A = arith.constant 8 : i32
    %mul3A_0 = arith.muli %arg0, %mul3A : i32
    %add3A = arith.constant 0 : i32
    %add3A_1 = arith.addi %mul3A_0, %add3A : i32
    %get3A = arith.index_cast %add3A_1 : i32 to index
    %get3A_2 = arith.constant 1 : index
    %get3A_3 = memref.load %arg1[%get3A, %get3A_2] : memref<64x16xi32, #tpu.memory_space<smem>>
    %c0_i32 = arith.constant 0 : i32
    %c0_i32_4 = arith.constant 0 : i32
    %c0_i32_5 = arith.constant 0 : i32
    return %get3A_3, %c0_i32, %c0_i32_4 : i32, i32, i32
  }
  func.func @transform_3(%arg0: i32, %arg1: memref<64x16xi32, #tpu.memory_space<smem>>) -> (i32, i32, i32) {
    %mul3A = arith.constant 8 : i32
    %mul3A_0 = arith.muli %arg0, %mul3A : i32
    %add3A = arith.constant 0 : i32
    %add3A_1 = arith.addi %mul3A_0, %add3A : i32
    %get3A = arith.index_cast %add3A_1 : i32 to index
    %get3A_2 = arith.constant 2 : index
    %get3A_3 = memref.load %arg1[%get3A, %get3A_2] : memref<64x16xi32, #tpu.memory_space<smem>>
    %c0_i32 = arith.constant 0 : i32
    %c0_i32_4 = arith.constant 0 : i32
    %c0_i32_5 = arith.constant 0 : i32
    return %get3A_3, %c0_i32, %c0_i32_4 : i32, i32, i32
  }
  func.func @transform_4(%arg0: i32, %arg1: memref<64x16xi32, #tpu.memory_space<smem>>) -> (i32, i32, i32) {
    %mul3A = arith.constant 8 : i32
    %mul3A_0 = arith.muli %arg0, %mul3A : i32
    %add3A = arith.constant 0 : i32
    %add3A_1 = arith.addi %mul3A_0, %add3A : i32
    %get3A = arith.index_cast %add3A_1 : i32 to index
    %get3A_2 = arith.constant 3 : index
    %get3A_3 = memref.load %arg1[%get3A, %get3A_2] : memref<64x16xi32, #tpu.memory_space<smem>>
    %c0_i32 = arith.constant 0 : i32
    %c0_i32_4 = arith.constant 0 : i32
    %c0_i32_5 = arith.constant 0 : i32
    return %get3A_3, %c0_i32, %c0_i32_4 : i32, i32, i32
  }
  func.func @transform_5(%arg0: i32, %arg1: memref<64x16xi32, #tpu.memory_space<smem>>) -> (i32, i32, i32) {
    %mul3A = arith.constant 8 : i32
    %mul3A_0 = arith.muli %arg0, %mul3A : i32
    %add3A = arith.constant 1 : i32
    %add3A_1 = arith.addi %mul3A_0, %add3A : i32
    %get3A = arith.index_cast %add3A_1 : i32 to index
    %get3A_2 = arith.constant 0 : index
    %get3A_3 = memref.load %arg1[%get3A, %get3A_2] : memref<64x16xi32, #tpu.memory_space<smem>>
    %c0_i32 = arith.constant 0 : i32
    %c0_i32_4 = arith.constant 0 : i32
    %c0_i32_5 = arith.constant 0 : i32
    return %get3A_3, %c0_i32, %c0_i32_4 : i32, i32, i32
  }
  func.func @transform_6(%arg0: i32, %arg1: memref<64x16xi32, #tpu.memory_space<smem>>) -> (i32, i32, i32) {
    %mul3A = arith.constant 8 : i32
    %mul3A_0 = arith.muli %arg0, %mul3A : i32
    %add3A = arith.constant 1 : i32
    %add3A_1 = arith.addi %mul3A_0, %add3A : i32
    %get3A = arith.index_cast %add3A_1 : i32 to index
    %get3A_2 = arith.constant 1 : index
    %get3A_3 = memref.load %arg1[%get3A, %get3A_2] : memref<64x16xi32, #tpu.memory_space<smem>>
    %c0_i32 = arith.constant 0 : i32
    %c0_i32_4 = arith.constant 0 : i32
    %c0_i32_5 = arith.constant 0 : i32
    return %get3A_3, %c0_i32, %c0_i32_4 : i32, i32, i32
  }
  func.func @transform_7(%arg0: i32, %arg1: memref<64x16xi32, #tpu.memory_space<smem>>) -> (i32, i32, i32) {
    %mul3A = arith.constant 8 : i32
    %mul3A_0 = arith.muli %arg0, %mul3A : i32
    %add3A = arith.constant 1 : i32
    %add3A_1 = arith.addi %mul3A_0, %add3A : i32
    %get3A = arith.index_cast %add3A_1 : i32 to index
    %get3A_2 = arith.constant 2 : index
    %get3A_3 = memref.load %arg1[%get3A, %get3A_2] : memref<64x16xi32, #tpu.memory_space<smem>>
    %c0_i32 = arith.constant 0 : i32
    %c0_i32_4 = arith.constant 0 : i32
    %c0_i32_5 = arith.constant 0 : i32
    return %get3A_3, %c0_i32, %c0_i32_4 : i32, i32, i32
  }
  func.func @transform_8(%arg0: i32, %arg1: memref<64x16xi32, #tpu.memory_space<smem>>) -> (i32, i32, i32) {
    %mul3A = arith.constant 8 : i32
    %mul3A_0 = arith.muli %arg0, %mul3A : i32
    %add3A = arith.constant 1 : i32
    %add3A_1 = arith.addi %mul3A_0, %add3A : i32
    %get3A = arith.index_cast %add3A_1 : i32 to index
    %get3A_2 = arith.constant 3 : index
    %get3A_3 = memref.load %arg1[%get3A, %get3A_2] : memref<64x16xi32, #tpu.memory_space<smem>>
    %c0_i32 = arith.constant 0 : i32
    %c0_i32_4 = arith.constant 0 : i32
    %c0_i32_5 = arith.constant 0 : i32
    return %get3A_3, %c0_i32, %c0_i32_4 : i32, i32, i32
  }
  func.func @transform_9(%arg0: i32, %arg1: memref<64x16xi32, #tpu.memory_space<smem>>) -> (i32, i32, i32) {
    %mul3A = arith.constant 8 : i32
    %mul3A_0 = arith.muli %arg0, %mul3A : i32
    %add3A = arith.constant 2 : i32
    %add3A_1 = arith.addi %mul3A_0, %add3A : i32
    %get3A = arith.index_cast %add3A_1 : i32 to index
    %get3A_2 = arith.constant 0 : index
    %get3A_3 = memref.load %arg1[%get3A, %get3A_2] : memref<64x16xi32, #tpu.memory_space<smem>>
    %c0_i32 = arith.constant 0 : i32
    %c0_i32_4 = arith.constant 0 : i32
    %c0_i32_5 = arith.constant 0 : i32
    return %get3A_3, %c0_i32, %c0_i32_4 : i32, i32, i32
  }
  func.func @transform_10(%arg0: i32, %arg1: memref<64x16xi32, #tpu.memory_space<smem>>) -> (i32, i32, i32) {
    %mul3A = arith.constant 8 : i32
    %mul3A_0 = arith.muli %arg0, %mul3A : i32
    %add3A = arith.constant 2 : i32
    %add3A_1 = arith.addi %mul3A_0, %add3A : i32
    %get3A = arith.index_cast %add3A_1 : i32 to index
    %get3A_2 = arith.constant 1 : index
    %get3A_3 = memref.load %arg1[%get3A, %get3A_2] : memref<64x16xi32, #tpu.memory_space<smem>>
    %c0_i32 = arith.constant 0 : i32
    %c0_i32_4 = arith.constant 0 : i32
    %c0_i32_5 = arith.constant 0 : i32
    return %get3A_3, %c0_i32, %c0_i32_4 : i32, i32, i32
  }
  func.func @transform_11(%arg0: i32, %arg1: memref<64x16xi32, #tpu.memory_space<smem>>) -> (i32, i32, i32) {
    %mul3A = arith.constant 8 : i32
    %mul3A_0 = arith.muli %arg0, %mul3A : i32
    %add3A = arith.constant 2 : i32
    %add3A_1 = arith.addi %mul3A_0, %add3A : i32
    %get3A = arith.index_cast %add3A_1 : i32 to index
    %get3A_2 = arith.constant 2 : index
    %get3A_3 = memref.load %arg1[%get3A, %get3A_2] : memref<64x16xi32, #tpu.memory_space<smem>>
    %c0_i32 = arith.constant 0 : i32
    %c0_i32_4 = arith.constant 0 : i32
    %c0_i32_5 = arith.constant 0 : i32
    return %get3A_3, %c0_i32, %c0_i32_4 : i32, i32, i32
  }
  func.func @transform_12(%arg0: i32, %arg1: memref<64x16xi32, #tpu.memory_space<smem>>) -> (i32, i32, i32) {
    %mul3A = arith.constant 8 : i32
    %mul3A_0 = arith.muli %arg0, %mul3A : i32
    %add3A = arith.constant 2 : i32
    %add3A_1 = arith.addi %mul3A_0, %add3A : i32
    %get3A = arith.index_cast %add3A_1 : i32 to index
    %get3A_2 = arith.constant 3 : index
    %get3A_3 = memref.load %arg1[%get3A, %get3A_2] : memref<64x16xi32, #tpu.memory_space<smem>>
    %c0_i32 = arith.constant 0 : i32
    %c0_i32_4 = arith.constant 0 : i32
    %c0_i32_5 = arith.constant 0 : i32
    return %get3A_3, %c0_i32, %c0_i32_4 : i32, i32, i32
  }
  func.func @transform_13(%arg0: i32, %arg1: memref<64x16xi32, #tpu.memory_space<smem>>) -> (i32, i32, i32) {
    %mul3A = arith.constant 8 : i32
    %mul3A_0 = arith.muli %arg0, %mul3A : i32
    %add3A = arith.constant 3 : i32
    %add3A_1 = arith.addi %mul3A_0, %add3A : i32
    %get3A = arith.index_cast %add3A_1 : i32 to index
    %get3A_2 = arith.constant 0 : index
    %get3A_3 = memref.load %arg1[%get3A, %get3A_2] : memref<64x16xi32, #tpu.memory_space<smem>>
    %c0_i32 = arith.constant 0 : i32
    %c0_i32_4 = arith.constant 0 : i32
    %c0_i32_5 = arith.constant 0 : i32
    return %get3A_3, %c0_i32, %c0_i32_4 : i32, i32, i32
  }
  func.func @transform_14(%arg0: i32, %arg1: memref<64x16xi32, #tpu.memory_space<smem>>) -> (i32, i32, i32) {
    %mul3A = arith.constant 8 : i32
    %mul3A_0 = arith.muli %arg0, %mul3A : i32
    %add3A = arith.constant 3 : i32
    %add3A_1 = arith.addi %mul3A_0, %add3A : i32
    %get3A = arith.index_cast %add3A_1 : i32 to index
    %get3A_2 = arith.constant 1 : index
    %get3A_3 = memref.load %arg1[%get3A, %get3A_2] : memref<64x16xi32, #tpu.memory_space<smem>>
    %c0_i32 = arith.constant 0 : i32
    %c0_i32_4 = arith.constant 0 : i32
    %c0_i32_5 = arith.constant 0 : i32
    return %get3A_3, %c0_i32, %c0_i32_4 : i32, i32, i32
  }
  func.func @transform_15(%arg0: i32, %arg1: memref<64x16xi32, #tpu.memory_space<smem>>) -> (i32, i32, i32) {
    %mul3A = arith.constant 8 : i32
    %mul3A_0 = arith.muli %arg0, %mul3A : i32
    %add3A = arith.constant 3 : i32
    %add3A_1 = arith.addi %mul3A_0, %add3A : i32
    %get3A = arith.index_cast %add3A_1 : i32 to index
    %get3A_2 = arith.constant 2 : index
    %get3A_3 = memref.load %arg1[%get3A, %get3A_2] : memref<64x16xi32, #tpu.memory_space<smem>>
    %c0_i32 = arith.constant 0 : i32
    %c0_i32_4 = arith.constant 0 : i32
    %c0_i32_5 = arith.constant 0 : i32
    return %get3A_3, %c0_i32, %c0_i32_4 : i32, i32, i32
  }
  func.func @transform_16(%arg0: i32, %arg1: memref<64x16xi32, #tpu.memory_space<smem>>) -> (i32, i32, i32) {
    %mul3A = arith.constant 8 : i32
    %mul3A_0 = arith.muli %arg0, %mul3A : i32
    %add3A = arith.constant 3 : i32
    %add3A_1 = arith.addi %mul3A_0, %add3A : i32
    %get3A = arith.index_cast %add3A_1 : i32 to index
    %get3A_2 = arith.constant 3 : index
    %get3A_3 = memref.load %arg1[%get3A, %get3A_2] : memref<64x16xi32, #tpu.memory_space<smem>>
    %c0_i32 = arith.constant 0 : i32
    %c0_i32_4 = arith.constant 0 : i32
    %c0_i32_5 = arith.constant 0 : i32
    return %get3A_3, %c0_i32, %c0_i32_4 : i32, i32, i32
  }
  func.func @transform_17(%arg0: i32, %arg1: memref<64x16xi32, #tpu.memory_space<smem>>) -> (i32, i32, i32) {
    %mul3A = arith.constant 8 : i32
    %mul3A_0 = arith.muli %arg0, %mul3A : i32
    %add3A = arith.constant 4 : i32
    %add3A_1 = arith.addi %mul3A_0, %add3A : i32
    %get3A = arith.index_cast %add3A_1 : i32 to index
    %get3A_2 = arith.constant 0 : index
    %get3A_3 = memref.load %arg1[%get3A, %get3A_2] : memref<64x16xi32, #tpu.memory_space<smem>>
    %c0_i32 = arith.constant 0 : i32
    %c0_i32_4 = arith.constant 0 : i32
    %c0_i32_5 = arith.constant 0 : i32
    return %get3A_3, %c0_i32, %c0_i32_4 : i32, i32, i32
  }
  func.func @transform_18(%arg0: i32, %arg1: memref<64x16xi32, #tpu.memory_space<smem>>) -> (i32, i32, i32) {
    %mul3A = arith.constant 8 : i32
    %mul3A_0 = arith.muli %arg0, %mul3A : i32
    %add3A = arith.constant 4 : i32
    %add3A_1 = arith.addi %mul3A_0, %add3A : i32
    %get3A = arith.index_cast %add3A_1 : i32 to index
    %get3A_2 = arith.constant 1 : index
    %get3A_3 = memref.load %arg1[%get3A, %get3A_2] : memref<64x16xi32, #tpu.memory_space<smem>>
    %c0_i32 = arith.constant 0 : i32
    %c0_i32_4 = arith.constant 0 : i32
    %c0_i32_5 = arith.constant 0 : i32
    return %get3A_3, %c0_i32, %c0_i32_4 : i32, i32, i32
  }
  func.func @transform_19(%arg0: i32, %arg1: memref<64x16xi32, #tpu.memory_space<smem>>) -> (i32, i32, i32) {
    %mul3A = arith.constant 8 : i32
    %mul3A_0 = arith.muli %arg0, %mul3A : i32
    %add3A = arith.constant 4 : i32
    %add3A_1 = arith.addi %mul3A_0, %add3A : i32
    %get3A = arith.index_cast %add3A_1 : i32 to index
    %get3A_2 = arith.constant 2 : index
    %get3A_3 = memref.load %arg1[%get3A, %get3A_2] : memref<64x16xi32, #tpu.memory_space<smem>>
    %c0_i32 = arith.constant 0 : i32
    %c0_i32_4 = arith.constant 0 : i32
    %c0_i32_5 = arith.constant 0 : i32
    return %get3A_3, %c0_i32, %c0_i32_4 : i32, i32, i32
  }
  func.func @transform_20(%arg0: i32, %arg1: memref<64x16xi32, #tpu.memory_space<smem>>) -> (i32, i32, i32) {
    %mul3A = arith.constant 8 : i32
    %mul3A_0 = arith.muli %arg0, %mul3A : i32
    %add3A = arith.constant 4 : i32
    %add3A_1 = arith.addi %mul3A_0, %add3A : i32
    %get3A = arith.index_cast %add3A_1 : i32 to index
    %get3A_2 = arith.constant 3 : index
    %get3A_3 = memref.load %arg1[%get3A, %get3A_2] : memref<64x16xi32, #tpu.memory_space<smem>>
    %c0_i32 = arith.constant 0 : i32
    %c0_i32_4 = arith.constant 0 : i32
    %c0_i32_5 = arith.constant 0 : i32
    return %get3A_3, %c0_i32, %c0_i32_4 : i32, i32, i32
  }
  func.func @transform_21(%arg0: i32, %arg1: memref<64x16xi32, #tpu.memory_space<smem>>) -> (i32, i32, i32) {
    %mul3A = arith.constant 8 : i32
    %mul3A_0 = arith.muli %arg0, %mul3A : i32
    %add3A = arith.constant 5 : i32
    %add3A_1 = arith.addi %mul3A_0, %add3A : i32
    %get3A = arith.index_cast %add3A_1 : i32 to index
    %get3A_2 = arith.constant 0 : index
    %get3A_3 = memref.load %arg1[%get3A, %get3A_2] : memref<64x16xi32, #tpu.memory_space<smem>>
    %c0_i32 = arith.constant 0 : i32
    %c0_i32_4 = arith.constant 0 : i32
    %c0_i32_5 = arith.constant 0 : i32
    return %get3A_3, %c0_i32, %c0_i32_4 : i32, i32, i32
  }
  func.func @transform_22(%arg0: i32, %arg1: memref<64x16xi32, #tpu.memory_space<smem>>) -> (i32, i32, i32) {
    %mul3A = arith.constant 8 : i32
    %mul3A_0 = arith.muli %arg0, %mul3A : i32
    %add3A = arith.constant 5 : i32
    %add3A_1 = arith.addi %mul3A_0, %add3A : i32
    %get3A = arith.index_cast %add3A_1 : i32 to index
    %get3A_2 = arith.constant 1 : index
    %get3A_3 = memref.load %arg1[%get3A, %get3A_2] : memref<64x16xi32, #tpu.memory_space<smem>>
    %c0_i32 = arith.constant 0 : i32
    %c0_i32_4 = arith.constant 0 : i32
    %c0_i32_5 = arith.constant 0 : i32
    return %get3A_3, %c0_i32, %c0_i32_4 : i32, i32, i32
  }
  func.func @transform_23(%arg0: i32, %arg1: memref<64x16xi32, #tpu.memory_space<smem>>) -> (i32, i32, i32) {
    %mul3A = arith.constant 8 : i32
    %mul3A_0 = arith.muli %arg0, %mul3A : i32
    %add3A = arith.constant 5 : i32
    %add3A_1 = arith.addi %mul3A_0, %add3A : i32
    %get3A = arith.index_cast %add3A_1 : i32 to index
    %get3A_2 = arith.constant 2 : index
    %get3A_3 = memref.load %arg1[%get3A, %get3A_2] : memref<64x16xi32, #tpu.memory_space<smem>>
    %c0_i32 = arith.constant 0 : i32
    %c0_i32_4 = arith.constant 0 : i32
    %c0_i32_5 = arith.constant 0 : i32
    return %get3A_3, %c0_i32, %c0_i32_4 : i32, i32, i32
  }
  func.func @transform_24(%arg0: i32, %arg1: memref<64x16xi32, #tpu.memory_space<smem>>) -> (i32, i32, i32) {
    %mul3A = arith.constant 8 : i32
    %mul3A_0 = arith.muli %arg0, %mul3A : i32
    %add3A = arith.constant 5 : i32
    %add3A_1 = arith.addi %mul3A_0, %add3A : i32
    %get3A = arith.index_cast %add3A_1 : i32 to index
    %get3A_2 = arith.constant 3 : index
    %get3A_3 = memref.load %arg1[%get3A, %get3A_2] : memref<64x16xi32, #tpu.memory_space<smem>>
    %c0_i32 = arith.constant 0 : i32
    %c0_i32_4 = arith.constant 0 : i32
    %c0_i32_5 = arith.constant 0 : i32
    return %get3A_3, %c0_i32, %c0_i32_4 : i32, i32, i32
  }
  func.func @transform_25(%arg0: i32, %arg1: memref<64x16xi32, #tpu.memory_space<smem>>) -> (i32, i32, i32) {
    %mul3A = arith.constant 8 : i32
    %mul3A_0 = arith.muli %arg0, %mul3A : i32
    %add3A = arith.constant 6 : i32
    %add3A_1 = arith.addi %mul3A_0, %add3A : i32
    %get3A = arith.index_cast %add3A_1 : i32 to index
    %get3A_2 = arith.constant 0 : index
    %get3A_3 = memref.load %arg1[%get3A, %get3A_2] : memref<64x16xi32, #tpu.memory_space<smem>>
    %c0_i32 = arith.constant 0 : i32
    %c0_i32_4 = arith.constant 0 : i32
    %c0_i32_5 = arith.constant 0 : i32
    return %get3A_3, %c0_i32, %c0_i32_4 : i32, i32, i32
  }
  func.func @transform_26(%arg0: i32, %arg1: memref<64x16xi32, #tpu.memory_space<smem>>) -> (i32, i32, i32) {
    %mul3A = arith.constant 8 : i32
    %mul3A_0 = arith.muli %arg0, %mul3A : i32
    %add3A = arith.constant 6 : i32
    %add3A_1 = arith.addi %mul3A_0, %add3A : i32
    %get3A = arith.index_cast %add3A_1 : i32 to index
    %get3A_2 = arith.constant 1 : index
    %get3A_3 = memref.load %arg1[%get3A, %get3A_2] : memref<64x16xi32, #tpu.memory_space<smem>>
    %c0_i32 = arith.constant 0 : i32
    %c0_i32_4 = arith.constant 0 : i32
    %c0_i32_5 = arith.constant 0 : i32
    return %get3A_3, %c0_i32, %c0_i32_4 : i32, i32, i32
  }
  func.func @transform_27(%arg0: i32, %arg1: memref<64x16xi32, #tpu.memory_space<smem>>) -> (i32, i32, i32) {
    %mul3A = arith.constant 8 : i32
    %mul3A_0 = arith.muli %arg0, %mul3A : i32
    %add3A = arith.constant 6 : i32
    %add3A_1 = arith.addi %mul3A_0, %add3A : i32
    %get3A = arith.index_cast %add3A_1 : i32 to index
    %get3A_2 = arith.constant 2 : index
    %get3A_3 = memref.load %arg1[%get3A, %get3A_2] : memref<64x16xi32, #tpu.memory_space<smem>>
    %c0_i32 = arith.constant 0 : i32
    %c0_i32_4 = arith.constant 0 : i32
    %c0_i32_5 = arith.constant 0 : i32
    return %get3A_3, %c0_i32, %c0_i32_4 : i32, i32, i32
  }
  func.func @transform_28(%arg0: i32, %arg1: memref<64x16xi32, #tpu.memory_space<smem>>) -> (i32, i32, i32) {
    %mul3A = arith.constant 8 : i32
    %mul3A_0 = arith.muli %arg0, %mul3A : i32
    %add3A = arith.constant 6 : i32
    %add3A_1 = arith.addi %mul3A_0, %add3A : i32
    %get3A = arith.index_cast %add3A_1 : i32 to index
    %get3A_2 = arith.constant 3 : index
    %get3A_3 = memref.load %arg1[%get3A, %get3A_2] : memref<64x16xi32, #tpu.memory_space<smem>>
    %c0_i32 = arith.constant 0 : i32
    %c0_i32_4 = arith.constant 0 : i32
    %c0_i32_5 = arith.constant 0 : i32
    return %get3A_3, %c0_i32, %c0_i32_4 : i32, i32, i32
  }
  func.func @transform_29(%arg0: i32, %arg1: memref<64x16xi32, #tpu.memory_space<smem>>) -> (i32, i32, i32) {
    %mul3A = arith.constant 8 : i32
    %mul3A_0 = arith.muli %arg0, %mul3A : i32
    %add3A = arith.constant 7 : i32
    %add3A_1 = arith.addi %mul3A_0, %add3A : i32
    %get3A = arith.index_cast %add3A_1 : i32 to index
    %get3A_2 = arith.constant 0 : index
    %get3A_3 = memref.load %arg1[%get3A, %get3A_2] : memref<64x16xi32, #tpu.memory_space<smem>>
    %c0_i32 = arith.constant 0 : i32
    %c0_i32_4 = arith.constant 0 : i32
    %c0_i32_5 = arith.constant 0 : i32
    return %get3A_3, %c0_i32, %c0_i32_4 : i32, i32, i32
  }
  func.func @transform_30(%arg0: i32, %arg1: memref<64x16xi32, #tpu.memory_space<smem>>) -> (i32, i32, i32) {
    %mul3A = arith.constant 8 : i32
    %mul3A_0 = arith.muli %arg0, %mul3A : i32
    %add3A = arith.constant 7 : i32
    %add3A_1 = arith.addi %mul3A_0, %add3A : i32
    %get3A = arith.index_cast %add3A_1 : i32 to index
    %get3A_2 = arith.constant 1 : index
    %get3A_3 = memref.load %arg1[%get3A, %get3A_2] : memref<64x16xi32, #tpu.memory_space<smem>>
    %c0_i32 = arith.constant 0 : i32
    %c0_i32_4 = arith.constant 0 : i32
    %c0_i32_5 = arith.constant 0 : i32
    return %get3A_3, %c0_i32, %c0_i32_4 : i32, i32, i32
  }
  func.func @transform_31(%arg0: i32, %arg1: memref<64x16xi32, #tpu.memory_space<smem>>) -> (i32, i32, i32) {
    %mul3A = arith.constant 8 : i32
    %mul3A_0 = arith.muli %arg0, %mul3A : i32
    %add3A = arith.constant 7 : i32
    %add3A_1 = arith.addi %mul3A_0, %add3A : i32
    %get3A = arith.index_cast %add3A_1 : i32 to index
    %get3A_2 = arith.constant 2 : index
    %get3A_3 = memref.load %arg1[%get3A, %get3A_2] : memref<64x16xi32, #tpu.memory_space<smem>>
    %c0_i32 = arith.constant 0 : i32
    %c0_i32_4 = arith.constant 0 : i32
    %c0_i32_5 = arith.constant 0 : i32
    return %get3A_3, %c0_i32, %c0_i32_4 : i32, i32, i32
  }
  func.func @transform_32(%arg0: i32, %arg1: memref<64x16xi32, #tpu.memory_space<smem>>) -> (i32, i32, i32) {
    %mul3A = arith.constant 8 : i32
    %mul3A_0 = arith.muli %arg0, %mul3A : i32
    %add3A = arith.constant 7 : i32
    %add3A_1 = arith.addi %mul3A_0, %add3A : i32
    %get3A = arith.index_cast %add3A_1 : i32 to index
    %get3A_2 = arith.constant 3 : index
    %get3A_3 = memref.load %arg1[%get3A, %get3A_2] : memref<64x16xi32, #tpu.memory_space<smem>>
    %c0_i32 = arith.constant 0 : i32
    %c0_i32_4 = arith.constant 0 : i32
    %c0_i32_5 = arith.constant 0 : i32
    return %get3A_3, %c0_i32, %c0_i32_4 : i32, i32, i32
  }
  func.func @transform_33(%arg0: i32, %arg1: memref<64x16xi32, #tpu.memory_space<smem>>) -> (i32, i32) {
    %c0_i32 = arith.constant 0 : i32
    %c0_i32_0 = arith.constant 0 : i32
    %c0_i32_1 = arith.constant 0 : i32
    return %c0_i32, %c0_i32_0 : i32, i32
  }
  func.func @transform_34(%arg0: i32, %arg1: memref<64x16xi32, #tpu.memory_space<smem>>) -> (i32, i32) {
    %c0_i32 = arith.constant 0 : i32
    %c0_i32_0 = arith.constant 0 : i32
    %c0_i32_1 = arith.constant 0 : i32
    return %c0_i32, %c0_i32_0 : i32, i32
  }
  func.func @transform_35(%arg0: i32, %arg1: memref<64x16xi32, #tpu.memory_space<smem>>) -> (i32, i32) {
    %c0_i32 = arith.constant 0 : i32
    %c0_i32_0 = arith.constant 0 : i32
    %c0_i32_1 = arith.constant 0 : i32
    return %c0_i32, %c0_i32_0 : i32, i32
  }
  func.func @transform_36(%arg0: i32, %arg1: memref<64x16xi32, #tpu.memory_space<smem>>) -> (i32, i32, i32) {
    %c0_i32 = arith.constant 0 : i32
    %c0_i32_0 = arith.constant 0 : i32
    %c0_i32_1 = arith.constant 0 : i32
    return %arg0, %c0_i32, %c0_i32_0 : i32, i32, i32
  }
}

</mosaic_0001>

<sc_bundles>
// kernel: kernel.4.cloned.1.call-start
scs
__scs_entry_jumppad:
0x0: {  	(pc) =	sbr.rel $0x88, $3  }
0x1: {  	(tag) =	ssettag $0x0;
	lr =	simm.s32 $0x1  }
0x2: {  	[smem:$0x3F9B] =	sst lr;
	_ =	strace $0xD0000000  }
0x3: {  	_ = 	snop  }
0x4: {  	_ = 	snop  }
0x5: {  	_ = 	snop  }
0x6: {  	_ = 	snop  }
0x7: {  	_ = 	snop  }
__scs_overlays_trampoline_lowered:
0x8: {  	[smem:$0x3FAA] =	sst s0  }
0x9: {  	[smem:$0x3FAB] =	sst s1  }
0xa: {  	[smem:$0x3FAC] =	sst s2  }
0xb: {  	[smem:$0x3FAD] =	sst s3  }
0xc: {  	[smem:$0x3FAE] =	sst s4  }
0xd: {  	[smem:$0x3FAF] =	sst s5  }
0xe: {  	[smem:$0x3FB0] =	sst s6  }
0xf: {  	[smem:$0x3FB1] =	sst s7  }
0x10: {  	[smem:$0x3FB2] =	sst s8  }
0x11: {  	[smem:$0x3FB3] =	sst s9;
	s0 =	simm.s32 @!p0 $0x0  }
0x12: {  	s1 =	sld [smem:$0x3F99];
	s0 =	simm.s32 @p0 $0x1  }
0x13: {  	[smem:$0x3FB4] =	sst s0;
	s0 =	simm.s32 @!p1 $0x0  }
0x14: {  	s2 =	sld [smem:$0x3F98];
	s0 =	simm.s32 @p1 $0x1  }
0x15: {  	[smem:$0x3FB5] =	sst s0;
	s0 =	simm.s32 @!p2 $0x0  }
0x16: {  	s3 =	sld [smem:$0x3FDB];
	s0 =	simm.s32 @p2 $0x1  }
0x17: {  	s4 =	simm.s32 $0x1BF5;
	[smem:$0x3FB7] =	sst s0  }
0x18: {  	s0 =	sld [smem:$0x3F9A];
	_ =	swait.ge [sflag:s4], $0x0  }
0x19: {  	s7 =	sld [smem:$0x3F9B]  }
0x1a: {  	s8 =	sadd.s32 $0xFFFFE003, lr  }
0x1b: {  	s9 =	sadd.s32 $0xFFFFFEF7, lr;
	s5 =	simm.s32 $0xFFFFFFFF;
	p2 =	slt.u32 s8, $0xFFFFF086  }
0x1c: {  	p1 =	slt.u32 s9, $0xF7A;
	s5 =	simm.s32 @!p2 $0x0  }
0x1d: {  	s5 =	simm.s32 @p1 $0x1;
	p0 =	seq.s32 s7, s2  }
0x1e: {  	s7 =	smul.u32 @!p0 $0xF7A, s2;
	p2 =	seq.s32 @!p0 s5, $0x0  }
0x1f: {  	s9 =	smul.u32 $0xF7A, s1;
	s8 =	simm.s32 @!p0 $0x1BF5;
	p2 =	por !p2, p0  }
0x20: {  	[sflag:s8] =	ssyncset.s32 @!p0 $0xFFFFF086;
	s6 =	sadd.s32 @!p0 s3, s7;
	s7 =	simm.s32 @!p0 $0x108  }
0x21: {  	s3 =	sadd.s32 s3, s9;
	s6 =	sadd.s32 @!p0 $0x88, s6;
	s7 =	simm.s32 @p2 $0x1082  }
0x22: {  	[simem:s7], [sflag:s8] =	dma.local @!p0 [hbm:s6], $0xF7A  }
0x23: {  	s9 =	sor.u32 $0xD0000000, s2;
	s6 =	simm.s32 $0x108;
	_ =	swait.ge @!p0 [sflag:s8], $0x0  }
0x24: {  	s3 =	sadd.s32 $0x88, s3;
	s6 =	simm.s32 @!p1 $0x1082;
	[sflag:s4] =	ssyncset.s32 $0xFFFFF086  }
0x25: {  	[simem:s6], [sflag:s4] =	dma.local [hbm:s3], $0xF7A  }
0x26: {  	[smem:$0x3F9B] =	sst s1;
	(tag) =	ssettag s2;
	_ =	strace s9  }
0x27: {  	s1 =	sld [smem:$0x3FAB]  }
0x28: {  	s2 =	sld [smem:$0x3FAC]  }
0x29: {  	s4 =	sld [smem:$0x3FAE]  }
0x2a: {  	p0 =	seq.s32 s5, $0x0;
	s5 =	sld [smem:$0x3FAF]  }
0x2b: {  	s6 =	sld [smem:$0x3FB0]  }
0x2c: {  	s7 =	sld [smem:$0x3FB1]  }
0x2d: {  	s3 =	simm.s32 $0x108;
	s8 =	sld [smem:$0x3FB2]  }
0x2e: {  	s3 =	simm.s32 @!p0 $0x1082;
	s9 =	sld [smem:$0x3FB3]  }
0x2f: {  	lr =	sadd.s32 s0, s3;
	s0 =	sld [smem:$0x3FAA]  }
0x30: {  	s3 =	sld [smem:$0x3FAD]  }
0x31: {  	[smem:$0x3FB6] =	sst s10  }
0x32: {  	s10 =	sld [smem:$0x3FB4];
	_ =	sdelay $0x3  }
0x33: {  	p0 =	seq.s32 s10, $0x1;
	s10 =	sld [smem:$0x3FB6];
	_ =	sdelay $0x3  }
0x34: {  	[smem:$0x3FB6] =	sst s10  }
0x35: {  	s10 =	sld [smem:$0x3FB5];
	_ =	sdelay $0x3  }
0x36: {  	p1 =	seq.s32 s10, $0x1;
	s10 =	sld [smem:$0x3FB6];
	_ =	sdelay $0x3  }
0x37: {  	[smem:$0x3FB6] =	sst s10  }
0x38: {  	s10 =	sld [smem:$0x3FB7]  }
0x39: {  	_ = 	snop;
	(pc) =	sbr.ind lr, $3  }
0x3a: {  	_ = 	snop  }
0x3b: {  	_ = 	snop  }
0x3c: {  	p2 =	seq.s32 s10, $0x1;
	s10 =	sld [smem:$0x3FB6]  }
0x3d: {  	_ =	shalt  }
0x3e: {  	_ =	shalt  }
0x3f: {  	_ =	shalt  }
0x40: {  	_ =	shalt  }
0x41: {  	_ =	shalt  }
0x42: {  	_ =	shalt  }
0x43: {  	_ =	shalt  }
0x44: {  	_ =	shalt  }
0x45: {  	_ =	shalt  }
0x46: {  	_ =	shalt  }
0x47: {  	_ =	shalt  }
0x48: {  	_ =	shalt  }
0x49: {  	_ =	shalt  }
0x4a: {  	_ =	shalt  }
0x4b: {  	_ =	shalt  }
0x4c: {  	_ =	shalt  }
0x4d: {  	_ =	shalt  }
0x4e: {  	_ =	shalt  }
0x4f: {  	_ =	shalt  }
0x50: {  	_ =	shalt  }
0x51: {  	_ =	shalt  }
0x52: {  	_ =	shalt  }
0x53: {  	_ =	shalt  }
0x54: {  	_ =	shalt  }
0x55: {  	_ =	shalt  }
0x56: {  	_ =	shalt  }
0x57: {  	_ =	shalt  }
0x58: {  	_ =	shalt  }
0x59: {  	_ =	shalt  }
0x5a: {  	_ =	shalt  }
0x5b: {  	_ =	shalt  }
0x5c: {  	_ =	shalt  }
0x5d: {  	_ =	shalt  }
0x5e: {  	_ =	shalt  }
0x5f: {  	_ =	shalt  }
0x60: {  	_ =	shalt  }
0x61: {  	_ =	shalt  }
0x62: {  	_ =	shalt  }
0x63: {  	_ =	shalt  }
0x64: {  	_ =	shalt  }
0x65: {  	_ =	shalt  }
0x66: {  	_ =	shalt  }
0x67: {  	_ =	shalt  }
0x68: {  	_ =	shalt  }
0x69: {  	_ =	shalt  }
0x6a: {  	_ =	shalt  }
0x6b: {  	_ =	shalt  }
0x6c: {  	_ =	shalt  }
0x6d: {  	_ =	shalt  }
0x6e: {  	_ =	shalt  }
0x6f: {  	_ =	shalt  }
0x70: {  	_ =	shalt  }
0x71: {  	_ =	shalt  }
0x72: {  	_ =	shalt  }
0x73: {  	_ =	shalt  }
0x74: {  	_ =	shalt  }
0x75: {  	_ =	shalt  }
0x76: {  	_ =	shalt  }
0x77: {  	_ =	shalt  }
0x78: {  	_ =	shalt  }
0x79: {  	_ =	shalt  }
0x7a: {  	_ =	shalt  }
0x7b: {  	_ =	shalt  }
0x7c: {  	_ =	shalt  }
0x7d: {  	_ =	shalt  }
0x7e: {  	_ =	shalt  }
0x7f: {  	_ =	shalt  }
0x80: {  	_ =	shalt  }
0x81: {  	_ =	shalt  }
0x82: {  	_ =	shalt  }
0x83: {  	_ =	shalt  }
0x84: {  	_ =	shalt  }
0x85: {  	_ =	shalt  }
0x86: {  	_ =	shalt  }
0x87: {  	_ =	shalt  }
.Lfunc_end0:
.L_simem_size_0:
called_computation_lowered:
.L_overlay_start_0:
0x88: {  	s2 =	sld [smem:$0x3FD9]  }
0x89: {  	s3 =	sld [smem:$0x3FFE];
	_ =	sdelay $0x1  }
0x8a: {  	s1 =	srdreg.scid  }
0x8b: {  	s0 =	sand.u32 $0x1, s1  }
0x8c: {  	s17 =	sshll.u32 s0, $0xA;
	s2 =	sadd.s32 s3, s2  }
0x8d: {  	s2 =	sadd.s32 s2, s17  }
0x8e: {  	[smem:$0x3FC2] =	sst s2  }
0x8f: {  	_ = 	snop  }
0x90: {  	s2 =	sld [smem:$0x3FD0];
	(tm) =	ssettm $0x1  }
0x91: {  	s18 =	sld [smem:$0x3FFB];
	_ =	sdelay $0x3  }
0x92: {  	_ =	strace s18  }
0x93: {  	s3 =	sld [smem:$0x3FFC];
	_ =	sdelay $0x3  }
0x94: {  	_ =	strace s3  }
0x95: {  	s3 =	sld [smem:$0x3FFD];
	_ =	sdelay $0x3  }
0x96: {  	_ =	strace s3  }
0x97: {  	_ =	strace $0x8FFFFFFF  }
0x98: {  	s19 =	sld [smem:$0x3FDB];
	_ =	sdelay $0x1  }
0x99: {  	s4 =	simm.s32 $_scs_section_size  }
0x9a: {  	s5 =	simm.s32 $_size__tile_overlayer_lowered;
	s6 =	simm.s32 $_tile_overlayer_lowered  }
0x9b: {  	s22 =	simm.s32 $0x1BFF;
	s21 =	sshll.u32 s6, $0x1;
	s3 =	sadd.s32 s4, s19  }
0x9c: {  	s7 =	simm.s32 $0x0;
	s20 =	sshll.u32 s5, $0x1;
	s5 =	sadd.s32 s21, s3  }
0x9d: {  	[timem:s7], [sflag:s22] =	dma.local [hbm:s5], s20  }
0x9e: {  	_ =	swait.ge [sflag:s22], s20  }
0x9f: {  	s4 =	ssub.s32 $0x0, s20;
	[sflag:s22] =	ssyncset.done $0x0  }
0xa0: {  	[sflag:s22] =	ssyncadd.s32 s4;
	_ =	sdelay $0x1  }
0xa1: {  	s23 =	simm.s32 $0x1B8B  }
0xa2: {  	_ =	swait.ge [sflag:s23], $0x1  }
0xa3: {  	[sflag:s23] =	ssyncset.done $0x0  }
0xa4: {  	s25 =	simm.s32 $0x1B8E;
	s24 =	sld [smem:$0x3FFE];
	[sflag:s23] =	ssyncadd.s32 $0xFFFFFFFF  }
0xa5: {  	s26 =	simm.s32 $execute0_lowered;
	[smem:$0x3FD2] =	sst s25  }
0xa6: {  	s5 =	sshll.u32 s26, $0x1;
	_ =	strace $0x80000046;
	[dreg:$0x1] =	wrdreg $0xFFFFFFFF  }
0xa7: {  	s28 =	simm.s32 $_size_execute0_lowered;
	s3 =	sadd.s32 s3, s5;
	[dreg:$0x0] =	wrdreg $0x0  }
0xa8: {  	s5 =	sshll.u32 s28, $0x1;
	[dreg:$0x2] =	wrdreg s3  }
0xa9: {  	[dreg:$0x3] =	wrdreg s5  }
0xaa: {  	[dreg:$0x4] =	wrdreg $0xC0  }
0xab: {  	_ =	task [dreg:s7], $0x5FFFF  }
0xac: {  	[dreg:$0x1] =	wrdreg $0xFFFFFFFF  }
0xad: {  	[dreg:$0x0] =	wrdreg $0x60  }
0xae: {  	[dreg:$0x2] =	wrdreg s24  }
0xaf: {  	[dreg:$0x3] =	wrdreg s2  }
0xb0: {  	[dreg:$0x4] =	wrdreg $0x9  }
0xb1: {  	_ =	task.clear_ibuf [dreg:s7], $0x5FFFF;
	_ =	strace $0x90000046  }
0xb2: {  	s29 =	simm.s32 $0x9;
	_ =	strace $0x80000048  }
0xb3: {  	_ =	swait.ge [sflag:s29], $0x1  }
0xb4: {  	[sflag:s29] =	ssyncadd.s32 $0xFFFFFFFF  }
0xb5: {  	_ =	strace $0x90000048  }
0xb6: {  	_ =	sfence  }
0xb7: {  	s30 =	sld [smem:$0x0];
	_ =	sdelay $0x2  }
0xb8: {  	s31 =	sshll.u32 s1, $0xD;
	s1 =	sshrl.u32 s1, $0x2  }
0xb9: {  	s3 =	sand.u32 $0x4000, s31;
	s1 =	sadd.s32 s1, s30  }
0xba: {  	s0 =	sor.u32 s3, s0;
	s1 =	sshll.u32 s1, $0x11  }
0xbb: {  	s0 =	sor.u32 s1, s0  }
0xbc: {  	s0 =	sadd.s32 $0x8F2B, s0  }
0xbd: {  	[sflag:s0] =	ssyncadd.remote.s32 $0x1  }
0xbe: {  	_ =	sfence.sel $0xFFFF  }
0xbf: {  	[dreg:$0x0] =	wrdreg $0xFFFFFFFF;
	(pc) =	sbr.abs _section_cstart, $3  }
0xc0: {  	[dreg:$0x1] =	wrdreg $0xFFFFFFFF  }
0xc1: {  	_ =	task.clear_ibuf [dreg:s7], $0x2FFFF;
	_ =	strace $0x9FFFFFFF  }
0xc2: {  	(tm) =	ssettm $0x7FFFFFFF  }
0xc3: {  	_ =	shalt  }
tec
execute0_lowered:
.L_overlay_start_1:
0x0: {  	(tag) =	ssettag $0x1  }
0x1: {  	s1 =	srdreg.scid;
	v0 =	vlaneseq.u32;
	v3 =	vimm.s32 $0xEFCDAB89  }
0x2: {  	s0 =	stileid.u32;
	v8 =	vimm.s32 $0xDCFE98BA;
	v9 =	vimm.s32 $0x54761032;
	v62 =	vimm.s32 $0x32107654;
	s3 =	sand.u32 $0x1, s1  }
0x3: {  	v10 =	vimm.s32 $0xFEDCBA98;
	vm8 =	vmmov $0x1;
	vm9 =	vcmask $0x310;
	s31 =	sshll.u32 s0, $0x2;
	s2 =	sshll.u32 s3, $0x1  }
0x4: {  	v1 =	vor.u32 $0x30, v0;
	v6 =	vunpack.c.l.s4.s8 v3;
	v3 =	vimm.s32 $0x67452301;
	s4 =	sor.u32 s2, s31  }
0x5: {  	v2 =	vor.u32 $0x20, v0;
	v8 =	vunpack.c.l.s4.s8 v8;
	v7 =	vunpack.c.l.s4.s8 v3;
	s1 =	sor.u32 $0x1, s4  }
0x6: {  	v3 =	vor.u32 $0x10, v0;
	v6 =	vunpack.c.0.s8.s32 v6;
	v5 =	vmov s1  }
0x7: {  	v7 =	vunpack.c.0.s8.s32 v7;
	vm0 =	veq.s32 v5, v1;
	vm1 =	veq.s32 v5, v2  }
0x8: {  	vm2 =	veq.s32 v5, v3;
	vm3 =	veq.s32 v5, v0;
	v5 =	vunpack.c.l.s4.s8 v9  }
0x9: {  	vm10 =	vcmask $0x710;
	vm11 =	vcmask $0xB10;
	v6 =	vcombine.low v7, v6  }
0xa: {  	v7 =	vunpack.c.0.s8.s32 v8;
	v8 =	vimm.s32 $0xBA98FEDC;
	v5 =	vunpack.c.0.s8.s32 v5  }
0xb: {  	s5 =	rddreg [dreg:$0x0];
	v10 =	vunpack.c.l.s4.s8 v10;
	v9 =	vunpack.c.l.s4.s8 v62;
	v8 =	vunpack.c.l.s4.s8 v8  }
0xc: {  	s6 =	rddreg [dreg:$0x1];
	s9 =	simm.s32 $0x300;
	v4 =	vmov s4;
	v5 =	vcombine.low v5, v7;
	v7 =	vimm.s32 $0x76543210  }
0xd: {  	s7 =	ssub.s32 $0x2, s3;
	s3 =	sadd.s32 $0x1000, s5;
	s2 =	simm.s32 $0x0;
	v9 =	vunpack.c.0.s8.s32 v9;
	v8 =	vunpack.c.0.s8.s32 v8;
	v7 =	vunpack.c.l.s4.s8 v7  }
0xe: {  	v10 =	vunpack.c.0.s8.s32 v10;
	s8 =	sshrl.u32 s7, $0x1;
	[smem:$0x7FF] =	sst s2;
	s4 =	sshll.u32 s4, $0x4;
	vm4 =	veq.s32 v4, v1;
	vm5 =	veq.s32 v4, v2  }
0xf: {  	s7 =	ssub.s32 s7, s8;
	s8 =	simm.s32 $0x200;
	s1 =	rddreg [dreg:$0x2];
	vm6 =	veq.s32 v4, v3;
	v8 =	vcombine.low v9, v8;
	v7 =	vunpack.c.0.s8.s32 v7  }
0x10: {  	vm7 =	veq.s32 v4, v0;
	_ =	strace $0x80000047;
	s5 =	sadd.s32 s4, s5;
	v63 =	vand.u32 $0xF, v10;
	s4 =	sadd.s32 s6, s4;
	v4 =	vand.u32 $0xF, v6  }
0x11: {  	s6 =	smax.u32 s7, $0x1;
	s7 =	simm.s32 $0x1;
	s5 =	sadd.s32 $0x1200, s5;
	v5 =	vand.u32 $0xF, v5;
	v6 =	vand.u32 $0xF, v8;
	v7 =	vcombine.low v63, v7  }
.LBB2_1:
0x12: {  	[tilespmem:s2], [sflag:$0x1] =	stream.linear.gather [hbm4b:s3+s2], $0x200, $0x38;
	[tilespmem:$0x400] =	vst v63  }
0x13: {  	_ =	swait.ge [sflag:s7], $0x200  }
0x14: {  	[sflag:s7] =	ssyncset.done $0x0  }
0x15: {  	[sflag:s7] =	ssyncadd.s32 $0xFFFFFE00  }
0x16: {  	v11 =	vld [tilespmem:$0x0]  }
0x17: {  	v12 =	vld [tilespmem:$0x10]  }
0x18: {  	v13 =	vld [tilespmem:$0x20]  }
0x19: {  	v15 =	vld [tilespmem:$0x80]  }
0x1a: {  	v16 =	vld [tilespmem:$0x100]  }
0x1b: {  	v17 =	vld [tilespmem:$0x90]  }
0x1c: {  	v18 =	vld [tilespmem:$0x110]  }
0x1d: {  	v14 =	vld [tilespmem:$0x30]  }
0x1e: {  	v19 =	vld [tilespmem:$0xA0]  }
0x1f: {  	v20 =	vld [tilespmem:$0x120];
	v8 =	vadd.f32 $0.0e+00, v11;
	v9 =	vadd.f32 $0.0e+00, v15  }
0x20: {  	v21 =	vld [tilespmem:$0xB0];
	v10 =	vnsel vm6, $0x0, v12;
	v22 =	vadd.f32 $0.0e+00, v16;
	v45 =	vnsel vm6, $0x0, v17  }
0x21: {  	v23 =	vld [tilespmem:$0x130];
	v47 =	vnsel vm6, $0x0, v18;
	v8 =	vnsel vm7, $0x0, v8;
	v9 =	vnsel vm7, $0x0, v9  }
0x22: {  	v46 =	vnsel vm7, $0x0, v22;
	v8 =	vadd.f32 v10, v8;
	v9 =	vadd.f32 v45, v9  }
0x23: {  	v24 =	vnsel vm5, $0x0, v13;
	v25 =	vnsel vm5, $0x0, v19;
	v10 =	vadd.f32 v47, v46  }
0x24: {  	v48 =	vnsel vm5, $0x0, v20;
	v8 =	vadd.f32 v24, v8;
	v9 =	vadd.f32 v25, v9  }
0x25: {  	v49 =	vnsel vm4, $0x0, v14;
	v50 =	vnsel vm4, $0x0, v21;
	v10 =	vadd.f32 v48, v10  }
0x26: {  	v51 =	vnsel vm4, $0x0, v23;
	v8 =	vadd.f32 v49, v8;
	v9 =	vadd.f32 v50, v9  }
0x27: {  	v10 =	vadd.f32 v51, v10  }
0x28: {  	v52 =	vperm.xlane v8, v4;
	v53 =	vperm.xlane v9, v4  }
0x29: {  	v54 =	vperm.xlane v10, v4  }
0x2a: {  	v8 =	vadd.f32 v8, v52;
	v9 =	vadd.f32 v9, v53  }
0x2b: {  	v10 =	vadd.f32 v10, v54  }
0x2c: {  	v22 =	vperm.xlane v8, v5;
	v24 =	vperm.xlane v9, v5  }
0x2d: {  	v25 =	vperm.xlane v10, v5  }
0x2e: {  	v8 =	vadd.f32 v8, v22;
	v9 =	vadd.f32 v9, v24  }
0x2f: {  	v26 =	vld [tilespmem:$0x80];
	v10 =	vadd.f32 v10, v25  }
0x30: {  	v27 =	vld [tilespmem:$0x30];
	v22 =	vperm.xlane v8, v6;
	v24 =	vperm.xlane v9, v6  }
0x31: {  	v29 =	vld [tilespmem:$0x90];
	v25 =	vperm.xlane v10, v6  }
0x32: {  	v31 =	vld [tilespmem:$0xA0];
	v8 =	vadd.f32 v8, v22;
	v9 =	vadd.f32 v9, v24  }
0x33: {  	v32 =	vld [tilespmem:$0x110];
	v55 =	vadd.f32 v10, v25  }
0x34: {  	v33 =	vld [tilespmem:$0xB0];
	v56 =	vperm.xlane v8, v7;
	v24 =	vperm.xlane v9, v7  }
0x35: {  	v34 =	vld [tilespmem:$0x120];
	v58 =	vadd.f32 $0.0e+00, v26;
	v25 =	vperm.xlane v55, v7  }
0x36: {  	v10 =	vadd.f32 v8, v56;
	v9 =	vadd.f32 v9, v24;
	v24 =	vld [tilespmem:$0x0]  }
0x37: {  	v61 =	vnsel vm2, $0x0, v29;
	v35 =	vnsel vm0, $0x0, v27;
	v22 =	vld [tilespmem:$0x10];
	v8 =	vadd.f32 v55, v25  }
0x38: {  	v63 =	vnsel vm1, $0x0, v31;
	v40 =	vnsel vm2, $0x0, v32;
	v11 =	vsub.f32 v11, v10  }
0x39: {  	v36 =	vld [tilespmem:$0x130];
	v37 =	vnsel vm0, $0x0, v33;
	v15 =	vsub.f32 v15, v9;
	v16 =	vsub.f32 v16, v8  }
0x3a: {  	v42 =	vnsel vm1, $0x0, v34;
	v25 =	vld [tilespmem:$0x20];
	v12 =	vsub.f32 v12, v10;
	v17 =	vsub.f32 v17, v9  }
0x3b: {  	v13 =	vsub.f32 v13, v10;
	v57 =	vmul.f32 v16, v16;
	v16 =	vld [tilespmem:$0x100];
	v28 =	vadd.f32 $0.0e+00, v24  }
0x3c: {  	v30 =	vnsel vm2, $0x0, v22;
	v19 =	vsub.f32 v19, v9;
	v14 =	vsub.f32 v14, v10  }
0x3d: {  	v11 =	vmul.f32 v11, v11;
	v15 =	vmul.f32 v15, v15;
	v28 =	vnsel vm3, $0x0, v28  }
0x3e: {  	v44 =	vnsel vm0, $0x0, v36;
	v21 =	vsub.f32 v21, v9;
	v28 =	vadd.f32 v30, v28  }
0x3f: {  	v18 =	vsub.f32 v18, v8;
	v59 =	vnsel vm1, $0x0, v25;
	v11 =	vadd.f32 v15, v11  }
0x40: {  	v60 =	vnsel vm3, $0x0, v58;
	v62 =	vadd.f32 $0.0e+00, v16;
	v15 =	vadd.f32 v59, v28  }
0x41: {  	v20 =	vsub.f32 v20, v8;
	v12 =	vmul.f32 v12, v12;
	v28 =	vadd.f32 v61, v60  }
0x42: {  	v17 =	vmul.f32 v17, v17;
	v30 =	vnsel vm3, $0x0, v62;
	v15 =	vadd.f32 v35, v15  }
0x43: {  	v13 =	vmul.f32 v13, v13;
	v28 =	vadd.f32 v63, v28;
	v30 =	vadd.f32 v40, v30  }
0x44: {  	v23 =	vsub.f32 v23, v8;
	v19 =	vmul.f32 v19, v19;
	v14 =	vmul.f32 v14, v14  }
0x45: {  	v41 =	vperm.xlane v15, v4;
	v28 =	vadd.f32 v37, v28;
	v30 =	vadd.f32 v42, v30  }
0x46: {  	v21 =	vmul.f32 v21, v21;
	v18 =	vmul.f32 v18, v18;
	v12 =	vadd.f32 v17, v12  }
0x47: {  	v15 =	vadd.f32 v15, v41;
	v43 =	vperm.xlane v28, v4;
	v45 =	vadd.f32 v44, v30  }
0x48: {  	v20 =	vmul.f32 v20, v20;
	v13 =	vadd.f32 v19, v13;
	v14 =	vadd.f32 v21, v14  }
0x49: {  	v46 =	vperm.xlane v15, v5;
	v28 =	vadd.f32 v28, v43;
	v47 =	vperm.xlane v45, v4  }
0x4a: {  	v52 =	vmul.f32 v23, v23;
	v11 =	vadd.f32 v57, v11;
	v12 =	vadd.f32 v18, v12  }
0x4b: {  	v15 =	vadd.f32 v15, v46;
	v48 =	vperm.xlane v28, v5;
	v17 =	vadd.f32 v45, v47  }
0x4c: {  	v13 =	vadd.f32 v20, v13;
	v21 =	vsel vm7, $0x7F800000, v11;
	v11 =	vadd.f32 v52, v14  }
0x4d: {  	v19 =	vadd.f32 v28, v48;
	v49 =	vperm.xlane v15, v6;
	v50 =	vperm.xlane v17, v5  }
0x4e: {  	v23 =	vsel vm6, $0x7F800000, v12;
	v57 =	vsel vm4, $0x7F800000, v11;
	v28 =	vsel vm5, $0x7F800000, v13  }
0x4f: {  	v15 =	vadd.f32 v15, v49;
	v51 =	vperm.xlane v19, v6;
	v17 =	vadd.f32 v17, v50  }
0x50: {  	v58 =	vmin.f32 v21, v23;
	v59 =	vmin.f32 v28, v57  }
0x51: {  	v19 =	vadd.f32 v19, v51;
	v53 =	vperm.xlane v17, v6;
	v54 =	vperm.xlane v15, v7  }
0x52: {  	v14 =	vmin.f32 v58, v59  }
0x53: {  	v55 =	vperm.xlane v19, v7;
	v56 =	vadd.f32 v17, v53;
	v13 =	vadd.f32 v15, v54  }
0x54: {  	v61 =	vperm.xlane v14, v4  }
0x55: {  	v11 =	vadd.f32 v19, v55;
	v18 =	vperm.xlane v56, v7;
	v60 =	vsub.f32 v24, v13  }
0x56: {  	v14 =	vmin.f32 v14, v61;
	v62 =	vsub.f32 v22, v13;
	v30 =	vsub.f32 v25, v13  }
0x57: {  	v19 =	vsub.f32 v26, v11;
	v12 =	vadd.f32 v56, v18;
	v15 =	vmul.f32 v60, v60  }
0x58: {  	v18 =	vperm.xlane v14, v5;
	v20 =	vsub.f32 v29, v11;
	v31 =	vsub.f32 v31, v11  }
0x59: {  	v33 =	vsub.f32 v33, v11;
	v24 =	vmul.f32 v30, v30;
	v19 =	vmul.f32 v19, v19  }
0x5a: {  	v16 =	vsub.f32 v16, v12;
	v63 =	vsub.f32 v32, v12;
	v20 =	vmul.f32 v20, v20  }
0x5b: {  	v32 =	vsub.f32 v27, v13;
	v25 =	vmul.f32 v31, v31;
	v34 =	vsub.f32 v34, v12  }
0x5c: {  	v27 =	vmul.f32 v33, v33;
	v35 =	vsub.f32 v36, v12;
	v16 =	vmul.f32 v16, v16  }
0x5d: {  	v15 =	vadd.f32 v19, v15;
	v19 =	vmul.f32 v62, v62;
	v26 =	vmul.f32 v32, v32  }
0x5e: {  	v36 =	vmul.f32 v63, v63;
	v37 =	vadd.f32 v25, v24;
	v38 =	vmul.f32 v34, v34  }
0x5f: {  	v40 =	vmul.f32 v35, v35;
	v19 =	vadd.f32 v20, v19;
	v39 =	vadd.f32 v27, v26  }
0x60: {  	v15 =	vadd.f32 v16, v15;
	v42 =	vadd.f32 v38, v37  }
0x61: {  	v14 =	vmin.f32 v14, v18;
	v41 =	vadd.f32 v36, v19;
	v43 =	vadd.f32 v40, v39  }
0x62: {  	v44 =	vperm.xlane v14, v6;
	v45 =	vsel vm3, $0x7F800000, v15  }
0x63: {  	v18 =	vsel vm1, $0x7F800000, v42;
	v16 =	vsel vm2, $0x7F800000, v41;
	v19 =	vsel vm0, $0x7F800000, v43  }
0x64: {  	v14 =	vmin.f32 v14, v44;
	v15 =	vmin.f32 v45, v16;
	v46 =	vmin.f32 v18, v19  }
0x65: {  	v47 =	vperm.xlane v14, v7;
	v15 =	vmin.f32 v15, v46  }
0x66: {  	v20 =	vperm.xlane v15, v4  }
0x67: {  	v14 =	vmin.f32 v14, v47  }
0x68: {  	vm12 =	veq.f32 v57, v14;
	v15 =	vmin.f32 v15, v20  }
0x69: {  	vm13 =	veq.f32 v28, v14;
	v48 =	vnsel vm12, $0x40, v1;
	v49 =	vperm.xlane v15, v5  }
0x6a: {  	vm12 =	veq.f32 v23, v14;
	v20 =	vsel vm13, v2, v48  }
0x6b: {  	vm13 =	veq.f32 v21, v14;
	v50 =	vsel vm12, v3, v20;
	v15 =	vmin.f32 v15, v49  }
0x6c: {  	v14 =	vsel vm13, v0, v50;
	v51 =	vperm.xlane v15, v6  }
0x6d: {  	v52 =	vperm.xlane v14, v4  }
0x6e: {  	v15 =	vmin.f32 v15, v51  }
0x6f: {  	vm12 =	vlt.s32 v14, v52;
	v20 =	vperm.xlane v15, v7  }
0x70: {  	v14 =	vsel vm12, v14, v52  }
0x71: {  	v24 =	vperm.xlane v14, v5;
	v15 =	vmin.f32 v15, v20  }
0x72: {  	vm12 =	veq.f32 v19, v15  }
0x73: {  	vm13 =	vlt.s32 v14, v24;
	vm14 =	veq.f32 v18, v15;
	v53 =	vnsel vm12, $0x40, v1  }
0x74: {  	v14 =	vsel vm13, v14, v24;
	vm12 =	veq.f32 v16, v15;
	v20 =	vsel vm14, v2, v53  }
0x75: {  	vm13 =	veq.f32 v45, v15;
	v24 =	vperm.xlane v14, v6;
	v54 =	vsel vm12, v3, v20  }
0x76: {  	v15 =	vsel vm13, v0, v54  }
0x77: {  	vm12 =	vlt.s32 v14, v24;
	v55 =	vperm.xlane v15, v4  }
0x78: {  	v14 =	vsel vm12, v14, v24  }
0x79: {  	v24 =	vperm.xlane v14, v7;
	vm12 =	vlt.s32 v15, v55  }
0x7a: {  	v15 =	vsel vm12, v15, v55  }
0x7b: {  	vm12 =	vlt.s32 v14, v24;
	v20 =	vperm.xlane v15, v5  }
0x7c: {  	v14 =	vsel vm12, v14, v24  }
0x7d: {  	vm12 =	veq.s32 v14, v0;
	vm13 =	vlt.s32 v15, v20  }
0x7e: {  	vm14 =	veq.s32 v14, v1;
	v21 =	vsel vm12, $0x7F800000, v21;
	v15 =	vsel vm13, v15, v20  }
0x7f: {  	vm12 =	veq.s32 v14, v3;
	vm13 =	veq.s32 v14, v2;
	v20 =	vperm.xlane v15, v6  }
0x80: {  	v57 =	vsel vm14, $0x7F800000, v57;
	v23 =	vsel vm12, $0x7F800000, v23;
	v56 =	vsel vm13, $0x7F800000, v28  }
0x81: {  	v58 =	vmin.f32 v21, v23;
	v59 =	vmin.f32 v56, v57;
	vm12 =	vlt.s32 v15, v20  }
0x82: {  	v17 =	vmin.f32 v58, v59;
	v15 =	vsel vm12, v15, v20  }
0x83: {  	v60 =	vperm.xlane v17, v4;
	v61 =	vperm.xlane v15, v7;
	_ =	sdelay $0x1  }
0x84: {  	v17 =	vmin.f32 v17, v60;
	vm12 =	vlt.s32 v15, v61  }
0x85: {  	v20 =	vperm.xlane v17, v5;
	v15 =	vsel vm12, v15, v61  }
0x86: {  	vm12 =	veq.s32 v15, v0  }
0x87: {  	v17 =	vmin.f32 v17, v20;
	vm13 =	veq.s32 v15, v2;
	vm14 =	veq.s32 v15, v1  }
0x88: {  	v62 =	vsel vm12, $0x7F800000, v45;
	vm12 =	veq.s32 v15, v3;
	v18 =	vsel vm13, $0x7F800000, v18  }
0x89: {  	v19 =	vsel vm14, $0x7F800000, v19;
	v30 =	vperm.xlane v17, v6;
	v63 =	vsel vm12, $0x7F800000, v16  }
0x8a: {  	v32 =	vmin.f32 v18, v19;
	v31 =	vmin.f32 v62, v63  }
0x8b: {  	v16 =	vmin.f32 v17, v30;
	v26 =	vmin.f32 v31, v32  }
0x8c: {  	v34 =	vperm.xlane v16, v7;
	v33 =	vperm.xlane v26, v4;
	_ =	sdelay $0x1  }
0x8d: {  	v16 =	vmin.f32 v16, v34;
	v17 =	vmin.f32 v26, v33  }
0x8e: {  	vm12 =	veq.f32 v57, v16;
	v26 =	vperm.xlane v17, v5  }
0x8f: {  	vm13 =	veq.f32 v56, v16;
	v35 =	vnsel vm12, $0x40, v1  }
0x90: {  	vm12 =	veq.f32 v23, v16;
	v36 =	vsel vm13, v2, v35;
	v17 =	vmin.f32 v17, v26  }
0x91: {  	vm13 =	veq.f32 v21, v16;
	v38 =	vsel vm12, v3, v36;
	v37 =	vperm.xlane v17, v6  }
0x92: {  	v16 =	vsel vm13, v0, v38  }
0x93: {  	v39 =	vperm.xlane v16, v4;
	v17 =	vmin.f32 v17, v37  }
0x94: {  	v27 =	vperm.xlane v17, v7  }
0x95: {  	vm12 =	vlt.s32 v16, v39  }
0x96: {  	v16 =	vsel vm12, v16, v39;
	v17 =	vmin.f32 v17, v27  }
0x97: {  	v26 =	vperm.xlane v16, v5;
	vm12 =	veq.f32 v19, v17  }
0x98: {  	vm13 =	veq.f32 v18, v17;
	v40 =	vnsel vm12, $0x40, v1  }
0x99: {  	vm12 =	veq.f32 v63, v17;
	v27 =	vsel vm13, v2, v40;
	vm13 =	vlt.s32 v16, v26  }
0x9a: {  	vm14 =	veq.f32 v62, v17;
	v41 =	vsel vm12, v3, v27;
	v16 =	vsel vm13, v16, v26  }
0x9b: {  	v17 =	vsel vm14, v0, v41;
	v26 =	vperm.xlane v16, v6  }
0x9c: {  	v42 =	vperm.xlane v17, v4  }
0x9d: {  	vm12 =	vlt.s32 v16, v26  }
0x9e: {  	vm13 =	vlt.s32 v17, v42;
	v16 =	vsel vm12, v16, v26  }
0x9f: {  	v43 =	vsel vm13, v17, v42;
	v44 =	vperm.xlane v16, v7  }
0xa0: {  	v27 =	vperm.xlane v43, v5  }
0xa1: {  	vm12 =	vlt.s32 v16, v44  }
0xa2: {  	vm13 =	vlt.s32 v43, v27;
	v17 =	vsel vm12, v16, v44  }
0xa3: {  	v45 =	vsel vm13, v43, v27;
	vm12 =	veq.s32 v17, v0  }
0xa4: {  	vm13 =	veq.s32 v17, v3;
	v26 =	vperm.xlane v45, v6;
	v21 =	vsel vm12, $0x7F800000, v21  }
0xa5: {  	v23 =	vsel vm13, $0x7F800000, v23;
	vm12 =	veq.s32 v17, v2;
	vm13 =	veq.s32 v17, v1  }
0xa6: {  	v24 =	vsel vm12, $0x7F800000, v56;
	v25 =	vsel vm13, $0x7F800000, v57;
	vm14 =	vlt.s32 v45, v26  }
0xa7: {  	v46 =	vmin.f32 v21, v23;
	v47 =	vmin.f32 v24, v25;
	v16 =	vsel vm14, v45, v26  }
0xa8: {  	v26 =	vmin.f32 v46, v47;
	v48 =	vperm.xlane v16, v7  }
0xa9: {  	v27 =	vperm.xlane v26, v4  }
0xaa: {  	vm12 =	vlt.s32 v16, v48  }
0xab: {  	v26 =	vmin.f32 v26, v27;
	v16 =	vsel vm12, v16, v48  }
0xac: {  	v27 =	vperm.xlane v26, v5;
	vm12 =	veq.s32 v16, v0;
	vm13 =	veq.s32 v16, v2  }
0xad: {  	vm14 =	veq.s32 v16, v1;
	v20 =	vsel vm12, $0x7F800000, v62;
	vm12 =	veq.s32 v16, v3  }
0xae: {  	v18 =	vsel vm13, $0x7F800000, v18;
	v19 =	vsel vm14, $0x7F800000, v19;
	v22 =	vsel vm12, $0x7F800000, v63  }
0xaf: {  	v26 =	vmin.f32 v26, v27;
	v50 =	vmin.f32 v18, v19;
	v49 =	vmin.f32 v20, v22  }
0xb0: {  	v51 =	vperm.xlane v26, v6;
	v27 =	vmin.f32 v49, v50  }
0xb1: {  	v28 =	vperm.xlane v27, v4  }
0xb2: {  	v26 =	vmin.f32 v26, v51  }
0xb3: {  	v29 =	vperm.xlane v26, v7;
	v27 =	vmin.f32 v27, v28  }
0xb4: {  	v28 =	vperm.xlane v27, v5  }
0xb5: {  	v26 =	vmin.f32 v26, v29  }
0xb6: {  	vm12 =	veq.f32 v25, v26;
	v27 =	vmin.f32 v27, v28  }
0xb7: {  	vm13 =	veq.f32 v24, v26;
	v52 =	vnsel vm12, $0x40, v1;
	v53 =	vperm.xlane v27, v6  }
0xb8: {  	vm12 =	veq.f32 v23, v26;
	v28 =	vsel vm13, v2, v52  }
0xb9: {  	vm13 =	veq.f32 v21, v26;
	v54 =	vsel vm12, v3, v28;
	v27 =	vmin.f32 v27, v53  }
0xba: {  	v26 =	vsel vm13, v0, v54;
	v55 =	vperm.xlane v27, v7  }
0xbb: {  	v56 =	vperm.xlane v26, v4  }
0xbc: {  	v27 =	vmin.f32 v27, v55  }
0xbd: {  	vm12 =	vlt.s32 v26, v56;
	vm13 =	veq.f32 v19, v27  }
0xbe: {  	v26 =	vsel vm12, v26, v56;
	vm12 =	veq.f32 v18, v27;
	v57 =	vnsel vm13, $0x40, v1  }
0xbf: {  	v29 =	vperm.xlane v26, v5;
	vm13 =	veq.f32 v22, v27;
	v28 =	vsel vm12, v2, v57  }
0xc0: {  	vm12 =	veq.f32 v20, v27;
	v58 =	vsel vm13, v3, v28  }
0xc1: {  	vm13 =	vlt.s32 v26, v29;
	v27 =	vsel vm12, v0, v58  }
0xc2: {  	v26 =	vsel vm13, v26, v29;
	v59 =	vperm.xlane v27, v4  }
0xc3: {  	v29 =	vperm.xlane v26, v6  }
0xc4: {  	vm12 =	vlt.s32 v27, v59  }
0xc5: {  	vm13 =	vlt.s32 v26, v29;
	v27 =	vsel vm12, v27, v59  }
0xc6: {  	v26 =	vsel vm13, v26, v29;
	v28 =	vperm.xlane v27, v5  }
0xc7: {  	v29 =	vperm.xlane v26, v7  }
0xc8: {  	vm12 =	vlt.s32 v27, v28  }
0xc9: {  	vm13 =	vlt.s32 v26, v29;
	v27 =	vsel vm12, v27, v28  }
0xca: {  	v26 =	vsel vm13, v26, v29;
	v28 =	vperm.xlane v27, v6  }
0xcb: {  	vm12 =	veq.s32 v26, v0  }
0xcc: {  	v21 =	vsel vm12, $0x7F800000, v21;
	vm12 =	vlt.s32 v27, v28  }
0xcd: {  	v27 =	vsel vm12, v27, v28  }
0xce: {  	vm13 =	veq.s32 v26, v3;
	v28 =	vperm.xlane v27, v7  }
0xcf: {  	vm14 =	veq.s32 v26, v1;
	v23 =	vsel vm13, $0x7F800000, v23;
	vm13 =	veq.s32 v26, v2  }
0xd0: {  	v25 =	vsel vm14, $0x7F800000, v25;
	v24 =	vsel vm13, $0x7F800000, v24;
	vm12 =	vlt.s32 v27, v28  }
0xd1: {  	v60 =	vmin.f32 v21, v23;
	v61 =	vmin.f32 v24, v25;
	v27 =	vsel vm12, v27, v28  }
0xd2: {  	v29 =	vmin.f32 v60, v61;
	vm12 =	veq.s32 v27, v0  }
0xd3: {  	v30 =	vperm.xlane v29, v4;
	v20 =	vsel vm12, $0x7F800000, v20;
	vm12 =	veq.s32 v27, v3  }
0xd4: {  	vm13 =	veq.s32 v27, v1;
	v22 =	vsel vm12, $0x7F800000, v22;
	vm12 =	veq.s32 v27, v2  }
0xd5: {  	v62 =	vmin.f32 v29, v30;
	v19 =	vsel vm13, $0x7F800000, v19;
	v18 =	vsel vm12, $0x7F800000, v18  }
0xd6: {  	v29 =	vperm.xlane v62, v5;
	v63 =	vmin.f32 v20, v22;
	v33 =	vmin.f32 v18, v19  }
0xd7: {  	v34 =	vmin.f32 v63, v33  }
0xd8: {  	v28 =	vmin.f32 v62, v29;
	v31 =	vperm.xlane v34, v4  }
0xd9: {  	v35 =	vperm.xlane v28, v6  }
0xda: {  	v29 =	vmin.f32 v34, v31  }
0xdb: {  	v28 =	vmin.f32 v28, v35;
	v31 =	vperm.xlane v29, v5  }
0xdc: {  	v30 =	vperm.xlane v28, v7  }
0xdd: {  	v29 =	vmin.f32 v29, v31  }
0xde: {  	v28 =	vmin.f32 v28, v30;
	v36 =	vperm.xlane v29, v6  }
0xdf: {  	vm12 =	veq.f32 v25, v28  }
0xe0: {  	vm13 =	veq.f32 v24, v28;
	v37 =	vnsel vm12, $0x40, v1;
	v39 =	vmin.f32 v29, v36  }
0xe1: {  	vm12 =	veq.f32 v23, v28;
	v38 =	vsel vm13, v2, v37;
	v41 =	vperm.xlane v39, v7  }
0xe2: {  	vm13 =	veq.f32 v21, v28;
	v40 =	vsel vm12, v3, v38  }
0xe3: {  	v21 =	vsel vm13, v0, v40;
	v23 =	vmin.f32 v39, v41  }
0xe4: {  	v42 =	vperm.xlane v21, v4;
	vm12 =	veq.f32 v19, v23  }
0xe5: {  	vm14 =	veq.f32 v18, v23;
	v43 =	vnsel vm12, $0x40, v1  }
0xe6: {  	vm13 =	vlt.s32 v21, v42;
	vm12 =	veq.f32 v22, v23;
	v18 =	vsel vm14, v2, v43  }
0xe7: {  	v45 =	vld [tilespmem:$0x180];
	v44 =	vsel vm13, v21, v42;
	vm13 =	veq.f32 v20, v23;
	v18 =	vsel vm12, v3, v18  }
0xe8: {  	v21 =	vperm.xlane v44, v5;
	v18 =	vsel vm13, v0, v18  }
0xe9: {  	v47 =	vld [tilespmem:$0x1B0];
	v46 =	vperm.xlane v18, v4  }
0xea: {  	v48 =	vld [tilespmem:$0x190];
	vm12 =	vlt.s32 v44, v21  }
0xeb: {  	v51 =	vld [tilespmem:$0x180];
	v19 =	vsel vm12, v44, v21;
	vm12 =	vlt.s32 v18, v46  }
0xec: {  	v10 =	vmul.f32 v45, v10;
	v52 =	vld [tilespmem:$0x1B0];
	v21 =	vperm.xlane v19, v6;
	v18 =	vsel vm12, v18, v46  }
0xed: {  	v54 =	vld [tilespmem:$0x190];
	v50 =	vperm.xlane v18, v5  }
0xee: {  	v10 =	vadd.f32 v10, v47;
	v49 =	vld [tilespmem:$0x1A0];
	vm12 =	vlt.s32 v19, v21  }
0xef: {  	v9 =	vmul.f32 v48, v9;
	v56 =	vld [tilespmem:$0x1A0];
	v19 =	vsel vm12, v19, v21;
	vm12 =	vlt.s32 v18, v50  }
0xf0: {  	v57 =	vmul.f32 v51, v13;
	v21 =	vperm.xlane v19, v7;
	v53 =	vsel vm12, v18, v50  }
0xf1: {  	v14 =	vnsel vm8, $0x0, v14;
	v9 =	vadd.f32 v9, v10;
	v55 =	vperm.xlane v53, v6  }
0xf2: {  	v11 =	vmul.f32 v54, v11;
	v10 =	vadd.f32 v57, v52;
	vm12 =	vlt.s32 v19, v21  }
0xf3: {  	v8 =	vmul.f32 v49, v8;
	v19 =	vsel vm12, v19, v21;
	vm12 =	vlt.s32 v53, v55  }
0xf4: {  	v10 =	vadd.f32 v11, v10;
	v61 =	vmul.f32 v56, v12;
	v59 =	vsel vm12, v53, v55  }
0xf5: {  	v14 =	vsel vm9, v14, v17;
	v8 =	vadd.f32 v8, v9;
	v17 =	vperm.xlane v59, v7  }
0xf6: {  	v58 =	vnsel vm8, $0x0, v15;
	v63 =	vadd.f32 v61, v10  }
0xf7: {  	[tilespmem:$0x300] =	vst v8;
	v14 =	vsel vm10, v14, v26;
	v60 =	vsel vm9, v58, v16;
	vm12 =	vlt.s32 v59, v17  }
0xf8: {  	v9 =	vsel vm10, v60, v27;
	[tilespmem:$0x380] =	vst v63;
	v14 =	vsel vm11, v14, v19;
	v62 =	vsel vm12, v59, v17  }
0xf9: {  	[tilespmem:$0x200] =	vst v14;
	v8 =	vsel vm11, v9, v62  }
0xfa: {  	[tilespmem:$0x280] =	vst v8  }
0xfb: {  	[hbm4b:s4+s2] =	stream.linear.scatter [tilespmem:s8], [sflag:$0x1], $0x100, $0x38;
	[tilespmem:$0x400] =	vst v63  }
0xfc: {  	_ =	swait.ge [sflag:s7], $0x100  }
0xfd: {  	p0 =	sne.s32 s6, $0x1;
	[sflag:s7] =	ssyncset.done $0x0  }
.Ltmp0:
0xfe: {  	[sflag:s7] =	ssyncadd.s32 $0xFFFFFF00;
	(pc) =	sbr.rel @p0 .LBB2_1-.Ltmp0, $4  }
0xff: {  	[hbm4b:s5+s2] =	stream.linear.scatter [tilespmem:s9], [sflag:$0x1], $0x100, $0x38;
	[tilespmem:$0x400] =	vst v63  }
0x100: {  	_ =	swait.ge [sflag:s7], $0x100  }
0x101: {  	[sflag:s7] =	ssyncset.done $0x0  }
0x102: {  	s6 =	sadd.s32 $0xFFFFFFFF, s6;
	[sflag:s7] =	ssyncadd.s32 $0xFFFFFF00  }
0x103: {  	_ =	sfence.sel $0x180000  }
0x104: {  	[bflag:$0x0] =	sbarrier.arrive $0xFFFF  }
0x105: {  	p0 =	sne.s32 s0, $0x0;
	_ =	strace $0x90000047  }
0x106: {  	s0 =	sadd.s32 @!p0 $0x100000, s1;
	[bflag:$0x2] =	sbarrier.arrive $0xFFFF  }
0x107: {  	[sflag:s0] =	ssyncadd.tile.s32 @!p0 $0x1;
	_ =	shalt  }
.Lfunc_end2:
_tile_overlayer_lowered:
.L_overlay_start_2:
0x108: {  	(tag) =	ssettag $0x2  }
0x109: {  	s0 =	rddreg [dreg:$0x0];
	s2 =	stileid.u32  }
0x10a: {  	s1 =	rddreg [dreg:$0x1];
	p0 =	sne.s32 s2, $0x0  }
0x10b: {  	s3 =	rddreg [dreg:$0x2];
	[bflag:$0x3] =	sbarrier.arrive $0xFFFF;
	s2 =	simm.s32 @!p0 $0x1C01  }
0x10c: {  	[timem:s3], [sflag:s2] =	dma.local @!p0 [hbm:s0], s1  }
0x10d: {  	s0 =	simm.s32 @!p0 $0x1  }
0x10e: {  	_ =	swait.ge @!p0 [sflag:s0], s1  }
0x10f: {  	s1 =	ssub.s32 @!p0 $0x0, s1;
	[sflag:s0] =	ssyncset.done @!p0 $0x0  }
0x110: {  	[sflag:s0] =	ssyncadd.s32 @!p0 s1  }
0x111: {  	[bflag:$0x3] =	sbarrier.arrive $0xFFFF  }
0x112: {  	_ =	shalt  }

</sc_bundles>
